<compile_context>
chip_gen: v7x
topology: tpu7x:2x2x1
jax: 0.10.2.dev20260603
libtpu: 0.0.44.dev20260713+nightly
codegen_flags: <defaults>
</compile_context>

<pallas_src>
import functools

import jax
import jax.numpy as jnp
from jax import lax
from jax.experimental import pallas as pl
from jax.experimental.pallas import tpu as pltpu
from jax.experimental.pallas import tpu_sc as plsc

_N = 10000
_D = 128
_G = 64
_NPAD = 10240
_E = 320000
_ETOT = _E + _N
_B = 128
_NC, _NS = 2, 16
_NW = _NC * _NS
_NBLK = -(-_ETOT // (_B * _NW))
_EPAD = _NBLK * _NW * _B
_STRIPE = _NPAD // _NS
_RB = _NPAD // 1024


def _deg_body(ib, z1, out, ibv, onesv, acc, sdma):
    c = lax.axis_index("c")
    s = lax.axis_index("s")
    w = s * _NC + c
    pltpu.sync_copy(z1.at[pl.ds(s * _STRIPE, _STRIPE)],
                    acc.at[pl.ds(s * _STRIPE, _STRIPE)])
    pltpu.sync_copy(ib.at[w], ibv)
    for g in range(_B // 16):
        onesv[pl.ds(g * 16, 16)] = jnp.ones((16,), jnp.float32)
    plsc.subcore_barrier()

    def step(i, carry):
        pltpu.async_copy(onesv, acc.at[ibv.at[i, 1]], sdma, add=True)
        return carry

    lax.fori_loop(0, _NBLK, step, 0)

    def drain(i, carry):
        pltpu.make_async_copy(onesv, acc.at[ibv.at[i, 1]], sdma).wait()
        return carry

    lax.fori_loop(0, _NBLK, drain, 0)
    plsc.subcore_barrier()
    pltpu.sync_copy(acc.at[pl.ds(s * _STRIPE, _STRIPE)],
                    out.at[pl.ds(c * _NPAD + s * _STRIPE, _STRIPE)])


@functools.cache
def _deg_call():
    mesh = plsc.VectorSubcoreMesh(core_axis_name="c", subcore_axis_name="s",
                                  num_cores=_NC, num_subcores=_NS)
    return pl.kernel(
        _deg_body,
        out_type=jax.ShapeDtypeStruct((_NC * _NPAD,), jnp.float32),
        mesh=mesh,
        scratch_types=[
            pltpu.VMEM((_NBLK, 2, _B), jnp.int32),
            pltpu.VMEM((_B,), jnp.float32),
            pltpu.VMEM_SHARED((_NPAD,), jnp.float32),
            pltpu.SemaphoreType.DMA,
        ],
    )


def _prop_body(q, ib, z2, out, ib0, ib1, ib2, rows0, rows1, acc,
               is0, is1, is2, sem0, sem1):
    c = lax.axis_index("c")
    s = lax.axis_index("s")
    w = s * _NC + c

    def start_i(j, buf, sem):
        pltpu.async_copy(ib.at[w, j], buf, sem)

    def wait_i(buf, sem):
        pltpu.make_async_copy(ib.at[w, 0], buf, sem).wait()

    def start_g(ibuf, buf, sem):
        pltpu.async_copy(q.at[ibuf.at[0]], buf, sem)

    def wait_g(buf, sem):
        pltpu.make_async_copy(q.at[pl.ds(0, _B)], buf, sem).wait()

    def scat(ibuf, buf):
        pltpu.sync_copy(buf, acc.at[ibuf.at[1]], add=True)

    s0, s1, s2 = (ib0, is0), (ib1, is1), (ib2, is2)

    def sub(blk, sA, sB, sC, tail):
        ibA, isA = sA
        ibB, isB = sB
        ibC, isC = sC
        wait_i(ibB, isB)
        start_g(ibB, rows1, sem1)
        wait_g(rows0, sem0)
        scat(ibA, rows0)
        if not tail:
            start_i(blk + 3, ibA, isA)
        wait_i(ibC, isC)
        start_g(ibC, rows0, sem0)
        wait_g(rows1, sem1)
        scat(ibB, rows1)
        if not tail:
            start_i(blk + 4, ibB, isB)

    start_i(0, ib0, is0)
    start_i(1, ib1, is1)
    start_i(2, ib2, is2)
    pltpu.sync_copy(z2, acc.at[pl.ds(s * _STRIPE, _STRIPE)])
    wait_i(ib0, is0)
    start_g(ib0, rows0, sem0)
    plsc.subcore_barrier()

    def step(k, carry):
        b = 6 * k
        sub(b, s0, s1, s2, False)
        sub(b + 2, s2, s0, s1, False)
        sub(b + 4, s1, s2, s0, False)
        return carry

    lax.fori_loop(0, (_NBLK - 3) // 6, step, 0)
    sub(_NBLK - 3, s0, s1, s2, True)
    wait_g(rows0, sem0)
    scat(ib2, rows0)
    plsc.subcore_barrier()
    pltpu.sync_copy(acc.at[pl.ds(s * _STRIPE, _STRIPE)],
                    out.at[c].at[pl.ds(s * _STRIPE, _STRIPE)])


@functools.cache
def _prop_call():
    mesh = plsc.VectorSubcoreMesh(core_axis_name="c", subcore_axis_name="s",
                                  num_cores=_NC, num_subcores=_NS)
    return pl.kernel(
        _prop_body,
        out_type=jax.ShapeDtypeStruct((_NC, _NPAD, _D), jnp.float32),
        mesh=mesh,
        scratch_types=[
            pltpu.VMEM((2, _B), jnp.int32),
            pltpu.VMEM((2, _B), jnp.int32),
            pltpu.VMEM((2, _B), jnp.int32),
            pltpu.VMEM((_B, _D), jnp.float32),
            pltpu.VMEM((_B, _D), jnp.float32),
            pltpu.VMEM_SHARED((_NPAD, _D), jnp.float32),
            pltpu.SemaphoreType.DMA,
            pltpu.SemaphoreType.DMA,
            pltpu.SemaphoreType.DMA,
            pltpu.SemaphoreType.DMA,
            pltpu.SemaphoreType.DMA,
        ],
    )



def _mm1_body(x_ref, w_ref, dg_ref, q_ref, dv_ref):
    d = dg_ref[0] + dg_ref[1]
    dinv = jnp.where(d > 0, lax.rsqrt(d), 0.0)
    dv_ref[...] = dinv
    q_ref[...] = dinv * jnp.dot(x_ref[...], w_ref[...],
                                preferred_element_type=jnp.float32)


_mm1 = pl.pallas_call(
    _mm1_body,
    grid=(_RB,),
    in_specs=[
        pl.BlockSpec((1024, _D), lambda i: (i, 0)),
        pl.BlockSpec((_D, _D), lambda i: (0, 0)),
        pl.BlockSpec((_NC, 1024, 1), lambda i: (0, i, 0)),
    ],
    out_specs=[
        pl.BlockSpec((1024, _D), lambda i: (i, 0)),
        pl.BlockSpec((1024, 1), lambda i: (i, 0)),
    ],
    out_shape=[
        jax.ShapeDtypeStruct((_NPAD, _D), jnp.float32),
        jax.ShapeDtypeStruct((_NPAD, 1), jnp.float32),
    ],
)


def _mid_body(sp_ref, dv_ref, b_ref, w_ref, q_ref):
    dinv = dv_ref[...]
    h = jnp.maximum(dinv * (sp_ref[0] + sp_ref[1]) + b_ref[...], 0.0)
    q_ref[...] = dinv * jnp.dot(h, w_ref[...],
                                preferred_element_type=jnp.float32)


_mid = pl.pallas_call(
    _mid_body,
    grid=(_RB,),
    in_specs=[
        pl.BlockSpec((_NC, 1024, _D), lambda i: (0, i, 0)),
        pl.BlockSpec((1024, 1), lambda i: (i, 0)),
        pl.BlockSpec((1, _D), lambda i: (0, 0)),
        pl.BlockSpec((_D, _D), lambda i: (0, 0)),
    ],
    out_specs=pl.BlockSpec((1024, _D), lambda i: (i, 0)),
    out_shape=jax.ShapeDtypeStruct((_NPAD, _D), jnp.float32),
)


def _fin_body(sp_ref, dv_ref, b_ref, bm_ref, wc_ref, bc_ref, out_ref):
    dinv = dv_ref[...]
    h = jnp.maximum(dinv * (sp_ref[0] + sp_ref[1]) + b_ref[...], 0.0)
    gids = lax.broadcasted_iota(jnp.int32, (_G, _NPAD), 0)
    m = (gids == bm_ref[...]).astype(jnp.float32)
    pooled = jnp.dot(m, h, preferred_element_type=jnp.float32)
    logits = jnp.dot(pooled, wc_ref[...],
                     preferred_element_type=jnp.float32) + bc_ref[...]
    col = lax.broadcasted_iota(jnp.int32, (_G, _D), 1)
    valid = col < 10
    neg = jnp.where(valid, logits, -jnp.inf)
    mx = jnp.max(neg, axis=1, keepdims=True)
    ez = jnp.where(valid, jnp.exp(logits - mx), 0.0)
    lse = jnp.log(jnp.sum(ez, axis=1, keepdims=True))
    out_ref[...] = logits - mx - lse


_fin = pl.pallas_call(
    _fin_body,
    out_shape=jax.ShapeDtypeStruct((_G, _D), jnp.float32),
)



def kernel(x, edge_attr, edge_index, batch, W1, b1, W2, b2, W3, b3, Wc, bc):
    f32 = jnp.float32
    ei = edge_index.astype(jnp.int32)
    loop = jnp.arange(_N, dtype=jnp.int32)
    padi = _N + (jnp.arange(_EPAD - _ETOT, dtype=jnp.int32) % 128)
    srcb = jnp.concatenate([ei[0], loop, padi]).reshape(_NW, _NBLK, _B)
    dstb = jnp.concatenate([ei[1], loop, padi]).reshape(_NW, _NBLK, _B)
    ib = jnp.stack([srcb, dstb], axis=2)
    z1 = jnp.zeros((_NPAD,), f32)
    z2 = jnp.zeros((_STRIPE, _D), f32)
    xp = jnp.pad(x, ((0, _NPAD - _N), (0, 0)))

    degp = _deg_call()(ib, z1).reshape(_NC, _NPAD, 1)

    q, dv = _mm1(xp, W1, degp)
    sp = _prop_call()(q, ib, z2)
    q = _mid(sp, dv, b1.reshape(1, _D), W2)
    sp = _prop_call()(q, ib, z2)
    q = _mid(sp, dv, b2.reshape(1, _D), W3)
    sp = _prop_call()(q, ib, z2)

    bm = jnp.pad(batch.astype(jnp.int32), (0, _NPAD - _N),
                 constant_values=_G).reshape(1, _NPAD)
    wcp = jnp.pad(Wc, ((0, 0), (0, _D - 10)))
    bcp = jnp.pad(bc, (0, _D - 10)).reshape(1, _D)
    outp = _fin(sp, dv, b3.reshape(1, _D), bm, wcp, bcp)
    return outp[:, :10]

# --- scband reference (transcript-rebuilt; emitter-appended) ---
"""Pipeline reference for scband-gcn-graph-44272522887307 (READ-ONLY COPY).

The authoritative reference and input builder live on the scoring server;
editing this copy changes nothing except your own understanding.
"""

import jax, jax.numpy as jnp
import numpy as np

N = 10000
E = 320000
D_IN = 128
D_H = 128
D_OUT = 10
D_EDGE = 4
NUM_GRAPHS = 64


def setup_inputs(seed: int = 0) -> dict:
    key = jax.random.key(seed)
    ks = jax.random.split(key, 16)
    x = jax.random.normal(ks[0], (N, D_IN), dtype=jnp.float32)
    edge_attr = jax.random.normal(ks[1], (E, D_EDGE), dtype=jnp.float32)
    edge_index = jax.random.randint(ks[2], (2, E), 0, N, dtype=jnp.int64)
    batch = jnp.sort(jax.random.randint(ks[3], (N,), 0, NUM_GRAPHS, dtype=jnp.int64))
    W1 = jax.random.normal(ks[4], (D_IN, D_H), dtype=jnp.float32) * 0.05
    b1 = jnp.zeros((D_H,), dtype=jnp.float32)
    W2 = jax.random.normal(ks[5], (D_H, D_H), dtype=jnp.float32) * 0.05
    b2 = jnp.zeros((D_H,), dtype=jnp.float32)
    W3 = jax.random.normal(ks[6], (D_H, D_H), dtype=jnp.float32) * 0.05
    b3 = jnp.zeros((D_H,), dtype=jnp.float32)
    Wc = jax.random.normal(ks[7], (D_H, D_OUT), dtype=jnp.float32) * 0.05
    bc = jnp.zeros((D_OUT,), dtype=jnp.float32)
    return {"x": x, "edge_attr": edge_attr, "edge_index": edge_index, "batch": batch,
            "W1": W1, "b1": b1, "W2": W2, "b2": b2, "W3": W3, "b3": b3, "Wc": Wc, "bc": bc}


def _gcn_conv(x, src, dst, norm, W, b):
    h = x @ W
    msg = h[src] * norm[:, None]
    out = jnp.zeros_like(h).at[dst].add(msg)
    return out + b


def reference(x, edge_attr, edge_index, batch, W1, b1, W2, b2, W3, b3, Wc, bc):
    # GCNConv with self-loops and symmetric normalization (PyG semantics)
    loop = jnp.arange(N, dtype=edge_index.dtype)
    src = jnp.concatenate([edge_index[0], loop])
    dst = jnp.concatenate([edge_index[1], loop])
    deg = jnp.zeros((N,), dtype=x.dtype).at[dst].add(jnp.ones((src.shape[0],), dtype=x.dtype))
    dinv = jnp.where(deg > 0, jax.lax.rsqrt(deg), 0.0)
    norm = dinv[src] * dinv[dst]

    h = x
    for (W, b) in ((W1, b1), (W2, b2), (W3, b3)):
        h = jax.nn.relu(_gcn_conv(h, src, dst, norm, W, b))
        # dropout is identity in eval mode
    pooled = jax.ops.segment_sum(h, batch, num_segments=NUM_GRAPHS)
    logits = pooled @ Wc + bc
    return jax.nn.log_softmax(logits, axis=1)

if __name__ == "__main__":
    import jax
    _d = setup_inputs()
    print(jax.jit(kernel)(*tuple(_d.values())))

</pallas_src>

<mosaic_0001>
#map = affine_map<(d0, d1) -> (0, 0, 0, 0)>
#map1 = affine_map<(d0, d1) -> (0)>
module attributes {stable_mosaic.version = 14 : i64} {
  func.func @_deg_body(%arg0: i32, %arg1: i32, %arg2: memref<32x81x2x128xi32, #tpu.memory_space<hbm>>, %arg3: memref<10240xf32, #tpu.memory_space<hbm>>, %arg4: memref<20480xf32, #tpu.memory_space<hbm>>, %arg5: memref<81x2x128xi32, #tpu.memory_space<vmem>>, %arg6: memref<128xf32, #tpu.memory_space<vmem>>, %arg7: memref<10240xf32, #tpu.memory_space<vmem_shared>>, %arg8: memref<!tpu.dma_semaphore, #tpu.memory_space<semaphore_mem>>) attributes {dimension_semantics = [#tpu.dimension_semantics<core_parallel>, #tpu.dimension_semantics<subcore_parallel>], iteration_bounds = array<i64: 2, 16>, scalar_prefetch = 0 : i64, scratch_operands = 4 : i64, tpu.core_type = #tpu.core_type<sc_vector_subcore>, window_params = [{transform_indices = #map}, {transform_indices = #map1}, {transform_indices = #map1}]} {
    %mul3A = arith.constant 2 : i32
    %mul3A_0 = arith.muli %arg1, %mul3A : i32
    %add3A = arith.addi %mul3A_0, %arg0 : i32
    %mul3A_1 = arith.constant 640 : i32
    %mul3A_2 = arith.muli %arg1, %mul3A_1 : i32
    %mul3A_3 = arith.constant 640 : i32
    %mul3A_4 = arith.muli %arg1, %mul3A_3 : i32
    "tpu.region"() ({
      %run_scoped3A = tpu.sem_alloc : memref<!tpu.dma_semaphore, #tpu.memory_space<semaphore_mem>>
      %dma_start3A = tpu.memref_slice %arg7[%mul3A_4] : memref<10240xf32, #tpu.memory_space<vmem_shared>> -> memref<640xf32, #tpu.memory_space<vmem_shared>>
      %dma_start3A_70 = tpu.memref_slice %arg3[%mul3A_2] : memref<10240xf32, #tpu.memory_space<hbm>> -> memref<640xf32, #tpu.memory_space<hbm>>
      tpu.enqueue_dma source(%dma_start3A_70 : memref<640xf32, #tpu.memory_space<hbm>>) target(%dma_start3A : memref<640xf32, #tpu.memory_space<vmem_shared>>) target_semaphore(%run_scoped3A : memref<!tpu.dma_semaphore, #tpu.memory_space<semaphore_mem>>)
      %dma_wait3A = tpu.memref_slice %arg7[%mul3A_4] : memref<10240xf32, #tpu.memory_space<vmem_shared>> -> memref<640xf32, #tpu.memory_space<vmem_shared>>
      %dma_wait3A_71 = tpu.memref_slice %arg3[%mul3A_2] : memref<10240xf32, #tpu.memory_space<hbm>> -> memref<640xf32, #tpu.memory_space<hbm>>
      tpu.wait_dma2 semaphore(%run_scoped3A : memref<!tpu.dma_semaphore, #tpu.memory_space<semaphore_mem>>) src(%dma_wait3A_71 : memref<640xf32, #tpu.memory_space<hbm>>) dst(%dma_wait3A : memref<640xf32, #tpu.memory_space<vmem_shared>>)
      tpu.yield
    }) : () -> ()
    "tpu.region"() ({
      %run_scoped3A = tpu.sem_alloc : memref<!tpu.dma_semaphore, #tpu.memory_space<semaphore_mem>>
      %dma_start3A = arith.constant 0 : i32
      %dma_start3A_70 = arith.constant 0 : i32
      %dma_start3A_71 = arith.constant 0 : i32
      %dma_start3A_72 = tpu.memref_slice %arg2[%add3A, %dma_start3A, %dma_start3A_70, %dma_start3A_71] : memref<32x81x2x128xi32, #tpu.memory_space<hbm>> -> memref<1x81x2x128xi32, #tpu.memory_space<hbm>>
      %dma_start3A_73 = tpu.memref_squeeze %dma_start3A_72 : memref<1x81x2x128xi32, #tpu.memory_space<hbm>> -> memref<81x2x128xi32, #tpu.memory_space<hbm>>
      %dma_start3A_74 = arith.constant 0 : i32
      %dma_start3A_75 = arith.constant 0 : i32
      %dma_start3A_76 = arith.constant 0 : i32
      %dma_start3A_77 = tpu.memref_slice %arg2[%add3A, %dma_start3A_74, %dma_start3A_75, %dma_start3A_76] : memref<32x81x2x128xi32, #tpu.memory_space<hbm>> -> memref<1x81x2x128xi32, #tpu.memory_space<hbm>>
      %dma_start3A_78 = tpu.memref_squeeze %dma_start3A_77 : memref<1x81x2x128xi32, #tpu.memory_space<hbm>> -> memref<81x2x128xi32, #tpu.memory_space<hbm>>
      tpu.enqueue_dma source(%dma_start3A_78 : memref<81x2x128xi32, #tpu.memory_space<hbm>>) target(%arg5 : memref<81x2x128xi32, #tpu.memory_space<vmem>>) target_semaphore(%run_scoped3A : memref<!tpu.dma_semaphore, #tpu.memory_space<semaphore_mem>>)
      %dma_wait3A = arith.constant 0 : i32
      %dma_wait3A_79 = arith.constant 0 : i32
      %dma_wait3A_80 = arith.constant 0 : i32
      %dma_wait3A_81 = tpu.memref_slice %arg2[%add3A, %dma_wait3A, %dma_wait3A_79, %dma_wait3A_80] : memref<32x81x2x128xi32, #tpu.memory_space<hbm>> -> memref<1x81x2x128xi32, #tpu.memory_space<hbm>>
      %dma_wait3A_82 = tpu.memref_squeeze %dma_wait3A_81 : memref<1x81x2x128xi32, #tpu.memory_space<hbm>> -> memref<81x2x128xi32, #tpu.memory_space<hbm>>
      %dma_wait3A_83 = arith.constant 0 : i32
      %dma_wait3A_84 = arith.constant 0 : i32
      %dma_wait3A_85 = arith.constant 0 : i32
      %dma_wait3A_86 = tpu.memref_slice %arg2[%add3A, %dma_wait3A_83, %dma_wait3A_84, %dma_wait3A_85] : memref<32x81x2x128xi32, #tpu.memory_space<hbm>> -> memref<1x81x2x128xi32, #tpu.memory_space<hbm>>
      %dma_wait3A_87 = tpu.memref_squeeze %dma_wait3A_86 : memref<1x81x2x128xi32, #tpu.memory_space<hbm>> -> memref<81x2x128xi32, #tpu.memory_space<hbm>>
      tpu.wait_dma2 semaphore(%run_scoped3A : memref<!tpu.dma_semaphore, #tpu.memory_space<semaphore_mem>>) src(%dma_wait3A_87 : memref<81x2x128xi32, #tpu.memory_space<hbm>>) dst(%arg5 : memref<81x2x128xi32, #tpu.memory_space<vmem>>)
      tpu.yield
    }) : () -> ()
    %broadcast_in_dim3A = arith.constant 1.000000e+00 : f32
    %broadcast_in_dim3A_5 = vector.broadcast %broadcast_in_dim3A : f32 to vector<16xf32>
    %swap3A = arith.constant 0 : index
    %swap3A_6 = tpu.vector_load %arg6[%swap3A] {strides = array<i32>} : memref<128xf32, #tpu.memory_space<vmem>>, vector<16xf32>,
    %swap3A_7 = vector.shape_cast %swap3A_6 : vector<16xf32> to vector<16xf32>
    %swap3A_8 = vector.shape_cast %broadcast_in_dim3A_5 : vector<16xf32> to vector<16xf32>
    tpu.vector_store %arg6[%swap3A], %swap3A_8 {strides = array<i32>} : memref<128xf32, #tpu.memory_space<vmem>>, vector<16xf32>,
    %broadcast_in_dim3A_9 = arith.constant 1.000000e+00 : f32
    %broadcast_in_dim3A_10 = vector.broadcast %broadcast_in_dim3A_9 : f32 to vector<16xf32>
    %swap3A_11 = arith.constant 16 : index
    %swap3A_12 = tpu.vector_load %arg6[%swap3A_11] {strides = array<i32>} : memref<128xf32, #tpu.memory_space<vmem>>, vector<16xf32>,
    %swap3A_13 = vector.shape_cast %swap3A_12 : vector<16xf32> to vector<16xf32>
    %swap3A_14 = vector.shape_cast %broadcast_in_dim3A_10 : vector<16xf32> to vector<16xf32>
    tpu.vector_store %arg6[%swap3A_11], %swap3A_14 {strides = array<i32>} : memref<128xf32, #tpu.memory_space<vmem>>, vector<16xf32>,
    %broadcast_in_dim3A_15 = arith.constant 1.000000e+00 : f32
    %broadcast_in_dim3A_16 = vector.broadcast %broadcast_in_dim3A_15 : f32 to vector<16xf32>
    %swap3A_17 = arith.constant 32 : index
    %swap3A_18 = tpu.vector_load %arg6[%swap3A_17] {strides = array<i32>} : memref<128xf32, #tpu.memory_space<vmem>>, vector<16xf32>,
    %swap3A_19 = vector.shape_cast %swap3A_18 : vector<16xf32> to vector<16xf32>
    %swap3A_20 = vector.shape_cast %broadcast_in_dim3A_16 : vector<16xf32> to vector<16xf32>
    tpu.vector_store %arg6[%swap3A_17], %swap3A_20 {strides = array<i32>} : memref<128xf32, #tpu.memory_space<vmem>>, vector<16xf32>,
    %broadcast_in_dim3A_21 = arith.constant 1.000000e+00 : f32
    %broadcast_in_dim3A_22 = vector.broadcast %broadcast_in_dim3A_21 : f32 to vector<16xf32>
    %swap3A_23 = arith.constant 48 : index
    %swap3A_24 = tpu.vector_load %arg6[%swap3A_23] {strides = array<i32>} : memref<128xf32, #tpu.memory_space<vmem>>, vector<16xf32>,
    %swap3A_25 = vector.shape_cast %swap3A_24 : vector<16xf32> to vector<16xf32>
    %swap3A_26 = vector.shape_cast %broadcast_in_dim3A_22 : vector<16xf32> to vector<16xf32>
    tpu.vector_store %arg6[%swap3A_23], %swap3A_26 {strides = array<i32>} : memref<128xf32, #tpu.memory_space<vmem>>, vector<16xf32>,
    %broadcast_in_dim3A_27 = arith.constant 1.000000e+00 : f32
    %broadcast_in_dim3A_28 = vector.broadcast %broadcast_in_dim3A_27 : f32 to vector<16xf32>
    %swap3A_29 = arith.constant 64 : index
    %swap3A_30 = tpu.vector_load %arg6[%swap3A_29] {strides = array<i32>} : memref<128xf32, #tpu.memory_space<vmem>>, vector<16xf32>,
    %swap3A_31 = vector.shape_cast %swap3A_30 : vector<16xf32> to vector<16xf32>
    %swap3A_32 = vector.shape_cast %broadcast_in_dim3A_28 : vector<16xf32> to vector<16xf32>
    tpu.vector_store %arg6[%swap3A_29], %swap3A_32 {strides = array<i32>} : memref<128xf32, #tpu.memory_space<vmem>>, vector<16xf32>,
    %broadcast_in_dim3A_33 = arith.constant 1.000000e+00 : f32
    %broadcast_in_dim3A_34 = vector.broadcast %broadcast_in_dim3A_33 : f32 to vector<16xf32>
    %swap3A_35 = arith.constant 80 : index
    %swap3A_36 = tpu.vector_load %arg6[%swap3A_35] {strides = array<i32>} : memref<128xf32, #tpu.memory_space<vmem>>, vector<16xf32>,
    %swap3A_37 = vector.shape_cast %swap3A_36 : vector<16xf32> to vector<16xf32>
    %swap3A_38 = vector.shape_cast %broadcast_in_dim3A_34 : vector<16xf32> to vector<16xf32>
    tpu.vector_store %arg6[%swap3A_35], %swap3A_38 {strides = array<i32>} : memref<128xf32, #tpu.memory_space<vmem>>, vector<16xf32>,
    %broadcast_in_dim3A_39 = arith.constant 1.000000e+00 : f32
    %broadcast_in_dim3A_40 = vector.broadcast %broadcast_in_dim3A_39 : f32 to vector<16xf32>
    %swap3A_41 = arith.constant 96 : index
    %swap3A_42 = tpu.vector_load %arg6[%swap3A_41] {strides = array<i32>} : memref<128xf32, #tpu.memory_space<vmem>>, vector<16xf32>,
    %swap3A_43 = vector.shape_cast %swap3A_42 : vector<16xf32> to vector<16xf32>
    %swap3A_44 = vector.shape_cast %broadcast_in_dim3A_40 : vector<16xf32> to vector<16xf32>
    tpu.vector_store %arg6[%swap3A_41], %swap3A_44 {strides = array<i32>} : memref<128xf32, #tpu.memory_space<vmem>>, vector<16xf32>,
    %broadcast_in_dim3A_45 = arith.constant 1.000000e+00 : f32
    %broadcast_in_dim3A_46 = vector.broadcast %broadcast_in_dim3A_45 : f32 to vector<16xf32>
    %swap3A_47 = arith.constant 112 : index
    %swap3A_48 = tpu.vector_load %arg6[%swap3A_47] {strides = array<i32>} : memref<128xf32, #tpu.memory_space<vmem>>, vector<16xf32>,
    %swap3A_49 = vector.shape_cast %swap3A_48 : vector<16xf32> to vector<16xf32>
    %swap3A_50 = vector.shape_cast %broadcast_in_dim3A_46 : vector<16xf32> to vector<16xf32>
    tpu.vector_store %arg6[%swap3A_47], %swap3A_50 {strides = array<i32>} : memref<128xf32, #tpu.memory_space<vmem>>, vector<16xf32>,
    %barrier3A = arith.constant 0 : index
    tpu.barrier barrier_id(%barrier3A)
    %scan3A = arith.constant 0 : i32
    %scan3A_51 = arith.constant 0 : i32
    %scan3A_52 = arith.constant 81 : i32
    %scan3A_53 = arith.addi %scan3A_51, %scan3A_52 : i32
    %scan3A_54 = arith.constant 1 : i32
    scf.for %scan3A_70 = %scan3A_51 to %scan3A_53 step %scan3A_54  : i32 {
      %dma_start3A = arith.constant 1 : i32
      %dma_start3A_71 = arith.constant 0 : i32
      %dma_start3A_72 = tpu.memref_slice %arg5[%scan3A_70, %dma_start3A, %dma_start3A_71] : memref<81x2x128xi32, #tpu.memory_space<vmem>> -> memref<1x1x128xi32, #tpu.memory_space<vmem>>
      %dma_start3A_73 = tpu.memref_squeeze %dma_start3A_72 : memref<1x1x128xi32, #tpu.memory_space<vmem>> -> memref<128xi32, #tpu.memory_space<vmem>>
      %dma_start3A_74 = arith.constant 0 : i32
      %dma_start3A_75 = tpu.memref_slice %arg7[%dma_start3A_74] : memref<10240xf32, #tpu.memory_space<vmem_shared>> -> memref<10240xf32, #tpu.memory_space<vmem_shared>>
      tpu.enqueue_indirect_dma source(%arg6 : memref<128xf32, #tpu.memory_space<vmem>>) target(%dma_start3A_75 : memref<10240xf32, #tpu.memory_space<vmem_shared>>) offsets(%dma_start3A_73 : memref<128xi32, #tpu.memory_space<vmem>>) semaphore(%arg8 : memref<!tpu.dma_semaphore, #tpu.memory_space<semaphore_mem>>) {add = true}
    }
    %scan3A_55 = arith.constant 81 : i32
    %scan3A_56 = arith.constant 0 : i32
    %scan3A_57 = arith.constant 0 : i32
    %scan3A_58 = arith.constant 81 : i32
    %scan3A_59 = arith.addi %scan3A_57, %scan3A_58 : i32
    %scan3A_60 = arith.constant 1 : i32
    scf.for %scan3A_70 = %scan3A_57 to %scan3A_59 step %scan3A_60  : i32 {
      %dma_wait3A = arith.constant 1 : i32
      %dma_wait3A_71 = arith.constant 0 : i32
      %dma_wait3A_72 = tpu.memref_slice %arg5[%scan3A_70, %dma_wait3A, %dma_wait3A_71] : memref<81x2x128xi32, #tpu.memory_space<vmem>> -> memref<1x1x128xi32, #tpu.memory_space<vmem>>
      %dma_wait3A_73 = tpu.memref_squeeze %dma_wait3A_72 : memref<1x1x128xi32, #tpu.memory_space<vmem>> -> memref<128xi32, #tpu.memory_space<vmem>>
      %dma_wait3A_74 = arith.constant 0 : i32
      %dma_wait3A_75 = tpu.memref_slice %arg7[%dma_wait3A_74] : memref<10240xf32, #tpu.memory_space<vmem_shared>> -> memref<10240xf32, #tpu.memory_space<vmem_shared>>
      tpu.wait_indirect_dma semaphore(%arg8 : memref<!tpu.dma_semaphore, #tpu.memory_space<semaphore_mem>>) src(%arg6 : memref<128xf32, #tpu.memory_space<vmem>>) dst(%dma_wait3A_75 : memref<10240xf32, #tpu.memory_space<vmem_shared>>)
    }
    %scan3A_61 = arith.constant 81 : i32
    %barrier3A_62 = arith.constant 0 : index
    tpu.barrier barrier_id(%barrier3A_62)
    %mul3A_63 = arith.constant 640 : i32
    %mul3A_64 = arith.muli %arg1, %mul3A_63 : i32
    %mul3A_65 = arith.constant 10240 : i32
    %mul3A_66 = arith.muli %arg0, %mul3A_65 : i32
    %mul3A_67 = arith.constant 640 : i32
    %mul3A_68 = arith.muli %arg1, %mul3A_67 : i32
    %add3A_69 = arith.addi %mul3A_66, %mul3A_68 : i32
    "tpu.region"() ({
      %run_scoped3A = tpu.sem_alloc : memref<!tpu.dma_semaphore, #tpu.memory_space<semaphore_mem>>
      %dma_start3A = tpu.memref_slice %arg4[%add3A_69] : memref<20480xf32, #tpu.memory_space<hbm>> -> memref<640xf32, #tpu.memory_space<hbm>>
      %dma_start3A_70 = tpu.memref_slice %arg7[%mul3A_64] : memref<10240xf32, #tpu.memory_space<vmem_shared>> -> memref<640xf32, #tpu.memory_space<vmem_shared>>
      tpu.enqueue_dma source(%dma_start3A_70 : memref<640xf32, #tpu.memory_space<vmem_shared>>) target(%dma_start3A : memref<640xf32, #tpu.memory_space<hbm>>) target_semaphore(%run_scoped3A : memref<!tpu.dma_semaphore, #tpu.memory_space<semaphore_mem>>)
      %dma_wait3A = tpu.memref_slice %arg4[%add3A_69] : memref<20480xf32, #tpu.memory_space<hbm>> -> memref<640xf32, #tpu.memory_space<hbm>>
      %dma_wait3A_71 = tpu.memref_slice %arg7[%mul3A_64] : memref<10240xf32, #tpu.memory_space<vmem_shared>> -> memref<640xf32, #tpu.memory_space<vmem_shared>>
      tpu.wait_dma2 semaphore(%run_scoped3A : memref<!tpu.dma_semaphore, #tpu.memory_space<semaphore_mem>>) src(%dma_wait3A_71 : memref<640xf32, #tpu.memory_space<vmem_shared>>) dst(%dma_wait3A : memref<640xf32, #tpu.memory_space<hbm>>)
      tpu.yield
    }) : () -> ()
    return
  }
}

#map = affine_map<(d0, d1) -> (0, 0)>
#map1 = affine_map<(d0, d1) -> (0, 0, 0, 0)>
#map2 = affine_map<(d0, d1) -> (0, 0, 0)>
module attributes {stable_mosaic.version = 14 : i64} {
  func.func @_prop_body(%arg0: i32, %arg1: i32, %arg2: memref<10240x128xf32, #tpu.memory_space<hbm>>, %arg3: memref<32x81x2x128xi32, #tpu.memory_space<hbm>>, %arg4: memref<640x128xf32, #tpu.memory_space<hbm>>, %arg5: memref<2x10240x128xf32, #tpu.memory_space<hbm>>, %arg6: memref<2x128xi32, #tpu.memory_space<vmem>>, %arg7: memref<2x128xi32, #tpu.memory_space<vmem>>, %arg8: memref<2x128xi32, #tpu.memory_space<vmem>>, %arg9: memref<128x128xf32, #tpu.memory_space<vmem>>, %arg10: memref<128x128xf32, #tpu.memory_space<vmem>>, %arg11: memref<10240x128xf32, #tpu.memory_space<vmem_shared>>, %arg12: memref<!tpu.dma_semaphore, #tpu.memory_space<semaphore_mem>>, %arg13: memref<!tpu.dma_semaphore, #tpu.memory_space<semaphore_mem>>, %arg14: memref<!tpu.dma_semaphore, #tpu.memory_space<semaphore_mem>>, %arg15: memref<!tpu.dma_semaphore, #tpu.memory_space<semaphore_mem>>, %arg16: memref<!tpu.dma_semaphore, #tpu.memory_space<semaphore_mem>>) attributes {dimension_semantics = [#tpu.dimension_semantics<core_parallel>, #tpu.dimension_semantics<subcore_parallel>], iteration_bounds = array<i64: 2, 16>, scalar_prefetch = 0 : i64, scratch_operands = 11 : i64, tpu.core_type = #tpu.core_type<sc_vector_subcore>, window_params = [{transform_indices = #map}, {transform_indices = #map1}, {transform_indices = #map}, {transform_indices = #map2}]} {
    %mul3A = arith.constant 2 : i32
    %mul3A_0 = arith.muli %arg1, %mul3A : i32
    %add3A = arith.addi %mul3A_0, %arg0 : i32
    %dma_start3A = arith.constant 0 : i32
    %dma_start3A_1 = arith.constant 0 : i32
    %dma_start3A_2 = arith.constant 0 : i32
    %dma_start3A_3 = tpu.memref_slice %arg3[%add3A, %dma_start3A, %dma_start3A_1, %dma_start3A_2] : memref<32x81x2x128xi32, #tpu.memory_space<hbm>> -> memref<1x1x2x128xi32, #tpu.memory_space<hbm>>
    %dma_start3A_4 = tpu.memref_squeeze %dma_start3A_3 : memref<1x1x2x128xi32, #tpu.memory_space<hbm>> -> memref<2x128xi32, #tpu.memory_space<hbm>>
    %dma_start3A_5 = arith.constant 0 : i32
    %dma_start3A_6 = arith.constant 0 : i32
    %dma_start3A_7 = tpu.memref_slice %arg3[%add3A, %dma_start3A, %dma_start3A_5, %dma_start3A_6] : memref<32x81x2x128xi32, #tpu.memory_space<hbm>> -> memref<1x1x2x128xi32, #tpu.memory_space<hbm>>
    %dma_start3A_8 = tpu.memref_squeeze %dma_start3A_7 : memref<1x1x2x128xi32, #tpu.memory_space<hbm>> -> memref<2x128xi32, #tpu.memory_space<hbm>>
    tpu.enqueue_dma source(%dma_start3A_8 : memref<2x128xi32, #tpu.memory_space<hbm>>) target(%arg6 : memref<2x128xi32, #tpu.memory_space<vmem>>) target_semaphore(%arg12 : memref<!tpu.dma_semaphore, #tpu.memory_space<semaphore_mem>>)
    %dma_start3A_9 = arith.constant 1 : i32
    %dma_start3A_10 = arith.constant 0 : i32
    %dma_start3A_11 = arith.constant 0 : i32
    %dma_start3A_12 = tpu.memref_slice %arg3[%add3A, %dma_start3A_9, %dma_start3A_10, %dma_start3A_11] : memref<32x81x2x128xi32, #tpu.memory_space<hbm>> -> memref<1x1x2x128xi32, #tpu.memory_space<hbm>>
    %dma_start3A_13 = tpu.memref_squeeze %dma_start3A_12 : memref<1x1x2x128xi32, #tpu.memory_space<hbm>> -> memref<2x128xi32, #tpu.memory_space<hbm>>
    %dma_start3A_14 = arith.constant 0 : i32
    %dma_start3A_15 = arith.constant 0 : i32
    %dma_start3A_16 = tpu.memref_slice %arg3[%add3A, %dma_start3A_9, %dma_start3A_14, %dma_start3A_15] : memref<32x81x2x128xi32, #tpu.memory_space<hbm>> -> memref<1x1x2x128xi32, #tpu.memory_space<hbm>>
    %dma_start3A_17 = tpu.memref_squeeze %dma_start3A_16 : memref<1x1x2x128xi32, #tpu.memory_space<hbm>> -> memref<2x128xi32, #tpu.memory_space<hbm>>
    tpu.enqueue_dma source(%dma_start3A_17 : memref<2x128xi32, #tpu.memory_space<hbm>>) target(%arg7 : memref<2x128xi32, #tpu.memory_space<vmem>>) target_semaphore(%arg13 : memref<!tpu.dma_semaphore, #tpu.memory_space<semaphore_mem>>)
    %dma_start3A_18 = arith.constant 2 : i32
    %dma_start3A_19 = arith.constant 0 : i32
    %dma_start3A_20 = arith.constant 0 : i32
    %dma_start3A_21 = tpu.memref_slice %arg3[%add3A, %dma_start3A_18, %dma_start3A_19, %dma_start3A_20] : memref<32x81x2x128xi32, #tpu.memory_space<hbm>> -> memref<1x1x2x128xi32, #tpu.memory_space<hbm>>
    %dma_start3A_22 = tpu.memref_squeeze %dma_start3A_21 : memref<1x1x2x128xi32, #tpu.memory_space<hbm>> -> memref<2x128xi32, #tpu.memory_space<hbm>>
    %dma_start3A_23 = arith.constant 0 : i32
    %dma_start3A_24 = arith.constant 0 : i32
    %dma_start3A_25 = tpu.memref_slice %arg3[%add3A, %dma_start3A_18, %dma_start3A_23, %dma_start3A_24] : memref<32x81x2x128xi32, #tpu.memory_space<hbm>> -> memref<1x1x2x128xi32, #tpu.memory_space<hbm>>
    %dma_start3A_26 = tpu.memref_squeeze %dma_start3A_25 : memref<1x1x2x128xi32, #tpu.memory_space<hbm>> -> memref<2x128xi32, #tpu.memory_space<hbm>>
    tpu.enqueue_dma source(%dma_start3A_26 : memref<2x128xi32, #tpu.memory_space<hbm>>) target(%arg8 : memref<2x128xi32, #tpu.memory_space<vmem>>) target_semaphore(%arg14 : memref<!tpu.dma_semaphore, #tpu.memory_space<semaphore_mem>>)
    %mul3A_27 = arith.constant 640 : i32
    %mul3A_28 = arith.muli %arg1, %mul3A_27 : i32
    "tpu.region"() ({
      %run_scoped3A_106 = tpu.sem_alloc : memref<!tpu.dma_semaphore, #tpu.memory_space<semaphore_mem>>
      %dma_start3A_107 = arith.constant 0 : i32
      %dma_start3A_108 = tpu.memref_slice %arg11[%mul3A_28, %dma_start3A_107] : memref<10240x128xf32, #tpu.memory_space<vmem_shared>> -> memref<640x128xf32, #tpu.memory_space<vmem_shared>>
      tpu.enqueue_dma source(%arg4 : memref<640x128xf32, #tpu.memory_space<hbm>>) target(%dma_start3A_108 : memref<640x128xf32, #tpu.memory_space<vmem_shared>>) target_semaphore(%run_scoped3A_106 : memref<!tpu.dma_semaphore, #tpu.memory_space<semaphore_mem>>)
      %dma_wait3A_109 = arith.constant 0 : i32
      %dma_wait3A_110 = tpu.memref_slice %arg11[%mul3A_28, %dma_wait3A_109] : memref<10240x128xf32, #tpu.memory_space<vmem_shared>> -> memref<640x128xf32, #tpu.memory_space<vmem_shared>>
      tpu.wait_dma2 semaphore(%run_scoped3A_106 : memref<!tpu.dma_semaphore, #tpu.memory_space<semaphore_mem>>) src(%arg4 : memref<640x128xf32, #tpu.memory_space<hbm>>) dst(%dma_wait3A_110 : memref<640x128xf32, #tpu.memory_space<vmem_shared>>)
      tpu.yield
    }) : () -> ()
    %dma_wait3A = arith.constant 0 : i32
    %dma_wait3A_29 = arith.constant 0 : i32
    %dma_wait3A_30 = arith.constant 0 : i32
    %dma_wait3A_31 = tpu.memref_slice %arg3[%add3A, %dma_wait3A, %dma_wait3A_29, %dma_wait3A_30] : memref<32x81x2x128xi32, #tpu.memory_space<hbm>> -> memref<1x1x2x128xi32, #tpu.memory_space<hbm>>
    %dma_wait3A_32 = tpu.memref_squeeze %dma_wait3A_31 : memref<1x1x2x128xi32, #tpu.memory_space<hbm>> -> memref<2x128xi32, #tpu.memory_space<hbm>>
    %dma_wait3A_33 = arith.constant 0 : i32
    %dma_wait3A_34 = arith.constant 0 : i32
    %dma_wait3A_35 = tpu.memref_slice %arg3[%add3A, %dma_wait3A, %dma_wait3A_33, %dma_wait3A_34] : memref<32x81x2x128xi32, #tpu.memory_space<hbm>> -> memref<1x1x2x128xi32, #tpu.memory_space<hbm>>
    %dma_wait3A_36 = tpu.memref_squeeze %dma_wait3A_35 : memref<1x1x2x128xi32, #tpu.memory_space<hbm>> -> memref<2x128xi32, #tpu.memory_space<hbm>>
    tpu.wait_dma2 semaphore(%arg12 : memref<!tpu.dma_semaphore, #tpu.memory_space<semaphore_mem>>) src(%dma_wait3A_36 : memref<2x128xi32, #tpu.memory_space<hbm>>) dst(%arg6 : memref<2x128xi32, #tpu.memory_space<vmem>>)
    %dma_start3A_37 = arith.constant 0 : i32
    %dma_start3A_38 = arith.constant 0 : i32
    %dma_start3A_39 = tpu.memref_slice %arg6[%dma_start3A_37, %dma_start3A_38] : memref<2x128xi32, #tpu.memory_space<vmem>> -> memref<1x128xi32, #tpu.memory_space<vmem>>
    %dma_start3A_40 = tpu.memref_squeeze %dma_start3A_39 : memref<1x128xi32, #tpu.memory_space<vmem>> -> memref<128xi32, #tpu.memory_space<vmem>>
    %dma_start3A_41 = arith.constant 0 : i32
    %dma_start3A_42 = arith.constant 0 : i32
    %dma_start3A_43 = tpu.memref_slice %arg2[%dma_start3A_41, %dma_start3A_42] : memref<10240x128xf32, #tpu.memory_space<hbm>> -> memref<10240x128xf32, #tpu.memory_space<hbm>>
    tpu.enqueue_indirect_dma source(%dma_start3A_43 : memref<10240x128xf32, #tpu.memory_space<hbm>>) target(%arg9 : memref<128x128xf32, #tpu.memory_space<vmem>>) offsets(%dma_start3A_40 : memref<128xi32, #tpu.memory_space<vmem>>) semaphore(%arg15 : memref<!tpu.dma_semaphore, #tpu.memory_space<semaphore_mem>>)
    %barrier3A = arith.constant 0 : index
    tpu.barrier barrier_id(%barrier3A)
    %scan3A = arith.constant 0 : i32
    %scan3A_44 = arith.constant 0 : i32
    %scan3A_45 = arith.constant 13 : i32
    %scan3A_46 = arith.addi %scan3A_44, %scan3A_45 : i32
    %scan3A_47 = arith.constant 1 : i32
    scf.for %scan3A_106 = %scan3A_44 to %scan3A_46 step %scan3A_47  : i32 {
      %mul3A_107 = arith.constant 6 : i32
      %mul3A_108 = arith.muli %mul3A_107, %scan3A_106 : i32
      %dma_wait3A_109 = arith.constant 0 : i32
      %dma_wait3A_110 = arith.constant 0 : i32
      %dma_wait3A_111 = arith.constant 0 : i32
      %dma_wait3A_112 = tpu.memref_slice %arg3[%add3A, %dma_wait3A_109, %dma_wait3A_110, %dma_wait3A_111] : memref<32x81x2x128xi32, #tpu.memory_space<hbm>> -> memref<1x1x2x128xi32, #tpu.memory_space<hbm>>
      %dma_wait3A_113 = tpu.memref_squeeze %dma_wait3A_112 : memref<1x1x2x128xi32, #tpu.memory_space<hbm>> -> memref<2x128xi32, #tpu.memory_space<hbm>>
      %dma_wait3A_114 = arith.constant 0 : i32
      %dma_wait3A_115 = arith.constant 0 : i32
      %dma_wait3A_116 = tpu.memref_slice %arg3[%add3A, %dma_wait3A_109, %dma_wait3A_114, %dma_wait3A_115] : memref<32x81x2x128xi32, #tpu.memory_space<hbm>> -> memref<1x1x2x128xi32, #tpu.memory_space<hbm>>
      %dma_wait3A_117 = tpu.memref_squeeze %dma_wait3A_116 : memref<1x1x2x128xi32, #tpu.memory_space<hbm>> -> memref<2x128xi32, #tpu.memory_space<hbm>>
      tpu.wait_dma2 semaphore(%arg13 : memref<!tpu.dma_semaphore, #tpu.memory_space<semaphore_mem>>) src(%dma_wait3A_117 : memref<2x128xi32, #tpu.memory_space<hbm>>) dst(%arg7 : memref<2x128xi32, #tpu.memory_space<vmem>>)
      %dma_start3A_118 = arith.constant 0 : i32
      %dma_start3A_119 = arith.constant 0 : i32
      %dma_start3A_120 = tpu.memref_slice %arg7[%dma_start3A_118, %dma_start3A_119] : memref<2x128xi32, #tpu.memory_space<vmem>> -> memref<1x128xi32, #tpu.memory_space<vmem>>
      %dma_start3A_121 = tpu.memref_squeeze %dma_start3A_120 : memref<1x128xi32, #tpu.memory_space<vmem>> -> memref<128xi32, #tpu.memory_space<vmem>>
      %dma_start3A_122 = arith.constant 0 : i32
      %dma_start3A_123 = arith.constant 0 : i32
      %dma_start3A_124 = tpu.memref_slice %arg2[%dma_start3A_122, %dma_start3A_123] : memref<10240x128xf32, #tpu.memory_space<hbm>> -> memref<10240x128xf32, #tpu.memory_space<hbm>>
      tpu.enqueue_indirect_dma source(%dma_start3A_124 : memref<10240x128xf32, #tpu.memory_space<hbm>>) target(%arg10 : memref<128x128xf32, #tpu.memory_space<vmem>>) offsets(%dma_start3A_121 : memref<128xi32, #tpu.memory_space<vmem>>) semaphore(%arg16 : memref<!tpu.dma_semaphore, #tpu.memory_space<semaphore_mem>>)
      %dma_wait3A_125 = arith.constant 0 : i32
      %dma_wait3A_126 = arith.constant 0 : i32
      %dma_wait3A_127 = tpu.memref_slice %arg2[%dma_wait3A_125, %dma_wait3A_126] : memref<10240x128xf32, #tpu.memory_space<hbm>> -> memref<128x128xf32, #tpu.memory_space<hbm>>
      %dma_wait3A_128 = arith.constant 0 : i32
      %dma_wait3A_129 = arith.constant 0 : i32
      %dma_wait3A_130 = tpu.memref_slice %arg2[%dma_wait3A_128, %dma_wait3A_129] : memref<10240x128xf32, #tpu.memory_space<hbm>> -> memref<128x128xf32, #tpu.memory_space<hbm>>
      tpu.wait_dma2 semaphore(%arg15 : memref<!tpu.dma_semaphore, #tpu.memory_space<semaphore_mem>>) src(%dma_wait3A_130 : memref<128x128xf32, #tpu.memory_space<hbm>>) dst(%arg9 : memref<128x128xf32, #tpu.memory_space<vmem>>)
      %run_scoped3A_131 = arith.constant 1 : i32
      "tpu.region"() ({
        %run_scoped3A_311 = tpu.sem_alloc : memref<!tpu.dma_semaphore, #tpu.memory_space<semaphore_mem>>
        %dma_start3A_312 = arith.constant 0 : i32
        %dma_start3A_313 = tpu.memref_slice %arg6[%run_scoped3A_131, %dma_start3A_312] : memref<2x128xi32, #tpu.memory_space<vmem>> -> memref<1x128xi32, #tpu.memory_space<vmem>>
        %dma_start3A_314 = tpu.memref_squeeze %dma_start3A_313 : memref<1x128xi32, #tpu.memory_space<vmem>> -> memref<128xi32, #tpu.memory_space<vmem>>
        %dma_start3A_315 = arith.constant 0 : i32
        %dma_start3A_316 = arith.constant 0 : i32
        %dma_start3A_317 = tpu.memref_slice %arg11[%dma_start3A_315, %dma_start3A_316] : memref<10240x128xf32, #tpu.memory_space<vmem_shared>> -> memref<10240x128xf32, #tpu.memory_space<vmem_shared>>
        tpu.enqueue_indirect_dma source(%arg9 : memref<128x128xf32, #tpu.memory_space<vmem>>) target(%dma_start3A_317 : memref<10240x128xf32, #tpu.memory_space<vmem_shared>>) offsets(%dma_start3A_314 : memref<128xi32, #tpu.memory_space<vmem>>) semaphore(%run_scoped3A_311 : memref<!tpu.dma_semaphore, #tpu.memory_space<semaphore_mem>>) {add = true}
        %dma_wait3A_318 = arith.constant 0 : i32
        %dma_wait3A_319 = tpu.memref_slice %arg6[%run_scoped3A_131, %dma_wait3A_318] : memref<2x128xi32, #tpu.memory_space<vmem>> -> memref<1x128xi32, #tpu.memory_space<vmem>>
        %dma_wait3A_320 = tpu.memref_squeeze %dma_wait3A_319 : memref<1x128xi32, #tpu.memory_space<vmem>> -> memref<128xi32, #tpu.memory_space<vmem>>
        %dma_wait3A_321 = arith.constant 0 : i32
        %dma_wait3A_322 = arith.constant 0 : i32
        %dma_wait3A_323 = tpu.memref_slice %arg11[%dma_wait3A_321, %dma_wait3A_322] : memref<10240x128xf32, #tpu.memory_space<vmem_shared>> -> memref<10240x128xf32, #tpu.memory_space<vmem_shared>>
        tpu.wait_indirect_dma semaphore(%run_scoped3A_311 : memref<!tpu.dma_semaphore, #tpu.memory_space<semaphore_mem>>) src(%arg9 : memref<128x128xf32, #tpu.memory_space<vmem>>) dst(%dma_wait3A_323 : memref<10240x128xf32, #tpu.memory_space<vmem_shared>>)
        tpu.yield
      }) : () -> ()
      %add3A_132 = arith.constant 3 : i32
      %add3A_133 = arith.addi %mul3A_108, %add3A_132 : i32
      %dma_start3A_134 = arith.constant 0 : i32
      %dma_start3A_135 = arith.constant 0 : i32
      %dma_start3A_136 = tpu.memref_slice %arg3[%add3A, %add3A_133, %dma_start3A_134, %dma_start3A_135] : memref<32x81x2x128xi32, #tpu.memory_space<hbm>> -> memref<1x1x2x128xi32, #tpu.memory_space<hbm>>
      %dma_start3A_137 = tpu.memref_squeeze %dma_start3A_136 : memref<1x1x2x128xi32, #tpu.memory_space<hbm>> -> memref<2x128xi32, #tpu.memory_space<hbm>>
      %dma_start3A_138 = arith.constant 0 : i32
      %dma_start3A_139 = arith.constant 0 : i32
      %dma_start3A_140 = tpu.memref_slice %arg3[%add3A, %add3A_133, %dma_start3A_138, %dma_start3A_139] : memref<32x81x2x128xi32, #tpu.memory_space<hbm>> -> memref<1x1x2x128xi32, #tpu.memory_space<hbm>>
      %dma_start3A_141 = tpu.memref_squeeze %dma_start3A_140 : memref<1x1x2x128xi32, #tpu.memory_space<hbm>> -> memref<2x128xi32, #tpu.memory_space<hbm>>
      tpu.enqueue_dma source(%dma_start3A_141 : memref<2x128xi32, #tpu.memory_space<hbm>>) target(%arg6 : memref<2x128xi32, #tpu.memory_space<vmem>>) target_semaphore(%arg12 : memref<!tpu.dma_semaphore, #tpu.memory_space<semaphore_mem>>)
      %dma_wait3A_142 = arith.constant 0 : i32
      %dma_wait3A_143 = arith.constant 0 : i32
      %dma_wait3A_144 = arith.constant 0 : i32
      %dma_wait3A_145 = tpu.memref_slice %arg3[%add3A, %dma_wait3A_142, %dma_wait3A_143, %dma_wait3A_144] : memref<32x81x2x128xi32, #tpu.memory_space<hbm>> -> memref<1x1x2x128xi32, #tpu.memory_space<hbm>>
      %dma_wait3A_146 = tpu.memref_squeeze %dma_wait3A_145 : memref<1x1x2x128xi32, #tpu.memory_space<hbm>> -> memref<2x128xi32, #tpu.memory_space<hbm>>
      %dma_wait3A_147 = arith.constant 0 : i32
      %dma_wait3A_148 = arith.constant 0 : i32
      %dma_wait3A_149 = tpu.memref_slice %arg3[%add3A, %dma_wait3A_142, %dma_wait3A_147, %dma_wait3A_148] : memref<32x81x2x128xi32, #tpu.memory_space<hbm>> -> memref<1x1x2x128xi32, #tpu.memory_space<hbm>>
      %dma_wait3A_150 = tpu.memref_squeeze %dma_wait3A_149 : memref<1x1x2x128xi32, #tpu.memory_space<hbm>> -> memref<2x128xi32, #tpu.memory_space<hbm>>
      tpu.wait_dma2 semaphore(%arg14 : memref<!tpu.dma_semaphore, #tpu.memory_space<semaphore_mem>>) src(%dma_wait3A_150 : memref<2x128xi32, #tpu.memory_space<hbm>>) dst(%arg8 : memref<2x128xi32, #tpu.memory_space<vmem>>)
      %dma_start3A_151 = arith.constant 0 : i32
      %dma_start3A_152 = arith.constant 0 : i32
      %dma_start3A_153 = tpu.memref_slice %arg8[%dma_start3A_151, %dma_start3A_152] : memref<2x128xi32, #tpu.memory_space<vmem>> -> memref<1x128xi32, #tpu.memory_space<vmem>>
      %dma_start3A_154 = tpu.memref_squeeze %dma_start3A_153 : memref<1x128xi32, #tpu.memory_space<vmem>> -> memref<128xi32, #tpu.memory_space<vmem>>
      %dma_start3A_155 = arith.constant 0 : i32
      %dma_start3A_156 = arith.constant 0 : i32
      %dma_start3A_157 = tpu.memref_slice %arg2[%dma_start3A_155, %dma_start3A_156] : memref<10240x128xf32, #tpu.memory_space<hbm>> -> memref<10240x128xf32, #tpu.memory_space<hbm>>
      tpu.enqueue_indirect_dma source(%dma_start3A_157 : memref<10240x128xf32, #tpu.memory_space<hbm>>) target(%arg9 : memref<128x128xf32, #tpu.memory_space<vmem>>) offsets(%dma_start3A_154 : memref<128xi32, #tpu.memory_space<vmem>>) semaphore(%arg15 : memref<!tpu.dma_semaphore, #tpu.memory_space<semaphore_mem>>)
      %dma_wait3A_158 = arith.constant 0 : i32
      %dma_wait3A_159 = arith.constant 0 : i32
      %dma_wait3A_160 = tpu.memref_slice %arg2[%dma_wait3A_158, %dma_wait3A_159] : memref<10240x128xf32, #tpu.memory_space<hbm>> -> memref<128x128xf32, #tpu.memory_space<hbm>>
      %dma_wait3A_161 = arith.constant 0 : i32
      %dma_wait3A_162 = arith.constant 0 : i32
      %dma_wait3A_163 = tpu.memref_slice %arg2[%dma_wait3A_161, %dma_wait3A_162] : memref<10240x128xf32, #tpu.memory_space<hbm>> -> memref<128x128xf32, #tpu.memory_space<hbm>>
      tpu.wait_dma2 semaphore(%arg16 : memref<!tpu.dma_semaphore, #tpu.memory_space<semaphore_mem>>) src(%dma_wait3A_163 : memref<128x128xf32, #tpu.memory_space<hbm>>) dst(%arg10 : memref<128x128xf32, #tpu.memory_space<vmem>>)
      %run_scoped3A_164 = arith.constant 1 : i32
      "tpu.region"() ({
        %run_scoped3A_311 = tpu.sem_alloc : memref<!tpu.dma_semaphore, #tpu.memory_space<semaphore_mem>>
        %dma_start3A_312 = arith.constant 0 : i32
        %dma_start3A_313 = tpu.memref_slice %arg7[%run_scoped3A_164, %dma_start3A_312] : memref<2x128xi32, #tpu.memory_space<vmem>> -> memref<1x128xi32, #tpu.memory_space<vmem>>
        %dma_start3A_314 = tpu.memref_squeeze %dma_start3A_313 : memref<1x128xi32, #tpu.memory_space<vmem>> -> memref<128xi32, #tpu.memory_space<vmem>>
        %dma_start3A_315 = arith.constant 0 : i32
        %dma_start3A_316 = arith.constant 0 : i32
        %dma_start3A_317 = tpu.memref_slice %arg11[%dma_start3A_315, %dma_start3A_316] : memref<10240x128xf32, #tpu.memory_space<vmem_shared>> -> memref<10240x128xf32, #tpu.memory_space<vmem_shared>>
        tpu.enqueue_indirect_dma source(%arg10 : memref<128x128xf32, #tpu.memory_space<vmem>>) target(%dma_start3A_317 : memref<10240x128xf32, #tpu.memory_space<vmem_shared>>) offsets(%dma_start3A_314 : memref<128xi32, #tpu.memory_space<vmem>>) semaphore(%run_scoped3A_311 : memref<!tpu.dma_semaphore, #tpu.memory_space<semaphore_mem>>) {add = true}
        %dma_wait3A_318 = arith.constant 0 : i32
        %dma_wait3A_319 = tpu.memref_slice %arg7[%run_scoped3A_164, %dma_wait3A_318] : memref<2x128xi32, #tpu.memory_space<vmem>> -> memref<1x128xi32, #tpu.memory_space<vmem>>
        %dma_wait3A_320 = tpu.memref_squeeze %dma_wait3A_319 : memref<1x128xi32, #tpu.memory_space<vmem>> -> memref<128xi32, #tpu.memory_space<vmem>>
        %dma_wait3A_321 = arith.constant 0 : i32
        %dma_wait3A_322 = arith.constant 0 : i32
        %dma_wait3A_323 = tpu.memref_slice %arg11[%dma_wait3A_321, %dma_wait3A_322] : memref<10240x128xf32, #tpu.memory_space<vmem_shared>> -> memref<10240x128xf32, #tpu.memory_space<vmem_shared>>
        tpu.wait_indirect_dma semaphore(%run_scoped3A_311 : memref<!tpu.dma_semaphore, #tpu.memory_space<semaphore_mem>>) src(%arg10 : memref<128x128xf32, #tpu.memory_space<vmem>>) dst(%dma_wait3A_323 : memref<10240x128xf32, #tpu.memory_space<vmem_shared>>)
        tpu.yield
      }) : () -> ()
      %add3A_165 = arith.constant 4 : i32
      %add3A_166 = arith.addi %mul3A_108, %add3A_165 : i32
      %dma_start3A_167 = arith.constant 0 : i32
      %dma_start3A_168 = arith.constant 0 : i32
      %dma_start3A_169 = tpu.memref_slice %arg3[%add3A, %add3A_166, %dma_start3A_167, %dma_start3A_168] : memref<32x81x2x128xi32, #tpu.memory_space<hbm>> -> memref<1x1x2x128xi32, #tpu.memory_space<hbm>>
      %dma_start3A_170 = tpu.memref_squeeze %dma_start3A_169 : memref<1x1x2x128xi32, #tpu.memory_space<hbm>> -> memref<2x128xi32, #tpu.memory_space<hbm>>
      %dma_start3A_171 = arith.constant 0 : i32
      %dma_start3A_172 = arith.constant 0 : i32
      %dma_start3A_173 = tpu.memref_slice %arg3[%add3A, %add3A_166, %dma_start3A_171, %dma_start3A_172] : memref<32x81x2x128xi32, #tpu.memory_space<hbm>> -> memref<1x1x2x128xi32, #tpu.memory_space<hbm>>
      %dma_start3A_174 = tpu.memref_squeeze %dma_start3A_173 : memref<1x1x2x128xi32, #tpu.memory_space<hbm>> -> memref<2x128xi32, #tpu.memory_space<hbm>>
      tpu.enqueue_dma source(%dma_start3A_174 : memref<2x128xi32, #tpu.memory_space<hbm>>) target(%arg7 : memref<2x128xi32, #tpu.memory_space<vmem>>) target_semaphore(%arg13 : memref<!tpu.dma_semaphore, #tpu.memory_space<semaphore_mem>>)
      %add3A_175 = arith.constant 2 : i32
      %add3A_176 = arith.addi %mul3A_108, %add3A_175 : i32
      %dma_wait3A_177 = arith.constant 0 : i32
      %dma_wait3A_178 = arith.constant 0 : i32
      %dma_wait3A_179 = arith.constant 0 : i32
      %dma_wait3A_180 = tpu.memref_slice %arg3[%add3A, %dma_wait3A_177, %dma_wait3A_178, %dma_wait3A_179] : memref<32x81x2x128xi32, #tpu.memory_space<hbm>> -> memref<1x1x2x128xi32, #tpu.memory_space<hbm>>
      %dma_wait3A_181 = tpu.memref_squeeze %dma_wait3A_180 : memref<1x1x2x128xi32, #tpu.memory_space<hbm>> -> memref<2x128xi32, #tpu.memory_space<hbm>>
      %dma_wait3A_182 = arith.constant 0 : i32
      %dma_wait3A_183 = arith.constant 0 : i32
      %dma_wait3A_184 = tpu.memref_slice %arg3[%add3A, %dma_wait3A_177, %dma_wait3A_182, %dma_wait3A_183] : memref<32x81x2x128xi32, #tpu.memory_space<hbm>> -> memref<1x1x2x128xi32, #tpu.memory_space<hbm>>
      %dma_wait3A_185 = tpu.memref_squeeze %dma_wait3A_184 : memref<1x1x2x128xi32, #tpu.memory_space<hbm>> -> memref<2x128xi32, #tpu.memory_space<hbm>>
      tpu.wait_dma2 semaphore(%arg12 : memref<!tpu.dma_semaphore, #tpu.memory_space<semaphore_mem>>) src(%dma_wait3A_185 : memref<2x128xi32, #tpu.memory_space<hbm>>) dst(%arg6 : memref<2x128xi32, #tpu.memory_space<vmem>>)
      %dma_start3A_186 = arith.constant 0 : i32
      %dma_start3A_187 = arith.constant 0 : i32
      %dma_start3A_188 = tpu.memref_slice %arg6[%dma_start3A_186, %dma_start3A_187] : memref<2x128xi32, #tpu.memory_space<vmem>> -> memref<1x128xi32, #tpu.memory_space<vmem>>
      %dma_start3A_189 = tpu.memref_squeeze %dma_start3A_188 : memref<1x128xi32, #tpu.memory_space<vmem>> -> memref<128xi32, #tpu.memory_space<vmem>>
      %dma_start3A_190 = arith.constant 0 : i32
      %dma_start3A_191 = arith.constant 0 : i32
      %dma_start3A_192 = tpu.memref_slice %arg2[%dma_start3A_190, %dma_start3A_191] : memref<10240x128xf32, #tpu.memory_space<hbm>> -> memref<10240x128xf32, #tpu.memory_space<hbm>>
      tpu.enqueue_indirect_dma source(%dma_start3A_192 : memref<10240x128xf32, #tpu.memory_space<hbm>>) target(%arg10 : memref<128x128xf32, #tpu.memory_space<vmem>>) offsets(%dma_start3A_189 : memref<128xi32, #tpu.memory_space<vmem>>) semaphore(%arg16 : memref<!tpu.dma_semaphore, #tpu.memory_space<semaphore_mem>>)
      %dma_wait3A_193 = arith.constant 0 : i32
      %dma_wait3A_194 = arith.constant 0 : i32
      %dma_wait3A_195 = tpu.memref_slice %arg2[%dma_wait3A_193, %dma_wait3A_194] : memref<10240x128xf32, #tpu.memory_space<hbm>> -> memref<128x128xf32, #tpu.memory_space<hbm>>
      %dma_wait3A_196 = arith.constant 0 : i32
      %dma_wait3A_197 = arith.constant 0 : i32
      %dma_wait3A_198 = tpu.memref_slice %arg2[%dma_wait3A_196, %dma_wait3A_197] : memref<10240x128xf32, #tpu.memory_space<hbm>> -> memref<128x128xf32, #tpu.memory_space<hbm>>
      tpu.wait_dma2 semaphore(%arg15 : memref<!tpu.dma_semaphore, #tpu.memory_space<semaphore_mem>>) src(%dma_wait3A_198 : memref<128x128xf32, #tpu.memory_space<hbm>>) dst(%arg9 : memref<128x128xf32, #tpu.memory_space<vmem>>)
      %run_scoped3A_199 = arith.constant 1 : i32
      "tpu.region"() ({
        %run_scoped3A_311 = tpu.sem_alloc : memref<!tpu.dma_semaphore, #tpu.memory_space<semaphore_mem>>
        %dma_start3A_312 = arith.constant 0 : i32
        %dma_start3A_313 = tpu.memref_slice %arg8[%run_scoped3A_199, %dma_start3A_312] : memref<2x128xi32, #tpu.memory_space<vmem>> -> memref<1x128xi32, #tpu.memory_space<vmem>>
        %dma_start3A_314 = tpu.memref_squeeze %dma_start3A_313 : memref<1x128xi32, #tpu.memory_space<vmem>> -> memref<128xi32, #tpu.memory_space<vmem>>
        %dma_start3A_315 = arith.constant 0 : i32
        %dma_start3A_316 = arith.constant 0 : i32
        %dma_start3A_317 = tpu.memref_slice %arg11[%dma_start3A_315, %dma_start3A_316] : memref<10240x128xf32, #tpu.memory_space<vmem_shared>> -> memref<10240x128xf32, #tpu.memory_space<vmem_shared>>
        tpu.enqueue_indirect_dma source(%arg9 : memref<128x128xf32, #tpu.memory_space<vmem>>) target(%dma_start3A_317 : memref<10240x128xf32, #tpu.memory_space<vmem_shared>>) offsets(%dma_start3A_314 : memref<128xi32, #tpu.memory_space<vmem>>) semaphore(%run_scoped3A_311 : memref<!tpu.dma_semaphore, #tpu.memory_space<semaphore_mem>>) {add = true}
        %dma_wait3A_318 = arith.constant 0 : i32
        %dma_wait3A_319 = tpu.memref_slice %arg8[%run_scoped3A_199, %dma_wait3A_318] : memref<2x128xi32, #tpu.memory_space<vmem>> -> memref<1x128xi32, #tpu.memory_space<vmem>>
        %dma_wait3A_320 = tpu.memref_squeeze %dma_wait3A_319 : memref<1x128xi32, #tpu.memory_space<vmem>> -> memref<128xi32, #tpu.memory_space<vmem>>
        %dma_wait3A_321 = arith.constant 0 : i32
        %dma_wait3A_322 = arith.constant 0 : i32
        %dma_wait3A_323 = tpu.memref_slice %arg11[%dma_wait3A_321, %dma_wait3A_322] : memref<10240x128xf32, #tpu.memory_space<vmem_shared>> -> memref<10240x128xf32, #tpu.memory_space<vmem_shared>>
        tpu.wait_indirect_dma semaphore(%run_scoped3A_311 : memref<!tpu.dma_semaphore, #tpu.memory_space<semaphore_mem>>) src(%arg9 : memref<128x128xf32, #tpu.memory_space<vmem>>) dst(%dma_wait3A_323 : memref<10240x128xf32, #tpu.memory_space<vmem_shared>>)
        tpu.yield
      }) : () -> ()
      %add3A_200 = arith.constant 3 : i32
      %add3A_201 = arith.addi %add3A_176, %add3A_200 : i32
      %dma_start3A_202 = arith.constant 0 : i32
      %dma_start3A_203 = arith.constant 0 : i32
      %dma_start3A_204 = tpu.memref_slice %arg3[%add3A, %add3A_201, %dma_start3A_202, %dma_start3A_203] : memref<32x81x2x128xi32, #tpu.memory_space<hbm>> -> memref<1x1x2x128xi32, #tpu.memory_space<hbm>>
      %dma_start3A_205 = tpu.memref_squeeze %dma_start3A_204 : memref<1x1x2x128xi32, #tpu.memory_space<hbm>> -> memref<2x128xi32, #tpu.memory_space<hbm>>
      %dma_start3A_206 = arith.constant 0 : i32
      %dma_start3A_207 = arith.constant 0 : i32
      %dma_start3A_208 = tpu.memref_slice %arg3[%add3A, %add3A_201, %dma_start3A_206, %dma_start3A_207] : memref<32x81x2x128xi32, #tpu.memory_space<hbm>> -> memref<1x1x2x128xi32, #tpu.memory_space<hbm>>
      %dma_start3A_209 = tpu.memref_squeeze %dma_start3A_208 : memref<1x1x2x128xi32, #tpu.memory_space<hbm>> -> memref<2x128xi32, #tpu.memory_space<hbm>>
      tpu.enqueue_dma source(%dma_start3A_209 : memref<2x128xi32, #tpu.memory_space<hbm>>) target(%arg8 : memref<2x128xi32, #tpu.memory_space<vmem>>) target_semaphore(%arg14 : memref<!tpu.dma_semaphore, #tpu.memory_space<semaphore_mem>>)
      %dma_wait3A_210 = arith.constant 0 : i32
      %dma_wait3A_211 = arith.constant 0 : i32
      %dma_wait3A_212 = arith.constant 0 : i32
      %dma_wait3A_213 = tpu.memref_slice %arg3[%add3A, %dma_wait3A_210, %dma_wait3A_211, %dma_wait3A_212] : memref<32x81x2x128xi32, #tpu.memory_space<hbm>> -> memref<1x1x2x128xi32, #tpu.memory_space<hbm>>
      %dma_wait3A_214 = tpu.memref_squeeze %dma_wait3A_213 : memref<1x1x2x128xi32, #tpu.memory_space<hbm>> -> memref<2x128xi32, #tpu.memory_space<hbm>>
      %dma_wait3A_215 = arith.constant 0 : i32
      %dma_wait3A_216 = arith.constant 0 : i32
      %dma_wait3A_217 = tpu.memref_slice %arg3[%add3A, %dma_wait3A_210, %dma_wait3A_215, %dma_wait3A_216] : memref<32x81x2x128xi32, #tpu.memory_space<hbm>> -> memref<1x1x2x128xi32, #tpu.memory_space<hbm>>
      %dma_wait3A_218 = tpu.memref_squeeze %dma_wait3A_217 : memref<1x1x2x128xi32, #tpu.memory_space<hbm>> -> memref<2x128xi32, #tpu.memory_space<hbm>>
      tpu.wait_dma2 semaphore(%arg13 : memref<!tpu.dma_semaphore, #tpu.memory_space<semaphore_mem>>) src(%dma_wait3A_218 : memref<2x128xi32, #tpu.memory_space<hbm>>) dst(%arg7 : memref<2x128xi32, #tpu.memory_space<vmem>>)
      %dma_start3A_219 = arith.constant 0 : i32
      %dma_start3A_220 = arith.constant 0 : i32
      %dma_start3A_221 = tpu.memref_slice %arg7[%dma_start3A_219, %dma_start3A_220] : memref<2x128xi32, #tpu.memory_space<vmem>> -> memref<1x128xi32, #tpu.memory_space<vmem>>
      %dma_start3A_222 = tpu.memref_squeeze %dma_start3A_221 : memref<1x128xi32, #tpu.memory_space<vmem>> -> memref<128xi32, #tpu.memory_space<vmem>>
      %dma_start3A_223 = arith.constant 0 : i32
      %dma_start3A_224 = arith.constant 0 : i32
      %dma_start3A_225 = tpu.memref_slice %arg2[%dma_start3A_223, %dma_start3A_224] : memref<10240x128xf32, #tpu.memory_space<hbm>> -> memref<10240x128xf32, #tpu.memory_space<hbm>>
      tpu.enqueue_indirect_dma source(%dma_start3A_225 : memref<10240x128xf32, #tpu.memory_space<hbm>>) target(%arg9 : memref<128x128xf32, #tpu.memory_space<vmem>>) offsets(%dma_start3A_222 : memref<128xi32, #tpu.memory_space<vmem>>) semaphore(%arg15 : memref<!tpu.dma_semaphore, #tpu.memory_space<semaphore_mem>>)
      %dma_wait3A_226 = arith.constant 0 : i32
      %dma_wait3A_227 = arith.constant 0 : i32
      %dma_wait3A_228 = tpu.memref_slice %arg2[%dma_wait3A_226, %dma_wait3A_227] : memref<10240x128xf32, #tpu.memory_space<hbm>> -> memref<128x128xf32, #tpu.memory_space<hbm>>
      %dma_wait3A_229 = arith.constant 0 : i32
      %dma_wait3A_230 = arith.constant 0 : i32
      %dma_wait3A_231 = tpu.memref_slice %arg2[%dma_wait3A_229, %dma_wait3A_230] : memref<10240x128xf32, #tpu.memory_space<hbm>> -> memref<128x128xf32, #tpu.memory_space<hbm>>
      tpu.wait_dma2 semaphore(%arg16 : memref<!tpu.dma_semaphore, #tpu.memory_space<semaphore_mem>>) src(%dma_wait3A_231 : memref<128x128xf32, #tpu.memory_space<hbm>>) dst(%arg10 : memref<128x128xf32, #tpu.memory_space<vmem>>)
      %run_scoped3A_232 = arith.constant 1 : i32
      "tpu.region"() ({
        %run_scoped3A_311 = tpu.sem_alloc : memref<!tpu.dma_semaphore, #tpu.memory_space<semaphore_mem>>
        %dma_start3A_312 = arith.constant 0 : i32
        %dma_start3A_313 = tpu.memref_slice %arg6[%run_scoped3A_232, %dma_start3A_312] : memref<2x128xi32, #tpu.memory_space<vmem>> -> memref<1x128xi32, #tpu.memory_space<vmem>>
        %dma_start3A_314 = tpu.memref_squeeze %dma_start3A_313 : memref<1x128xi32, #tpu.memory_space<vmem>> -> memref<128xi32, #tpu.memory_space<vmem>>
        %dma_start3A_315 = arith.constant 0 : i32
        %dma_start3A_316 = arith.constant 0 : i32
        %dma_start3A_317 = tpu.memref_slice %arg11[%dma_start3A_315, %dma_start3A_316] : memref<10240x128xf32, #tpu.memory_space<vmem_shared>> -> memref<10240x128xf32, #tpu.memory_space<vmem_shared>>
        tpu.enqueue_indirect_dma source(%arg10 : memref<128x128xf32, #tpu.memory_space<vmem>>) target(%dma_start3A_317 : memref<10240x128xf32, #tpu.memory_space<vmem_shared>>) offsets(%dma_start3A_314 : memref<128xi32, #tpu.memory_space<vmem>>) semaphore(%run_scoped3A_311 : memref<!tpu.dma_semaphore, #tpu.memory_space<semaphore_mem>>) {add = true}
        %dma_wait3A_318 = arith.constant 0 : i32
        %dma_wait3A_319 = tpu.memref_slice %arg6[%run_scoped3A_232, %dma_wait3A_318] : memref<2x128xi32, #tpu.memory_space<vmem>> -> memref<1x128xi32, #tpu.memory_space<vmem>>
        %dma_wait3A_320 = tpu.memref_squeeze %dma_wait3A_319 : memref<1x128xi32, #tpu.memory_space<vmem>> -> memref<128xi32, #tpu.memory_space<vmem>>
        %dma_wait3A_321 = arith.constant 0 : i32
        %dma_wait3A_322 = arith.constant 0 : i32
        %dma_wait3A_323 = tpu.memref_slice %arg11[%dma_wait3A_321, %dma_wait3A_322] : memref<10240x128xf32, #tpu.memory_space<vmem_shared>> -> memref<10240x128xf32, #tpu.memory_space<vmem_shared>>
        tpu.wait_indirect_dma semaphore(%run_scoped3A_311 : memref<!tpu.dma_semaphore, #tpu.memory_space<semaphore_mem>>) src(%arg10 : memref<128x128xf32, #tpu.memory_space<vmem>>) dst(%dma_wait3A_323 : memref<10240x128xf32, #tpu.memory_space<vmem_shared>>)
        tpu.yield
      }) : () -> ()
      %add3A_233 = arith.constant 4 : i32
      %add3A_234 = arith.addi %add3A_176, %add3A_233 : i32
      %dma_start3A_235 = arith.constant 0 : i32
      %dma_start3A_236 = arith.constant 0 : i32
      %dma_start3A_237 = tpu.memref_slice %arg3[%add3A, %add3A_234, %dma_start3A_235, %dma_start3A_236] : memref<32x81x2x128xi32, #tpu.memory_space<hbm>> -> memref<1x1x2x128xi32, #tpu.memory_space<hbm>>
      %dma_start3A_238 = tpu.memref_squeeze %dma_start3A_237 : memref<1x1x2x128xi32, #tpu.memory_space<hbm>> -> memref<2x128xi32, #tpu.memory_space<hbm>>
      %dma_start3A_239 = arith.constant 0 : i32
      %dma_start3A_240 = arith.constant 0 : i32
      %dma_start3A_241 = tpu.memref_slice %arg3[%add3A, %add3A_234, %dma_start3A_239, %dma_start3A_240] : memref<32x81x2x128xi32, #tpu.memory_space<hbm>> -> memref<1x1x2x128xi32, #tpu.memory_space<hbm>>
      %dma_start3A_242 = tpu.memref_squeeze %dma_start3A_241 : memref<1x1x2x128xi32, #tpu.memory_space<hbm>> -> memref<2x128xi32, #tpu.memory_space<hbm>>
      tpu.enqueue_dma source(%dma_start3A_242 : memref<2x128xi32, #tpu.memory_space<hbm>>) target(%arg6 : memref<2x128xi32, #tpu.memory_space<vmem>>) target_semaphore(%arg12 : memref<!tpu.dma_semaphore, #tpu.memory_space<semaphore_mem>>)
      %add3A_243 = arith.constant 4 : i32
      %add3A_244 = arith.addi %mul3A_108, %add3A_243 : i32
      %dma_wait3A_245 = arith.constant 0 : i32
      %dma_wait3A_246 = arith.constant 0 : i32
      %dma_wait3A_247 = arith.constant 0 : i32
      %dma_wait3A_248 = tpu.memref_slice %arg3[%add3A, %dma_wait3A_245, %dma_wait3A_246, %dma_wait3A_247] : memref<32x81x2x128xi32, #tpu.memory_space<hbm>> -> memref<1x1x2x128xi32, #tpu.memory_space<hbm>>
      %dma_wait3A_249 = tpu.memref_squeeze %dma_wait3A_248 : memref<1x1x2x128xi32, #tpu.memory_space<hbm>> -> memref<2x128xi32, #tpu.memory_space<hbm>>
      %dma_wait3A_250 = arith.constant 0 : i32
      %dma_wait3A_251 = arith.constant 0 : i32
      %dma_wait3A_252 = tpu.memref_slice %arg3[%add3A, %dma_wait3A_245, %dma_wait3A_250, %dma_wait3A_251] : memref<32x81x2x128xi32, #tpu.memory_space<hbm>> -> memref<1x1x2x128xi32, #tpu.memory_space<hbm>>
      %dma_wait3A_253 = tpu.memref_squeeze %dma_wait3A_252 : memref<1x1x2x128xi32, #tpu.memory_space<hbm>> -> memref<2x128xi32, #tpu.memory_space<hbm>>
      tpu.wait_dma2 semaphore(%arg14 : memref<!tpu.dma_semaphore, #tpu.memory_space<semaphore_mem>>) src(%dma_wait3A_253 : memref<2x128xi32, #tpu.memory_space<hbm>>) dst(%arg8 : memref<2x128xi32, #tpu.memory_space<vmem>>)
      %dma_start3A_254 = arith.constant 0 : i32
      %dma_start3A_255 = arith.constant 0 : i32
      %dma_start3A_256 = tpu.memref_slice %arg8[%dma_start3A_254, %dma_start3A_255] : memref<2x128xi32, #tpu.memory_space<vmem>> -> memref<1x128xi32, #tpu.memory_space<vmem>>
      %dma_start3A_257 = tpu.memref_squeeze %dma_start3A_256 : memref<1x128xi32, #tpu.memory_space<vmem>> -> memref<128xi32, #tpu.memory_space<vmem>>
      %dma_start3A_258 = arith.constant 0 : i32
      %dma_start3A_259 = arith.constant 0 : i32
      %dma_start3A_260 = tpu.memref_slice %arg2[%dma_start3A_258, %dma_start3A_259] : memref<10240x128xf32, #tpu.memory_space<hbm>> -> memref<10240x128xf32, #tpu.memory_space<hbm>>
      tpu.enqueue_indirect_dma source(%dma_start3A_260 : memref<10240x128xf32, #tpu.memory_space<hbm>>) target(%arg10 : memref<128x128xf32, #tpu.memory_space<vmem>>) offsets(%dma_start3A_257 : memref<128xi32, #tpu.memory_space<vmem>>) semaphore(%arg16 : memref<!tpu.dma_semaphore, #tpu.memory_space<semaphore_mem>>)
      %dma_wait3A_261 = arith.constant 0 : i32
      %dma_wait3A_262 = arith.constant 0 : i32
      %dma_wait3A_263 = tpu.memref_slice %arg2[%dma_wait3A_261, %dma_wait3A_262] : memref<10240x128xf32, #tpu.memory_space<hbm>> -> memref<128x128xf32, #tpu.memory_space<hbm>>
      %dma_wait3A_264 = arith.constant 0 : i32
      %dma_wait3A_265 = arith.constant 0 : i32
      %dma_wait3A_266 = tpu.memref_slice %arg2[%dma_wait3A_264, %dma_wait3A_265] : memref<10240x128xf32, #tpu.memory_space<hbm>> -> memref<128x128xf32, #tpu.memory_space<hbm>>
      tpu.wait_dma2 semaphore(%arg15 : memref<!tpu.dma_semaphore, #tpu.memory_space<semaphore_mem>>) src(%dma_wait3A_266 : memref<128x128xf32, #tpu.memory_space<hbm>>) dst(%arg9 : memref<128x128xf32, #tpu.memory_space<vmem>>)
      %run_scoped3A_267 = arith.constant 1 : i32
      "tpu.region"() ({
        %run_scoped3A_311 = tpu.sem_alloc : memref<!tpu.dma_semaphore, #tpu.memory_space<semaphore_mem>>
        %dma_start3A_312 = arith.constant 0 : i32
        %dma_start3A_313 = tpu.memref_slice %arg7[%run_scoped3A_267, %dma_start3A_312] : memref<2x128xi32, #tpu.memory_space<vmem>> -> memref<1x128xi32, #tpu.memory_space<vmem>>
        %dma_start3A_314 = tpu.memref_squeeze %dma_start3A_313 : memref<1x128xi32, #tpu.memory_space<vmem>> -> memref<128xi32, #tpu.memory_space<vmem>>
        %dma_start3A_315 = arith.constant 0 : i32
        %dma_start3A_316 = arith.constant 0 : i32
        %dma_start3A_317 = tpu.memref_slice %arg11[%dma_start3A_315, %dma_start3A_316] : memref<10240x128xf32, #tpu.memory_space<vmem_shared>> -> memref<10240x128xf32, #tpu.memory_space<vmem_shared>>
        tpu.enqueue_indirect_dma source(%arg9 : memref<128x128xf32, #tpu.memory_space<vmem>>) target(%dma_start3A_317 : memref<10240x128xf32, #tpu.memory_space<vmem_shared>>) offsets(%dma_start3A_314 : memref<128xi32, #tpu.memory_space<vmem>>) semaphore(%run_scoped3A_311 : memref<!tpu.dma_semaphore, #tpu.memory_space<semaphore_mem>>) {add = true}
        %dma_wait3A_318 = arith.constant 0 : i32
        %dma_wait3A_319 = tpu.memref_slice %arg7[%run_scoped3A_267, %dma_wait3A_318] : memref<2x128xi32, #tpu.memory_space<vmem>> -> memref<1x128xi32, #tpu.memory_space<vmem>>
        %dma_wait3A_320 = tpu.memref_squeeze %dma_wait3A_319 : memref<1x128xi32, #tpu.memory_space<vmem>> -> memref<128xi32, #tpu.memory_space<vmem>>
        %dma_wait3A_321 = arith.constant 0 : i32
        %dma_wait3A_322 = arith.constant 0 : i32
        %dma_wait3A_323 = tpu.memref_slice %arg11[%dma_wait3A_321, %dma_wait3A_322] : memref<10240x128xf32, #tpu.memory_space<vmem_shared>> -> memref<10240x128xf32, #tpu.memory_space<vmem_shared>>
        tpu.wait_indirect_dma semaphore(%run_scoped3A_311 : memref<!tpu.dma_semaphore, #tpu.memory_space<semaphore_mem>>) src(%arg9 : memref<128x128xf32, #tpu.memory_space<vmem>>) dst(%dma_wait3A_323 : memref<10240x128xf32, #tpu.memory_space<vmem_shared>>)
        tpu.yield
      }) : () -> ()
      %add3A_268 = arith.constant 3 : i32
      %add3A_269 = arith.addi %add3A_244, %add3A_268 : i32
      %dma_start3A_270 = arith.constant 0 : i32
      %dma_start3A_271 = arith.constant 0 : i32
      %dma_start3A_272 = tpu.memref_slice %arg3[%add3A, %add3A_269, %dma_start3A_270, %dma_start3A_271] : memref<32x81x2x128xi32, #tpu.memory_space<hbm>> -> memref<1x1x2x128xi32, #tpu.memory_space<hbm>>
      %dma_start3A_273 = tpu.memref_squeeze %dma_start3A_272 : memref<1x1x2x128xi32, #tpu.memory_space<hbm>> -> memref<2x128xi32, #tpu.memory_space<hbm>>
      %dma_start3A_274 = arith.constant 0 : i32
      %dma_start3A_275 = arith.constant 0 : i32
      %dma_start3A_276 = tpu.memref_slice %arg3[%add3A, %add3A_269, %dma_start3A_274, %dma_start3A_275] : memref<32x81x2x128xi32, #tpu.memory_space<hbm>> -> memref<1x1x2x128xi32, #tpu.memory_space<hbm>>
      %dma_start3A_277 = tpu.memref_squeeze %dma_start3A_276 : memref<1x1x2x128xi32, #tpu.memory_space<hbm>> -> memref<2x128xi32, #tpu.memory_space<hbm>>
      tpu.enqueue_dma source(%dma_start3A_277 : memref<2x128xi32, #tpu.memory_space<hbm>>) target(%arg7 : memref<2x128xi32, #tpu.memory_space<vmem>>) target_semaphore(%arg13 : memref<!tpu.dma_semaphore, #tpu.memory_space<semaphore_mem>>)
      %dma_wait3A_278 = arith.constant 0 : i32
      %dma_wait3A_279 = arith.constant 0 : i32
      %dma_wait3A_280 = arith.constant 0 : i32
      %dma_wait3A_281 = tpu.memref_slice %arg3[%add3A, %dma_wait3A_278, %dma_wait3A_279, %dma_wait3A_280] : memref<32x81x2x128xi32, #tpu.memory_space<hbm>> -> memref<1x1x2x128xi32, #tpu.memory_space<hbm>>
      %dma_wait3A_282 = tpu.memref_squeeze %dma_wait3A_281 : memref<1x1x2x128xi32, #tpu.memory_space<hbm>> -> memref<2x128xi32, #tpu.memory_space<hbm>>
      %dma_wait3A_283 = arith.constant 0 : i32
      %dma_wait3A_284 = arith.constant 0 : i32
      %dma_wait3A_285 = tpu.memref_slice %arg3[%add3A, %dma_wait3A_278, %dma_wait3A_283, %dma_wait3A_284] : memref<32x81x2x128xi32, #tpu.memory_space<hbm>> -> memref<1x1x2x128xi32, #tpu.memory_space<hbm>>
      %dma_wait3A_286 = tpu.memref_squeeze %dma_wait3A_285 : memref<1x1x2x128xi32, #tpu.memory_space<hbm>> -> memref<2x128xi32, #tpu.memory_space<hbm>>
      tpu.wait_dma2 semaphore(%arg12 : memref<!tpu.dma_semaphore, #tpu.memory_space<semaphore_mem>>) src(%dma_wait3A_286 : memref<2x128xi32, #tpu.memory_space<hbm>>) dst(%arg6 : memref<2x128xi32, #tpu.memory_space<vmem>>)
      %dma_start3A_287 = arith.constant 0 : i32
      %dma_start3A_288 = arith.constant 0 : i32
      %dma_start3A_289 = tpu.memref_slice %arg6[%dma_start3A_287, %dma_start3A_288] : memref<2x128xi32, #tpu.memory_space<vmem>> -> memref<1x128xi32, #tpu.memory_space<vmem>>
      %dma_start3A_290 = tpu.memref_squeeze %dma_start3A_289 : memref<1x128xi32, #tpu.memory_space<vmem>> -> memref<128xi32, #tpu.memory_space<vmem>>
      %dma_start3A_291 = arith.constant 0 : i32
      %dma_start3A_292 = arith.constant 0 : i32
      %dma_start3A_293 = tpu.memref_slice %arg2[%dma_start3A_291, %dma_start3A_292] : memref<10240x128xf32, #tpu.memory_space<hbm>> -> memref<10240x128xf32, #tpu.memory_space<hbm>>
      tpu.enqueue_indirect_dma source(%dma_start3A_293 : memref<10240x128xf32, #tpu.memory_space<hbm>>) target(%arg9 : memref<128x128xf32, #tpu.memory_space<vmem>>) offsets(%dma_start3A_290 : memref<128xi32, #tpu.memory_space<vmem>>) semaphore(%arg15 : memref<!tpu.dma_semaphore, #tpu.memory_space<semaphore_mem>>)
      %dma_wait3A_294 = arith.constant 0 : i32
      %dma_wait3A_295 = arith.constant 0 : i32
      %dma_wait3A_296 = tpu.memref_slice %arg2[%dma_wait3A_294, %dma_wait3A_295] : memref<10240x128xf32, #tpu.memory_space<hbm>> -> memref<128x128xf32, #tpu.memory_space<hbm>>
      %dma_wait3A_297 = arith.constant 0 : i32
      %dma_wait3A_298 = arith.constant 0 : i32
      %dma_wait3A_299 = tpu.memref_slice %arg2[%dma_wait3A_297, %dma_wait3A_298] : memref<10240x128xf32, #tpu.memory_space<hbm>> -> memref<128x128xf32, #tpu.memory_space<hbm>>
      tpu.wait_dma2 semaphore(%arg16 : memref<!tpu.dma_semaphore, #tpu.memory_space<semaphore_mem>>) src(%dma_wait3A_299 : memref<128x128xf32, #tpu.memory_space<hbm>>) dst(%arg10 : memref<128x128xf32, #tpu.memory_space<vmem>>)
      %run_scoped3A_300 = arith.constant 1 : i32
      "tpu.region"() ({
        %run_scoped3A_311 = tpu.sem_alloc : memref<!tpu.dma_semaphore, #tpu.memory_space<semaphore_mem>>
        %dma_start3A_312 = arith.constant 0 : i32
        %dma_start3A_313 = tpu.memref_slice %arg8[%run_scoped3A_300, %dma_start3A_312] : memref<2x128xi32, #tpu.memory_space<vmem>> -> memref<1x128xi32, #tpu.memory_space<vmem>>
        %dma_start3A_314 = tpu.memref_squeeze %dma_start3A_313 : memref<1x128xi32, #tpu.memory_space<vmem>> -> memref<128xi32, #tpu.memory_space<vmem>>
        %dma_start3A_315 = arith.constant 0 : i32
        %dma_start3A_316 = arith.constant 0 : i32
        %dma_start3A_317 = tpu.memref_slice %arg11[%dma_start3A_315, %dma_start3A_316] : memref<10240x128xf32, #tpu.memory_space<vmem_shared>> -> memref<10240x128xf32, #tpu.memory_space<vmem_shared>>
        tpu.enqueue_indirect_dma source(%arg10 : memref<128x128xf32, #tpu.memory_space<vmem>>) target(%dma_start3A_317 : memref<10240x128xf32, #tpu.memory_space<vmem_shared>>) offsets(%dma_start3A_314 : memref<128xi32, #tpu.memory_space<vmem>>) semaphore(%run_scoped3A_311 : memref<!tpu.dma_semaphore, #tpu.memory_space<semaphore_mem>>) {add = true}
        %dma_wait3A_318 = arith.constant 0 : i32
        %dma_wait3A_319 = tpu.memref_slice %arg8[%run_scoped3A_300, %dma_wait3A_318] : memref<2x128xi32, #tpu.memory_space<vmem>> -> memref<1x128xi32, #tpu.memory_space<vmem>>
        %dma_wait3A_320 = tpu.memref_squeeze %dma_wait3A_319 : memref<1x128xi32, #tpu.memory_space<vmem>> -> memref<128xi32, #tpu.memory_space<vmem>>
        %dma_wait3A_321 = arith.constant 0 : i32
        %dma_wait3A_322 = arith.constant 0 : i32
        %dma_wait3A_323 = tpu.memref_slice %arg11[%dma_wait3A_321, %dma_wait3A_322] : memref<10240x128xf32, #tpu.memory_space<vmem_shared>> -> memref<10240x128xf32, #tpu.memory_space<vmem_shared>>
        tpu.wait_indirect_dma semaphore(%run_scoped3A_311 : memref<!tpu.dma_semaphore, #tpu.memory_space<semaphore_mem>>) src(%arg10 : memref<128x128xf32, #tpu.memory_space<vmem>>) dst(%dma_wait3A_323 : memref<10240x128xf32, #tpu.memory_space<vmem_shared>>)
        tpu.yield
      }) : () -> ()
      %add3A_301 = arith.constant 4 : i32
      %add3A_302 = arith.addi %add3A_244, %add3A_301 : i32
      %dma_start3A_303 = arith.constant 0 : i32
      %dma_start3A_304 = arith.constant 0 : i32
      %dma_start3A_305 = tpu.memref_slice %arg3[%add3A, %add3A_302, %dma_start3A_303, %dma_start3A_304] : memref<32x81x2x128xi32, #tpu.memory_space<hbm>> -> memref<1x1x2x128xi32, #tpu.memory_space<hbm>>
      %dma_start3A_306 = tpu.memref_squeeze %dma_start3A_305 : memref<1x1x2x128xi32, #tpu.memory_space<hbm>> -> memref<2x128xi32, #tpu.memory_space<hbm>>
      %dma_start3A_307 = arith.constant 0 : i32
      %dma_start3A_308 = arith.constant 0 : i32
      %dma_start3A_309 = tpu.memref_slice %arg3[%add3A, %add3A_302, %dma_start3A_307, %dma_start3A_308] : memref<32x81x2x128xi32, #tpu.memory_space<hbm>> -> memref<1x1x2x128xi32, #tpu.memory_space<hbm>>
      %dma_start3A_310 = tpu.memref_squeeze %dma_start3A_309 : memref<1x1x2x128xi32, #tpu.memory_space<hbm>> -> memref<2x128xi32, #tpu.memory_space<hbm>>
      tpu.enqueue_dma source(%dma_start3A_310 : memref<2x128xi32, #tpu.memory_space<hbm>>) target(%arg8 : memref<2x128xi32, #tpu.memory_space<vmem>>) target_semaphore(%arg14 : memref<!tpu.dma_semaphore, #tpu.memory_space<semaphore_mem>>)
    }
    %scan3A_48 = arith.constant 13 : i32
    %dma_wait3A_49 = arith.constant 0 : i32
    %dma_wait3A_50 = arith.constant 0 : i32
    %dma_wait3A_51 = arith.constant 0 : i32
    %dma_wait3A_52 = tpu.memref_slice %arg3[%add3A, %dma_wait3A_49, %dma_wait3A_50, %dma_wait3A_51] : memref<32x81x2x128xi32, #tpu.memory_space<hbm>> -> memref<1x1x2x128xi32, #tpu.memory_space<hbm>>
    %dma_wait3A_53 = tpu.memref_squeeze %dma_wait3A_52 : memref<1x1x2x128xi32, #tpu.memory_space<hbm>> -> memref<2x128xi32, #tpu.memory_space<hbm>>
    %dma_wait3A_54 = arith.constant 0 : i32
    %dma_wait3A_55 = arith.constant 0 : i32
    %dma_wait3A_56 = tpu.memref_slice %arg3[%add3A, %dma_wait3A_49, %dma_wait3A_54, %dma_wait3A_55] : memref<32x81x2x128xi32, #tpu.memory_space<hbm>> -> memref<1x1x2x128xi32, #tpu.memory_space<hbm>>
    %dma_wait3A_57 = tpu.memref_squeeze %dma_wait3A_56 : memref<1x1x2x128xi32, #tpu.memory_space<hbm>> -> memref<2x128xi32, #tpu.memory_space<hbm>>
    tpu.wait_dma2 semaphore(%arg13 : memref<!tpu.dma_semaphore, #tpu.memory_space<semaphore_mem>>) src(%dma_wait3A_57 : memref<2x128xi32, #tpu.memory_space<hbm>>) dst(%arg7 : memref<2x128xi32, #tpu.memory_space<vmem>>)
    %dma_start3A_58 = arith.constant 0 : i32
    %dma_start3A_59 = arith.constant 0 : i32
    %dma_start3A_60 = tpu.memref_slice %arg7[%dma_start3A_58, %dma_start3A_59] : memref<2x128xi32, #tpu.memory_space<vmem>> -> memref<1x128xi32, #tpu.memory_space<vmem>>
    %dma_start3A_61 = tpu.memref_squeeze %dma_start3A_60 : memref<1x128xi32, #tpu.memory_space<vmem>> -> memref<128xi32, #tpu.memory_space<vmem>>
    %dma_start3A_62 = arith.constant 0 : i32
    %dma_start3A_63 = arith.constant 0 : i32
    %dma_start3A_64 = tpu.memref_slice %arg2[%dma_start3A_62, %dma_start3A_63] : memref<10240x128xf32, #tpu.memory_space<hbm>> -> memref<10240x128xf32, #tpu.memory_space<hbm>>
    tpu.enqueue_indirect_dma source(%dma_start3A_64 : memref<10240x128xf32, #tpu.memory_space<hbm>>) target(%arg10 : memref<128x128xf32, #tpu.memory_space<vmem>>) offsets(%dma_start3A_61 : memref<128xi32, #tpu.memory_space<vmem>>) semaphore(%arg16 : memref<!tpu.dma_semaphore, #tpu.memory_space<semaphore_mem>>)
    %dma_wait3A_65 = arith.constant 0 : i32
    %dma_wait3A_66 = arith.constant 0 : i32
    %dma_wait3A_67 = tpu.memref_slice %arg2[%dma_wait3A_65, %dma_wait3A_66] : memref<10240x128xf32, #tpu.memory_space<hbm>> -> memref<128x128xf32, #tpu.memory_space<hbm>>
    %dma_wait3A_68 = arith.constant 0 : i32
    %dma_wait3A_69 = arith.constant 0 : i32
    %dma_wait3A_70 = tpu.memref_slice %arg2[%dma_wait3A_68, %dma_wait3A_69] : memref<10240x128xf32, #tpu.memory_space<hbm>> -> memref<128x128xf32, #tpu.memory_space<hbm>>
    tpu.wait_dma2 semaphore(%arg15 : memref<!tpu.dma_semaphore, #tpu.memory_space<semaphore_mem>>) src(%dma_wait3A_70 : memref<128x128xf32, #tpu.memory_space<hbm>>) dst(%arg9 : memref<128x128xf32, #tpu.memory_space<vmem>>)
    %run_scoped3A = arith.constant 1 : i32
    "tpu.region"() ({
      %run_scoped3A_106 = tpu.sem_alloc : memref<!tpu.dma_semaphore, #tpu.memory_space<semaphore_mem>>
      %dma_start3A_107 = arith.constant 0 : i32
      %dma_start3A_108 = tpu.memref_slice %arg6[%run_scoped3A, %dma_start3A_107] : memref<2x128xi32, #tpu.memory_space<vmem>> -> memref<1x128xi32, #tpu.memory_space<vmem>>
      %dma_start3A_109 = tpu.memref_squeeze %dma_start3A_108 : memref<1x128xi32, #tpu.memory_space<vmem>> -> memref<128xi32, #tpu.memory_space<vmem>>
      %dma_start3A_110 = arith.constant 0 : i32
      %dma_start3A_111 = arith.constant 0 : i32
      %dma_start3A_112 = tpu.memref_slice %arg11[%dma_start3A_110, %dma_start3A_111] : memref<10240x128xf32, #tpu.memory_space<vmem_shared>> -> memref<10240x128xf32, #tpu.memory_space<vmem_shared>>
      tpu.enqueue_indirect_dma source(%arg9 : memref<128x128xf32, #tpu.memory_space<vmem>>) target(%dma_start3A_112 : memref<10240x128xf32, #tpu.memory_space<vmem_shared>>) offsets(%dma_start3A_109 : memref<128xi32, #tpu.memory_space<vmem>>) semaphore(%run_scoped3A_106 : memref<!tpu.dma_semaphore, #tpu.memory_space<semaphore_mem>>) {add = true}
      %dma_wait3A_113 = arith.constant 0 : i32
      %dma_wait3A_114 = tpu.memref_slice %arg6[%run_scoped3A, %dma_wait3A_113] : memref<2x128xi32, #tpu.memory_space<vmem>> -> memref<1x128xi32, #tpu.memory_space<vmem>>
      %dma_wait3A_115 = tpu.memref_squeeze %dma_wait3A_114 : memref<1x128xi32, #tpu.memory_space<vmem>> -> memref<128xi32, #tpu.memory_space<vmem>>
      %dma_wait3A_116 = arith.constant 0 : i32
      %dma_wait3A_117 = arith.constant 0 : i32
      %dma_wait3A_118 = tpu.memref_slice %arg11[%dma_wait3A_116, %dma_wait3A_117] : memref<10240x128xf32, #tpu.memory_space<vmem_shared>> -> memref<10240x128xf32, #tpu.memory_space<vmem_shared>>
      tpu.wait_indirect_dma semaphore(%run_scoped3A_106 : memref<!tpu.dma_semaphore, #tpu.memory_space<semaphore_mem>>) src(%arg9 : memref<128x128xf32, #tpu.memory_space<vmem>>) dst(%dma_wait3A_118 : memref<10240x128xf32, #tpu.memory_space<vmem_shared>>)
      tpu.yield
    }) : () -> ()
    %dma_wait3A_71 = arith.constant 0 : i32
    %dma_wait3A_72 = arith.constant 0 : i32
    %dma_wait3A_73 = arith.constant 0 : i32
    %dma_wait3A_74 = tpu.memref_slice %arg3[%add3A, %dma_wait3A_71, %dma_wait3A_72, %dma_wait3A_73] : memref<32x81x2x128xi32, #tpu.memory_space<hbm>> -> memref<1x1x2x128xi32, #tpu.memory_space<hbm>>
    %dma_wait3A_75 = tpu.memref_squeeze %dma_wait3A_74 : memref<1x1x2x128xi32, #tpu.memory_space<hbm>> -> memref<2x128xi32, #tpu.memory_space<hbm>>
    %dma_wait3A_76 = arith.constant 0 : i32
    %dma_wait3A_77 = arith.constant 0 : i32
    %dma_wait3A_78 = tpu.memref_slice %arg3[%add3A, %dma_wait3A_71, %dma_wait3A_76, %dma_wait3A_77] : memref<32x81x2x128xi32, #tpu.memory_space<hbm>> -> memref<1x1x2x128xi32, #tpu.memory_space<hbm>>
    %dma_wait3A_79 = tpu.memref_squeeze %dma_wait3A_78 : memref<1x1x2x128xi32, #tpu.memory_space<hbm>> -> memref<2x128xi32, #tpu.memory_space<hbm>>
    tpu.wait_dma2 semaphore(%arg14 : memref<!tpu.dma_semaphore, #tpu.memory_space<semaphore_mem>>) src(%dma_wait3A_79 : memref<2x128xi32, #tpu.memory_space<hbm>>) dst(%arg8 : memref<2x128xi32, #tpu.memory_space<vmem>>)
    %dma_start3A_80 = arith.constant 0 : i32
    %dma_start3A_81 = arith.constant 0 : i32
    %dma_start3A_82 = tpu.memref_slice %arg8[%dma_start3A_80, %dma_start3A_81] : memref<2x128xi32, #tpu.memory_space<vmem>> -> memref<1x128xi32, #tpu.memory_space<vmem>>
    %dma_start3A_83 = tpu.memref_squeeze %dma_start3A_82 : memref<1x128xi32, #tpu.memory_space<vmem>> -> memref<128xi32, #tpu.memory_space<vmem>>
    %dma_start3A_84 = arith.constant 0 : i32
    %dma_start3A_85 = arith.constant 0 : i32
    %dma_start3A_86 = tpu.memref_slice %arg2[%dma_start3A_84, %dma_start3A_85] : memref<10240x128xf32, #tpu.memory_space<hbm>> -> memref<10240x128xf32, #tpu.memory_space<hbm>>
    tpu.enqueue_indirect_dma source(%dma_start3A_86 : memref<10240x128xf32, #tpu.memory_space<hbm>>) target(%arg9 : memref<128x128xf32, #tpu.memory_space<vmem>>) offsets(%dma_start3A_83 : memref<128xi32, #tpu.memory_space<vmem>>) semaphore(%arg15 : memref<!tpu.dma_semaphore, #tpu.memory_space<semaphore_mem>>)
    %dma_wait3A_87 = arith.constant 0 : i32
    %dma_wait3A_88 = arith.constant 0 : i32
    %dma_wait3A_89 = tpu.memref_slice %arg2[%dma_wait3A_87, %dma_wait3A_88] : memref<10240x128xf32, #tpu.memory_space<hbm>> -> memref<128x128xf32, #tpu.memory_space<hbm>>
    %dma_wait3A_90 = arith.constant 0 : i32
    %dma_wait3A_91 = arith.constant 0 : i32
    %dma_wait3A_92 = tpu.memref_slice %arg2[%dma_wait3A_90, %dma_wait3A_91] : memref<10240x128xf32, #tpu.memory_space<hbm>> -> memref<128x128xf32, #tpu.memory_space<hbm>>
    tpu.wait_dma2 semaphore(%arg16 : memref<!tpu.dma_semaphore, #tpu.memory_space<semaphore_mem>>) src(%dma_wait3A_92 : memref<128x128xf32, #tpu.memory_space<hbm>>) dst(%arg10 : memref<128x128xf32, #tpu.memory_space<vmem>>)
    %run_scoped3A_93 = arith.constant 1 : i32
    "tpu.region"() ({
      %run_scoped3A_106 = tpu.sem_alloc : memref<!tpu.dma_semaphore, #tpu.memory_space<semaphore_mem>>
      %dma_start3A_107 = arith.constant 0 : i32
      %dma_start3A_108 = tpu.memref_slice %arg7[%run_scoped3A_93, %dma_start3A_107] : memref<2x128xi32, #tpu.memory_space<vmem>> -> memref<1x128xi32, #tpu.memory_space<vmem>>
      %dma_start3A_109 = tpu.memref_squeeze %dma_start3A_108 : memref<1x128xi32, #tpu.memory_space<vmem>> -> memref<128xi32, #tpu.memory_space<vmem>>
      %dma_start3A_110 = arith.constant 0 : i32
      %dma_start3A_111 = arith.constant 0 : i32
      %dma_start3A_112 = tpu.memref_slice %arg11[%dma_start3A_110, %dma_start3A_111] : memref<10240x128xf32, #tpu.memory_space<vmem_shared>> -> memref<10240x128xf32, #tpu.memory_space<vmem_shared>>
      tpu.enqueue_indirect_dma source(%arg10 : memref<128x128xf32, #tpu.memory_space<vmem>>) target(%dma_start3A_112 : memref<10240x128xf32, #tpu.memory_space<vmem_shared>>) offsets(%dma_start3A_109 : memref<128xi32, #tpu.memory_space<vmem>>) semaphore(%run_scoped3A_106 : memref<!tpu.dma_semaphore, #tpu.memory_space<semaphore_mem>>) {add = true}
      %dma_wait3A_113 = arith.constant 0 : i32
      %dma_wait3A_114 = tpu.memref_slice %arg7[%run_scoped3A_93, %dma_wait3A_113] : memref<2x128xi32, #tpu.memory_space<vmem>> -> memref<1x128xi32, #tpu.memory_space<vmem>>
      %dma_wait3A_115 = tpu.memref_squeeze %dma_wait3A_114 : memref<1x128xi32, #tpu.memory_space<vmem>> -> memref<128xi32, #tpu.memory_space<vmem>>
      %dma_wait3A_116 = arith.constant 0 : i32
      %dma_wait3A_117 = arith.constant 0 : i32
      %dma_wait3A_118 = tpu.memref_slice %arg11[%dma_wait3A_116, %dma_wait3A_117] : memref<10240x128xf32, #tpu.memory_space<vmem_shared>> -> memref<10240x128xf32, #tpu.memory_space<vmem_shared>>
      tpu.wait_indirect_dma semaphore(%run_scoped3A_106 : memref<!tpu.dma_semaphore, #tpu.memory_space<semaphore_mem>>) src(%arg10 : memref<128x128xf32, #tpu.memory_space<vmem>>) dst(%dma_wait3A_118 : memref<10240x128xf32, #tpu.memory_space<vmem_shared>>)
      tpu.yield
    }) : () -> ()
    %dma_wait3A_94 = arith.constant 0 : i32
    %dma_wait3A_95 = arith.constant 0 : i32
    %dma_wait3A_96 = tpu.memref_slice %arg2[%dma_wait3A_94, %dma_wait3A_95] : memref<10240x128xf32, #tpu.memory_space<hbm>> -> memref<128x128xf32, #tpu.memory_space<hbm>>
    %dma_wait3A_97 = arith.constant 0 : i32
    %dma_wait3A_98 = arith.constant 0 : i32
    %dma_wait3A_99 = tpu.memref_slice %arg2[%dma_wait3A_97, %dma_wait3A_98] : memref<10240x128xf32, #tpu.memory_space<hbm>> -> memref<128x128xf32, #tpu.memory_space<hbm>>
    tpu.wait_dma2 semaphore(%arg15 : memref<!tpu.dma_semaphore, #tpu.memory_space<semaphore_mem>>) src(%dma_wait3A_99 : memref<128x128xf32, #tpu.memory_space<hbm>>) dst(%arg9 : memref<128x128xf32, #tpu.memory_space<vmem>>)
    %run_scoped3A_100 = arith.constant 1 : i32
    "tpu.region"() ({
      %run_scoped3A_106 = tpu.sem_alloc : memref<!tpu.dma_semaphore, #tpu.memory_space<semaphore_mem>>
      %dma_start3A_107 = arith.constant 0 : i32
      %dma_start3A_108 = tpu.memref_slice %arg8[%run_scoped3A_100, %dma_start3A_107] : memref<2x128xi32, #tpu.memory_space<vmem>> -> memref<1x128xi32, #tpu.memory_space<vmem>>
      %dma_start3A_109 = tpu.memref_squeeze %dma_start3A_108 : memref<1x128xi32, #tpu.memory_space<vmem>> -> memref<128xi32, #tpu.memory_space<vmem>>
      %dma_start3A_110 = arith.constant 0 : i32
      %dma_start3A_111 = arith.constant 0 : i32
      %dma_start3A_112 = tpu.memref_slice %arg11[%dma_start3A_110, %dma_start3A_111] : memref<10240x128xf32, #tpu.memory_space<vmem_shared>> -> memref<10240x128xf32, #tpu.memory_space<vmem_shared>>
      tpu.enqueue_indirect_dma source(%arg9 : memref<128x128xf32, #tpu.memory_space<vmem>>) target(%dma_start3A_112 : memref<10240x128xf32, #tpu.memory_space<vmem_shared>>) offsets(%dma_start3A_109 : memref<128xi32, #tpu.memory_space<vmem>>) semaphore(%run_scoped3A_106 : memref<!tpu.dma_semaphore, #tpu.memory_space<semaphore_mem>>) {add = true}
      %dma_wait3A_113 = arith.constant 0 : i32
      %dma_wait3A_114 = tpu.memref_slice %arg8[%run_scoped3A_100, %dma_wait3A_113] : memref<2x128xi32, #tpu.memory_space<vmem>> -> memref<1x128xi32, #tpu.memory_space<vmem>>
      %dma_wait3A_115 = tpu.memref_squeeze %dma_wait3A_114 : memref<1x128xi32, #tpu.memory_space<vmem>> -> memref<128xi32, #tpu.memory_space<vmem>>
      %dma_wait3A_116 = arith.constant 0 : i32
      %dma_wait3A_117 = arith.constant 0 : i32
      %dma_wait3A_118 = tpu.memref_slice %arg11[%dma_wait3A_116, %dma_wait3A_117] : memref<10240x128xf32, #tpu.memory_space<vmem_shared>> -> memref<10240x128xf32, #tpu.memory_space<vmem_shared>>
      tpu.wait_indirect_dma semaphore(%run_scoped3A_106 : memref<!tpu.dma_semaphore, #tpu.memory_space<semaphore_mem>>) src(%arg9 : memref<128x128xf32, #tpu.memory_space<vmem>>) dst(%dma_wait3A_118 : memref<10240x128xf32, #tpu.memory_space<vmem_shared>>)
      tpu.yield
    }) : () -> ()
    %barrier3A_101 = arith.constant 0 : index
    tpu.barrier barrier_id(%barrier3A_101)
    %mul3A_102 = arith.constant 640 : i32
    %mul3A_103 = arith.muli %arg1, %mul3A_102 : i32
    %mul3A_104 = arith.constant 640 : i32
    %mul3A_105 = arith.muli %arg1, %mul3A_104 : i32
    "tpu.region"() ({
      %run_scoped3A_106 = tpu.sem_alloc : memref<!tpu.dma_semaphore, #tpu.memory_space<semaphore_mem>>
      %dma_start3A_107 = arith.constant 0 : i32
      %dma_start3A_108 = arith.constant 0 : i32
      %dma_start3A_109 = tpu.memref_slice %arg5[%arg0, %dma_start3A_107, %dma_start3A_108] : memref<2x10240x128xf32, #tpu.memory_space<hbm>> -> memref<1x10240x128xf32, #tpu.memory_space<hbm>>
      %dma_start3A_110 = tpu.memref_squeeze %dma_start3A_109 : memref<1x10240x128xf32, #tpu.memory_space<hbm>> -> memref<10240x128xf32, #tpu.memory_space<hbm>>
      %dma_start3A_111 = arith.constant 0 : i32
      %dma_start3A_112 = tpu.memref_slice %dma_start3A_110[%mul3A_105, %dma_start3A_111] : memref<10240x128xf32, #tpu.memory_space<hbm>> -> memref<640x128xf32, #tpu.memory_space<hbm>>
      %dma_start3A_113 = arith.constant 0 : i32
      %dma_start3A_114 = tpu.memref_slice %arg11[%mul3A_103, %dma_start3A_113] : memref<10240x128xf32, #tpu.memory_space<vmem_shared>> -> memref<640x128xf32, #tpu.memory_space<vmem_shared>>
      tpu.enqueue_dma source(%dma_start3A_114 : memref<640x128xf32, #tpu.memory_space<vmem_shared>>) target(%dma_start3A_112 : memref<640x128xf32, #tpu.memory_space<hbm>>) target_semaphore(%run_scoped3A_106 : memref<!tpu.dma_semaphore, #tpu.memory_space<semaphore_mem>>)
      %dma_wait3A_115 = arith.constant 0 : i32
      %dma_wait3A_116 = arith.constant 0 : i32
      %dma_wait3A_117 = tpu.memref_slice %arg5[%arg0, %dma_wait3A_115, %dma_wait3A_116] : memref<2x10240x128xf32, #tpu.memory_space<hbm>> -> memref<1x10240x128xf32, #tpu.memory_space<hbm>>
      %dma_wait3A_118 = tpu.memref_squeeze %dma_wait3A_117 : memref<1x10240x128xf32, #tpu.memory_space<hbm>> -> memref<10240x128xf32, #tpu.memory_space<hbm>>
      %dma_wait3A_119 = arith.constant 0 : i32
      %dma_wait3A_120 = tpu.memref_slice %dma_wait3A_118[%mul3A_105, %dma_wait3A_119] : memref<10240x128xf32, #tpu.memory_space<hbm>> -> memref<640x128xf32, #tpu.memory_space<hbm>>
      %dma_wait3A_121 = arith.constant 0 : i32
      %dma_wait3A_122 = tpu.memref_slice %arg11[%mul3A_103, %dma_wait3A_121] : memref<10240x128xf32, #tpu.memory_space<vmem_shared>> -> memref<640x128xf32, #tpu.memory_space<vmem_shared>>
      tpu.wait_dma2 semaphore(%run_scoped3A_106 : memref<!tpu.dma_semaphore, #tpu.memory_space<semaphore_mem>>) src(%dma_wait3A_122 : memref<640x128xf32, #tpu.memory_space<vmem_shared>>) dst(%dma_wait3A_120 : memref<640x128xf32, #tpu.memory_space<hbm>>)
      tpu.yield
    }) : () -> ()
    return
  }
}

#map = affine_map<(d0, d1) -> (0, 0)>
#map1 = affine_map<(d0, d1) -> (0, 0, 0, 0)>
#map2 = affine_map<(d0, d1) -> (0, 0, 0)>
module attributes {stable_mosaic.version = 14 : i64} {
  func.func @_prop_body(%arg0: i32, %arg1: i32, %arg2: memref<10240x128xf32, #tpu.memory_space<hbm>>, %arg3: memref<32x81x2x128xi32, #tpu.memory_space<hbm>>, %arg4: memref<640x128xf32, #tpu.memory_space<hbm>>, %arg5: memref<2x10240x128xf32, #tpu.memory_space<hbm>>, %arg6: memref<2x128xi32, #tpu.memory_space<vmem>>, %arg7: memref<2x128xi32, #tpu.memory_space<vmem>>, %arg8: memref<2x128xi32, #tpu.memory_space<vmem>>, %arg9: memref<128x128xf32, #tpu.memory_space<vmem>>, %arg10: memref<128x128xf32, #tpu.memory_space<vmem>>, %arg11: memref<10240x128xf32, #tpu.memory_space<vmem_shared>>, %arg12: memref<!tpu.dma_semaphore, #tpu.memory_space<semaphore_mem>>, %arg13: memref<!tpu.dma_semaphore, #tpu.memory_space<semaphore_mem>>, %arg14: memref<!tpu.dma_semaphore, #tpu.memory_space<semaphore_mem>>, %arg15: memref<!tpu.dma_semaphore, #tpu.memory_space<semaphore_mem>>, %arg16: memref<!tpu.dma_semaphore, #tpu.memory_space<semaphore_mem>>) attributes {dimension_semantics = [#tpu.dimension_semantics<core_parallel>, #tpu.dimension_semantics<subcore_parallel>], iteration_bounds = array<i64: 2, 16>, scalar_prefetch = 0 : i64, scratch_operands = 11 : i64, tpu.core_type = #tpu.core_type<sc_vector_subcore>, window_params = [{transform_indices = #map}, {transform_indices = #map1}, {transform_indices = #map}, {transform_indices = #map2}]} {
    %mul3A = arith.constant 2 : i32
    %mul3A_0 = arith.muli %arg1, %mul3A : i32
    %add3A = arith.addi %mul3A_0, %arg0 : i32
    %dma_start3A = arith.constant 0 : i32
    %dma_start3A_1 = arith.constant 0 : i32
    %dma_start3A_2 = arith.constant 0 : i32
    %dma_start3A_3 = tpu.memref_slice %arg3[%add3A, %dma_start3A, %dma_start3A_1, %dma_start3A_2] : memref<32x81x2x128xi32, #tpu.memory_space<hbm>> -> memref<1x1x2x128xi32, #tpu.memory_space<hbm>>
    %dma_start3A_4 = tpu.memref_squeeze %dma_start3A_3 : memref<1x1x2x128xi32, #tpu.memory_space<hbm>> -> memref<2x128xi32, #tpu.memory_space<hbm>>
    %dma_start3A_5 = arith.constant 0 : i32
    %dma_start3A_6 = arith.constant 0 : i32
    %dma_start3A_7 = tpu.memref_slice %arg3[%add3A, %dma_start3A, %dma_start3A_5, %dma_start3A_6] : memref<32x81x2x128xi32, #tpu.memory_space<hbm>> -> memref<1x1x2x128xi32, #tpu.memory_space<hbm>>
    %dma_start3A_8 = tpu.memref_squeeze %dma_start3A_7 : memref<1x1x2x128xi32, #tpu.memory_space<hbm>> -> memref<2x128xi32, #tpu.memory_space<hbm>>
    tpu.enqueue_dma source(%dma_start3A_8 : memref<2x128xi32, #tpu.memory_space<hbm>>) target(%arg6 : memref<2x128xi32, #tpu.memory_space<vmem>>) target_semaphore(%arg12 : memref<!tpu.dma_semaphore, #tpu.memory_space<semaphore_mem>>)
    %dma_start3A_9 = arith.constant 1 : i32
    %dma_start3A_10 = arith.constant 0 : i32
    %dma_start3A_11 = arith.constant 0 : i32
    %dma_start3A_12 = tpu.memref_slice %arg3[%add3A, %dma_start3A_9, %dma_start3A_10, %dma_start3A_11] : memref<32x81x2x128xi32, #tpu.memory_space<hbm>> -> memref<1x1x2x128xi32, #tpu.memory_space<hbm>>
    %dma_start3A_13 = tpu.memref_squeeze %dma_start3A_12 : memref<1x1x2x128xi32, #tpu.memory_space<hbm>> -> memref<2x128xi32, #tpu.memory_space<hbm>>
    %dma_start3A_14 = arith.constant 0 : i32
    %dma_start3A_15 = arith.constant 0 : i32
    %dma_start3A_16 = tpu.memref_slice %arg3[%add3A, %dma_start3A_9, %dma_start3A_14, %dma_start3A_15] : memref<32x81x2x128xi32, #tpu.memory_space<hbm>> -> memref<1x1x2x128xi32, #tpu.memory_space<hbm>>
    %dma_start3A_17 = tpu.memref_squeeze %dma_start3A_16 : memref<1x1x2x128xi32, #tpu.memory_space<hbm>> -> memref<2x128xi32, #tpu.memory_space<hbm>>
    tpu.enqueue_dma source(%dma_start3A_17 : memref<2x128xi32, #tpu.memory_space<hbm>>) target(%arg7 : memref<2x128xi32, #tpu.memory_space<vmem>>) target_semaphore(%arg13 : memref<!tpu.dma_semaphore, #tpu.memory_space<semaphore_mem>>)
    %dma_start3A_18 = arith.constant 2 : i32
    %dma_start3A_19 = arith.constant 0 : i32
    %dma_start3A_20 = arith.constant 0 : i32
    %dma_start3A_21 = tpu.memref_slice %arg3[%add3A, %dma_start3A_18, %dma_start3A_19, %dma_start3A_20] : memref<32x81x2x128xi32, #tpu.memory_space<hbm>> -> memref<1x1x2x128xi32, #tpu.memory_space<hbm>>
    %dma_start3A_22 = tpu.memref_squeeze %dma_start3A_21 : memref<1x1x2x128xi32, #tpu.memory_space<hbm>> -> memref<2x128xi32, #tpu.memory_space<hbm>>
    %dma_start3A_23 = arith.constant 0 : i32
    %dma_start3A_24 = arith.constant 0 : i32
    %dma_start3A_25 = tpu.memref_slice %arg3[%add3A, %dma_start3A_18, %dma_start3A_23, %dma_start3A_24] : memref<32x81x2x128xi32, #tpu.memory_space<hbm>> -> memref<1x1x2x128xi32, #tpu.memory_space<hbm>>
    %dma_start3A_26 = tpu.memref_squeeze %dma_start3A_25 : memref<1x1x2x128xi32, #tpu.memory_space<hbm>> -> memref<2x128xi32, #tpu.memory_space<hbm>>
    tpu.enqueue_dma source(%dma_start3A_26 : memref<2x128xi32, #tpu.memory_space<hbm>>) target(%arg8 : memref<2x128xi32, #tpu.memory_space<vmem>>) target_semaphore(%arg14 : memref<!tpu.dma_semaphore, #tpu.memory_space<semaphore_mem>>)
    %mul3A_27 = arith.constant 640 : i32
    %mul3A_28 = arith.muli %arg1, %mul3A_27 : i32
    "tpu.region"() ({
      %run_scoped3A_106 = tpu.sem_alloc : memref<!tpu.dma_semaphore, #tpu.memory_space<semaphore_mem>>
      %dma_start3A_107 = arith.constant 0 : i32
      %dma_start3A_108 = tpu.memref_slice %arg11[%mul3A_28, %dma_start3A_107] : memref<10240x128xf32, #tpu.memory_space<vmem_shared>> -> memref<640x128xf32, #tpu.memory_space<vmem_shared>>
      tpu.enqueue_dma source(%arg4 : memref<640x128xf32, #tpu.memory_space<hbm>>) target(%dma_start3A_108 : memref<640x128xf32, #tpu.memory_space<vmem_shared>>) target_semaphore(%run_scoped3A_106 : memref<!tpu.dma_semaphore, #tpu.memory_space<semaphore_mem>>)
      %dma_wait3A_109 = arith.constant 0 : i32
      %dma_wait3A_110 = tpu.memref_slice %arg11[%mul3A_28, %dma_wait3A_109] : memref<10240x128xf32, #tpu.memory_space<vmem_shared>> -> memref<640x128xf32, #tpu.memory_space<vmem_shared>>
      tpu.wait_dma2 semaphore(%run_scoped3A_106 : memref<!tpu.dma_semaphore, #tpu.memory_space<semaphore_mem>>) src(%arg4 : memref<640x128xf32, #tpu.memory_space<hbm>>) dst(%dma_wait3A_110 : memref<640x128xf32, #tpu.memory_space<vmem_shared>>)
      tpu.yield
    }) : () -> ()
    %dma_wait3A = arith.constant 0 : i32
    %dma_wait3A_29 = arith.constant 0 : i32
    %dma_wait3A_30 = arith.constant 0 : i32
    %dma_wait3A_31 = tpu.memref_slice %arg3[%add3A, %dma_wait3A, %dma_wait3A_29, %dma_wait3A_30] : memref<32x81x2x128xi32, #tpu.memory_space<hbm>> -> memref<1x1x2x128xi32, #tpu.memory_space<hbm>>
    %dma_wait3A_32 = tpu.memref_squeeze %dma_wait3A_31 : memref<1x1x2x128xi32, #tpu.memory_space<hbm>> -> memref<2x128xi32, #tpu.memory_space<hbm>>
    %dma_wait3A_33 = arith.constant 0 : i32
    %dma_wait3A_34 = arith.constant 0 : i32
    %dma_wait3A_35 = tpu.memref_slice %arg3[%add3A, %dma_wait3A, %dma_wait3A_33, %dma_wait3A_34] : memref<32x81x2x128xi32, #tpu.memory_space<hbm>> -> memref<1x1x2x128xi32, #tpu.memory_space<hbm>>
    %dma_wait3A_36 = tpu.memref_squeeze %dma_wait3A_35 : memref<1x1x2x128xi32, #tpu.memory_space<hbm>> -> memref<2x128xi32, #tpu.memory_space<hbm>>
    tpu.wait_dma2 semaphore(%arg12 : memref<!tpu.dma_semaphore, #tpu.memory_space<semaphore_mem>>) src(%dma_wait3A_36 : memref<2x128xi32, #tpu.memory_space<hbm>>) dst(%arg6 : memref<2x128xi32, #tpu.memory_space<vmem>>)
    %dma_start3A_37 = arith.constant 0 : i32
    %dma_start3A_38 = arith.constant 0 : i32
    %dma_start3A_39 = tpu.memref_slice %arg6[%dma_start3A_37, %dma_start3A_38] : memref<2x128xi32, #tpu.memory_space<vmem>> -> memref<1x128xi32, #tpu.memory_space<vmem>>
    %dma_start3A_40 = tpu.memref_squeeze %dma_start3A_39 : memref<1x128xi32, #tpu.memory_space<vmem>> -> memref<128xi32, #tpu.memory_space<vmem>>
    %dma_start3A_41 = arith.constant 0 : i32
    %dma_start3A_42 = arith.constant 0 : i32
    %dma_start3A_43 = tpu.memref_slice %arg2[%dma_start3A_41, %dma_start3A_42] : memref<10240x128xf32, #tpu.memory_space<hbm>> -> memref<10240x128xf32, #tpu.memory_space<hbm>>
    tpu.enqueue_indirect_dma source(%dma_start3A_43 : memref<10240x128xf32, #tpu.memory_space<hbm>>) target(%arg9 : memref<128x128xf32, #tpu.memory_space<vmem>>) offsets(%dma_start3A_40 : memref<128xi32, #tpu.memory_space<vmem>>) semaphore(%arg15 : memref<!tpu.dma_semaphore, #tpu.memory_space<semaphore_mem>>)
    %barrier3A = arith.constant 0 : index
    tpu.barrier barrier_id(%barrier3A)
    %scan3A = arith.constant 0 : i32
    %scan3A_44 = arith.constant 0 : i32
    %scan3A_45 = arith.constant 13 : i32
    %scan3A_46 = arith.addi %scan3A_44, %scan3A_45 : i32
    %scan3A_47 = arith.constant 1 : i32
    scf.for %scan3A_106 = %scan3A_44 to %scan3A_46 step %scan3A_47  : i32 {
      %mul3A_107 = arith.constant 6 : i32
      %mul3A_108 = arith.muli %mul3A_107, %scan3A_106 : i32
      %dma_wait3A_109 = arith.constant 0 : i32
      %dma_wait3A_110 = arith.constant 0 : i32
      %dma_wait3A_111 = arith.constant 0 : i32
      %dma_wait3A_112 = tpu.memref_slice %arg3[%add3A, %dma_wait3A_109, %dma_wait3A_110, %dma_wait3A_111] : memref<32x81x2x128xi32, #tpu.memory_space<hbm>> -> memref<1x1x2x128xi32, #tpu.memory_space<hbm>>
      %dma_wait3A_113 = tpu.memref_squeeze %dma_wait3A_112 : memref<1x1x2x128xi32, #tpu.memory_space<hbm>> -> memref<2x128xi32, #tpu.memory_space<hbm>>
      %dma_wait3A_114 = arith.constant 0 : i32
      %dma_wait3A_115 = arith.constant 0 : i32
      %dma_wait3A_116 = tpu.memref_slice %arg3[%add3A, %dma_wait3A_109, %dma_wait3A_114, %dma_wait3A_115] : memref<32x81x2x128xi32, #tpu.memory_space<hbm>> -> memref<1x1x2x128xi32, #tpu.memory_space<hbm>>
      %dma_wait3A_117 = tpu.memref_squeeze %dma_wait3A_116 : memref<1x1x2x128xi32, #tpu.memory_space<hbm>> -> memref<2x128xi32, #tpu.memory_space<hbm>>
      tpu.wait_dma2 semaphore(%arg13 : memref<!tpu.dma_semaphore, #tpu.memory_space<semaphore_mem>>) src(%dma_wait3A_117 : memref<2x128xi32, #tpu.memory_space<hbm>>) dst(%arg7 : memref<2x128xi32, #tpu.memory_space<vmem>>)
      %dma_start3A_118 = arith.constant 0 : i32
      %dma_start3A_119 = arith.constant 0 : i32
      %dma_start3A_120 = tpu.memref_slice %arg7[%dma_start3A_118, %dma_start3A_119] : memref<2x128xi32, #tpu.memory_space<vmem>> -> memref<1x128xi32, #tpu.memory_space<vmem>>
      %dma_start3A_121 = tpu.memref_squeeze %dma_start3A_120 : memref<1x128xi32, #tpu.memory_space<vmem>> -> memref<128xi32, #tpu.memory_space<vmem>>
      %dma_start3A_122 = arith.constant 0 : i32
      %dma_start3A_123 = arith.constant 0 : i32
      %dma_start3A_124 = tpu.memref_slice %arg2[%dma_start3A_122, %dma_start3A_123] : memref<10240x128xf32, #tpu.memory_space<hbm>> -> memref<10240x128xf32, #tpu.memory_space<hbm>>
      tpu.enqueue_indirect_dma source(%dma_start3A_124 : memref<10240x128xf32, #tpu.memory_space<hbm>>) target(%arg10 : memref<128x128xf32, #tpu.memory_space<vmem>>) offsets(%dma_start3A_121 : memref<128xi32, #tpu.memory_space<vmem>>) semaphore(%arg16 : memref<!tpu.dma_semaphore, #tpu.memory_space<semaphore_mem>>)
      %dma_wait3A_125 = arith.constant 0 : i32
      %dma_wait3A_126 = arith.constant 0 : i32
      %dma_wait3A_127 = tpu.memref_slice %arg2[%dma_wait3A_125, %dma_wait3A_126] : memref<10240x128xf32, #tpu.memory_space<hbm>> -> memref<128x128xf32, #tpu.memory_space<hbm>>
      %dma_wait3A_128 = arith.constant 0 : i32
      %dma_wait3A_129 = arith.constant 0 : i32
      %dma_wait3A_130 = tpu.memref_slice %arg2[%dma_wait3A_128, %dma_wait3A_129] : memref<10240x128xf32, #tpu.memory_space<hbm>> -> memref<128x128xf32, #tpu.memory_space<hbm>>
      tpu.wait_dma2 semaphore(%arg15 : memref<!tpu.dma_semaphore, #tpu.memory_space<semaphore_mem>>) src(%dma_wait3A_130 : memref<128x128xf32, #tpu.memory_space<hbm>>) dst(%arg9 : memref<128x128xf32, #tpu.memory_space<vmem>>)
      %run_scoped3A_131 = arith.constant 1 : i32
      "tpu.region"() ({
        %run_scoped3A_311 = tpu.sem_alloc : memref<!tpu.dma_semaphore, #tpu.memory_space<semaphore_mem>>
        %dma_start3A_312 = arith.constant 0 : i32
        %dma_start3A_313 = tpu.memref_slice %arg6[%run_scoped3A_131, %dma_start3A_312] : memref<2x128xi32, #tpu.memory_space<vmem>> -> memref<1x128xi32, #tpu.memory_space<vmem>>
        %dma_start3A_314 = tpu.memref_squeeze %dma_start3A_313 : memref<1x128xi32, #tpu.memory_space<vmem>> -> memref<128xi32, #tpu.memory_space<vmem>>
        %dma_start3A_315 = arith.constant 0 : i32
        %dma_start3A_316 = arith.constant 0 : i32
        %dma_start3A_317 = tpu.memref_slice %arg11[%dma_start3A_315, %dma_start3A_316] : memref<10240x128xf32, #tpu.memory_space<vmem_shared>> -> memref<10240x128xf32, #tpu.memory_space<vmem_shared>>
        tpu.enqueue_indirect_dma source(%arg9 : memref<128x128xf32, #tpu.memory_space<vmem>>) target(%dma_start3A_317 : memref<10240x128xf32, #tpu.memory_space<vmem_shared>>) offsets(%dma_start3A_314 : memref<128xi32, #tpu.memory_space<vmem>>) semaphore(%run_scoped3A_311 : memref<!tpu.dma_semaphore, #tpu.memory_space<semaphore_mem>>) {add = true}
        %dma_wait3A_318 = arith.constant 0 : i32
        %dma_wait3A_319 = tpu.memref_slice %arg6[%run_scoped3A_131, %dma_wait3A_318] : memref<2x128xi32, #tpu.memory_space<vmem>> -> memref<1x128xi32, #tpu.memory_space<vmem>>
        %dma_wait3A_320 = tpu.memref_squeeze %dma_wait3A_319 : memref<1x128xi32, #tpu.memory_space<vmem>> -> memref<128xi32, #tpu.memory_space<vmem>>
        %dma_wait3A_321 = arith.constant 0 : i32
        %dma_wait3A_322 = arith.constant 0 : i32
        %dma_wait3A_323 = tpu.memref_slice %arg11[%dma_wait3A_321, %dma_wait3A_322] : memref<10240x128xf32, #tpu.memory_space<vmem_shared>> -> memref<10240x128xf32, #tpu.memory_space<vmem_shared>>
        tpu.wait_indirect_dma semaphore(%run_scoped3A_311 : memref<!tpu.dma_semaphore, #tpu.memory_space<semaphore_mem>>) src(%arg9 : memref<128x128xf32, #tpu.memory_space<vmem>>) dst(%dma_wait3A_323 : memref<10240x128xf32, #tpu.memory_space<vmem_shared>>)
        tpu.yield
      }) : () -> ()
      %add3A_132 = arith.constant 3 : i32
      %add3A_133 = arith.addi %mul3A_108, %add3A_132 : i32
      %dma_start3A_134 = arith.constant 0 : i32
      %dma_start3A_135 = arith.constant 0 : i32
      %dma_start3A_136 = tpu.memref_slice %arg3[%add3A, %add3A_133, %dma_start3A_134, %dma_start3A_135] : memref<32x81x2x128xi32, #tpu.memory_space<hbm>> -> memref<1x1x2x128xi32, #tpu.memory_space<hbm>>
      %dma_start3A_137 = tpu.memref_squeeze %dma_start3A_136 : memref<1x1x2x128xi32, #tpu.memory_space<hbm>> -> memref<2x128xi32, #tpu.memory_space<hbm>>
      %dma_start3A_138 = arith.constant 0 : i32
      %dma_start3A_139 = arith.constant 0 : i32
      %dma_start3A_140 = tpu.memref_slice %arg3[%add3A, %add3A_133, %dma_start3A_138, %dma_start3A_139] : memref<32x81x2x128xi32, #tpu.memory_space<hbm>> -> memref<1x1x2x128xi32, #tpu.memory_space<hbm>>
      %dma_start3A_141 = tpu.memref_squeeze %dma_start3A_140 : memref<1x1x2x128xi32, #tpu.memory_space<hbm>> -> memref<2x128xi32, #tpu.memory_space<hbm>>
      tpu.enqueue_dma source(%dma_start3A_141 : memref<2x128xi32, #tpu.memory_space<hbm>>) target(%arg6 : memref<2x128xi32, #tpu.memory_space<vmem>>) target_semaphore(%arg12 : memref<!tpu.dma_semaphore, #tpu.memory_space<semaphore_mem>>)
      %dma_wait3A_142 = arith.constant 0 : i32
      %dma_wait3A_143 = arith.constant 0 : i32
      %dma_wait3A_144 = arith.constant 0 : i32
      %dma_wait3A_145 = tpu.memref_slice %arg3[%add3A, %dma_wait3A_142, %dma_wait3A_143, %dma_wait3A_144] : memref<32x81x2x128xi32, #tpu.memory_space<hbm>> -> memref<1x1x2x128xi32, #tpu.memory_space<hbm>>
      %dma_wait3A_146 = tpu.memref_squeeze %dma_wait3A_145 : memref<1x1x2x128xi32, #tpu.memory_space<hbm>> -> memref<2x128xi32, #tpu.memory_space<hbm>>
      %dma_wait3A_147 = arith.constant 0 : i32
      %dma_wait3A_148 = arith.constant 0 : i32
      %dma_wait3A_149 = tpu.memref_slice %arg3[%add3A, %dma_wait3A_142, %dma_wait3A_147, %dma_wait3A_148] : memref<32x81x2x128xi32, #tpu.memory_space<hbm>> -> memref<1x1x2x128xi32, #tpu.memory_space<hbm>>
      %dma_wait3A_150 = tpu.memref_squeeze %dma_wait3A_149 : memref<1x1x2x128xi32, #tpu.memory_space<hbm>> -> memref<2x128xi32, #tpu.memory_space<hbm>>
      tpu.wait_dma2 semaphore(%arg14 : memref<!tpu.dma_semaphore, #tpu.memory_space<semaphore_mem>>) src(%dma_wait3A_150 : memref<2x128xi32, #tpu.memory_space<hbm>>) dst(%arg8 : memref<2x128xi32, #tpu.memory_space<vmem>>)
      %dma_start3A_151 = arith.constant 0 : i32
      %dma_start3A_152 = arith.constant 0 : i32
      %dma_start3A_153 = tpu.memref_slice %arg8[%dma_start3A_151, %dma_start3A_152] : memref<2x128xi32, #tpu.memory_space<vmem>> -> memref<1x128xi32, #tpu.memory_space<vmem>>
      %dma_start3A_154 = tpu.memref_squeeze %dma_start3A_153 : memref<1x128xi32, #tpu.memory_space<vmem>> -> memref<128xi32, #tpu.memory_space<vmem>>
      %dma_start3A_155 = arith.constant 0 : i32
      %dma_start3A_156 = arith.constant 0 : i32
      %dma_start3A_157 = tpu.memref_slice %arg2[%dma_start3A_155, %dma_start3A_156] : memref<10240x128xf32, #tpu.memory_space<hbm>> -> memref<10240x128xf32, #tpu.memory_space<hbm>>
      tpu.enqueue_indirect_dma source(%dma_start3A_157 : memref<10240x128xf32, #tpu.memory_space<hbm>>) target(%arg9 : memref<128x128xf32, #tpu.memory_space<vmem>>) offsets(%dma_start3A_154 : memref<128xi32, #tpu.memory_space<vmem>>) semaphore(%arg15 : memref<!tpu.dma_semaphore, #tpu.memory_space<semaphore_mem>>)
      %dma_wait3A_158 = arith.constant 0 : i32
      %dma_wait3A_159 = arith.constant 0 : i32
      %dma_wait3A_160 = tpu.memref_slice %arg2[%dma_wait3A_158, %dma_wait3A_159] : memref<10240x128xf32, #tpu.memory_space<hbm>> -> memref<128x128xf32, #tpu.memory_space<hbm>>
      %dma_wait3A_161 = arith.constant 0 : i32
      %dma_wait3A_162 = arith.constant 0 : i32
      %dma_wait3A_163 = tpu.memref_slice %arg2[%dma_wait3A_161, %dma_wait3A_162] : memref<10240x128xf32, #tpu.memory_space<hbm>> -> memref<128x128xf32, #tpu.memory_space<hbm>>
      tpu.wait_dma2 semaphore(%arg16 : memref<!tpu.dma_semaphore, #tpu.memory_space<semaphore_mem>>) src(%dma_wait3A_163 : memref<128x128xf32, #tpu.memory_space<hbm>>) dst(%arg10 : memref<128x128xf32, #tpu.memory_space<vmem>>)
      %run_scoped3A_164 = arith.constant 1 : i32
      "tpu.region"() ({
        %run_scoped3A_311 = tpu.sem_alloc : memref<!tpu.dma_semaphore, #tpu.memory_space<semaphore_mem>>
        %dma_start3A_312 = arith.constant 0 : i32
        %dma_start3A_313 = tpu.memref_slice %arg7[%run_scoped3A_164, %dma_start3A_312] : memref<2x128xi32, #tpu.memory_space<vmem>> -> memref<1x128xi32, #tpu.memory_space<vmem>>
        %dma_start3A_314 = tpu.memref_squeeze %dma_start3A_313 : memref<1x128xi32, #tpu.memory_space<vmem>> -> memref<128xi32, #tpu.memory_space<vmem>>
        %dma_start3A_315 = arith.constant 0 : i32
        %dma_start3A_316 = arith.constant 0 : i32
        %dma_start3A_317 = tpu.memref_slice %arg11[%dma_start3A_315, %dma_start3A_316] : memref<10240x128xf32, #tpu.memory_space<vmem_shared>> -> memref<10240x128xf32, #tpu.memory_space<vmem_shared>>
        tpu.enqueue_indirect_dma source(%arg10 : memref<128x128xf32, #tpu.memory_space<vmem>>) target(%dma_start3A_317 : memref<10240x128xf32, #tpu.memory_space<vmem_shared>>) offsets(%dma_start3A_314 : memref<128xi32, #tpu.memory_space<vmem>>) semaphore(%run_scoped3A_311 : memref<!tpu.dma_semaphore, #tpu.memory_space<semaphore_mem>>) {add = true}
        %dma_wait3A_318 = arith.constant 0 : i32
        %dma_wait3A_319 = tpu.memref_slice %arg7[%run_scoped3A_164, %dma_wait3A_318] : memref<2x128xi32, #tpu.memory_space<vmem>> -> memref<1x128xi32, #tpu.memory_space<vmem>>
        %dma_wait3A_320 = tpu.memref_squeeze %dma_wait3A_319 : memref<1x128xi32, #tpu.memory_space<vmem>> -> memref<128xi32, #tpu.memory_space<vmem>>
        %dma_wait3A_321 = arith.constant 0 : i32
        %dma_wait3A_322 = arith.constant 0 : i32
        %dma_wait3A_323 = tpu.memref_slice %arg11[%dma_wait3A_321, %dma_wait3A_322] : memref<10240x128xf32, #tpu.memory_space<vmem_shared>> -> memref<10240x128xf32, #tpu.memory_space<vmem_shared>>
        tpu.wait_indirect_dma semaphore(%run_scoped3A_311 : memref<!tpu.dma_semaphore, #tpu.memory_space<semaphore_mem>>) src(%arg10 : memref<128x128xf32, #tpu.memory_space<vmem>>) dst(%dma_wait3A_323 : memref<10240x128xf32, #tpu.memory_space<vmem_shared>>)
        tpu.yield
      }) : () -> ()
      %add3A_165 = arith.constant 4 : i32
      %add3A_166 = arith.addi %mul3A_108, %add3A_165 : i32
      %dma_start3A_167 = arith.constant 0 : i32
      %dma_start3A_168 = arith.constant 0 : i32
      %dma_start3A_169 = tpu.memref_slice %arg3[%add3A, %add3A_166, %dma_start3A_167, %dma_start3A_168] : memref<32x81x2x128xi32, #tpu.memory_space<hbm>> -> memref<1x1x2x128xi32, #tpu.memory_space<hbm>>
      %dma_start3A_170 = tpu.memref_squeeze %dma_start3A_169 : memref<1x1x2x128xi32, #tpu.memory_space<hbm>> -> memref<2x128xi32, #tpu.memory_space<hbm>>
      %dma_start3A_171 = arith.constant 0 : i32
      %dma_start3A_172 = arith.constant 0 : i32
      %dma_start3A_173 = tpu.memref_slice %arg3[%add3A, %add3A_166, %dma_start3A_171, %dma_start3A_172] : memref<32x81x2x128xi32, #tpu.memory_space<hbm>> -> memref<1x1x2x128xi32, #tpu.memory_space<hbm>>
      %dma_start3A_174 = tpu.memref_squeeze %dma_start3A_173 : memref<1x1x2x128xi32, #tpu.memory_space<hbm>> -> memref<2x128xi32, #tpu.memory_space<hbm>>
      tpu.enqueue_dma source(%dma_start3A_174 : memref<2x128xi32, #tpu.memory_space<hbm>>) target(%arg7 : memref<2x128xi32, #tpu.memory_space<vmem>>) target_semaphore(%arg13 : memref<!tpu.dma_semaphore, #tpu.memory_space<semaphore_mem>>)
      %add3A_175 = arith.constant 2 : i32
      %add3A_176 = arith.addi %mul3A_108, %add3A_175 : i32
      %dma_wait3A_177 = arith.constant 0 : i32
      %dma_wait3A_178 = arith.constant 0 : i32
      %dma_wait3A_179 = arith.constant 0 : i32
      %dma_wait3A_180 = tpu.memref_slice %arg3[%add3A, %dma_wait3A_177, %dma_wait3A_178, %dma_wait3A_179] : memref<32x81x2x128xi32, #tpu.memory_space<hbm>> -> memref<1x1x2x128xi32, #tpu.memory_space<hbm>>
      %dma_wait3A_181 = tpu.memref_squeeze %dma_wait3A_180 : memref<1x1x2x128xi32, #tpu.memory_space<hbm>> -> memref<2x128xi32, #tpu.memory_space<hbm>>
      %dma_wait3A_182 = arith.constant 0 : i32
      %dma_wait3A_183 = arith.constant 0 : i32
      %dma_wait3A_184 = tpu.memref_slice %arg3[%add3A, %dma_wait3A_177, %dma_wait3A_182, %dma_wait3A_183] : memref<32x81x2x128xi32, #tpu.memory_space<hbm>> -> memref<1x1x2x128xi32, #tpu.memory_space<hbm>>
      %dma_wait3A_185 = tpu.memref_squeeze %dma_wait3A_184 : memref<1x1x2x128xi32, #tpu.memory_space<hbm>> -> memref<2x128xi32, #tpu.memory_space<hbm>>
      tpu.wait_dma2 semaphore(%arg12 : memref<!tpu.dma_semaphore, #tpu.memory_space<semaphore_mem>>) src(%dma_wait3A_185 : memref<2x128xi32, #tpu.memory_space<hbm>>) dst(%arg6 : memref<2x128xi32, #tpu.memory_space<vmem>>)
      %dma_start3A_186 = arith.constant 0 : i32
      %dma_start3A_187 = arith.constant 0 : i32
      %dma_start3A_188 = tpu.memref_slice %arg6[%dma_start3A_186, %dma_start3A_187] : memref<2x128xi32, #tpu.memory_space<vmem>> -> memref<1x128xi32, #tpu.memory_space<vmem>>
      %dma_start3A_189 = tpu.memref_squeeze %dma_start3A_188 : memref<1x128xi32, #tpu.memory_space<vmem>> -> memref<128xi32, #tpu.memory_space<vmem>>
      %dma_start3A_190 = arith.constant 0 : i32
      %dma_start3A_191 = arith.constant 0 : i32
      %dma_start3A_192 = tpu.memref_slice %arg2[%dma_start3A_190, %dma_start3A_191] : memref<10240x128xf32, #tpu.memory_space<hbm>> -> memref<10240x128xf32, #tpu.memory_space<hbm>>
      tpu.enqueue_indirect_dma source(%dma_start3A_192 : memref<10240x128xf32, #tpu.memory_space<hbm>>) target(%arg10 : memref<128x128xf32, #tpu.memory_space<vmem>>) offsets(%dma_start3A_189 : memref<128xi32, #tpu.memory_space<vmem>>) semaphore(%arg16 : memref<!tpu.dma_semaphore, #tpu.memory_space<semaphore_mem>>)
      %dma_wait3A_193 = arith.constant 0 : i32
      %dma_wait3A_194 = arith.constant 0 : i32
      %dma_wait3A_195 = tpu.memref_slice %arg2[%dma_wait3A_193, %dma_wait3A_194] : memref<10240x128xf32, #tpu.memory_space<hbm>> -> memref<128x128xf32, #tpu.memory_space<hbm>>
      %dma_wait3A_196 = arith.constant 0 : i32
      %dma_wait3A_197 = arith.constant 0 : i32
      %dma_wait3A_198 = tpu.memref_slice %arg2[%dma_wait3A_196, %dma_wait3A_197] : memref<10240x128xf32, #tpu.memory_space<hbm>> -> memref<128x128xf32, #tpu.memory_space<hbm>>
      tpu.wait_dma2 semaphore(%arg15 : memref<!tpu.dma_semaphore, #tpu.memory_space<semaphore_mem>>) src(%dma_wait3A_198 : memref<128x128xf32, #tpu.memory_space<hbm>>) dst(%arg9 : memref<128x128xf32, #tpu.memory_space<vmem>>)
      %run_scoped3A_199 = arith.constant 1 : i32
      "tpu.region"() ({
        %run_scoped3A_311 = tpu.sem_alloc : memref<!tpu.dma_semaphore, #tpu.memory_space<semaphore_mem>>
        %dma_start3A_312 = arith.constant 0 : i32
        %dma_start3A_313 = tpu.memref_slice %arg8[%run_scoped3A_199, %dma_start3A_312] : memref<2x128xi32, #tpu.memory_space<vmem>> -> memref<1x128xi32, #tpu.memory_space<vmem>>
        %dma_start3A_314 = tpu.memref_squeeze %dma_start3A_313 : memref<1x128xi32, #tpu.memory_space<vmem>> -> memref<128xi32, #tpu.memory_space<vmem>>
        %dma_start3A_315 = arith.constant 0 : i32
        %dma_start3A_316 = arith.constant 0 : i32
        %dma_start3A_317 = tpu.memref_slice %arg11[%dma_start3A_315, %dma_start3A_316] : memref<10240x128xf32, #tpu.memory_space<vmem_shared>> -> memref<10240x128xf32, #tpu.memory_space<vmem_shared>>
        tpu.enqueue_indirect_dma source(%arg9 : memref<128x128xf32, #tpu.memory_space<vmem>>) target(%dma_start3A_317 : memref<10240x128xf32, #tpu.memory_space<vmem_shared>>) offsets(%dma_start3A_314 : memref<128xi32, #tpu.memory_space<vmem>>) semaphore(%run_scoped3A_311 : memref<!tpu.dma_semaphore, #tpu.memory_space<semaphore_mem>>) {add = true}
        %dma_wait3A_318 = arith.constant 0 : i32
        %dma_wait3A_319 = tpu.memref_slice %arg8[%run_scoped3A_199, %dma_wait3A_318] : memref<2x128xi32, #tpu.memory_space<vmem>> -> memref<1x128xi32, #tpu.memory_space<vmem>>
        %dma_wait3A_320 = tpu.memref_squeeze %dma_wait3A_319 : memref<1x128xi32, #tpu.memory_space<vmem>> -> memref<128xi32, #tpu.memory_space<vmem>>
        %dma_wait3A_321 = arith.constant 0 : i32
        %dma_wait3A_322 = arith.constant 0 : i32
        %dma_wait3A_323 = tpu.memref_slice %arg11[%dma_wait3A_321, %dma_wait3A_322] : memref<10240x128xf32, #tpu.memory_space<vmem_shared>> -> memref<10240x128xf32, #tpu.memory_space<vmem_shared>>
        tpu.wait_indirect_dma semaphore(%run_scoped3A_311 : memref<!tpu.dma_semaphore, #tpu.memory_space<semaphore_mem>>) src(%arg9 : memref<128x128xf32, #tpu.memory_space<vmem>>) dst(%dma_wait3A_323 : memref<10240x128xf32, #tpu.memory_space<vmem_shared>>)
        tpu.yield
      }) : () -> ()
      %add3A_200 = arith.constant 3 : i32
      %add3A_201 = arith.addi %add3A_176, %add3A_200 : i32
      %dma_start3A_202 = arith.constant 0 : i32
      %dma_start3A_203 = arith.constant 0 : i32
      %dma_start3A_204 = tpu.memref_slice %arg3[%add3A, %add3A_201, %dma_start3A_202, %dma_start3A_203] : memref<32x81x2x128xi32, #tpu.memory_space<hbm>> -> memref<1x1x2x128xi32, #tpu.memory_space<hbm>>
      %dma_start3A_205 = tpu.memref_squeeze %dma_start3A_204 : memref<1x1x2x128xi32, #tpu.memory_space<hbm>> -> memref<2x128xi32, #tpu.memory_space<hbm>>
      %dma_start3A_206 = arith.constant 0 : i32
      %dma_start3A_207 = arith.constant 0 : i32
      %dma_start3A_208 = tpu.memref_slice %arg3[%add3A, %add3A_201, %dma_start3A_206, %dma_start3A_207] : memref<32x81x2x128xi32, #tpu.memory_space<hbm>> -> memref<1x1x2x128xi32, #tpu.memory_space<hbm>>
      %dma_start3A_209 = tpu.memref_squeeze %dma_start3A_208 : memref<1x1x2x128xi32, #tpu.memory_space<hbm>> -> memref<2x128xi32, #tpu.memory_space<hbm>>
      tpu.enqueue_dma source(%dma_start3A_209 : memref<2x128xi32, #tpu.memory_space<hbm>>) target(%arg8 : memref<2x128xi32, #tpu.memory_space<vmem>>) target_semaphore(%arg14 : memref<!tpu.dma_semaphore, #tpu.memory_space<semaphore_mem>>)
      %dma_wait3A_210 = arith.constant 0 : i32
      %dma_wait3A_211 = arith.constant 0 : i32
      %dma_wait3A_212 = arith.constant 0 : i32
      %dma_wait3A_213 = tpu.memref_slice %arg3[%add3A, %dma_wait3A_210, %dma_wait3A_211, %dma_wait3A_212] : memref<32x81x2x128xi32, #tpu.memory_space<hbm>> -> memref<1x1x2x128xi32, #tpu.memory_space<hbm>>
      %dma_wait3A_214 = tpu.memref_squeeze %dma_wait3A_213 : memref<1x1x2x128xi32, #tpu.memory_space<hbm>> -> memref<2x128xi32, #tpu.memory_space<hbm>>
      %dma_wait3A_215 = arith.constant 0 : i32
      %dma_wait3A_216 = arith.constant 0 : i32
      %dma_wait3A_217 = tpu.memref_slice %arg3[%add3A, %dma_wait3A_210, %dma_wait3A_215, %dma_wait3A_216] : memref<32x81x2x128xi32, #tpu.memory_space<hbm>> -> memref<1x1x2x128xi32, #tpu.memory_space<hbm>>
      %dma_wait3A_218 = tpu.memref_squeeze %dma_wait3A_217 : memref<1x1x2x128xi32, #tpu.memory_space<hbm>> -> memref<2x128xi32, #tpu.memory_space<hbm>>
      tpu.wait_dma2 semaphore(%arg13 : memref<!tpu.dma_semaphore, #tpu.memory_space<semaphore_mem>>) src(%dma_wait3A_218 : memref<2x128xi32, #tpu.memory_space<hbm>>) dst(%arg7 : memref<2x128xi32, #tpu.memory_space<vmem>>)
      %dma_start3A_219 = arith.constant 0 : i32
      %dma_start3A_220 = arith.constant 0 : i32
      %dma_start3A_221 = tpu.memref_slice %arg7[%dma_start3A_219, %dma_start3A_220] : memref<2x128xi32, #tpu.memory_space<vmem>> -> memref<1x128xi32, #tpu.memory_space<vmem>>
      %dma_start3A_222 = tpu.memref_squeeze %dma_start3A_221 : memref<1x128xi32, #tpu.memory_space<vmem>> -> memref<128xi32, #tpu.memory_space<vmem>>
      %dma_start3A_223 = arith.constant 0 : i32
      %dma_start3A_224 = arith.constant 0 : i32
      %dma_start3A_225 = tpu.memref_slice %arg2[%dma_start3A_223, %dma_start3A_224] : memref<10240x128xf32, #tpu.memory_space<hbm>> -> memref<10240x128xf32, #tpu.memory_space<hbm>>
      tpu.enqueue_indirect_dma source(%dma_start3A_225 : memref<10240x128xf32, #tpu.memory_space<hbm>>) target(%arg9 : memref<128x128xf32, #tpu.memory_space<vmem>>) offsets(%dma_start3A_222 : memref<128xi32, #tpu.memory_space<vmem>>) semaphore(%arg15 : memref<!tpu.dma_semaphore, #tpu.memory_space<semaphore_mem>>)
      %dma_wait3A_226 = arith.constant 0 : i32
      %dma_wait3A_227 = arith.constant 0 : i32
      %dma_wait3A_228 = tpu.memref_slice %arg2[%dma_wait3A_226, %dma_wait3A_227] : memref<10240x128xf32, #tpu.memory_space<hbm>> -> memref<128x128xf32, #tpu.memory_space<hbm>>
      %dma_wait3A_229 = arith.constant 0 : i32
      %dma_wait3A_230 = arith.constant 0 : i32
      %dma_wait3A_231 = tpu.memref_slice %arg2[%dma_wait3A_229, %dma_wait3A_230] : memref<10240x128xf32, #tpu.memory_space<hbm>> -> memref<128x128xf32, #tpu.memory_space<hbm>>
      tpu.wait_dma2 semaphore(%arg16 : memref<!tpu.dma_semaphore, #tpu.memory_space<semaphore_mem>>) src(%dma_wait3A_231 : memref<128x128xf32, #tpu.memory_space<hbm>>) dst(%arg10 : memref<128x128xf32, #tpu.memory_space<vmem>>)
      %run_scoped3A_232 = arith.constant 1 : i32
      "tpu.region"() ({
        %run_scoped3A_311 = tpu.sem_alloc : memref<!tpu.dma_semaphore, #tpu.memory_space<semaphore_mem>>
        %dma_start3A_312 = arith.constant 0 : i32
        %dma_start3A_313 = tpu.memref_slice %arg6[%run_scoped3A_232, %dma_start3A_312] : memref<2x128xi32, #tpu.memory_space<vmem>> -> memref<1x128xi32, #tpu.memory_space<vmem>>
        %dma_start3A_314 = tpu.memref_squeeze %dma_start3A_313 : memref<1x128xi32, #tpu.memory_space<vmem>> -> memref<128xi32, #tpu.memory_space<vmem>>
        %dma_start3A_315 = arith.constant 0 : i32
        %dma_start3A_316 = arith.constant 0 : i32
        %dma_start3A_317 = tpu.memref_slice %arg11[%dma_start3A_315, %dma_start3A_316] : memref<10240x128xf32, #tpu.memory_space<vmem_shared>> -> memref<10240x128xf32, #tpu.memory_space<vmem_shared>>
        tpu.enqueue_indirect_dma source(%arg10 : memref<128x128xf32, #tpu.memory_space<vmem>>) target(%dma_start3A_317 : memref<10240x128xf32, #tpu.memory_space<vmem_shared>>) offsets(%dma_start3A_314 : memref<128xi32, #tpu.memory_space<vmem>>) semaphore(%run_scoped3A_311 : memref<!tpu.dma_semaphore, #tpu.memory_space<semaphore_mem>>) {add = true}
        %dma_wait3A_318 = arith.constant 0 : i32
        %dma_wait3A_319 = tpu.memref_slice %arg6[%run_scoped3A_232, %dma_wait3A_318] : memref<2x128xi32, #tpu.memory_space<vmem>> -> memref<1x128xi32, #tpu.memory_space<vmem>>
        %dma_wait3A_320 = tpu.memref_squeeze %dma_wait3A_319 : memref<1x128xi32, #tpu.memory_space<vmem>> -> memref<128xi32, #tpu.memory_space<vmem>>
        %dma_wait3A_321 = arith.constant 0 : i32
        %dma_wait3A_322 = arith.constant 0 : i32
        %dma_wait3A_323 = tpu.memref_slice %arg11[%dma_wait3A_321, %dma_wait3A_322] : memref<10240x128xf32, #tpu.memory_space<vmem_shared>> -> memref<10240x128xf32, #tpu.memory_space<vmem_shared>>
        tpu.wait_indirect_dma semaphore(%run_scoped3A_311 : memref<!tpu.dma_semaphore, #tpu.memory_space<semaphore_mem>>) src(%arg10 : memref<128x128xf32, #tpu.memory_space<vmem>>) dst(%dma_wait3A_323 : memref<10240x128xf32, #tpu.memory_space<vmem_shared>>)
        tpu.yield
      }) : () -> ()
      %add3A_233 = arith.constant 4 : i32
      %add3A_234 = arith.addi %add3A_176, %add3A_233 : i32
      %dma_start3A_235 = arith.constant 0 : i32
      %dma_start3A_236 = arith.constant 0 : i32
      %dma_start3A_237 = tpu.memref_slice %arg3[%add3A, %add3A_234, %dma_start3A_235, %dma_start3A_236] : memref<32x81x2x128xi32, #tpu.memory_space<hbm>> -> memref<1x1x2x128xi32, #tpu.memory_space<hbm>>
      %dma_start3A_238 = tpu.memref_squeeze %dma_start3A_237 : memref<1x1x2x128xi32, #tpu.memory_space<hbm>> -> memref<2x128xi32, #tpu.memory_space<hbm>>
      %dma_start3A_239 = arith.constant 0 : i32
      %dma_start3A_240 = arith.constant 0 : i32
      %dma_start3A_241 = tpu.memref_slice %arg3[%add3A, %add3A_234, %dma_start3A_239, %dma_start3A_240] : memref<32x81x2x128xi32, #tpu.memory_space<hbm>> -> memref<1x1x2x128xi32, #tpu.memory_space<hbm>>
      %dma_start3A_242 = tpu.memref_squeeze %dma_start3A_241 : memref<1x1x2x128xi32, #tpu.memory_space<hbm>> -> memref<2x128xi32, #tpu.memory_space<hbm>>
      tpu.enqueue_dma source(%dma_start3A_242 : memref<2x128xi32, #tpu.memory_space<hbm>>) target(%arg6 : memref<2x128xi32, #tpu.memory_space<vmem>>) target_semaphore(%arg12 : memref<!tpu.dma_semaphore, #tpu.memory_space<semaphore_mem>>)
      %add3A_243 = arith.constant 4 : i32
      %add3A_244 = arith.addi %mul3A_108, %add3A_243 : i32
      %dma_wait3A_245 = arith.constant 0 : i32
      %dma_wait3A_246 = arith.constant 0 : i32
      %dma_wait3A_247 = arith.constant 0 : i32
      %dma_wait3A_248 = tpu.memref_slice %arg3[%add3A, %dma_wait3A_245, %dma_wait3A_246, %dma_wait3A_247] : memref<32x81x2x128xi32, #tpu.memory_space<hbm>> -> memref<1x1x2x128xi32, #tpu.memory_space<hbm>>
      %dma_wait3A_249 = tpu.memref_squeeze %dma_wait3A_248 : memref<1x1x2x128xi32, #tpu.memory_space<hbm>> -> memref<2x128xi32, #tpu.memory_space<hbm>>
      %dma_wait3A_250 = arith.constant 0 : i32
      %dma_wait3A_251 = arith.constant 0 : i32
      %dma_wait3A_252 = tpu.memref_slice %arg3[%add3A, %dma_wait3A_245, %dma_wait3A_250, %dma_wait3A_251] : memref<32x81x2x128xi32, #tpu.memory_space<hbm>> -> memref<1x1x2x128xi32, #tpu.memory_space<hbm>>
      %dma_wait3A_253 = tpu.memref_squeeze %dma_wait3A_252 : memref<1x1x2x128xi32, #tpu.memory_space<hbm>> -> memref<2x128xi32, #tpu.memory_space<hbm>>
      tpu.wait_dma2 semaphore(%arg14 : memref<!tpu.dma_semaphore, #tpu.memory_space<semaphore_mem>>) src(%dma_wait3A_253 : memref<2x128xi32, #tpu.memory_space<hbm>>) dst(%arg8 : memref<2x128xi32, #tpu.memory_space<vmem>>)
      %dma_start3A_254 = arith.constant 0 : i32
      %dma_start3A_255 = arith.constant 0 : i32
      %dma_start3A_256 = tpu.memref_slice %arg8[%dma_start3A_254, %dma_start3A_255] : memref<2x128xi32, #tpu.memory_space<vmem>> -> memref<1x128xi32, #tpu.memory_space<vmem>>
      %dma_start3A_257 = tpu.memref_squeeze %dma_start3A_256 : memref<1x128xi32, #tpu.memory_space<vmem>> -> memref<128xi32, #tpu.memory_space<vmem>>
      %dma_start3A_258 = arith.constant 0 : i32
      %dma_start3A_259 = arith.constant 0 : i32
      %dma_start3A_260 = tpu.memref_slice %arg2[%dma_start3A_258, %dma_start3A_259] : memref<10240x128xf32, #tpu.memory_space<hbm>> -> memref<10240x128xf32, #tpu.memory_space<hbm>>
      tpu.enqueue_indirect_dma source(%dma_start3A_260 : memref<10240x128xf32, #tpu.memory_space<hbm>>) target(%arg10 : memref<128x128xf32, #tpu.memory_space<vmem>>) offsets(%dma_start3A_257 : memref<128xi32, #tpu.memory_space<vmem>>) semaphore(%arg16 : memref<!tpu.dma_semaphore, #tpu.memory_space<semaphore_mem>>)
      %dma_wait3A_261 = arith.constant 0 : i32
      %dma_wait3A_262 = arith.constant 0 : i32
      %dma_wait3A_263 = tpu.memref_slice %arg2[%dma_wait3A_261, %dma_wait3A_262] : memref<10240x128xf32, #tpu.memory_space<hbm>> -> memref<128x128xf32, #tpu.memory_space<hbm>>
      %dma_wait3A_264 = arith.constant 0 : i32
      %dma_wait3A_265 = arith.constant 0 : i32
      %dma_wait3A_266 = tpu.memref_slice %arg2[%dma_wait3A_264, %dma_wait3A_265] : memref<10240x128xf32, #tpu.memory_space<hbm>> -> memref<128x128xf32, #tpu.memory_space<hbm>>
      tpu.wait_dma2 semaphore(%arg15 : memref<!tpu.dma_semaphore, #tpu.memory_space<semaphore_mem>>) src(%dma_wait3A_266 : memref<128x128xf32, #tpu.memory_space<hbm>>) dst(%arg9 : memref<128x128xf32, #tpu.memory_space<vmem>>)
      %run_scoped3A_267 = arith.constant 1 : i32
      "tpu.region"() ({
        %run_scoped3A_311 = tpu.sem_alloc : memref<!tpu.dma_semaphore, #tpu.memory_space<semaphore_mem>>
        %dma_start3A_312 = arith.constant 0 : i32
        %dma_start3A_313 = tpu.memref_slice %arg7[%run_scoped3A_267, %dma_start3A_312] : memref<2x128xi32, #tpu.memory_space<vmem>> -> memref<1x128xi32, #tpu.memory_space<vmem>>
        %dma_start3A_314 = tpu.memref_squeeze %dma_start3A_313 : memref<1x128xi32, #tpu.memory_space<vmem>> -> memref<128xi32, #tpu.memory_space<vmem>>
        %dma_start3A_315 = arith.constant 0 : i32
        %dma_start3A_316 = arith.constant 0 : i32
        %dma_start3A_317 = tpu.memref_slice %arg11[%dma_start3A_315, %dma_start3A_316] : memref<10240x128xf32, #tpu.memory_space<vmem_shared>> -> memref<10240x128xf32, #tpu.memory_space<vmem_shared>>
        tpu.enqueue_indirect_dma source(%arg9 : memref<128x128xf32, #tpu.memory_space<vmem>>) target(%dma_start3A_317 : memref<10240x128xf32, #tpu.memory_space<vmem_shared>>) offsets(%dma_start3A_314 : memref<128xi32, #tpu.memory_space<vmem>>) semaphore(%run_scoped3A_311 : memref<!tpu.dma_semaphore, #tpu.memory_space<semaphore_mem>>) {add = true}
        %dma_wait3A_318 = arith.constant 0 : i32
        %dma_wait3A_319 = tpu.memref_slice %arg7[%run_scoped3A_267, %dma_wait3A_318] : memref<2x128xi32, #tpu.memory_space<vmem>> -> memref<1x128xi32, #tpu.memory_space<vmem>>
        %dma_wait3A_320 = tpu.memref_squeeze %dma_wait3A_319 : memref<1x128xi32, #tpu.memory_space<vmem>> -> memref<128xi32, #tpu.memory_space<vmem>>
        %dma_wait3A_321 = arith.constant 0 : i32
        %dma_wait3A_322 = arith.constant 0 : i32
        %dma_wait3A_323 = tpu.memref_slice %arg11[%dma_wait3A_321, %dma_wait3A_322] : memref<10240x128xf32, #tpu.memory_space<vmem_shared>> -> memref<10240x128xf32, #tpu.memory_space<vmem_shared>>
        tpu.wait_indirect_dma semaphore(%run_scoped3A_311 : memref<!tpu.dma_semaphore, #tpu.memory_space<semaphore_mem>>) src(%arg9 : memref<128x128xf32, #tpu.memory_space<vmem>>) dst(%dma_wait3A_323 : memref<10240x128xf32, #tpu.memory_space<vmem_shared>>)
        tpu.yield
      }) : () -> ()
      %add3A_268 = arith.constant 3 : i32
      %add3A_269 = arith.addi %add3A_244, %add3A_268 : i32
      %dma_start3A_270 = arith.constant 0 : i32
      %dma_start3A_271 = arith.constant 0 : i32
      %dma_start3A_272 = tpu.memref_slice %arg3[%add3A, %add3A_269, %dma_start3A_270, %dma_start3A_271] : memref<32x81x2x128xi32, #tpu.memory_space<hbm>> -> memref<1x1x2x128xi32, #tpu.memory_space<hbm>>
      %dma_start3A_273 = tpu.memref_squeeze %dma_start3A_272 : memref<1x1x2x128xi32, #tpu.memory_space<hbm>> -> memref<2x128xi32, #tpu.memory_space<hbm>>
      %dma_start3A_274 = arith.constant 0 : i32
      %dma_start3A_275 = arith.constant 0 : i32
      %dma_start3A_276 = tpu.memref_slice %arg3[%add3A, %add3A_269, %dma_start3A_274, %dma_start3A_275] : memref<32x81x2x128xi32, #tpu.memory_space<hbm>> -> memref<1x1x2x128xi32, #tpu.memory_space<hbm>>
      %dma_start3A_277 = tpu.memref_squeeze %dma_start3A_276 : memref<1x1x2x128xi32, #tpu.memory_space<hbm>> -> memref<2x128xi32, #tpu.memory_space<hbm>>
      tpu.enqueue_dma source(%dma_start3A_277 : memref<2x128xi32, #tpu.memory_space<hbm>>) target(%arg7 : memref<2x128xi32, #tpu.memory_space<vmem>>) target_semaphore(%arg13 : memref<!tpu.dma_semaphore, #tpu.memory_space<semaphore_mem>>)
      %dma_wait3A_278 = arith.constant 0 : i32
      %dma_wait3A_279 = arith.constant 0 : i32
      %dma_wait3A_280 = arith.constant 0 : i32
      %dma_wait3A_281 = tpu.memref_slice %arg3[%add3A, %dma_wait3A_278, %dma_wait3A_279, %dma_wait3A_280] : memref<32x81x2x128xi32, #tpu.memory_space<hbm>> -> memref<1x1x2x128xi32, #tpu.memory_space<hbm>>
      %dma_wait3A_282 = tpu.memref_squeeze %dma_wait3A_281 : memref<1x1x2x128xi32, #tpu.memory_space<hbm>> -> memref<2x128xi32, #tpu.memory_space<hbm>>
      %dma_wait3A_283 = arith.constant 0 : i32
      %dma_wait3A_284 = arith.constant 0 : i32
      %dma_wait3A_285 = tpu.memref_slice %arg3[%add3A, %dma_wait3A_278, %dma_wait3A_283, %dma_wait3A_284] : memref<32x81x2x128xi32, #tpu.memory_space<hbm>> -> memref<1x1x2x128xi32, #tpu.memory_space<hbm>>
      %dma_wait3A_286 = tpu.memref_squeeze %dma_wait3A_285 : memref<1x1x2x128xi32, #tpu.memory_space<hbm>> -> memref<2x128xi32, #tpu.memory_space<hbm>>
      tpu.wait_dma2 semaphore(%arg12 : memref<!tpu.dma_semaphore, #tpu.memory_space<semaphore_mem>>) src(%dma_wait3A_286 : memref<2x128xi32, #tpu.memory_space<hbm>>) dst(%arg6 : memref<2x128xi32, #tpu.memory_space<vmem>>)
      %dma_start3A_287 = arith.constant 0 : i32
      %dma_start3A_288 = arith.constant 0 : i32
      %dma_start3A_289 = tpu.memref_slice %arg6[%dma_start3A_287, %dma_start3A_288] : memref<2x128xi32, #tpu.memory_space<vmem>> -> memref<1x128xi32, #tpu.memory_space<vmem>>
      %dma_start3A_290 = tpu.memref_squeeze %dma_start3A_289 : memref<1x128xi32, #tpu.memory_space<vmem>> -> memref<128xi32, #tpu.memory_space<vmem>>
      %dma_start3A_291 = arith.constant 0 : i32
      %dma_start3A_292 = arith.constant 0 : i32
      %dma_start3A_293 = tpu.memref_slice %arg2[%dma_start3A_291, %dma_start3A_292] : memref<10240x128xf32, #tpu.memory_space<hbm>> -> memref<10240x128xf32, #tpu.memory_space<hbm>>
      tpu.enqueue_indirect_dma source(%dma_start3A_293 : memref<10240x128xf32, #tpu.memory_space<hbm>>) target(%arg9 : memref<128x128xf32, #tpu.memory_space<vmem>>) offsets(%dma_start3A_290 : memref<128xi32, #tpu.memory_space<vmem>>) semaphore(%arg15 : memref<!tpu.dma_semaphore, #tpu.memory_space<semaphore_mem>>)
      %dma_wait3A_294 = arith.constant 0 : i32
      %dma_wait3A_295 = arith.constant 0 : i32
      %dma_wait3A_296 = tpu.memref_slice %arg2[%dma_wait3A_294, %dma_wait3A_295] : memref<10240x128xf32, #tpu.memory_space<hbm>> -> memref<128x128xf32, #tpu.memory_space<hbm>>
      %dma_wait3A_297 = arith.constant 0 : i32
      %dma_wait3A_298 = arith.constant 0 : i32
      %dma_wait3A_299 = tpu.memref_slice %arg2[%dma_wait3A_297, %dma_wait3A_298] : memref<10240x128xf32, #tpu.memory_space<hbm>> -> memref<128x128xf32, #tpu.memory_space<hbm>>
      tpu.wait_dma2 semaphore(%arg16 : memref<!tpu.dma_semaphore, #tpu.memory_space<semaphore_mem>>) src(%dma_wait3A_299 : memref<128x128xf32, #tpu.memory_space<hbm>>) dst(%arg10 : memref<128x128xf32, #tpu.memory_space<vmem>>)
      %run_scoped3A_300 = arith.constant 1 : i32
      "tpu.region"() ({
        %run_scoped3A_311 = tpu.sem_alloc : memref<!tpu.dma_semaphore, #tpu.memory_space<semaphore_mem>>
        %dma_start3A_312 = arith.constant 0 : i32
        %dma_start3A_313 = tpu.memref_slice %arg8[%run_scoped3A_300, %dma_start3A_312] : memref<2x128xi32, #tpu.memory_space<vmem>> -> memref<1x128xi32, #tpu.memory_space<vmem>>
        %dma_start3A_314 = tpu.memref_squeeze %dma_start3A_313 : memref<1x128xi32, #tpu.memory_space<vmem>> -> memref<128xi32, #tpu.memory_space<vmem>>
        %dma_start3A_315 = arith.constant 0 : i32
        %dma_start3A_316 = arith.constant 0 : i32
        %dma_start3A_317 = tpu.memref_slice %arg11[%dma_start3A_315, %dma_start3A_316] : memref<10240x128xf32, #tpu.memory_space<vmem_shared>> -> memref<10240x128xf32, #tpu.memory_space<vmem_shared>>
        tpu.enqueue_indirect_dma source(%arg10 : memref<128x128xf32, #tpu.memory_space<vmem>>) target(%dma_start3A_317 : memref<10240x128xf32, #tpu.memory_space<vmem_shared>>) offsets(%dma_start3A_314 : memref<128xi32, #tpu.memory_space<vmem>>) semaphore(%run_scoped3A_311 : memref<!tpu.dma_semaphore, #tpu.memory_space<semaphore_mem>>) {add = true}
        %dma_wait3A_318 = arith.constant 0 : i32
        %dma_wait3A_319 = tpu.memref_slice %arg8[%run_scoped3A_300, %dma_wait3A_318] : memref<2x128xi32, #tpu.memory_space<vmem>> -> memref<1x128xi32, #tpu.memory_space<vmem>>
        %dma_wait3A_320 = tpu.memref_squeeze %dma_wait3A_319 : memref<1x128xi32, #tpu.memory_space<vmem>> -> memref<128xi32, #tpu.memory_space<vmem>>
        %dma_wait3A_321 = arith.constant 0 : i32
        %dma_wait3A_322 = arith.constant 0 : i32
        %dma_wait3A_323 = tpu.memref_slice %arg11[%dma_wait3A_321, %dma_wait3A_322] : memref<10240x128xf32, #tpu.memory_space<vmem_shared>> -> memref<10240x128xf32, #tpu.memory_space<vmem_shared>>
        tpu.wait_indirect_dma semaphore(%run_scoped3A_311 : memref<!tpu.dma_semaphore, #tpu.memory_space<semaphore_mem>>) src(%arg10 : memref<128x128xf32, #tpu.memory_space<vmem>>) dst(%dma_wait3A_323 : memref<10240x128xf32, #tpu.memory_space<vmem_shared>>)
        tpu.yield
      }) : () -> ()
      %add3A_301 = arith.constant 4 : i32
      %add3A_302 = arith.addi %add3A_244, %add3A_301 : i32
      %dma_start3A_303 = arith.constant 0 : i32
      %dma_start3A_304 = arith.constant 0 : i32
      %dma_start3A_305 = tpu.memref_slice %arg3[%add3A, %add3A_302, %dma_start3A_303, %dma_start3A_304] : memref<32x81x2x128xi32, #tpu.memory_space<hbm>> -> memref<1x1x2x128xi32, #tpu.memory_space<hbm>>
      %dma_start3A_306 = tpu.memref_squeeze %dma_start3A_305 : memref<1x1x2x128xi32, #tpu.memory_space<hbm>> -> memref<2x128xi32, #tpu.memory_space<hbm>>
      %dma_start3A_307 = arith.constant 0 : i32
      %dma_start3A_308 = arith.constant 0 : i32
      %dma_start3A_309 = tpu.memref_slice %arg3[%add3A, %add3A_302, %dma_start3A_307, %dma_start3A_308] : memref<32x81x2x128xi32, #tpu.memory_space<hbm>> -> memref<1x1x2x128xi32, #tpu.memory_space<hbm>>
      %dma_start3A_310 = tpu.memref_squeeze %dma_start3A_309 : memref<1x1x2x128xi32, #tpu.memory_space<hbm>> -> memref<2x128xi32, #tpu.memory_space<hbm>>
      tpu.enqueue_dma source(%dma_start3A_310 : memref<2x128xi32, #tpu.memory_space<hbm>>) target(%arg8 : memref<2x128xi32, #tpu.memory_space<vmem>>) target_semaphore(%arg14 : memref<!tpu.dma_semaphore, #tpu.memory_space<semaphore_mem>>)
    }
    %scan3A_48 = arith.constant 13 : i32
    %dma_wait3A_49 = arith.constant 0 : i32
    %dma_wait3A_50 = arith.constant 0 : i32
    %dma_wait3A_51 = arith.constant 0 : i32
    %dma_wait3A_52 = tpu.memref_slice %arg3[%add3A, %dma_wait3A_49, %dma_wait3A_50, %dma_wait3A_51] : memref<32x81x2x128xi32, #tpu.memory_space<hbm>> -> memref<1x1x2x128xi32, #tpu.memory_space<hbm>>
    %dma_wait3A_53 = tpu.memref_squeeze %dma_wait3A_52 : memref<1x1x2x128xi32, #tpu.memory_space<hbm>> -> memref<2x128xi32, #tpu.memory_space<hbm>>
    %dma_wait3A_54 = arith.constant 0 : i32
    %dma_wait3A_55 = arith.constant 0 : i32
    %dma_wait3A_56 = tpu.memref_slice %arg3[%add3A, %dma_wait3A_49, %dma_wait3A_54, %dma_wait3A_55] : memref<32x81x2x128xi32, #tpu.memory_space<hbm>> -> memref<1x1x2x128xi32, #tpu.memory_space<hbm>>
    %dma_wait3A_57 = tpu.memref_squeeze %dma_wait3A_56 : memref<1x1x2x128xi32, #tpu.memory_space<hbm>> -> memref<2x128xi32, #tpu.memory_space<hbm>>
    tpu.wait_dma2 semaphore(%arg13 : memref<!tpu.dma_semaphore, #tpu.memory_space<semaphore_mem>>) src(%dma_wait3A_57 : memref<2x128xi32, #tpu.memory_space<hbm>>) dst(%arg7 : memref<2x128xi32, #tpu.memory_space<vmem>>)
    %dma_start3A_58 = arith.constant 0 : i32
    %dma_start3A_59 = arith.constant 0 : i32
    %dma_start3A_60 = tpu.memref_slice %arg7[%dma_start3A_58, %dma_start3A_59] : memref<2x128xi32, #tpu.memory_space<vmem>> -> memref<1x128xi32, #tpu.memory_space<vmem>>
    %dma_start3A_61 = tpu.memref_squeeze %dma_start3A_60 : memref<1x128xi32, #tpu.memory_space<vmem>> -> memref<128xi32, #tpu.memory_space<vmem>>
    %dma_start3A_62 = arith.constant 0 : i32
    %dma_start3A_63 = arith.constant 0 : i32
    %dma_start3A_64 = tpu.memref_slice %arg2[%dma_start3A_62, %dma_start3A_63] : memref<10240x128xf32, #tpu.memory_space<hbm>> -> memref<10240x128xf32, #tpu.memory_space<hbm>>
    tpu.enqueue_indirect_dma source(%dma_start3A_64 : memref<10240x128xf32, #tpu.memory_space<hbm>>) target(%arg10 : memref<128x128xf32, #tpu.memory_space<vmem>>) offsets(%dma_start3A_61 : memref<128xi32, #tpu.memory_space<vmem>>) semaphore(%arg16 : memref<!tpu.dma_semaphore, #tpu.memory_space<semaphore_mem>>)
    %dma_wait3A_65 = arith.constant 0 : i32
    %dma_wait3A_66 = arith.constant 0 : i32
    %dma_wait3A_67 = tpu.memref_slice %arg2[%dma_wait3A_65, %dma_wait3A_66] : memref<10240x128xf32, #tpu.memory_space<hbm>> -> memref<128x128xf32, #tpu.memory_space<hbm>>
    %dma_wait3A_68 = arith.constant 0 : i32
    %dma_wait3A_69 = arith.constant 0 : i32
    %dma_wait3A_70 = tpu.memref_slice %arg2[%dma_wait3A_68, %dma_wait3A_69] : memref<10240x128xf32, #tpu.memory_space<hbm>> -> memref<128x128xf32, #tpu.memory_space<hbm>>
    tpu.wait_dma2 semaphore(%arg15 : memref<!tpu.dma_semaphore, #tpu.memory_space<semaphore_mem>>) src(%dma_wait3A_70 : memref<128x128xf32, #tpu.memory_space<hbm>>) dst(%arg9 : memref<128x128xf32, #tpu.memory_space<vmem>>)
    %run_scoped3A = arith.constant 1 : i32
    "tpu.region"() ({
      %run_scoped3A_106 = tpu.sem_alloc : memref<!tpu.dma_semaphore, #tpu.memory_space<semaphore_mem>>
      %dma_start3A_107 = arith.constant 0 : i32
      %dma_start3A_108 = tpu.memref_slice %arg6[%run_scoped3A, %dma_start3A_107] : memref<2x128xi32, #tpu.memory_space<vmem>> -> memref<1x128xi32, #tpu.memory_space<vmem>>
      %dma_start3A_109 = tpu.memref_squeeze %dma_start3A_108 : memref<1x128xi32, #tpu.memory_space<vmem>> -> memref<128xi32, #tpu.memory_space<vmem>>
      %dma_start3A_110 = arith.constant 0 : i32
      %dma_start3A_111 = arith.constant 0 : i32
      %dma_start3A_112 = tpu.memref_slice %arg11[%dma_start3A_110, %dma_start3A_111] : memref<10240x128xf32, #tpu.memory_space<vmem_shared>> -> memref<10240x128xf32, #tpu.memory_space<vmem_shared>>
      tpu.enqueue_indirect_dma source(%arg9 : memref<128x128xf32, #tpu.memory_space<vmem>>) target(%dma_start3A_112 : memref<10240x128xf32, #tpu.memory_space<vmem_shared>>) offsets(%dma_start3A_109 : memref<128xi32, #tpu.memory_space<vmem>>) semaphore(%run_scoped3A_106 : memref<!tpu.dma_semaphore, #tpu.memory_space<semaphore_mem>>) {add = true}
      %dma_wait3A_113 = arith.constant 0 : i32
      %dma_wait3A_114 = tpu.memref_slice %arg6[%run_scoped3A, %dma_wait3A_113] : memref<2x128xi32, #tpu.memory_space<vmem>> -> memref<1x128xi32, #tpu.memory_space<vmem>>
      %dma_wait3A_115 = tpu.memref_squeeze %dma_wait3A_114 : memref<1x128xi32, #tpu.memory_space<vmem>> -> memref<128xi32, #tpu.memory_space<vmem>>
      %dma_wait3A_116 = arith.constant 0 : i32
      %dma_wait3A_117 = arith.constant 0 : i32
      %dma_wait3A_118 = tpu.memref_slice %arg11[%dma_wait3A_116, %dma_wait3A_117] : memref<10240x128xf32, #tpu.memory_space<vmem_shared>> -> memref<10240x128xf32, #tpu.memory_space<vmem_shared>>
      tpu.wait_indirect_dma semaphore(%run_scoped3A_106 : memref<!tpu.dma_semaphore, #tpu.memory_space<semaphore_mem>>) src(%arg9 : memref<128x128xf32, #tpu.memory_space<vmem>>) dst(%dma_wait3A_118 : memref<10240x128xf32, #tpu.memory_space<vmem_shared>>)
      tpu.yield
    }) : () -> ()
    %dma_wait3A_71 = arith.constant 0 : i32
    %dma_wait3A_72 = arith.constant 0 : i32
    %dma_wait3A_73 = arith.constant 0 : i32
    %dma_wait3A_74 = tpu.memref_slice %arg3[%add3A, %dma_wait3A_71, %dma_wait3A_72, %dma_wait3A_73] : memref<32x81x2x128xi32, #tpu.memory_space<hbm>> -> memref<1x1x2x128xi32, #tpu.memory_space<hbm>>
    %dma_wait3A_75 = tpu.memref_squeeze %dma_wait3A_74 : memref<1x1x2x128xi32, #tpu.memory_space<hbm>> -> memref<2x128xi32, #tpu.memory_space<hbm>>
    %dma_wait3A_76 = arith.constant 0 : i32
    %dma_wait3A_77 = arith.constant 0 : i32
    %dma_wait3A_78 = tpu.memref_slice %arg3[%add3A, %dma_wait3A_71, %dma_wait3A_76, %dma_wait3A_77] : memref<32x81x2x128xi32, #tpu.memory_space<hbm>> -> memref<1x1x2x128xi32, #tpu.memory_space<hbm>>
    %dma_wait3A_79 = tpu.memref_squeeze %dma_wait3A_78 : memref<1x1x2x128xi32, #tpu.memory_space<hbm>> -> memref<2x128xi32, #tpu.memory_space<hbm>>
    tpu.wait_dma2 semaphore(%arg14 : memref<!tpu.dma_semaphore, #tpu.memory_space<semaphore_mem>>) src(%dma_wait3A_79 : memref<2x128xi32, #tpu.memory_space<hbm>>) dst(%arg8 : memref<2x128xi32, #tpu.memory_space<vmem>>)
    %dma_start3A_80 = arith.constant 0 : i32
    %dma_start3A_81 = arith.constant 0 : i32
    %dma_start3A_82 = tpu.memref_slice %arg8[%dma_start3A_80, %dma_start3A_81] : memref<2x128xi32, #tpu.memory_space<vmem>> -> memref<1x128xi32, #tpu.memory_space<vmem>>
    %dma_start3A_83 = tpu.memref_squeeze %dma_start3A_82 : memref<1x128xi32, #tpu.memory_space<vmem>> -> memref<128xi32, #tpu.memory_space<vmem>>
    %dma_start3A_84 = arith.constant 0 : i32
    %dma_start3A_85 = arith.constant 0 : i32
    %dma_start3A_86 = tpu.memref_slice %arg2[%dma_start3A_84, %dma_start3A_85] : memref<10240x128xf32, #tpu.memory_space<hbm>> -> memref<10240x128xf32, #tpu.memory_space<hbm>>
    tpu.enqueue_indirect_dma source(%dma_start3A_86 : memref<10240x128xf32, #tpu.memory_space<hbm>>) target(%arg9 : memref<128x128xf32, #tpu.memory_space<vmem>>) offsets(%dma_start3A_83 : memref<128xi32, #tpu.memory_space<vmem>>) semaphore(%arg15 : memref<!tpu.dma_semaphore, #tpu.memory_space<semaphore_mem>>)
    %dma_wait3A_87 = arith.constant 0 : i32
    %dma_wait3A_88 = arith.constant 0 : i32
    %dma_wait3A_89 = tpu.memref_slice %arg2[%dma_wait3A_87, %dma_wait3A_88] : memref<10240x128xf32, #tpu.memory_space<hbm>> -> memref<128x128xf32, #tpu.memory_space<hbm>>
    %dma_wait3A_90 = arith.constant 0 : i32
    %dma_wait3A_91 = arith.constant 0 : i32
    %dma_wait3A_92 = tpu.memref_slice %arg2[%dma_wait3A_90, %dma_wait3A_91] : memref<10240x128xf32, #tpu.memory_space<hbm>> -> memref<128x128xf32, #tpu.memory_space<hbm>>
    tpu.wait_dma2 semaphore(%arg16 : memref<!tpu.dma_semaphore, #tpu.memory_space<semaphore_mem>>) src(%dma_wait3A_92 : memref<128x128xf32, #tpu.memory_space<hbm>>) dst(%arg10 : memref<128x128xf32, #tpu.memory_space<vmem>>)
    %run_scoped3A_93 = arith.constant 1 : i32
    "tpu.region"() ({
      %run_scoped3A_106 = tpu.sem_alloc : memref<!tpu.dma_semaphore, #tpu.memory_space<semaphore_mem>>
      %dma_start3A_107 = arith.constant 0 : i32
      %dma_start3A_108 = tpu.memref_slice %arg7[%run_scoped3A_93, %dma_start3A_107] : memref<2x128xi32, #tpu.memory_space<vmem>> -> memref<1x128xi32, #tpu.memory_space<vmem>>
      %dma_start3A_109 = tpu.memref_squeeze %dma_start3A_108 : memref<1x128xi32, #tpu.memory_space<vmem>> -> memref<128xi32, #tpu.memory_space<vmem>>
      %dma_start3A_110 = arith.constant 0 : i32
      %dma_start3A_111 = arith.constant 0 : i32
      %dma_start3A_112 = tpu.memref_slice %arg11[%dma_start3A_110, %dma_start3A_111] : memref<10240x128xf32, #tpu.memory_space<vmem_shared>> -> memref<10240x128xf32, #tpu.memory_space<vmem_shared>>
      tpu.enqueue_indirect_dma source(%arg10 : memref<128x128xf32, #tpu.memory_space<vmem>>) target(%dma_start3A_112 : memref<10240x128xf32, #tpu.memory_space<vmem_shared>>) offsets(%dma_start3A_109 : memref<128xi32, #tpu.memory_space<vmem>>) semaphore(%run_scoped3A_106 : memref<!tpu.dma_semaphore, #tpu.memory_space<semaphore_mem>>) {add = true}
      %dma_wait3A_113 = arith.constant 0 : i32
      %dma_wait3A_114 = tpu.memref_slice %arg7[%run_scoped3A_93, %dma_wait3A_113] : memref<2x128xi32, #tpu.memory_space<vmem>> -> memref<1x128xi32, #tpu.memory_space<vmem>>
      %dma_wait3A_115 = tpu.memref_squeeze %dma_wait3A_114 : memref<1x128xi32, #tpu.memory_space<vmem>> -> memref<128xi32, #tpu.memory_space<vmem>>
      %dma_wait3A_116 = arith.constant 0 : i32
      %dma_wait3A_117 = arith.constant 0 : i32
      %dma_wait3A_118 = tpu.memref_slice %arg11[%dma_wait3A_116, %dma_wait3A_117] : memref<10240x128xf32, #tpu.memory_space<vmem_shared>> -> memref<10240x128xf32, #tpu.memory_space<vmem_shared>>
      tpu.wait_indirect_dma semaphore(%run_scoped3A_106 : memref<!tpu.dma_semaphore, #tpu.memory_space<semaphore_mem>>) src(%arg10 : memref<128x128xf32, #tpu.memory_space<vmem>>) dst(%dma_wait3A_118 : memref<10240x128xf32, #tpu.memory_space<vmem_shared>>)
      tpu.yield
    }) : () -> ()
    %dma_wait3A_94 = arith.constant 0 : i32
    %dma_wait3A_95 = arith.constant 0 : i32
    %dma_wait3A_96 = tpu.memref_slice %arg2[%dma_wait3A_94, %dma_wait3A_95] : memref<10240x128xf32, #tpu.memory_space<hbm>> -> memref<128x128xf32, #tpu.memory_space<hbm>>
    %dma_wait3A_97 = arith.constant 0 : i32
    %dma_wait3A_98 = arith.constant 0 : i32
    %dma_wait3A_99 = tpu.memref_slice %arg2[%dma_wait3A_97, %dma_wait3A_98] : memref<10240x128xf32, #tpu.memory_space<hbm>> -> memref<128x128xf32, #tpu.memory_space<hbm>>
    tpu.wait_dma2 semaphore(%arg15 : memref<!tpu.dma_semaphore, #tpu.memory_space<semaphore_mem>>) src(%dma_wait3A_99 : memref<128x128xf32, #tpu.memory_space<hbm>>) dst(%arg9 : memref<128x128xf32, #tpu.memory_space<vmem>>)
    %run_scoped3A_100 = arith.constant 1 : i32
    "tpu.region"() ({
      %run_scoped3A_106 = tpu.sem_alloc : memref<!tpu.dma_semaphore, #tpu.memory_space<semaphore_mem>>
      %dma_start3A_107 = arith.constant 0 : i32
      %dma_start3A_108 = tpu.memref_slice %arg8[%run_scoped3A_100, %dma_start3A_107] : memref<2x128xi32, #tpu.memory_space<vmem>> -> memref<1x128xi32, #tpu.memory_space<vmem>>
      %dma_start3A_109 = tpu.memref_squeeze %dma_start3A_108 : memref<1x128xi32, #tpu.memory_space<vmem>> -> memref<128xi32, #tpu.memory_space<vmem>>
      %dma_start3A_110 = arith.constant 0 : i32
      %dma_start3A_111 = arith.constant 0 : i32
      %dma_start3A_112 = tpu.memref_slice %arg11[%dma_start3A_110, %dma_start3A_111] : memref<10240x128xf32, #tpu.memory_space<vmem_shared>> -> memref<10240x128xf32, #tpu.memory_space<vmem_shared>>
      tpu.enqueue_indirect_dma source(%arg9 : memref<128x128xf32, #tpu.memory_space<vmem>>) target(%dma_start3A_112 : memref<10240x128xf32, #tpu.memory_space<vmem_shared>>) offsets(%dma_start3A_109 : memref<128xi32, #tpu.memory_space<vmem>>) semaphore(%run_scoped3A_106 : memref<!tpu.dma_semaphore, #tpu.memory_space<semaphore_mem>>) {add = true}
      %dma_wait3A_113 = arith.constant 0 : i32
      %dma_wait3A_114 = tpu.memref_slice %arg8[%run_scoped3A_100, %dma_wait3A_113] : memref<2x128xi32, #tpu.memory_space<vmem>> -> memref<1x128xi32, #tpu.memory_space<vmem>>
      %dma_wait3A_115 = tpu.memref_squeeze %dma_wait3A_114 : memref<1x128xi32, #tpu.memory_space<vmem>> -> memref<128xi32, #tpu.memory_space<vmem>>
      %dma_wait3A_116 = arith.constant 0 : i32
      %dma_wait3A_117 = arith.constant 0 : i32
      %dma_wait3A_118 = tpu.memref_slice %arg11[%dma_wait3A_116, %dma_wait3A_117] : memref<10240x128xf32, #tpu.memory_space<vmem_shared>> -> memref<10240x128xf32, #tpu.memory_space<vmem_shared>>
      tpu.wait_indirect_dma semaphore(%run_scoped3A_106 : memref<!tpu.dma_semaphore, #tpu.memory_space<semaphore_mem>>) src(%arg9 : memref<128x128xf32, #tpu.memory_space<vmem>>) dst(%dma_wait3A_118 : memref<10240x128xf32, #tpu.memory_space<vmem_shared>>)
      tpu.yield
    }) : () -> ()
    %barrier3A_101 = arith.constant 0 : index
    tpu.barrier barrier_id(%barrier3A_101)
    %mul3A_102 = arith.constant 640 : i32
    %mul3A_103 = arith.muli %arg1, %mul3A_102 : i32
    %mul3A_104 = arith.constant 640 : i32
    %mul3A_105 = arith.muli %arg1, %mul3A_104 : i32
    "tpu.region"() ({
      %run_scoped3A_106 = tpu.sem_alloc : memref<!tpu.dma_semaphore, #tpu.memory_space<semaphore_mem>>
      %dma_start3A_107 = arith.constant 0 : i32
      %dma_start3A_108 = arith.constant 0 : i32
      %dma_start3A_109 = tpu.memref_slice %arg5[%arg0, %dma_start3A_107, %dma_start3A_108] : memref<2x10240x128xf32, #tpu.memory_space<hbm>> -> memref<1x10240x128xf32, #tpu.memory_space<hbm>>
      %dma_start3A_110 = tpu.memref_squeeze %dma_start3A_109 : memref<1x10240x128xf32, #tpu.memory_space<hbm>> -> memref<10240x128xf32, #tpu.memory_space<hbm>>
      %dma_start3A_111 = arith.constant 0 : i32
      %dma_start3A_112 = tpu.memref_slice %dma_start3A_110[%mul3A_105, %dma_start3A_111] : memref<10240x128xf32, #tpu.memory_space<hbm>> -> memref<640x128xf32, #tpu.memory_space<hbm>>
      %dma_start3A_113 = arith.constant 0 : i32
      %dma_start3A_114 = tpu.memref_slice %arg11[%mul3A_103, %dma_start3A_113] : memref<10240x128xf32, #tpu.memory_space<vmem_shared>> -> memref<640x128xf32, #tpu.memory_space<vmem_shared>>
      tpu.enqueue_dma source(%dma_start3A_114 : memref<640x128xf32, #tpu.memory_space<vmem_shared>>) target(%dma_start3A_112 : memref<640x128xf32, #tpu.memory_space<hbm>>) target_semaphore(%run_scoped3A_106 : memref<!tpu.dma_semaphore, #tpu.memory_space<semaphore_mem>>)
      %dma_wait3A_115 = arith.constant 0 : i32
      %dma_wait3A_116 = arith.constant 0 : i32
      %dma_wait3A_117 = tpu.memref_slice %arg5[%arg0, %dma_wait3A_115, %dma_wait3A_116] : memref<2x10240x128xf32, #tpu.memory_space<hbm>> -> memref<1x10240x128xf32, #tpu.memory_space<hbm>>
      %dma_wait3A_118 = tpu.memref_squeeze %dma_wait3A_117 : memref<1x10240x128xf32, #tpu.memory_space<hbm>> -> memref<10240x128xf32, #tpu.memory_space<hbm>>
      %dma_wait3A_119 = arith.constant 0 : i32
      %dma_wait3A_120 = tpu.memref_slice %dma_wait3A_118[%mul3A_105, %dma_wait3A_119] : memref<10240x128xf32, #tpu.memory_space<hbm>> -> memref<640x128xf32, #tpu.memory_space<hbm>>
      %dma_wait3A_121 = arith.constant 0 : i32
      %dma_wait3A_122 = tpu.memref_slice %arg11[%mul3A_103, %dma_wait3A_121] : memref<10240x128xf32, #tpu.memory_space<vmem_shared>> -> memref<640x128xf32, #tpu.memory_space<vmem_shared>>
      tpu.wait_dma2 semaphore(%run_scoped3A_106 : memref<!tpu.dma_semaphore, #tpu.memory_space<semaphore_mem>>) src(%dma_wait3A_122 : memref<640x128xf32, #tpu.memory_space<vmem_shared>>) dst(%dma_wait3A_120 : memref<640x128xf32, #tpu.memory_space<hbm>>)
      tpu.yield
    }) : () -> ()
    return
  }
}

#map = affine_map<(d0, d1) -> (0, 0)>
#map1 = affine_map<(d0, d1) -> (0, 0, 0, 0)>
#map2 = affine_map<(d0, d1) -> (0, 0, 0)>
module attributes {stable_mosaic.version = 14 : i64} {
  func.func @_prop_body(%arg0: i32, %arg1: i32, %arg2: memref<10240x128xf32, #tpu.memory_space<hbm>>, %arg3: memref<32x81x2x128xi32, #tpu.memory_space<hbm>>, %arg4: memref<640x128xf32, #tpu.memory_space<hbm>>, %arg5: memref<2x10240x128xf32, #tpu.memory_space<hbm>>, %arg6: memref<2x128xi32, #tpu.memory_space<vmem>>, %arg7: memref<2x128xi32, #tpu.memory_space<vmem>>, %arg8: memref<2x128xi32, #tpu.memory_space<vmem>>, %arg9: memref<128x128xf32, #tpu.memory_space<vmem>>, %arg10: memref<128x128xf32, #tpu.memory_space<vmem>>, %arg11: memref<10240x128xf32, #tpu.memory_space<vmem_shared>>, %arg12: memref<!tpu.dma_semaphore, #tpu.memory_space<semaphore_mem>>, %arg13: memref<!tpu.dma_semaphore, #tpu.memory_space<semaphore_mem>>, %arg14: memref<!tpu.dma_semaphore, #tpu.memory_space<semaphore_mem>>, %arg15: memref<!tpu.dma_semaphore, #tpu.memory_space<semaphore_mem>>, %arg16: memref<!tpu.dma_semaphore, #tpu.memory_space<semaphore_mem>>) attributes {dimension_semantics = [#tpu.dimension_semantics<core_parallel>, #tpu.dimension_semantics<subcore_parallel>], iteration_bounds = array<i64: 2, 16>, scalar_prefetch = 0 : i64, scratch_operands = 11 : i64, tpu.core_type = #tpu.core_type<sc_vector_subcore>, window_params = [{transform_indices = #map}, {transform_indices = #map1}, {transform_indices = #map}, {transform_indices = #map2}]} {
    %mul3A = arith.constant 2 : i32
    %mul3A_0 = arith.muli %arg1, %mul3A : i32
    %add3A = arith.addi %mul3A_0, %arg0 : i32
    %dma_start3A = arith.constant 0 : i32
    %dma_start3A_1 = arith.constant 0 : i32
    %dma_start3A_2 = arith.constant 0 : i32
    %dma_start3A_3 = tpu.memref_slice %arg3[%add3A, %dma_start3A, %dma_start3A_1, %dma_start3A_2] : memref<32x81x2x128xi32, #tpu.memory_space<hbm>> -> memref<1x1x2x128xi32, #tpu.memory_space<hbm>>
    %dma_start3A_4 = tpu.memref_squeeze %dma_start3A_3 : memref<1x1x2x128xi32, #tpu.memory_space<hbm>> -> memref<2x128xi32, #tpu.memory_space<hbm>>
    %dma_start3A_5 = arith.constant 0 : i32
    %dma_start3A_6 = arith.constant 0 : i32
    %dma_start3A_7 = tpu.memref_slice %arg3[%add3A, %dma_start3A, %dma_start3A_5, %dma_start3A_6] : memref<32x81x2x128xi32, #tpu.memory_space<hbm>> -> memref<1x1x2x128xi32, #tpu.memory_space<hbm>>
    %dma_start3A_8 = tpu.memref_squeeze %dma_start3A_7 : memref<1x1x2x128xi32, #tpu.memory_space<hbm>> -> memref<2x128xi32, #tpu.memory_space<hbm>>
    tpu.enqueue_dma source(%dma_start3A_8 : memref<2x128xi32, #tpu.memory_space<hbm>>) target(%arg6 : memref<2x128xi32, #tpu.memory_space<vmem>>) target_semaphore(%arg12 : memref<!tpu.dma_semaphore, #tpu.memory_space<semaphore_mem>>)
    %dma_start3A_9 = arith.constant 1 : i32
    %dma_start3A_10 = arith.constant 0 : i32
    %dma_start3A_11 = arith.constant 0 : i32
    %dma_start3A_12 = tpu.memref_slice %arg3[%add3A, %dma_start3A_9, %dma_start3A_10, %dma_start3A_11] : memref<32x81x2x128xi32, #tpu.memory_space<hbm>> -> memref<1x1x2x128xi32, #tpu.memory_space<hbm>>
    %dma_start3A_13 = tpu.memref_squeeze %dma_start3A_12 : memref<1x1x2x128xi32, #tpu.memory_space<hbm>> -> memref<2x128xi32, #tpu.memory_space<hbm>>
    %dma_start3A_14 = arith.constant 0 : i32
    %dma_start3A_15 = arith.constant 0 : i32
    %dma_start3A_16 = tpu.memref_slice %arg3[%add3A, %dma_start3A_9, %dma_start3A_14, %dma_start3A_15] : memref<32x81x2x128xi32, #tpu.memory_space<hbm>> -> memref<1x1x2x128xi32, #tpu.memory_space<hbm>>
    %dma_start3A_17 = tpu.memref_squeeze %dma_start3A_16 : memref<1x1x2x128xi32, #tpu.memory_space<hbm>> -> memref<2x128xi32, #tpu.memory_space<hbm>>
    tpu.enqueue_dma source(%dma_start3A_17 : memref<2x128xi32, #tpu.memory_space<hbm>>) target(%arg7 : memref<2x128xi32, #tpu.memory_space<vmem>>) target_semaphore(%arg13 : memref<!tpu.dma_semaphore, #tpu.memory_space<semaphore_mem>>)
    %dma_start3A_18 = arith.constant 2 : i32
    %dma_start3A_19 = arith.constant 0 : i32
    %dma_start3A_20 = arith.constant 0 : i32
    %dma_start3A_21 = tpu.memref_slice %arg3[%add3A, %dma_start3A_18, %dma_start3A_19, %dma_start3A_20] : memref<32x81x2x128xi32, #tpu.memory_space<hbm>> -> memref<1x1x2x128xi32, #tpu.memory_space<hbm>>
    %dma_start3A_22 = tpu.memref_squeeze %dma_start3A_21 : memref<1x1x2x128xi32, #tpu.memory_space<hbm>> -> memref<2x128xi32, #tpu.memory_space<hbm>>
    %dma_start3A_23 = arith.constant 0 : i32
    %dma_start3A_24 = arith.constant 0 : i32
    %dma_start3A_25 = tpu.memref_slice %arg3[%add3A, %dma_start3A_18, %dma_start3A_23, %dma_start3A_24] : memref<32x81x2x128xi32, #tpu.memory_space<hbm>> -> memref<1x1x2x128xi32, #tpu.memory_space<hbm>>
    %dma_start3A_26 = tpu.memref_squeeze %dma_start3A_25 : memref<1x1x2x128xi32, #tpu.memory_space<hbm>> -> memref<2x128xi32, #tpu.memory_space<hbm>>
    tpu.enqueue_dma source(%dma_start3A_26 : memref<2x128xi32, #tpu.memory_space<hbm>>) target(%arg8 : memref<2x128xi32, #tpu.memory_space<vmem>>) target_semaphore(%arg14 : memref<!tpu.dma_semaphore, #tpu.memory_space<semaphore_mem>>)
    %mul3A_27 = arith.constant 640 : i32
    %mul3A_28 = arith.muli %arg1, %mul3A_27 : i32
    "tpu.region"() ({
      %run_scoped3A_106 = tpu.sem_alloc : memref<!tpu.dma_semaphore, #tpu.memory_space<semaphore_mem>>
      %dma_start3A_107 = arith.constant 0 : i32
      %dma_start3A_108 = tpu.memref_slice %arg11[%mul3A_28, %dma_start3A_107] : memref<10240x128xf32, #tpu.memory_space<vmem_shared>> -> memref<640x128xf32, #tpu.memory_space<vmem_shared>>
      tpu.enqueue_dma source(%arg4 : memref<640x128xf32, #tpu.memory_space<hbm>>) target(%dma_start3A_108 : memref<640x128xf32, #tpu.memory_space<vmem_shared>>) target_semaphore(%run_scoped3A_106 : memref<!tpu.dma_semaphore, #tpu.memory_space<semaphore_mem>>)
      %dma_wait3A_109 = arith.constant 0 : i32
      %dma_wait3A_110 = tpu.memref_slice %arg11[%mul3A_28, %dma_wait3A_109] : memref<10240x128xf32, #tpu.memory_space<vmem_shared>> -> memref<640x128xf32, #tpu.memory_space<vmem_shared>>
      tpu.wait_dma2 semaphore(%run_scoped3A_106 : memref<!tpu.dma_semaphore, #tpu.memory_space<semaphore_mem>>) src(%arg4 : memref<640x128xf32, #tpu.memory_space<hbm>>) dst(%dma_wait3A_110 : memref<640x128xf32, #tpu.memory_space<vmem_shared>>)
      tpu.yield
    }) : () -> ()
    %dma_wait3A = arith.constant 0 : i32
    %dma_wait3A_29 = arith.constant 0 : i32
    %dma_wait3A_30 = arith.constant 0 : i32
    %dma_wait3A_31 = tpu.memref_slice %arg3[%add3A, %dma_wait3A, %dma_wait3A_29, %dma_wait3A_30] : memref<32x81x2x128xi32, #tpu.memory_space<hbm>> -> memref<1x1x2x128xi32, #tpu.memory_space<hbm>>
    %dma_wait3A_32 = tpu.memref_squeeze %dma_wait3A_31 : memref<1x1x2x128xi32, #tpu.memory_space<hbm>> -> memref<2x128xi32, #tpu.memory_space<hbm>>
    %dma_wait3A_33 = arith.constant 0 : i32
    %dma_wait3A_34 = arith.constant 0 : i32
    %dma_wait3A_35 = tpu.memref_slice %arg3[%add3A, %dma_wait3A, %dma_wait3A_33, %dma_wait3A_34] : memref<32x81x2x128xi32, #tpu.memory_space<hbm>> -> memref<1x1x2x128xi32, #tpu.memory_space<hbm>>
    %dma_wait3A_36 = tpu.memref_squeeze %dma_wait3A_35 : memref<1x1x2x128xi32, #tpu.memory_space<hbm>> -> memref<2x128xi32, #tpu.memory_space<hbm>>
    tpu.wait_dma2 semaphore(%arg12 : memref<!tpu.dma_semaphore, #tpu.memory_space<semaphore_mem>>) src(%dma_wait3A_36 : memref<2x128xi32, #tpu.memory_space<hbm>>) dst(%arg6 : memref<2x128xi32, #tpu.memory_space<vmem>>)
    %dma_start3A_37 = arith.constant 0 : i32
    %dma_start3A_38 = arith.constant 0 : i32
    %dma_start3A_39 = tpu.memref_slice %arg6[%dma_start3A_37, %dma_start3A_38] : memref<2x128xi32, #tpu.memory_space<vmem>> -> memref<1x128xi32, #tpu.memory_space<vmem>>
    %dma_start3A_40 = tpu.memref_squeeze %dma_start3A_39 : memref<1x128xi32, #tpu.memory_space<vmem>> -> memref<128xi32, #tpu.memory_space<vmem>>
    %dma_start3A_41 = arith.constant 0 : i32
    %dma_start3A_42 = arith.constant 0 : i32
    %dma_start3A_43 = tpu.memref_slice %arg2[%dma_start3A_41, %dma_start3A_42] : memref<10240x128xf32, #tpu.memory_space<hbm>> -> memref<10240x128xf32, #tpu.memory_space<hbm>>
    tpu.enqueue_indirect_dma source(%dma_start3A_43 : memref<10240x128xf32, #tpu.memory_space<hbm>>) target(%arg9 : memref<128x128xf32, #tpu.memory_space<vmem>>) offsets(%dma_start3A_40 : memref<128xi32, #tpu.memory_space<vmem>>) semaphore(%arg15 : memref<!tpu.dma_semaphore, #tpu.memory_space<semaphore_mem>>)
    %barrier3A = arith.constant 0 : index
    tpu.barrier barrier_id(%barrier3A)
    %scan3A = arith.constant 0 : i32
    %scan3A_44 = arith.constant 0 : i32
    %scan3A_45 = arith.constant 13 : i32
    %scan3A_46 = arith.addi %scan3A_44, %scan3A_45 : i32
    %scan3A_47 = arith.constant 1 : i32
    scf.for %scan3A_106 = %scan3A_44 to %scan3A_46 step %scan3A_47  : i32 {
      %mul3A_107 = arith.constant 6 : i32
      %mul3A_108 = arith.muli %mul3A_107, %scan3A_106 : i32
      %dma_wait3A_109 = arith.constant 0 : i32
      %dma_wait3A_110 = arith.constant 0 : i32
      %dma_wait3A_111 = arith.constant 0 : i32
      %dma_wait3A_112 = tpu.memref_slice %arg3[%add3A, %dma_wait3A_109, %dma_wait3A_110, %dma_wait3A_111] : memref<32x81x2x128xi32, #tpu.memory_space<hbm>> -> memref<1x1x2x128xi32, #tpu.memory_space<hbm>>
      %dma_wait3A_113 = tpu.memref_squeeze %dma_wait3A_112 : memref<1x1x2x128xi32, #tpu.memory_space<hbm>> -> memref<2x128xi32, #tpu.memory_space<hbm>>
      %dma_wait3A_114 = arith.constant 0 : i32
      %dma_wait3A_115 = arith.constant 0 : i32
      %dma_wait3A_116 = tpu.memref_slice %arg3[%add3A, %dma_wait3A_109, %dma_wait3A_114, %dma_wait3A_115] : memref<32x81x2x128xi32, #tpu.memory_space<hbm>> -> memref<1x1x2x128xi32, #tpu.memory_space<hbm>>
      %dma_wait3A_117 = tpu.memref_squeeze %dma_wait3A_116 : memref<1x1x2x128xi32, #tpu.memory_space<hbm>> -> memref<2x128xi32, #tpu.memory_space<hbm>>
      tpu.wait_dma2 semaphore(%arg13 : memref<!tpu.dma_semaphore, #tpu.memory_space<semaphore_mem>>) src(%dma_wait3A_117 : memref<2x128xi32, #tpu.memory_space<hbm>>) dst(%arg7 : memref<2x128xi32, #tpu.memory_space<vmem>>)
      %dma_start3A_118 = arith.constant 0 : i32
      %dma_start3A_119 = arith.constant 0 : i32
      %dma_start3A_120 = tpu.memref_slice %arg7[%dma_start3A_118, %dma_start3A_119] : memref<2x128xi32, #tpu.memory_space<vmem>> -> memref<1x128xi32, #tpu.memory_space<vmem>>
      %dma_start3A_121 = tpu.memref_squeeze %dma_start3A_120 : memref<1x128xi32, #tpu.memory_space<vmem>> -> memref<128xi32, #tpu.memory_space<vmem>>
      %dma_start3A_122 = arith.constant 0 : i32
      %dma_start3A_123 = arith.constant 0 : i32
      %dma_start3A_124 = tpu.memref_slice %arg2[%dma_start3A_122, %dma_start3A_123] : memref<10240x128xf32, #tpu.memory_space<hbm>> -> memref<10240x128xf32, #tpu.memory_space<hbm>>
      tpu.enqueue_indirect_dma source(%dma_start3A_124 : memref<10240x128xf32, #tpu.memory_space<hbm>>) target(%arg10 : memref<128x128xf32, #tpu.memory_space<vmem>>) offsets(%dma_start3A_121 : memref<128xi32, #tpu.memory_space<vmem>>) semaphore(%arg16 : memref<!tpu.dma_semaphore, #tpu.memory_space<semaphore_mem>>)
      %dma_wait3A_125 = arith.constant 0 : i32
      %dma_wait3A_126 = arith.constant 0 : i32
      %dma_wait3A_127 = tpu.memref_slice %arg2[%dma_wait3A_125, %dma_wait3A_126] : memref<10240x128xf32, #tpu.memory_space<hbm>> -> memref<128x128xf32, #tpu.memory_space<hbm>>
      %dma_wait3A_128 = arith.constant 0 : i32
      %dma_wait3A_129 = arith.constant 0 : i32
      %dma_wait3A_130 = tpu.memref_slice %arg2[%dma_wait3A_128, %dma_wait3A_129] : memref<10240x128xf32, #tpu.memory_space<hbm>> -> memref<128x128xf32, #tpu.memory_space<hbm>>
      tpu.wait_dma2 semaphore(%arg15 : memref<!tpu.dma_semaphore, #tpu.memory_space<semaphore_mem>>) src(%dma_wait3A_130 : memref<128x128xf32, #tpu.memory_space<hbm>>) dst(%arg9 : memref<128x128xf32, #tpu.memory_space<vmem>>)
      %run_scoped3A_131 = arith.constant 1 : i32
      "tpu.region"() ({
        %run_scoped3A_311 = tpu.sem_alloc : memref<!tpu.dma_semaphore, #tpu.memory_space<semaphore_mem>>
        %dma_start3A_312 = arith.constant 0 : i32
        %dma_start3A_313 = tpu.memref_slice %arg6[%run_scoped3A_131, %dma_start3A_312] : memref<2x128xi32, #tpu.memory_space<vmem>> -> memref<1x128xi32, #tpu.memory_space<vmem>>
        %dma_start3A_314 = tpu.memref_squeeze %dma_start3A_313 : memref<1x128xi32, #tpu.memory_space<vmem>> -> memref<128xi32, #tpu.memory_space<vmem>>
        %dma_start3A_315 = arith.constant 0 : i32
        %dma_start3A_316 = arith.constant 0 : i32
        %dma_start3A_317 = tpu.memref_slice %arg11[%dma_start3A_315, %dma_start3A_316] : memref<10240x128xf32, #tpu.memory_space<vmem_shared>> -> memref<10240x128xf32, #tpu.memory_space<vmem_shared>>
        tpu.enqueue_indirect_dma source(%arg9 : memref<128x128xf32, #tpu.memory_space<vmem>>) target(%dma_start3A_317 : memref<10240x128xf32, #tpu.memory_space<vmem_shared>>) offsets(%dma_start3A_314 : memref<128xi32, #tpu.memory_space<vmem>>) semaphore(%run_scoped3A_311 : memref<!tpu.dma_semaphore, #tpu.memory_space<semaphore_mem>>) {add = true}
        %dma_wait3A_318 = arith.constant 0 : i32
        %dma_wait3A_319 = tpu.memref_slice %arg6[%run_scoped3A_131, %dma_wait3A_318] : memref<2x128xi32, #tpu.memory_space<vmem>> -> memref<1x128xi32, #tpu.memory_space<vmem>>
        %dma_wait3A_320 = tpu.memref_squeeze %dma_wait3A_319 : memref<1x128xi32, #tpu.memory_space<vmem>> -> memref<128xi32, #tpu.memory_space<vmem>>
        %dma_wait3A_321 = arith.constant 0 : i32
        %dma_wait3A_322 = arith.constant 0 : i32
        %dma_wait3A_323 = tpu.memref_slice %arg11[%dma_wait3A_321, %dma_wait3A_322] : memref<10240x128xf32, #tpu.memory_space<vmem_shared>> -> memref<10240x128xf32, #tpu.memory_space<vmem_shared>>
        tpu.wait_indirect_dma semaphore(%run_scoped3A_311 : memref<!tpu.dma_semaphore, #tpu.memory_space<semaphore_mem>>) src(%arg9 : memref<128x128xf32, #tpu.memory_space<vmem>>) dst(%dma_wait3A_323 : memref<10240x128xf32, #tpu.memory_space<vmem_shared>>)
        tpu.yield
      }) : () -> ()
      %add3A_132 = arith.constant 3 : i32
      %add3A_133 = arith.addi %mul3A_108, %add3A_132 : i32
      %dma_start3A_134 = arith.constant 0 : i32
      %dma_start3A_135 = arith.constant 0 : i32
      %dma_start3A_136 = tpu.memref_slice %arg3[%add3A, %add3A_133, %dma_start3A_134, %dma_start3A_135] : memref<32x81x2x128xi32, #tpu.memory_space<hbm>> -> memref<1x1x2x128xi32, #tpu.memory_space<hbm>>
      %dma_start3A_137 = tpu.memref_squeeze %dma_start3A_136 : memref<1x1x2x128xi32, #tpu.memory_space<hbm>> -> memref<2x128xi32, #tpu.memory_space<hbm>>
      %dma_start3A_138 = arith.constant 0 : i32
      %dma_start3A_139 = arith.constant 0 : i32
      %dma_start3A_140 = tpu.memref_slice %arg3[%add3A, %add3A_133, %dma_start3A_138, %dma_start3A_139] : memref<32x81x2x128xi32, #tpu.memory_space<hbm>> -> memref<1x1x2x128xi32, #tpu.memory_space<hbm>>
      %dma_start3A_141 = tpu.memref_squeeze %dma_start3A_140 : memref<1x1x2x128xi32, #tpu.memory_space<hbm>> -> memref<2x128xi32, #tpu.memory_space<hbm>>
      tpu.enqueue_dma source(%dma_start3A_141 : memref<2x128xi32, #tpu.memory_space<hbm>>) target(%arg6 : memref<2x128xi32, #tpu.memory_space<vmem>>) target_semaphore(%arg12 : memref<!tpu.dma_semaphore, #tpu.memory_space<semaphore_mem>>)
      %dma_wait3A_142 = arith.constant 0 : i32
      %dma_wait3A_143 = arith.constant 0 : i32
      %dma_wait3A_144 = arith.constant 0 : i32
      %dma_wait3A_145 = tpu.memref_slice %arg3[%add3A, %dma_wait3A_142, %dma_wait3A_143, %dma_wait3A_144] : memref<32x81x2x128xi32, #tpu.memory_space<hbm>> -> memref<1x1x2x128xi32, #tpu.memory_space<hbm>>
      %dma_wait3A_146 = tpu.memref_squeeze %dma_wait3A_145 : memref<1x1x2x128xi32, #tpu.memory_space<hbm>> -> memref<2x128xi32, #tpu.memory_space<hbm>>
      %dma_wait3A_147 = arith.constant 0 : i32
      %dma_wait3A_148 = arith.constant 0 : i32
      %dma_wait3A_149 = tpu.memref_slice %arg3[%add3A, %dma_wait3A_142, %dma_wait3A_147, %dma_wait3A_148] : memref<32x81x2x128xi32, #tpu.memory_space<hbm>> -> memref<1x1x2x128xi32, #tpu.memory_space<hbm>>
      %dma_wait3A_150 = tpu.memref_squeeze %dma_wait3A_149 : memref<1x1x2x128xi32, #tpu.memory_space<hbm>> -> memref<2x128xi32, #tpu.memory_space<hbm>>
      tpu.wait_dma2 semaphore(%arg14 : memref<!tpu.dma_semaphore, #tpu.memory_space<semaphore_mem>>) src(%dma_wait3A_150 : memref<2x128xi32, #tpu.memory_space<hbm>>) dst(%arg8 : memref<2x128xi32, #tpu.memory_space<vmem>>)
      %dma_start3A_151 = arith.constant 0 : i32
      %dma_start3A_152 = arith.constant 0 : i32
      %dma_start3A_153 = tpu.memref_slice %arg8[%dma_start3A_151, %dma_start3A_152] : memref<2x128xi32, #tpu.memory_space<vmem>> -> memref<1x128xi32, #tpu.memory_space<vmem>>
      %dma_start3A_154 = tpu.memref_squeeze %dma_start3A_153 : memref<1x128xi32, #tpu.memory_space<vmem>> -> memref<128xi32, #tpu.memory_space<vmem>>
      %dma_start3A_155 = arith.constant 0 : i32
      %dma_start3A_156 = arith.constant 0 : i32
      %dma_start3A_157 = tpu.memref_slice %arg2[%dma_start3A_155, %dma_start3A_156] : memref<10240x128xf32, #tpu.memory_space<hbm>> -> memref<10240x128xf32, #tpu.memory_space<hbm>>
      tpu.enqueue_indirect_dma source(%dma_start3A_157 : memref<10240x128xf32, #tpu.memory_space<hbm>>) target(%arg9 : memref<128x128xf32, #tpu.memory_space<vmem>>) offsets(%dma_start3A_154 : memref<128xi32, #tpu.memory_space<vmem>>) semaphore(%arg15 : memref<!tpu.dma_semaphore, #tpu.memory_space<semaphore_mem>>)
      %dma_wait3A_158 = arith.constant 0 : i32
      %dma_wait3A_159 = arith.constant 0 : i32
      %dma_wait3A_160 = tpu.memref_slice %arg2[%dma_wait3A_158, %dma_wait3A_159] : memref<10240x128xf32, #tpu.memory_space<hbm>> -> memref<128x128xf32, #tpu.memory_space<hbm>>
      %dma_wait3A_161 = arith.constant 0 : i32
      %dma_wait3A_162 = arith.constant 0 : i32
      %dma_wait3A_163 = tpu.memref_slice %arg2[%dma_wait3A_161, %dma_wait3A_162] : memref<10240x128xf32, #tpu.memory_space<hbm>> -> memref<128x128xf32, #tpu.memory_space<hbm>>
      tpu.wait_dma2 semaphore(%arg16 : memref<!tpu.dma_semaphore, #tpu.memory_space<semaphore_mem>>) src(%dma_wait3A_163 : memref<128x128xf32, #tpu.memory_space<hbm>>) dst(%arg10 : memref<128x128xf32, #tpu.memory_space<vmem>>)
      %run_scoped3A_164 = arith.constant 1 : i32
      "tpu.region"() ({
        %run_scoped3A_311 = tpu.sem_alloc : memref<!tpu.dma_semaphore, #tpu.memory_space<semaphore_mem>>
        %dma_start3A_312 = arith.constant 0 : i32
        %dma_start3A_313 = tpu.memref_slice %arg7[%run_scoped3A_164, %dma_start3A_312] : memref<2x128xi32, #tpu.memory_space<vmem>> -> memref<1x128xi32, #tpu.memory_space<vmem>>
        %dma_start3A_314 = tpu.memref_squeeze %dma_start3A_313 : memref<1x128xi32, #tpu.memory_space<vmem>> -> memref<128xi32, #tpu.memory_space<vmem>>
        %dma_start3A_315 = arith.constant 0 : i32
        %dma_start3A_316 = arith.constant 0 : i32
        %dma_start3A_317 = tpu.memref_slice %arg11[%dma_start3A_315, %dma_start3A_316] : memref<10240x128xf32, #tpu.memory_space<vmem_shared>> -> memref<10240x128xf32, #tpu.memory_space<vmem_shared>>
        tpu.enqueue_indirect_dma source(%arg10 : memref<128x128xf32, #tpu.memory_space<vmem>>) target(%dma_start3A_317 : memref<10240x128xf32, #tpu.memory_space<vmem_shared>>) offsets(%dma_start3A_314 : memref<128xi32, #tpu.memory_space<vmem>>) semaphore(%run_scoped3A_311 : memref<!tpu.dma_semaphore, #tpu.memory_space<semaphore_mem>>) {add = true}
        %dma_wait3A_318 = arith.constant 0 : i32
        %dma_wait3A_319 = tpu.memref_slice %arg7[%run_scoped3A_164, %dma_wait3A_318] : memref<2x128xi32, #tpu.memory_space<vmem>> -> memref<1x128xi32, #tpu.memory_space<vmem>>
        %dma_wait3A_320 = tpu.memref_squeeze %dma_wait3A_319 : memref<1x128xi32, #tpu.memory_space<vmem>> -> memref<128xi32, #tpu.memory_space<vmem>>
        %dma_wait3A_321 = arith.constant 0 : i32
        %dma_wait3A_322 = arith.constant 0 : i32
        %dma_wait3A_323 = tpu.memref_slice %arg11[%dma_wait3A_321, %dma_wait3A_322] : memref<10240x128xf32, #tpu.memory_space<vmem_shared>> -> memref<10240x128xf32, #tpu.memory_space<vmem_shared>>
        tpu.wait_indirect_dma semaphore(%run_scoped3A_311 : memref<!tpu.dma_semaphore, #tpu.memory_space<semaphore_mem>>) src(%arg10 : memref<128x128xf32, #tpu.memory_space<vmem>>) dst(%dma_wait3A_323 : memref<10240x128xf32, #tpu.memory_space<vmem_shared>>)
        tpu.yield
      }) : () -> ()
      %add3A_165 = arith.constant 4 : i32
      %add3A_166 = arith.addi %mul3A_108, %add3A_165 : i32
      %dma_start3A_167 = arith.constant 0 : i32
      %dma_start3A_168 = arith.constant 0 : i32
      %dma_start3A_169 = tpu.memref_slice %arg3[%add3A, %add3A_166, %dma_start3A_167, %dma_start3A_168] : memref<32x81x2x128xi32, #tpu.memory_space<hbm>> -> memref<1x1x2x128xi32, #tpu.memory_space<hbm>>
      %dma_start3A_170 = tpu.memref_squeeze %dma_start3A_169 : memref<1x1x2x128xi32, #tpu.memory_space<hbm>> -> memref<2x128xi32, #tpu.memory_space<hbm>>
      %dma_start3A_171 = arith.constant 0 : i32
      %dma_start3A_172 = arith.constant 0 : i32
      %dma_start3A_173 = tpu.memref_slice %arg3[%add3A, %add3A_166, %dma_start3A_171, %dma_start3A_172] : memref<32x81x2x128xi32, #tpu.memory_space<hbm>> -> memref<1x1x2x128xi32, #tpu.memory_space<hbm>>
      %dma_start3A_174 = tpu.memref_squeeze %dma_start3A_173 : memref<1x1x2x128xi32, #tpu.memory_space<hbm>> -> memref<2x128xi32, #tpu.memory_space<hbm>>
      tpu.enqueue_dma source(%dma_start3A_174 : memref<2x128xi32, #tpu.memory_space<hbm>>) target(%arg7 : memref<2x128xi32, #tpu.memory_space<vmem>>) target_semaphore(%arg13 : memref<!tpu.dma_semaphore, #tpu.memory_space<semaphore_mem>>)
      %add3A_175 = arith.constant 2 : i32
      %add3A_176 = arith.addi %mul3A_108, %add3A_175 : i32
      %dma_wait3A_177 = arith.constant 0 : i32
      %dma_wait3A_178 = arith.constant 0 : i32
      %dma_wait3A_179 = arith.constant 0 : i32
      %dma_wait3A_180 = tpu.memref_slice %arg3[%add3A, %dma_wait3A_177, %dma_wait3A_178, %dma_wait3A_179] : memref<32x81x2x128xi32, #tpu.memory_space<hbm>> -> memref<1x1x2x128xi32, #tpu.memory_space<hbm>>
      %dma_wait3A_181 = tpu.memref_squeeze %dma_wait3A_180 : memref<1x1x2x128xi32, #tpu.memory_space<hbm>> -> memref<2x128xi32, #tpu.memory_space<hbm>>
      %dma_wait3A_182 = arith.constant 0 : i32
      %dma_wait3A_183 = arith.constant 0 : i32
      %dma_wait3A_184 = tpu.memref_slice %arg3[%add3A, %dma_wait3A_177, %dma_wait3A_182, %dma_wait3A_183] : memref<32x81x2x128xi32, #tpu.memory_space<hbm>> -> memref<1x1x2x128xi32, #tpu.memory_space<hbm>>
      %dma_wait3A_185 = tpu.memref_squeeze %dma_wait3A_184 : memref<1x1x2x128xi32, #tpu.memory_space<hbm>> -> memref<2x128xi32, #tpu.memory_space<hbm>>
      tpu.wait_dma2 semaphore(%arg12 : memref<!tpu.dma_semaphore, #tpu.memory_space<semaphore_mem>>) src(%dma_wait3A_185 : memref<2x128xi32, #tpu.memory_space<hbm>>) dst(%arg6 : memref<2x128xi32, #tpu.memory_space<vmem>>)
      %dma_start3A_186 = arith.constant 0 : i32
      %dma_start3A_187 = arith.constant 0 : i32
      %dma_start3A_188 = tpu.memref_slice %arg6[%dma_start3A_186, %dma_start3A_187] : memref<2x128xi32, #tpu.memory_space<vmem>> -> memref<1x128xi32, #tpu.memory_space<vmem>>
      %dma_start3A_189 = tpu.memref_squeeze %dma_start3A_188 : memref<1x128xi32, #tpu.memory_space<vmem>> -> memref<128xi32, #tpu.memory_space<vmem>>
      %dma_start3A_190 = arith.constant 0 : i32
      %dma_start3A_191 = arith.constant 0 : i32
      %dma_start3A_192 = tpu.memref_slice %arg2[%dma_start3A_190, %dma_start3A_191] : memref<10240x128xf32, #tpu.memory_space<hbm>> -> memref<10240x128xf32, #tpu.memory_space<hbm>>
      tpu.enqueue_indirect_dma source(%dma_start3A_192 : memref<10240x128xf32, #tpu.memory_space<hbm>>) target(%arg10 : memref<128x128xf32, #tpu.memory_space<vmem>>) offsets(%dma_start3A_189 : memref<128xi32, #tpu.memory_space<vmem>>) semaphore(%arg16 : memref<!tpu.dma_semaphore, #tpu.memory_space<semaphore_mem>>)
      %dma_wait3A_193 = arith.constant 0 : i32
      %dma_wait3A_194 = arith.constant 0 : i32
      %dma_wait3A_195 = tpu.memref_slice %arg2[%dma_wait3A_193, %dma_wait3A_194] : memref<10240x128xf32, #tpu.memory_space<hbm>> -> memref<128x128xf32, #tpu.memory_space<hbm>>
      %dma_wait3A_196 = arith.constant 0 : i32
      %dma_wait3A_197 = arith.constant 0 : i32
      %dma_wait3A_198 = tpu.memref_slice %arg2[%dma_wait3A_196, %dma_wait3A_197] : memref<10240x128xf32, #tpu.memory_space<hbm>> -> memref<128x128xf32, #tpu.memory_space<hbm>>
      tpu.wait_dma2 semaphore(%arg15 : memref<!tpu.dma_semaphore, #tpu.memory_space<semaphore_mem>>) src(%dma_wait3A_198 : memref<128x128xf32, #tpu.memory_space<hbm>>) dst(%arg9 : memref<128x128xf32, #tpu.memory_space<vmem>>)
      %run_scoped3A_199 = arith.constant 1 : i32
      "tpu.region"() ({
        %run_scoped3A_311 = tpu.sem_alloc : memref<!tpu.dma_semaphore, #tpu.memory_space<semaphore_mem>>
        %dma_start3A_312 = arith.constant 0 : i32
        %dma_start3A_313 = tpu.memref_slice %arg8[%run_scoped3A_199, %dma_start3A_312] : memref<2x128xi32, #tpu.memory_space<vmem>> -> memref<1x128xi32, #tpu.memory_space<vmem>>
        %dma_start3A_314 = tpu.memref_squeeze %dma_start3A_313 : memref<1x128xi32, #tpu.memory_space<vmem>> -> memref<128xi32, #tpu.memory_space<vmem>>
        %dma_start3A_315 = arith.constant 0 : i32
        %dma_start3A_316 = arith.constant 0 : i32
        %dma_start3A_317 = tpu.memref_slice %arg11[%dma_start3A_315, %dma_start3A_316] : memref<10240x128xf32, #tpu.memory_space<vmem_shared>> -> memref<10240x128xf32, #tpu.memory_space<vmem_shared>>
        tpu.enqueue_indirect_dma source(%arg9 : memref<128x128xf32, #tpu.memory_space<vmem>>) target(%dma_start3A_317 : memref<10240x128xf32, #tpu.memory_space<vmem_shared>>) offsets(%dma_start3A_314 : memref<128xi32, #tpu.memory_space<vmem>>) semaphore(%run_scoped3A_311 : memref<!tpu.dma_semaphore, #tpu.memory_space<semaphore_mem>>) {add = true}
        %dma_wait3A_318 = arith.constant 0 : i32
        %dma_wait3A_319 = tpu.memref_slice %arg8[%run_scoped3A_199, %dma_wait3A_318] : memref<2x128xi32, #tpu.memory_space<vmem>> -> memref<1x128xi32, #tpu.memory_space<vmem>>
        %dma_wait3A_320 = tpu.memref_squeeze %dma_wait3A_319 : memref<1x128xi32, #tpu.memory_space<vmem>> -> memref<128xi32, #tpu.memory_space<vmem>>
        %dma_wait3A_321 = arith.constant 0 : i32
        %dma_wait3A_322 = arith.constant 0 : i32
        %dma_wait3A_323 = tpu.memref_slice %arg11[%dma_wait3A_321, %dma_wait3A_322] : memref<10240x128xf32, #tpu.memory_space<vmem_shared>> -> memref<10240x128xf32, #tpu.memory_space<vmem_shared>>
        tpu.wait_indirect_dma semaphore(%run_scoped3A_311 : memref<!tpu.dma_semaphore, #tpu.memory_space<semaphore_mem>>) src(%arg9 : memref<128x128xf32, #tpu.memory_space<vmem>>) dst(%dma_wait3A_323 : memref<10240x128xf32, #tpu.memory_space<vmem_shared>>)
        tpu.yield
      }) : () -> ()
      %add3A_200 = arith.constant 3 : i32
      %add3A_201 = arith.addi %add3A_176, %add3A_200 : i32
      %dma_start3A_202 = arith.constant 0 : i32
      %dma_start3A_203 = arith.constant 0 : i32
      %dma_start3A_204 = tpu.memref_slice %arg3[%add3A, %add3A_201, %dma_start3A_202, %dma_start3A_203] : memref<32x81x2x128xi32, #tpu.memory_space<hbm>> -> memref<1x1x2x128xi32, #tpu.memory_space<hbm>>
      %dma_start3A_205 = tpu.memref_squeeze %dma_start3A_204 : memref<1x1x2x128xi32, #tpu.memory_space<hbm>> -> memref<2x128xi32, #tpu.memory_space<hbm>>
      %dma_start3A_206 = arith.constant 0 : i32
      %dma_start3A_207 = arith.constant 0 : i32
      %dma_start3A_208 = tpu.memref_slice %arg3[%add3A, %add3A_201, %dma_start3A_206, %dma_start3A_207] : memref<32x81x2x128xi32, #tpu.memory_space<hbm>> -> memref<1x1x2x128xi32, #tpu.memory_space<hbm>>
      %dma_start3A_209 = tpu.memref_squeeze %dma_start3A_208 : memref<1x1x2x128xi32, #tpu.memory_space<hbm>> -> memref<2x128xi32, #tpu.memory_space<hbm>>
      tpu.enqueue_dma source(%dma_start3A_209 : memref<2x128xi32, #tpu.memory_space<hbm>>) target(%arg8 : memref<2x128xi32, #tpu.memory_space<vmem>>) target_semaphore(%arg14 : memref<!tpu.dma_semaphore, #tpu.memory_space<semaphore_mem>>)
      %dma_wait3A_210 = arith.constant 0 : i32
      %dma_wait3A_211 = arith.constant 0 : i32
      %dma_wait3A_212 = arith.constant 0 : i32
      %dma_wait3A_213 = tpu.memref_slice %arg3[%add3A, %dma_wait3A_210, %dma_wait3A_211, %dma_wait3A_212] : memref<32x81x2x128xi32, #tpu.memory_space<hbm>> -> memref<1x1x2x128xi32, #tpu.memory_space<hbm>>
      %dma_wait3A_214 = tpu.memref_squeeze %dma_wait3A_213 : memref<1x1x2x128xi32, #tpu.memory_space<hbm>> -> memref<2x128xi32, #tpu.memory_space<hbm>>
      %dma_wait3A_215 = arith.constant 0 : i32
      %dma_wait3A_216 = arith.constant 0 : i32
      %dma_wait3A_217 = tpu.memref_slice %arg3[%add3A, %dma_wait3A_210, %dma_wait3A_215, %dma_wait3A_216] : memref<32x81x2x128xi32, #tpu.memory_space<hbm>> -> memref<1x1x2x128xi32, #tpu.memory_space<hbm>>
      %dma_wait3A_218 = tpu.memref_squeeze %dma_wait3A_217 : memref<1x1x2x128xi32, #tpu.memory_space<hbm>> -> memref<2x128xi32, #tpu.memory_space<hbm>>
      tpu.wait_dma2 semaphore(%arg13 : memref<!tpu.dma_semaphore, #tpu.memory_space<semaphore_mem>>) src(%dma_wait3A_218 : memref<2x128xi32, #tpu.memory_space<hbm>>) dst(%arg7 : memref<2x128xi32, #tpu.memory_space<vmem>>)
      %dma_start3A_219 = arith.constant 0 : i32
      %dma_start3A_220 = arith.constant 0 : i32
      %dma_start3A_221 = tpu.memref_slice %arg7[%dma_start3A_219, %dma_start3A_220] : memref<2x128xi32, #tpu.memory_space<vmem>> -> memref<1x128xi32, #tpu.memory_space<vmem>>
      %dma_start3A_222 = tpu.memref_squeeze %dma_start3A_221 : memref<1x128xi32, #tpu.memory_space<vmem>> -> memref<128xi32, #tpu.memory_space<vmem>>
      %dma_start3A_223 = arith.constant 0 : i32
      %dma_start3A_224 = arith.constant 0 : i32
      %dma_start3A_225 = tpu.memref_slice %arg2[%dma_start3A_223, %dma_start3A_224] : memref<10240x128xf32, #tpu.memory_space<hbm>> -> memref<10240x128xf32, #tpu.memory_space<hbm>>
      tpu.enqueue_indirect_dma source(%dma_start3A_225 : memref<10240x128xf32, #tpu.memory_space<hbm>>) target(%arg9 : memref<128x128xf32, #tpu.memory_space<vmem>>) offsets(%dma_start3A_222 : memref<128xi32, #tpu.memory_space<vmem>>) semaphore(%arg15 : memref<!tpu.dma_semaphore, #tpu.memory_space<semaphore_mem>>)
      %dma_wait3A_226 = arith.constant 0 : i32
      %dma_wait3A_227 = arith.constant 0 : i32
      %dma_wait3A_228 = tpu.memref_slice %arg2[%dma_wait3A_226, %dma_wait3A_227] : memref<10240x128xf32, #tpu.memory_space<hbm>> -> memref<128x128xf32, #tpu.memory_space<hbm>>
      %dma_wait3A_229 = arith.constant 0 : i32
      %dma_wait3A_230 = arith.constant 0 : i32
      %dma_wait3A_231 = tpu.memref_slice %arg2[%dma_wait3A_229, %dma_wait3A_230] : memref<10240x128xf32, #tpu.memory_space<hbm>> -> memref<128x128xf32, #tpu.memory_space<hbm>>
      tpu.wait_dma2 semaphore(%arg16 : memref<!tpu.dma_semaphore, #tpu.memory_space<semaphore_mem>>) src(%dma_wait3A_231 : memref<128x128xf32, #tpu.memory_space<hbm>>) dst(%arg10 : memref<128x128xf32, #tpu.memory_space<vmem>>)
      %run_scoped3A_232 = arith.constant 1 : i32
      "tpu.region"() ({
        %run_scoped3A_311 = tpu.sem_alloc : memref<!tpu.dma_semaphore, #tpu.memory_space<semaphore_mem>>
        %dma_start3A_312 = arith.constant 0 : i32
        %dma_start3A_313 = tpu.memref_slice %arg6[%run_scoped3A_232, %dma_start3A_312] : memref<2x128xi32, #tpu.memory_space<vmem>> -> memref<1x128xi32, #tpu.memory_space<vmem>>
        %dma_start3A_314 = tpu.memref_squeeze %dma_start3A_313 : memref<1x128xi32, #tpu.memory_space<vmem>> -> memref<128xi32, #tpu.memory_space<vmem>>
        %dma_start3A_315 = arith.constant 0 : i32
        %dma_start3A_316 = arith.constant 0 : i32
        %dma_start3A_317 = tpu.memref_slice %arg11[%dma_start3A_315, %dma_start3A_316] : memref<10240x128xf32, #tpu.memory_space<vmem_shared>> -> memref<10240x128xf32, #tpu.memory_space<vmem_shared>>
        tpu.enqueue_indirect_dma source(%arg10 : memref<128x128xf32, #tpu.memory_space<vmem>>) target(%dma_start3A_317 : memref<10240x128xf32, #tpu.memory_space<vmem_shared>>) offsets(%dma_start3A_314 : memref<128xi32, #tpu.memory_space<vmem>>) semaphore(%run_scoped3A_311 : memref<!tpu.dma_semaphore, #tpu.memory_space<semaphore_mem>>) {add = true}
        %dma_wait3A_318 = arith.constant 0 : i32
        %dma_wait3A_319 = tpu.memref_slice %arg6[%run_scoped3A_232, %dma_wait3A_318] : memref<2x128xi32, #tpu.memory_space<vmem>> -> memref<1x128xi32, #tpu.memory_space<vmem>>
        %dma_wait3A_320 = tpu.memref_squeeze %dma_wait3A_319 : memref<1x128xi32, #tpu.memory_space<vmem>> -> memref<128xi32, #tpu.memory_space<vmem>>
        %dma_wait3A_321 = arith.constant 0 : i32
        %dma_wait3A_322 = arith.constant 0 : i32
        %dma_wait3A_323 = tpu.memref_slice %arg11[%dma_wait3A_321, %dma_wait3A_322] : memref<10240x128xf32, #tpu.memory_space<vmem_shared>> -> memref<10240x128xf32, #tpu.memory_space<vmem_shared>>
        tpu.wait_indirect_dma semaphore(%run_scoped3A_311 : memref<!tpu.dma_semaphore, #tpu.memory_space<semaphore_mem>>) src(%arg10 : memref<128x128xf32, #tpu.memory_space<vmem>>) dst(%dma_wait3A_323 : memref<10240x128xf32, #tpu.memory_space<vmem_shared>>)
        tpu.yield
      }) : () -> ()
      %add3A_233 = arith.constant 4 : i32
      %add3A_234 = arith.addi %add3A_176, %add3A_233 : i32
      %dma_start3A_235 = arith.constant 0 : i32
      %dma_start3A_236 = arith.constant 0 : i32
      %dma_start3A_237 = tpu.memref_slice %arg3[%add3A, %add3A_234, %dma_start3A_235, %dma_start3A_236] : memref<32x81x2x128xi32, #tpu.memory_space<hbm>> -> memref<1x1x2x128xi32, #tpu.memory_space<hbm>>
      %dma_start3A_238 = tpu.memref_squeeze %dma_start3A_237 : memref<1x1x2x128xi32, #tpu.memory_space<hbm>> -> memref<2x128xi32, #tpu.memory_space<hbm>>
      %dma_start3A_239 = arith.constant 0 : i32
      %dma_start3A_240 = arith.constant 0 : i32
      %dma_start3A_241 = tpu.memref_slice %arg3[%add3A, %add3A_234, %dma_start3A_239, %dma_start3A_240] : memref<32x81x2x128xi32, #tpu.memory_space<hbm>> -> memref<1x1x2x128xi32, #tpu.memory_space<hbm>>
      %dma_start3A_242 = tpu.memref_squeeze %dma_start3A_241 : memref<1x1x2x128xi32, #tpu.memory_space<hbm>> -> memref<2x128xi32, #tpu.memory_space<hbm>>
      tpu.enqueue_dma source(%dma_start3A_242 : memref<2x128xi32, #tpu.memory_space<hbm>>) target(%arg6 : memref<2x128xi32, #tpu.memory_space<vmem>>) target_semaphore(%arg12 : memref<!tpu.dma_semaphore, #tpu.memory_space<semaphore_mem>>)
      %add3A_243 = arith.constant 4 : i32
      %add3A_244 = arith.addi %mul3A_108, %add3A_243 : i32
      %dma_wait3A_245 = arith.constant 0 : i32
      %dma_wait3A_246 = arith.constant 0 : i32
      %dma_wait3A_247 = arith.constant 0 : i32
      %dma_wait3A_248 = tpu.memref_slice %arg3[%add3A, %dma_wait3A_245, %dma_wait3A_246, %dma_wait3A_247] : memref<32x81x2x128xi32, #tpu.memory_space<hbm>> -> memref<1x1x2x128xi32, #tpu.memory_space<hbm>>
      %dma_wait3A_249 = tpu.memref_squeeze %dma_wait3A_248 : memref<1x1x2x128xi32, #tpu.memory_space<hbm>> -> memref<2x128xi32, #tpu.memory_space<hbm>>
      %dma_wait3A_250 = arith.constant 0 : i32
      %dma_wait3A_251 = arith.constant 0 : i32
      %dma_wait3A_252 = tpu.memref_slice %arg3[%add3A, %dma_wait3A_245, %dma_wait3A_250, %dma_wait3A_251] : memref<32x81x2x128xi32, #tpu.memory_space<hbm>> -> memref<1x1x2x128xi32, #tpu.memory_space<hbm>>
      %dma_wait3A_253 = tpu.memref_squeeze %dma_wait3A_252 : memref<1x1x2x128xi32, #tpu.memory_space<hbm>> -> memref<2x128xi32, #tpu.memory_space<hbm>>
      tpu.wait_dma2 semaphore(%arg14 : memref<!tpu.dma_semaphore, #tpu.memory_space<semaphore_mem>>) src(%dma_wait3A_253 : memref<2x128xi32, #tpu.memory_space<hbm>>) dst(%arg8 : memref<2x128xi32, #tpu.memory_space<vmem>>)
      %dma_start3A_254 = arith.constant 0 : i32
      %dma_start3A_255 = arith.constant 0 : i32
      %dma_start3A_256 = tpu.memref_slice %arg8[%dma_start3A_254, %dma_start3A_255] : memref<2x128xi32, #tpu.memory_space<vmem>> -> memref<1x128xi32, #tpu.memory_space<vmem>>
      %dma_start3A_257 = tpu.memref_squeeze %dma_start3A_256 : memref<1x128xi32, #tpu.memory_space<vmem>> -> memref<128xi32, #tpu.memory_space<vmem>>
      %dma_start3A_258 = arith.constant 0 : i32
      %dma_start3A_259 = arith.constant 0 : i32
      %dma_start3A_260 = tpu.memref_slice %arg2[%dma_start3A_258, %dma_start3A_259] : memref<10240x128xf32, #tpu.memory_space<hbm>> -> memref<10240x128xf32, #tpu.memory_space<hbm>>
      tpu.enqueue_indirect_dma source(%dma_start3A_260 : memref<10240x128xf32, #tpu.memory_space<hbm>>) target(%arg10 : memref<128x128xf32, #tpu.memory_space<vmem>>) offsets(%dma_start3A_257 : memref<128xi32, #tpu.memory_space<vmem>>) semaphore(%arg16 : memref<!tpu.dma_semaphore, #tpu.memory_space<semaphore_mem>>)
      %dma_wait3A_261 = arith.constant 0 : i32
      %dma_wait3A_262 = arith.constant 0 : i32
      %dma_wait3A_263 = tpu.memref_slice %arg2[%dma_wait3A_261, %dma_wait3A_262] : memref<10240x128xf32, #tpu.memory_space<hbm>> -> memref<128x128xf32, #tpu.memory_space<hbm>>
      %dma_wait3A_264 = arith.constant 0 : i32
      %dma_wait3A_265 = arith.constant 0 : i32
      %dma_wait3A_266 = tpu.memref_slice %arg2[%dma_wait3A_264, %dma_wait3A_265] : memref<10240x128xf32, #tpu.memory_space<hbm>> -> memref<128x128xf32, #tpu.memory_space<hbm>>
      tpu.wait_dma2 semaphore(%arg15 : memref<!tpu.dma_semaphore, #tpu.memory_space<semaphore_mem>>) src(%dma_wait3A_266 : memref<128x128xf32, #tpu.memory_space<hbm>>) dst(%arg9 : memref<128x128xf32, #tpu.memory_space<vmem>>)
      %run_scoped3A_267 = arith.constant 1 : i32
      "tpu.region"() ({
        %run_scoped3A_311 = tpu.sem_alloc : memref<!tpu.dma_semaphore, #tpu.memory_space<semaphore_mem>>
        %dma_start3A_312 = arith.constant 0 : i32
        %dma_start3A_313 = tpu.memref_slice %arg7[%run_scoped3A_267, %dma_start3A_312] : memref<2x128xi32, #tpu.memory_space<vmem>> -> memref<1x128xi32, #tpu.memory_space<vmem>>
        %dma_start3A_314 = tpu.memref_squeeze %dma_start3A_313 : memref<1x128xi32, #tpu.memory_space<vmem>> -> memref<128xi32, #tpu.memory_space<vmem>>
        %dma_start3A_315 = arith.constant 0 : i32
        %dma_start3A_316 = arith.constant 0 : i32
        %dma_start3A_317 = tpu.memref_slice %arg11[%dma_start3A_315, %dma_start3A_316] : memref<10240x128xf32, #tpu.memory_space<vmem_shared>> -> memref<10240x128xf32, #tpu.memory_space<vmem_shared>>
        tpu.enqueue_indirect_dma source(%arg9 : memref<128x128xf32, #tpu.memory_space<vmem>>) target(%dma_start3A_317 : memref<10240x128xf32, #tpu.memory_space<vmem_shared>>) offsets(%dma_start3A_314 : memref<128xi32, #tpu.memory_space<vmem>>) semaphore(%run_scoped3A_311 : memref<!tpu.dma_semaphore, #tpu.memory_space<semaphore_mem>>) {add = true}
        %dma_wait3A_318 = arith.constant 0 : i32
        %dma_wait3A_319 = tpu.memref_slice %arg7[%run_scoped3A_267, %dma_wait3A_318] : memref<2x128xi32, #tpu.memory_space<vmem>> -> memref<1x128xi32, #tpu.memory_space<vmem>>
        %dma_wait3A_320 = tpu.memref_squeeze %dma_wait3A_319 : memref<1x128xi32, #tpu.memory_space<vmem>> -> memref<128xi32, #tpu.memory_space<vmem>>
        %dma_wait3A_321 = arith.constant 0 : i32
        %dma_wait3A_322 = arith.constant 0 : i32
        %dma_wait3A_323 = tpu.memref_slice %arg11[%dma_wait3A_321, %dma_wait3A_322] : memref<10240x128xf32, #tpu.memory_space<vmem_shared>> -> memref<10240x128xf32, #tpu.memory_space<vmem_shared>>
        tpu.wait_indirect_dma semaphore(%run_scoped3A_311 : memref<!tpu.dma_semaphore, #tpu.memory_space<semaphore_mem>>) src(%arg9 : memref<128x128xf32, #tpu.memory_space<vmem>>) dst(%dma_wait3A_323 : memref<10240x128xf32, #tpu.memory_space<vmem_shared>>)
        tpu.yield
      }) : () -> ()
      %add3A_268 = arith.constant 3 : i32
      %add3A_269 = arith.addi %add3A_244, %add3A_268 : i32
      %dma_start3A_270 = arith.constant 0 : i32
      %dma_start3A_271 = arith.constant 0 : i32
      %dma_start3A_272 = tpu.memref_slice %arg3[%add3A, %add3A_269, %dma_start3A_270, %dma_start3A_271] : memref<32x81x2x128xi32, #tpu.memory_space<hbm>> -> memref<1x1x2x128xi32, #tpu.memory_space<hbm>>
      %dma_start3A_273 = tpu.memref_squeeze %dma_start3A_272 : memref<1x1x2x128xi32, #tpu.memory_space<hbm>> -> memref<2x128xi32, #tpu.memory_space<hbm>>
      %dma_start3A_274 = arith.constant 0 : i32
      %dma_start3A_275 = arith.constant 0 : i32
      %dma_start3A_276 = tpu.memref_slice %arg3[%add3A, %add3A_269, %dma_start3A_274, %dma_start3A_275] : memref<32x81x2x128xi32, #tpu.memory_space<hbm>> -> memref<1x1x2x128xi32, #tpu.memory_space<hbm>>
      %dma_start3A_277 = tpu.memref_squeeze %dma_start3A_276 : memref<1x1x2x128xi32, #tpu.memory_space<hbm>> -> memref<2x128xi32, #tpu.memory_space<hbm>>
      tpu.enqueue_dma source(%dma_start3A_277 : memref<2x128xi32, #tpu.memory_space<hbm>>) target(%arg7 : memref<2x128xi32, #tpu.memory_space<vmem>>) target_semaphore(%arg13 : memref<!tpu.dma_semaphore, #tpu.memory_space<semaphore_mem>>)
      %dma_wait3A_278 = arith.constant 0 : i32
      %dma_wait3A_279 = arith.constant 0 : i32
      %dma_wait3A_280 = arith.constant 0 : i32
      %dma_wait3A_281 = tpu.memref_slice %arg3[%add3A, %dma_wait3A_278, %dma_wait3A_279, %dma_wait3A_280] : memref<32x81x2x128xi32, #tpu.memory_space<hbm>> -> memref<1x1x2x128xi32, #tpu.memory_space<hbm>>
      %dma_wait3A_282 = tpu.memref_squeeze %dma_wait3A_281 : memref<1x1x2x128xi32, #tpu.memory_space<hbm>> -> memref<2x128xi32, #tpu.memory_space<hbm>>
      %dma_wait3A_283 = arith.constant 0 : i32
      %dma_wait3A_284 = arith.constant 0 : i32
      %dma_wait3A_285 = tpu.memref_slice %arg3[%add3A, %dma_wait3A_278, %dma_wait3A_283, %dma_wait3A_284] : memref<32x81x2x128xi32, #tpu.memory_space<hbm>> -> memref<1x1x2x128xi32, #tpu.memory_space<hbm>>
      %dma_wait3A_286 = tpu.memref_squeeze %dma_wait3A_285 : memref<1x1x2x128xi32, #tpu.memory_space<hbm>> -> memref<2x128xi32, #tpu.memory_space<hbm>>
      tpu.wait_dma2 semaphore(%arg12 : memref<!tpu.dma_semaphore, #tpu.memory_space<semaphore_mem>>) src(%dma_wait3A_286 : memref<2x128xi32, #tpu.memory_space<hbm>>) dst(%arg6 : memref<2x128xi32, #tpu.memory_space<vmem>>)
      %dma_start3A_287 = arith.constant 0 : i32
      %dma_start3A_288 = arith.constant 0 : i32
      %dma_start3A_289 = tpu.memref_slice %arg6[%dma_start3A_287, %dma_start3A_288] : memref<2x128xi32, #tpu.memory_space<vmem>> -> memref<1x128xi32, #tpu.memory_space<vmem>>
      %dma_start3A_290 = tpu.memref_squeeze %dma_start3A_289 : memref<1x128xi32, #tpu.memory_space<vmem>> -> memref<128xi32, #tpu.memory_space<vmem>>
      %dma_start3A_291 = arith.constant 0 : i32
      %dma_start3A_292 = arith.constant 0 : i32
      %dma_start3A_293 = tpu.memref_slice %arg2[%dma_start3A_291, %dma_start3A_292] : memref<10240x128xf32, #tpu.memory_space<hbm>> -> memref<10240x128xf32, #tpu.memory_space<hbm>>
      tpu.enqueue_indirect_dma source(%dma_start3A_293 : memref<10240x128xf32, #tpu.memory_space<hbm>>) target(%arg9 : memref<128x128xf32, #tpu.memory_space<vmem>>) offsets(%dma_start3A_290 : memref<128xi32, #tpu.memory_space<vmem>>) semaphore(%arg15 : memref<!tpu.dma_semaphore, #tpu.memory_space<semaphore_mem>>)
      %dma_wait3A_294 = arith.constant 0 : i32
      %dma_wait3A_295 = arith.constant 0 : i32
      %dma_wait3A_296 = tpu.memref_slice %arg2[%dma_wait3A_294, %dma_wait3A_295] : memref<10240x128xf32, #tpu.memory_space<hbm>> -> memref<128x128xf32, #tpu.memory_space<hbm>>
      %dma_wait3A_297 = arith.constant 0 : i32
      %dma_wait3A_298 = arith.constant 0 : i32
      %dma_wait3A_299 = tpu.memref_slice %arg2[%dma_wait3A_297, %dma_wait3A_298] : memref<10240x128xf32, #tpu.memory_space<hbm>> -> memref<128x128xf32, #tpu.memory_space<hbm>>
      tpu.wait_dma2 semaphore(%arg16 : memref<!tpu.dma_semaphore, #tpu.memory_space<semaphore_mem>>) src(%dma_wait3A_299 : memref<128x128xf32, #tpu.memory_space<hbm>>) dst(%arg10 : memref<128x128xf32, #tpu.memory_space<vmem>>)
      %run_scoped3A_300 = arith.constant 1 : i32
      "tpu.region"() ({
        %run_scoped3A_311 = tpu.sem_alloc : memref<!tpu.dma_semaphore, #tpu.memory_space<semaphore_mem>>
        %dma_start3A_312 = arith.constant 0 : i32
        %dma_start3A_313 = tpu.memref_slice %arg8[%run_scoped3A_300, %dma_start3A_312] : memref<2x128xi32, #tpu.memory_space<vmem>> -> memref<1x128xi32, #tpu.memory_space<vmem>>
        %dma_start3A_314 = tpu.memref_squeeze %dma_start3A_313 : memref<1x128xi32, #tpu.memory_space<vmem>> -> memref<128xi32, #tpu.memory_space<vmem>>
        %dma_start3A_315 = arith.constant 0 : i32
        %dma_start3A_316 = arith.constant 0 : i32
        %dma_start3A_317 = tpu.memref_slice %arg11[%dma_start3A_315, %dma_start3A_316] : memref<10240x128xf32, #tpu.memory_space<vmem_shared>> -> memref<10240x128xf32, #tpu.memory_space<vmem_shared>>
        tpu.enqueue_indirect_dma source(%arg10 : memref<128x128xf32, #tpu.memory_space<vmem>>) target(%dma_start3A_317 : memref<10240x128xf32, #tpu.memory_space<vmem_shared>>) offsets(%dma_start3A_314 : memref<128xi32, #tpu.memory_space<vmem>>) semaphore(%run_scoped3A_311 : memref<!tpu.dma_semaphore, #tpu.memory_space<semaphore_mem>>) {add = true}
        %dma_wait3A_318 = arith.constant 0 : i32
        %dma_wait3A_319 = tpu.memref_slice %arg8[%run_scoped3A_300, %dma_wait3A_318] : memref<2x128xi32, #tpu.memory_space<vmem>> -> memref<1x128xi32, #tpu.memory_space<vmem>>
        %dma_wait3A_320 = tpu.memref_squeeze %dma_wait3A_319 : memref<1x128xi32, #tpu.memory_space<vmem>> -> memref<128xi32, #tpu.memory_space<vmem>>
        %dma_wait3A_321 = arith.constant 0 : i32
        %dma_wait3A_322 = arith.constant 0 : i32
        %dma_wait3A_323 = tpu.memref_slice %arg11[%dma_wait3A_321, %dma_wait3A_322] : memref<10240x128xf32, #tpu.memory_space<vmem_shared>> -> memref<10240x128xf32, #tpu.memory_space<vmem_shared>>
        tpu.wait_indirect_dma semaphore(%run_scoped3A_311 : memref<!tpu.dma_semaphore, #tpu.memory_space<semaphore_mem>>) src(%arg10 : memref<128x128xf32, #tpu.memory_space<vmem>>) dst(%dma_wait3A_323 : memref<10240x128xf32, #tpu.memory_space<vmem_shared>>)
        tpu.yield
      }) : () -> ()
      %add3A_301 = arith.constant 4 : i32
      %add3A_302 = arith.addi %add3A_244, %add3A_301 : i32
      %dma_start3A_303 = arith.constant 0 : i32
      %dma_start3A_304 = arith.constant 0 : i32
      %dma_start3A_305 = tpu.memref_slice %arg3[%add3A, %add3A_302, %dma_start3A_303, %dma_start3A_304] : memref<32x81x2x128xi32, #tpu.memory_space<hbm>> -> memref<1x1x2x128xi32, #tpu.memory_space<hbm>>
      %dma_start3A_306 = tpu.memref_squeeze %dma_start3A_305 : memref<1x1x2x128xi32, #tpu.memory_space<hbm>> -> memref<2x128xi32, #tpu.memory_space<hbm>>
      %dma_start3A_307 = arith.constant 0 : i32
      %dma_start3A_308 = arith.constant 0 : i32
      %dma_start3A_309 = tpu.memref_slice %arg3[%add3A, %add3A_302, %dma_start3A_307, %dma_start3A_308] : memref<32x81x2x128xi32, #tpu.memory_space<hbm>> -> memref<1x1x2x128xi32, #tpu.memory_space<hbm>>
      %dma_start3A_310 = tpu.memref_squeeze %dma_start3A_309 : memref<1x1x2x128xi32, #tpu.memory_space<hbm>> -> memref<2x128xi32, #tpu.memory_space<hbm>>
      tpu.enqueue_dma source(%dma_start3A_310 : memref<2x128xi32, #tpu.memory_space<hbm>>) target(%arg8 : memref<2x128xi32, #tpu.memory_space<vmem>>) target_semaphore(%arg14 : memref<!tpu.dma_semaphore, #tpu.memory_space<semaphore_mem>>)
    }
    %scan3A_48 = arith.constant 13 : i32
    %dma_wait3A_49 = arith.constant 0 : i32
    %dma_wait3A_50 = arith.constant 0 : i32
    %dma_wait3A_51 = arith.constant 0 : i32
    %dma_wait3A_52 = tpu.memref_slice %arg3[%add3A, %dma_wait3A_49, %dma_wait3A_50, %dma_wait3A_51] : memref<32x81x2x128xi32, #tpu.memory_space<hbm>> -> memref<1x1x2x128xi32, #tpu.memory_space<hbm>>
    %dma_wait3A_53 = tpu.memref_squeeze %dma_wait3A_52 : memref<1x1x2x128xi32, #tpu.memory_space<hbm>> -> memref<2x128xi32, #tpu.memory_space<hbm>>
    %dma_wait3A_54 = arith.constant 0 : i32
    %dma_wait3A_55 = arith.constant 0 : i32
    %dma_wait3A_56 = tpu.memref_slice %arg3[%add3A, %dma_wait3A_49, %dma_wait3A_54, %dma_wait3A_55] : memref<32x81x2x128xi32, #tpu.memory_space<hbm>> -> memref<1x1x2x128xi32, #tpu.memory_space<hbm>>
    %dma_wait3A_57 = tpu.memref_squeeze %dma_wait3A_56 : memref<1x1x2x128xi32, #tpu.memory_space<hbm>> -> memref<2x128xi32, #tpu.memory_space<hbm>>
    tpu.wait_dma2 semaphore(%arg13 : memref<!tpu.dma_semaphore, #tpu.memory_space<semaphore_mem>>) src(%dma_wait3A_57 : memref<2x128xi32, #tpu.memory_space<hbm>>) dst(%arg7 : memref<2x128xi32, #tpu.memory_space<vmem>>)
    %dma_start3A_58 = arith.constant 0 : i32
    %dma_start3A_59 = arith.constant 0 : i32
    %dma_start3A_60 = tpu.memref_slice %arg7[%dma_start3A_58, %dma_start3A_59] : memref<2x128xi32, #tpu.memory_space<vmem>> -> memref<1x128xi32, #tpu.memory_space<vmem>>
    %dma_start3A_61 = tpu.memref_squeeze %dma_start3A_60 : memref<1x128xi32, #tpu.memory_space<vmem>> -> memref<128xi32, #tpu.memory_space<vmem>>
    %dma_start3A_62 = arith.constant 0 : i32
    %dma_start3A_63 = arith.constant 0 : i32
    %dma_start3A_64 = tpu.memref_slice %arg2[%dma_start3A_62, %dma_start3A_63] : memref<10240x128xf32, #tpu.memory_space<hbm>> -> memref<10240x128xf32, #tpu.memory_space<hbm>>
    tpu.enqueue_indirect_dma source(%dma_start3A_64 : memref<10240x128xf32, #tpu.memory_space<hbm>>) target(%arg10 : memref<128x128xf32, #tpu.memory_space<vmem>>) offsets(%dma_start3A_61 : memref<128xi32, #tpu.memory_space<vmem>>) semaphore(%arg16 : memref<!tpu.dma_semaphore, #tpu.memory_space<semaphore_mem>>)
    %dma_wait3A_65 = arith.constant 0 : i32
    %dma_wait3A_66 = arith.constant 0 : i32
    %dma_wait3A_67 = tpu.memref_slice %arg2[%dma_wait3A_65, %dma_wait3A_66] : memref<10240x128xf32, #tpu.memory_space<hbm>> -> memref<128x128xf32, #tpu.memory_space<hbm>>
    %dma_wait3A_68 = arith.constant 0 : i32
    %dma_wait3A_69 = arith.constant 0 : i32
    %dma_wait3A_70 = tpu.memref_slice %arg2[%dma_wait3A_68, %dma_wait3A_69] : memref<10240x128xf32, #tpu.memory_space<hbm>> -> memref<128x128xf32, #tpu.memory_space<hbm>>
    tpu.wait_dma2 semaphore(%arg15 : memref<!tpu.dma_semaphore, #tpu.memory_space<semaphore_mem>>) src(%dma_wait3A_70 : memref<128x128xf32, #tpu.memory_space<hbm>>) dst(%arg9 : memref<128x128xf32, #tpu.memory_space<vmem>>)
    %run_scoped3A = arith.constant 1 : i32
    "tpu.region"() ({
      %run_scoped3A_106 = tpu.sem_alloc : memref<!tpu.dma_semaphore, #tpu.memory_space<semaphore_mem>>
      %dma_start3A_107 = arith.constant 0 : i32
      %dma_start3A_108 = tpu.memref_slice %arg6[%run_scoped3A, %dma_start3A_107] : memref<2x128xi32, #tpu.memory_space<vmem>> -> memref<1x128xi32, #tpu.memory_space<vmem>>
      %dma_start3A_109 = tpu.memref_squeeze %dma_start3A_108 : memref<1x128xi32, #tpu.memory_space<vmem>> -> memref<128xi32, #tpu.memory_space<vmem>>
      %dma_start3A_110 = arith.constant 0 : i32
      %dma_start3A_111 = arith.constant 0 : i32
      %dma_start3A_112 = tpu.memref_slice %arg11[%dma_start3A_110, %dma_start3A_111] : memref<10240x128xf32, #tpu.memory_space<vmem_shared>> -> memref<10240x128xf32, #tpu.memory_space<vmem_shared>>
      tpu.enqueue_indirect_dma source(%arg9 : memref<128x128xf32, #tpu.memory_space<vmem>>) target(%dma_start3A_112 : memref<10240x128xf32, #tpu.memory_space<vmem_shared>>) offsets(%dma_start3A_109 : memref<128xi32, #tpu.memory_space<vmem>>) semaphore(%run_scoped3A_106 : memref<!tpu.dma_semaphore, #tpu.memory_space<semaphore_mem>>) {add = true}
      %dma_wait3A_113 = arith.constant 0 : i32
      %dma_wait3A_114 = tpu.memref_slice %arg6[%run_scoped3A, %dma_wait3A_113] : memref<2x128xi32, #tpu.memory_space<vmem>> -> memref<1x128xi32, #tpu.memory_space<vmem>>
      %dma_wait3A_115 = tpu.memref_squeeze %dma_wait3A_114 : memref<1x128xi32, #tpu.memory_space<vmem>> -> memref<128xi32, #tpu.memory_space<vmem>>
      %dma_wait3A_116 = arith.constant 0 : i32
      %dma_wait3A_117 = arith.constant 0 : i32
      %dma_wait3A_118 = tpu.memref_slice %arg11[%dma_wait3A_116, %dma_wait3A_117] : memref<10240x128xf32, #tpu.memory_space<vmem_shared>> -> memref<10240x128xf32, #tpu.memory_space<vmem_shared>>
      tpu.wait_indirect_dma semaphore(%run_scoped3A_106 : memref<!tpu.dma_semaphore, #tpu.memory_space<semaphore_mem>>) src(%arg9 : memref<128x128xf32, #tpu.memory_space<vmem>>) dst(%dma_wait3A_118 : memref<10240x128xf32, #tpu.memory_space<vmem_shared>>)
      tpu.yield
    }) : () -> ()
    %dma_wait3A_71 = arith.constant 0 : i32
    %dma_wait3A_72 = arith.constant 0 : i32
    %dma_wait3A_73 = arith.constant 0 : i32
    %dma_wait3A_74 = tpu.memref_slice %arg3[%add3A, %dma_wait3A_71, %dma_wait3A_72, %dma_wait3A_73] : memref<32x81x2x128xi32, #tpu.memory_space<hbm>> -> memref<1x1x2x128xi32, #tpu.memory_space<hbm>>
    %dma_wait3A_75 = tpu.memref_squeeze %dma_wait3A_74 : memref<1x1x2x128xi32, #tpu.memory_space<hbm>> -> memref<2x128xi32, #tpu.memory_space<hbm>>
    %dma_wait3A_76 = arith.constant 0 : i32
    %dma_wait3A_77 = arith.constant 0 : i32
    %dma_wait3A_78 = tpu.memref_slice %arg3[%add3A, %dma_wait3A_71, %dma_wait3A_76, %dma_wait3A_77] : memref<32x81x2x128xi32, #tpu.memory_space<hbm>> -> memref<1x1x2x128xi32, #tpu.memory_space<hbm>>
    %dma_wait3A_79 = tpu.memref_squeeze %dma_wait3A_78 : memref<1x1x2x128xi32, #tpu.memory_space<hbm>> -> memref<2x128xi32, #tpu.memory_space<hbm>>
    tpu.wait_dma2 semaphore(%arg14 : memref<!tpu.dma_semaphore, #tpu.memory_space<semaphore_mem>>) src(%dma_wait3A_79 : memref<2x128xi32, #tpu.memory_space<hbm>>) dst(%arg8 : memref<2x128xi32, #tpu.memory_space<vmem>>)
    %dma_start3A_80 = arith.constant 0 : i32
    %dma_start3A_81 = arith.constant 0 : i32
    %dma_start3A_82 = tpu.memref_slice %arg8[%dma_start3A_80, %dma_start3A_81] : memref<2x128xi32, #tpu.memory_space<vmem>> -> memref<1x128xi32, #tpu.memory_space<vmem>>
    %dma_start3A_83 = tpu.memref_squeeze %dma_start3A_82 : memref<1x128xi32, #tpu.memory_space<vmem>> -> memref<128xi32, #tpu.memory_space<vmem>>
    %dma_start3A_84 = arith.constant 0 : i32
    %dma_start3A_85 = arith.constant 0 : i32
    %dma_start3A_86 = tpu.memref_slice %arg2[%dma_start3A_84, %dma_start3A_85] : memref<10240x128xf32, #tpu.memory_space<hbm>> -> memref<10240x128xf32, #tpu.memory_space<hbm>>
    tpu.enqueue_indirect_dma source(%dma_start3A_86 : memref<10240x128xf32, #tpu.memory_space<hbm>>) target(%arg9 : memref<128x128xf32, #tpu.memory_space<vmem>>) offsets(%dma_start3A_83 : memref<128xi32, #tpu.memory_space<vmem>>) semaphore(%arg15 : memref<!tpu.dma_semaphore, #tpu.memory_space<semaphore_mem>>)
    %dma_wait3A_87 = arith.constant 0 : i32
    %dma_wait3A_88 = arith.constant 0 : i32
    %dma_wait3A_89 = tpu.memref_slice %arg2[%dma_wait3A_87, %dma_wait3A_88] : memref<10240x128xf32, #tpu.memory_space<hbm>> -> memref<128x128xf32, #tpu.memory_space<hbm>>
    %dma_wait3A_90 = arith.constant 0 : i32
    %dma_wait3A_91 = arith.constant 0 : i32
    %dma_wait3A_92 = tpu.memref_slice %arg2[%dma_wait3A_90, %dma_wait3A_91] : memref<10240x128xf32, #tpu.memory_space<hbm>> -> memref<128x128xf32, #tpu.memory_space<hbm>>
    tpu.wait_dma2 semaphore(%arg16 : memref<!tpu.dma_semaphore, #tpu.memory_space<semaphore_mem>>) src(%dma_wait3A_92 : memref<128x128xf32, #tpu.memory_space<hbm>>) dst(%arg10 : memref<128x128xf32, #tpu.memory_space<vmem>>)
    %run_scoped3A_93 = arith.constant 1 : i32
    "tpu.region"() ({
      %run_scoped3A_106 = tpu.sem_alloc : memref<!tpu.dma_semaphore, #tpu.memory_space<semaphore_mem>>
      %dma_start3A_107 = arith.constant 0 : i32
      %dma_start3A_108 = tpu.memref_slice %arg7[%run_scoped3A_93, %dma_start3A_107] : memref<2x128xi32, #tpu.memory_space<vmem>> -> memref<1x128xi32, #tpu.memory_space<vmem>>
      %dma_start3A_109 = tpu.memref_squeeze %dma_start3A_108 : memref<1x128xi32, #tpu.memory_space<vmem>> -> memref<128xi32, #tpu.memory_space<vmem>>
      %dma_start3A_110 = arith.constant 0 : i32
      %dma_start3A_111 = arith.constant 0 : i32
      %dma_start3A_112 = tpu.memref_slice %arg11[%dma_start3A_110, %dma_start3A_111] : memref<10240x128xf32, #tpu.memory_space<vmem_shared>> -> memref<10240x128xf32, #tpu.memory_space<vmem_shared>>
      tpu.enqueue_indirect_dma source(%arg10 : memref<128x128xf32, #tpu.memory_space<vmem>>) target(%dma_start3A_112 : memref<10240x128xf32, #tpu.memory_space<vmem_shared>>) offsets(%dma_start3A_109 : memref<128xi32, #tpu.memory_space<vmem>>) semaphore(%run_scoped3A_106 : memref<!tpu.dma_semaphore, #tpu.memory_space<semaphore_mem>>) {add = true}
      %dma_wait3A_113 = arith.constant 0 : i32
      %dma_wait3A_114 = tpu.memref_slice %arg7[%run_scoped3A_93, %dma_wait3A_113] : memref<2x128xi32, #tpu.memory_space<vmem>> -> memref<1x128xi32, #tpu.memory_space<vmem>>
      %dma_wait3A_115 = tpu.memref_squeeze %dma_wait3A_114 : memref<1x128xi32, #tpu.memory_space<vmem>> -> memref<128xi32, #tpu.memory_space<vmem>>
      %dma_wait3A_116 = arith.constant 0 : i32
      %dma_wait3A_117 = arith.constant 0 : i32
      %dma_wait3A_118 = tpu.memref_slice %arg11[%dma_wait3A_116, %dma_wait3A_117] : memref<10240x128xf32, #tpu.memory_space<vmem_shared>> -> memref<10240x128xf32, #tpu.memory_space<vmem_shared>>
      tpu.wait_indirect_dma semaphore(%run_scoped3A_106 : memref<!tpu.dma_semaphore, #tpu.memory_space<semaphore_mem>>) src(%arg10 : memref<128x128xf32, #tpu.memory_space<vmem>>) dst(%dma_wait3A_118 : memref<10240x128xf32, #tpu.memory_space<vmem_shared>>)
      tpu.yield
    }) : () -> ()
    %dma_wait3A_94 = arith.constant 0 : i32
    %dma_wait3A_95 = arith.constant 0 : i32
    %dma_wait3A_96 = tpu.memref_slice %arg2[%dma_wait3A_94, %dma_wait3A_95] : memref<10240x128xf32, #tpu.memory_space<hbm>> -> memref<128x128xf32, #tpu.memory_space<hbm>>
    %dma_wait3A_97 = arith.constant 0 : i32
    %dma_wait3A_98 = arith.constant 0 : i32
    %dma_wait3A_99 = tpu.memref_slice %arg2[%dma_wait3A_97, %dma_wait3A_98] : memref<10240x128xf32, #tpu.memory_space<hbm>> -> memref<128x128xf32, #tpu.memory_space<hbm>>
    tpu.wait_dma2 semaphore(%arg15 : memref<!tpu.dma_semaphore, #tpu.memory_space<semaphore_mem>>) src(%dma_wait3A_99 : memref<128x128xf32, #tpu.memory_space<hbm>>) dst(%arg9 : memref<128x128xf32, #tpu.memory_space<vmem>>)
    %run_scoped3A_100 = arith.constant 1 : i32
    "tpu.region"() ({
      %run_scoped3A_106 = tpu.sem_alloc : memref<!tpu.dma_semaphore, #tpu.memory_space<semaphore_mem>>
      %dma_start3A_107 = arith.constant 0 : i32
      %dma_start3A_108 = tpu.memref_slice %arg8[%run_scoped3A_100, %dma_start3A_107] : memref<2x128xi32, #tpu.memory_space<vmem>> -> memref<1x128xi32, #tpu.memory_space<vmem>>
      %dma_start3A_109 = tpu.memref_squeeze %dma_start3A_108 : memref<1x128xi32, #tpu.memory_space<vmem>> -> memref<128xi32, #tpu.memory_space<vmem>>
      %dma_start3A_110 = arith.constant 0 : i32
      %dma_start3A_111 = arith.constant 0 : i32
      %dma_start3A_112 = tpu.memref_slice %arg11[%dma_start3A_110, %dma_start3A_111] : memref<10240x128xf32, #tpu.memory_space<vmem_shared>> -> memref<10240x128xf32, #tpu.memory_space<vmem_shared>>
      tpu.enqueue_indirect_dma source(%arg9 : memref<128x128xf32, #tpu.memory_space<vmem>>) target(%dma_start3A_112 : memref<10240x128xf32, #tpu.memory_space<vmem_shared>>) offsets(%dma_start3A_109 : memref<128xi32, #tpu.memory_space<vmem>>) semaphore(%run_scoped3A_106 : memref<!tpu.dma_semaphore, #tpu.memory_space<semaphore_mem>>) {add = true}
      %dma_wait3A_113 = arith.constant 0 : i32
      %dma_wait3A_114 = tpu.memref_slice %arg8[%run_scoped3A_100, %dma_wait3A_113] : memref<2x128xi32, #tpu.memory_space<vmem>> -> memref<1x128xi32, #tpu.memory_space<vmem>>
      %dma_wait3A_115 = tpu.memref_squeeze %dma_wait3A_114 : memref<1x128xi32, #tpu.memory_space<vmem>> -> memref<128xi32, #tpu.memory_space<vmem>>
      %dma_wait3A_116 = arith.constant 0 : i32
      %dma_wait3A_117 = arith.constant 0 : i32
      %dma_wait3A_118 = tpu.memref_slice %arg11[%dma_wait3A_116, %dma_wait3A_117] : memref<10240x128xf32, #tpu.memory_space<vmem_shared>> -> memref<10240x128xf32, #tpu.memory_space<vmem_shared>>
      tpu.wait_indirect_dma semaphore(%run_scoped3A_106 : memref<!tpu.dma_semaphore, #tpu.memory_space<semaphore_mem>>) src(%arg9 : memref<128x128xf32, #tpu.memory_space<vmem>>) dst(%dma_wait3A_118 : memref<10240x128xf32, #tpu.memory_space<vmem_shared>>)
      tpu.yield
    }) : () -> ()
    %barrier3A_101 = arith.constant 0 : index
    tpu.barrier barrier_id(%barrier3A_101)
    %mul3A_102 = arith.constant 640 : i32
    %mul3A_103 = arith.muli %arg1, %mul3A_102 : i32
    %mul3A_104 = arith.constant 640 : i32
    %mul3A_105 = arith.muli %arg1, %mul3A_104 : i32
    "tpu.region"() ({
      %run_scoped3A_106 = tpu.sem_alloc : memref<!tpu.dma_semaphore, #tpu.memory_space<semaphore_mem>>
      %dma_start3A_107 = arith.constant 0 : i32
      %dma_start3A_108 = arith.constant 0 : i32
      %dma_start3A_109 = tpu.memref_slice %arg5[%arg0, %dma_start3A_107, %dma_start3A_108] : memref<2x10240x128xf32, #tpu.memory_space<hbm>> -> memref<1x10240x128xf32, #tpu.memory_space<hbm>>
      %dma_start3A_110 = tpu.memref_squeeze %dma_start3A_109 : memref<1x10240x128xf32, #tpu.memory_space<hbm>> -> memref<10240x128xf32, #tpu.memory_space<hbm>>
      %dma_start3A_111 = arith.constant 0 : i32
      %dma_start3A_112 = tpu.memref_slice %dma_start3A_110[%mul3A_105, %dma_start3A_111] : memref<10240x128xf32, #tpu.memory_space<hbm>> -> memref<640x128xf32, #tpu.memory_space<hbm>>
      %dma_start3A_113 = arith.constant 0 : i32
      %dma_start3A_114 = tpu.memref_slice %arg11[%mul3A_103, %dma_start3A_113] : memref<10240x128xf32, #tpu.memory_space<vmem_shared>> -> memref<640x128xf32, #tpu.memory_space<vmem_shared>>
      tpu.enqueue_dma source(%dma_start3A_114 : memref<640x128xf32, #tpu.memory_space<vmem_shared>>) target(%dma_start3A_112 : memref<640x128xf32, #tpu.memory_space<hbm>>) target_semaphore(%run_scoped3A_106 : memref<!tpu.dma_semaphore, #tpu.memory_space<semaphore_mem>>)
      %dma_wait3A_115 = arith.constant 0 : i32
      %dma_wait3A_116 = arith.constant 0 : i32
      %dma_wait3A_117 = tpu.memref_slice %arg5[%arg0, %dma_wait3A_115, %dma_wait3A_116] : memref<2x10240x128xf32, #tpu.memory_space<hbm>> -> memref<1x10240x128xf32, #tpu.memory_space<hbm>>
      %dma_wait3A_118 = tpu.memref_squeeze %dma_wait3A_117 : memref<1x10240x128xf32, #tpu.memory_space<hbm>> -> memref<10240x128xf32, #tpu.memory_space<hbm>>
      %dma_wait3A_119 = arith.constant 0 : i32
      %dma_wait3A_120 = tpu.memref_slice %dma_wait3A_118[%mul3A_105, %dma_wait3A_119] : memref<10240x128xf32, #tpu.memory_space<hbm>> -> memref<640x128xf32, #tpu.memory_space<hbm>>
      %dma_wait3A_121 = arith.constant 0 : i32
      %dma_wait3A_122 = tpu.memref_slice %arg11[%mul3A_103, %dma_wait3A_121] : memref<10240x128xf32, #tpu.memory_space<vmem_shared>> -> memref<640x128xf32, #tpu.memory_space<vmem_shared>>
      tpu.wait_dma2 semaphore(%run_scoped3A_106 : memref<!tpu.dma_semaphore, #tpu.memory_space<semaphore_mem>>) src(%dma_wait3A_122 : memref<640x128xf32, #tpu.memory_space<vmem_shared>>) dst(%dma_wait3A_120 : memref<640x128xf32, #tpu.memory_space<hbm>>)
      tpu.yield
    }) : () -> ()
    return
  }
}

module attributes {stable_mosaic.version = 14 : i64} {
  func.func @_mm1_body(%arg0: i32, %arg1: memref<1024x128xf32, #tpu.memory_space<vmem>>, %arg2: memref<128x128xf32, #tpu.memory_space<vmem>>, %arg3: memref<2x1024x1xf32, #tpu.memory_space<vmem>>, %arg4: memref<1024x128xf32, #tpu.memory_space<vmem>>, %arg5: memref<1024x1xf32, #tpu.memory_space<vmem>>) attributes {dimension_semantics = [#tpu.dimension_semantics<arbitrary>], iteration_bounds = array<i64: 10>, scalar_prefetch = 0 : i64, scratch_operands = 0 : i64, tpu.core_type = #tpu.core_type<tc>, window_params = [{transform_indices = @transform_0, window_bounds = array<i64: 1024, 128>}, {pipeline_mode = #tpu.pipeline_mode<synchronous>, transform_indices = @transform_1, window_bounds = array<i64: 128, 128>}, {transform_indices = @transform_2, window_bounds = array<i64: 2, 1024, 1>}, {transform_indices = @transform_3, window_bounds = array<i64: 1024, 128>}, {transform_indices = @transform_4, window_bounds = array<i64: 1024, 1>}]} {
    %get3A = arith.constant 0 : index
    %get3A_0 = arith.constant 0 : index
    %get3A_1 = arith.constant 0 : index
    %get3A_2 = vector.load %arg3[%get3A, %get3A_0, %get3A_1] : memref<2x1024x1xf32, #tpu.memory_space<vmem>>, vector<1x1024x1xf32>
    %get3A_3 = vector.shape_cast %get3A_2 : vector<1x1024x1xf32> to vector<1024x1xf32>
    %get3A_4 = arith.constant 1 : index
    %get3A_5 = arith.constant 0 : index
    %get3A_6 = arith.constant 0 : index
    %get3A_7 = vector.load %arg3[%get3A_4, %get3A_5, %get3A_6] : memref<2x1024x1xf32, #tpu.memory_space<vmem>>, vector<1x1024x1xf32>
    %get3A_8 = vector.shape_cast %get3A_7 : vector<1x1024x1xf32> to vector<1024x1xf32>
    %add3A = arith.addf %get3A_3, %get3A_8 : vector<1024x1xf32>
    %gt3A = arith.constant 0.000000e+00 : f32
    %gt3A_9 = vector.broadcast %gt3A : f32 to vector<1024x1xf32>
    %gt3A_10 = arith.cmpf ogt, %add3A, %gt3A_9 : vector<1024x1xf32>
    %rsqrt3A = math.rsqrt %add3A : vector<1024x1xf32>
    %jit3A = arith.constant 0.000000e+00 : f32
    %broadcast_in_dim3A = vector.broadcast %jit3A : f32 to vector<1024x1xf32>
    %select_n3A = arith.select %gt3A_10, %rsqrt3A, %broadcast_in_dim3A : vector<1024x1xi1>, vector<1024x1xf32>
    %swap3A = arith.constant 0 : index
    %swap3A_11 = arith.constant 0 : index
    %swap3A_12 = vector.load %arg5[%swap3A, %swap3A_11] : memref<1024x1xf32, #tpu.memory_space<vmem>>, vector<1024x1xf32>
    tpu.vector_store %arg5[%swap3A, %swap3A_11], %select_n3A {strides = array<i32>} : memref<1024x1xf32, #tpu.memory_space<vmem>>, vector<1024x1xf32>,
    %get3A_13 = arith.constant 0 : index
    %get3A_14 = arith.constant 0 : index
    %get3A_15 = vector.load %arg1[%get3A_13, %get3A_14] : memref<1024x128xf32, #tpu.memory_space<vmem>>, vector<1024x128xf32>
    %get3A_16 = arith.constant 0 : index
    %get3A_17 = arith.constant 0 : index
    %get3A_18 = vector.load %arg2[%get3A_16, %get3A_17] : memref<128x128xf32, #tpu.memory_space<vmem>>, vector<128x128xf32>
    %dot_general3A = arith.constant dense<0.000000e+00> : vector<1024x128xf32>
    %dot_general3A_19 = tpu.matmul %get3A_15, %get3A_18, %dot_general3A {dimension_numbers = #tpu.dot_dimension_numbers<[1], [0], [0], [1], [0, 0, 1, 1], [], []>, transpose_lhs_hint = false} : vector<1024x128xf32>, vector<128x128xf32>, vector<1024x128xf32> -> vector<1024x128xf32>
    %mul3A = vector.broadcast %select_n3A : vector<1024x1xf32> to vector<1024x128xf32>
    %mul3A_20 = arith.mulf %mul3A, %dot_general3A_19 : vector<1024x128xf32>
    %swap3A_21 = arith.constant 0 : index
    %swap3A_22 = arith.constant 0 : index
    %swap3A_23 = vector.load %arg4[%swap3A_21, %swap3A_22] : memref<1024x128xf32, #tpu.memory_space<vmem>>, vector<1024x128xf32>
    tpu.vector_store %arg4[%swap3A_21, %swap3A_22], %mul3A_20 {strides = array<i32>} : memref<1024x128xf32, #tpu.memory_space<vmem>>, vector<1024x128xf32>,
    return
  }
  func.func @transform_0(%arg0: i32) -> (i32, i32) {
    %c0_i32 = arith.constant 0 : i32
    %c0_i32_0 = arith.constant 0 : i32
    return %arg0, %c0_i32 : i32, i32
  }
  func.func @transform_1(%arg0: i32) -> (i32, i32) {
    %c0_i32 = arith.constant 0 : i32
    %c0_i32_0 = arith.constant 0 : i32
    %c0_i32_1 = arith.constant 0 : i32
    return %c0_i32, %c0_i32_0 : i32, i32
  }
  func.func @transform_2(%arg0: i32) -> (i32, i32, i32) {
    %c0_i32 = arith.constant 0 : i32
    %c0_i32_0 = arith.constant 0 : i32
    %c0_i32_1 = arith.constant 0 : i32
    return %c0_i32, %arg0, %c0_i32_0 : i32, i32, i32
  }
  func.func @transform_3(%arg0: i32) -> (i32, i32) {
    %c0_i32 = arith.constant 0 : i32
    %c0_i32_0 = arith.constant 0 : i32
    return %arg0, %c0_i32 : i32, i32
  }
  func.func @transform_4(%arg0: i32) -> (i32, i32) {
    %c0_i32 = arith.constant 0 : i32
    %c0_i32_0 = arith.constant 0 : i32
    return %arg0, %c0_i32 : i32, i32
  }
}

module attributes {stable_mosaic.version = 14 : i64} {
  func.func @_mid_body(%arg0: i32, %arg1: memref<2x1024x128xf32, #tpu.memory_space<vmem>>, %arg2: memref<1024x1xf32, #tpu.memory_space<vmem>>, %arg3: memref<1x128xf32, #tpu.memory_space<vmem>>, %arg4: memref<128x128xf32, #tpu.memory_space<vmem>>, %arg5: memref<1024x128xf32, #tpu.memory_space<vmem>>) attributes {dimension_semantics = [#tpu.dimension_semantics<arbitrary>], iteration_bounds = array<i64: 10>, scalar_prefetch = 0 : i64, scratch_operands = 0 : i64, tpu.core_type = #tpu.core_type<tc>, window_params = [{transform_indices = @transform_0, window_bounds = array<i64: 2, 1024, 128>}, {transform_indices = @transform_1, window_bounds = array<i64: 1024, 1>}, {pipeline_mode = #tpu.pipeline_mode<synchronous>, transform_indices = @transform_2, window_bounds = array<i64: 1, 128>}, {pipeline_mode = #tpu.pipeline_mode<synchronous>, transform_indices = @transform_3, window_bounds = array<i64: 128, 128>}, {transform_indices = @transform_4, window_bounds = array<i64: 1024, 128>}]} {
    %get3A = arith.constant 0 : index
    %get3A_0 = arith.constant 0 : index
    %get3A_1 = vector.load %arg2[%get3A, %get3A_0] : memref<1024x1xf32, #tpu.memory_space<vmem>>, vector<1024x1xf32>
    %get3A_2 = arith.constant 0 : index
    %get3A_3 = arith.constant 0 : index
    %get3A_4 = arith.constant 0 : index
    %get3A_5 = vector.load %arg1[%get3A_2, %get3A_3, %get3A_4] : memref<2x1024x128xf32, #tpu.memory_space<vmem>>, vector<1x1024x128xf32>
    %get3A_6 = vector.shape_cast %get3A_5 : vector<1x1024x128xf32> to vector<1024x128xf32>
    %get3A_7 = arith.constant 1 : index
    %get3A_8 = arith.constant 0 : index
    %get3A_9 = arith.constant 0 : index
    %get3A_10 = vector.load %arg1[%get3A_7, %get3A_8, %get3A_9] : memref<2x1024x128xf32, #tpu.memory_space<vmem>>, vector<1x1024x128xf32>
    %get3A_11 = vector.shape_cast %get3A_10 : vector<1x1024x128xf32> to vector<1024x128xf32>
    %add3A = arith.addf %get3A_6, %get3A_11 : vector<1024x128xf32>
    %mul3A = vector.broadcast %get3A_1 : vector<1024x1xf32> to vector<1024x128xf32>
    %mul3A_12 = arith.mulf %mul3A, %add3A : vector<1024x128xf32>
    %get3A_13 = arith.constant 0 : index
    %get3A_14 = arith.constant 0 : index
    %get3A_15 = vector.load %arg3[%get3A_13, %get3A_14] : memref<1x128xf32, #tpu.memory_space<vmem>>, vector<1x128xf32>
    %add3A_16 = vector.broadcast %get3A_15 : vector<1x128xf32> to vector<1024x128xf32>
    %add3A_17 = arith.addf %mul3A_12, %add3A_16 : vector<1024x128xf32>
    %max3A = arith.constant 0.000000e+00 : f32
    %max3A_18 = vector.broadcast %max3A : f32 to vector<1024x128xf32>
    %max3A_19 = arith.maximumf %add3A_17, %max3A_18 : vector<1024x128xf32>
    %get3A_20 = arith.constant 0 : index
    %get3A_21 = arith.constant 0 : index
    %get3A_22 = vector.load %arg4[%get3A_20, %get3A_21] : memref<128x128xf32, #tpu.memory_space<vmem>>, vector<128x128xf32>
    %dot_general3A = arith.constant dense<0.000000e+00> : vector<1024x128xf32>
    %dot_general3A_23 = tpu.matmul %max3A_19, %get3A_22, %dot_general3A {dimension_numbers = #tpu.dot_dimension_numbers<[1], [0], [0], [1], [0, 0, 1, 1], [], []>, transpose_lhs_hint = false} : vector<1024x128xf32>, vector<128x128xf32>, vector<1024x128xf32> -> vector<1024x128xf32>
    %mul3A_24 = vector.broadcast %get3A_1 : vector<1024x1xf32> to vector<1024x128xf32>
    %mul3A_25 = arith.mulf %mul3A_24, %dot_general3A_23 : vector<1024x128xf32>
    %swap3A = arith.constant 0 : index
    %swap3A_26 = arith.constant 0 : index
    %swap3A_27 = vector.load %arg5[%swap3A, %swap3A_26] : memref<1024x128xf32, #tpu.memory_space<vmem>>, vector<1024x128xf32>
    tpu.vector_store %arg5[%swap3A, %swap3A_26], %mul3A_25 {strides = array<i32>} : memref<1024x128xf32, #tpu.memory_space<vmem>>, vector<1024x128xf32>,
    return
  }
  func.func @transform_0(%arg0: i32) -> (i32, i32, i32) {
    %c0_i32 = arith.constant 0 : i32
    %c0_i32_0 = arith.constant 0 : i32
    %c0_i32_1 = arith.constant 0 : i32
    return %c0_i32, %arg0, %c0_i32_0 : i32, i32, i32
  }
  func.func @transform_1(%arg0: i32) -> (i32, i32) {
    %c0_i32 = arith.constant 0 : i32
    %c0_i32_0 = arith.constant 0 : i32
    return %arg0, %c0_i32 : i32, i32
  }
  func.func @transform_2(%arg0: i32) -> (i32, i32) {
    %c0_i32 = arith.constant 0 : i32
    %c0_i32_0 = arith.constant 0 : i32
    %c0_i32_1 = arith.constant 0 : i32
    return %c0_i32, %c0_i32_0 : i32, i32
  }
  func.func @transform_3(%arg0: i32) -> (i32, i32) {
    %c0_i32 = arith.constant 0 : i32
    %c0_i32_0 = arith.constant 0 : i32
    %c0_i32_1 = arith.constant 0 : i32
    return %c0_i32, %c0_i32_0 : i32, i32
  }
  func.func @transform_4(%arg0: i32) -> (i32, i32) {
    %c0_i32 = arith.constant 0 : i32
    %c0_i32_0 = arith.constant 0 : i32
    return %arg0, %c0_i32 : i32, i32
  }
}

module attributes {stable_mosaic.version = 14 : i64} {
  func.func @_fin_body(%arg0: memref<2x10240x128xf32, #tpu.memory_space<vmem>>, %arg1: memref<10240x1xf32, #tpu.memory_space<vmem>>, %arg2: memref<1x128xf32, #tpu.memory_space<vmem>>, %arg3: memref<1x10240xi32, #tpu.memory_space<vmem>>, %arg4: memref<128x128xf32, #tpu.memory_space<vmem>>, %arg5: memref<1x128xf32, #tpu.memory_space<vmem>>, %arg6: memref<64x128xf32, #tpu.memory_space<vmem>>) attributes {dimension_semantics = [], scalar_prefetch = 0 : i64, scratch_operands = 0 : i64, tpu.core_type = #tpu.core_type<tc>} {
    %get3A = arith.constant 0 : index
    %get3A_0 = arith.constant 0 : index
    %get3A_1 = vector.load %arg1[%get3A, %get3A_0] : memref<10240x1xf32, #tpu.memory_space<vmem>>, vector<10240x1xf32>
    %get3A_2 = arith.constant 0 : index
    %get3A_3 = arith.constant 0 : index
    %get3A_4 = arith.constant 0 : index
    %get3A_5 = vector.load %arg0[%get3A_2, %get3A_3, %get3A_4] : memref<2x10240x128xf32, #tpu.memory_space<vmem>>, vector<1x10240x128xf32>
    %get3A_6 = vector.shape_cast %get3A_5 : vector<1x10240x128xf32> to vector<10240x128xf32>
    %get3A_7 = arith.constant 1 : index
    %get3A_8 = arith.constant 0 : index
    %get3A_9 = arith.constant 0 : index
    %get3A_10 = vector.load %arg0[%get3A_7, %get3A_8, %get3A_9] : memref<2x10240x128xf32, #tpu.memory_space<vmem>>, vector<1x10240x128xf32>
    %get3A_11 = vector.shape_cast %get3A_10 : vector<1x10240x128xf32> to vector<10240x128xf32>
    %add3A = arith.addf %get3A_6, %get3A_11 : vector<10240x128xf32>
    %mul3A = vector.broadcast %get3A_1 : vector<10240x1xf32> to vector<10240x128xf32>
    %mul3A_12 = arith.mulf %mul3A, %add3A : vector<10240x128xf32>
    %get3A_13 = arith.constant 0 : index
    %get3A_14 = arith.constant 0 : index
    %get3A_15 = vector.load %arg2[%get3A_13, %get3A_14] : memref<1x128xf32, #tpu.memory_space<vmem>>, vector<1x128xf32>
    %add3A_16 = vector.broadcast %get3A_15 : vector<1x128xf32> to vector<10240x128xf32>
    %add3A_17 = arith.addf %mul3A_12, %add3A_16 : vector<10240x128xf32>
    %max3A = arith.constant 0.000000e+00 : f32
    %max3A_18 = vector.broadcast %max3A : f32 to vector<10240x128xf32>
    %max3A_19 = arith.maximumf %add3A_17, %max3A_18 : vector<10240x128xf32>
    %iota3A = tpu.iota {dimensions = array<i32: 0>} : vector<64x10240xi32>
    %get3A_20 = arith.constant 0 : index
    %get3A_21 = arith.constant 0 : index
    %get3A_22 = vector.load %arg3[%get3A_20, %get3A_21] : memref<1x10240xi32, #tpu.memory_space<vmem>>, vector<1x10240xi32>
    %eq3A = vector.broadcast %get3A_22 : vector<1x10240xi32> to vector<64x10240xi32>
    %eq3A_23 = arith.cmpi eq, %iota3A, %eq3A : vector<64x10240xi32>
    %convert_element_type3A = arith.extui %eq3A_23 : vector<64x10240xi1> to vector<64x10240xi32>
    %convert_element_type3A_24 = arith.sitofp %convert_element_type3A : vector<64x10240xi32> to vector<64x10240xf32>
    %dot_general3A = arith.constant dense<0.000000e+00> : vector<64x128xf32>
    %dot_general3A_25 = tpu.matmul %convert_element_type3A_24, %max3A_19, %dot_general3A {dimension_numbers = #tpu.dot_dimension_numbers<[1], [0], [0], [1], [0, 0, 1, 1], [], []>, transpose_lhs_hint = false} : vector<64x10240xf32>, vector<10240x128xf32>, vector<64x128xf32> -> vector<64x128xf32>
    %get3A_26 = arith.constant 0 : index
    %get3A_27 = arith.constant 0 : index
    %get3A_28 = vector.load %arg4[%get3A_26, %get3A_27] : memref<128x128xf32, #tpu.memory_space<vmem>>, vector<128x128xf32>
    %dot_general3A_29 = arith.constant dense<0.000000e+00> : vector<64x128xf32>
    %dot_general3A_30 = tpu.matmul %dot_general3A_25, %get3A_28, %dot_general3A_29 {dimension_numbers = #tpu.dot_dimension_numbers<[1], [0], [0], [1], [0, 0, 1, 1], [], []>, transpose_lhs_hint = false} : vector<64x128xf32>, vector<128x128xf32>, vector<64x128xf32> -> vector<64x128xf32>
    %get3A_31 = arith.constant 0 : index
    %get3A_32 = arith.constant 0 : index
    %get3A_33 = vector.load %arg5[%get3A_31, %get3A_32] : memref<1x128xf32, #tpu.memory_space<vmem>>, vector<1x128xf32>
    %add3A_34 = vector.broadcast %get3A_33 : vector<1x128xf32> to vector<64x128xf32>
    %add3A_35 = arith.addf %dot_general3A_30, %add3A_34 : vector<64x128xf32>
    %iota3A_36 = tpu.iota {dimensions = array<i32: 1>} : vector<64x128xi32>
    %lt3A = arith.constant 10 : i32
    %lt3A_37 = vector.broadcast %lt3A : i32 to vector<64x128xi32>
    %lt3A_38 = arith.cmpi slt, %iota3A_36, %lt3A_37 : vector<64x128xi32>
    %jit3A = arith.constant 0xFF800000 : f32
    %broadcast_in_dim3A = vector.broadcast %jit3A : f32 to vector<64x128xf32>
    %select_n3A = arith.select %lt3A_38, %add3A_35, %broadcast_in_dim3A : vector<64x128xi1>, vector<64x128xf32>
    %reduce_max3A = arith.constant dense<0xFF800000> : vector<64xf32>
    %reduce_max3A_39 = vector.multi_reduction <maximumf>, %select_n3A, %reduce_max3A [1] : vector<64x128xf32> to vector<64xf32>
    %broadcast_in_dim3A_40 = vector.shape_cast %reduce_max3A_39 : vector<64xf32> to vector<64x1xf32>
    %sub3A = vector.broadcast %broadcast_in_dim3A_40 : vector<64x1xf32> to vector<64x128xf32>
    %sub3A_41 = arith.subf %add3A_35, %sub3A : vector<64x128xf32>
    %exp3A = math.exp %sub3A_41 : vector<64x128xf32>
    %jit3A_42 = arith.constant 0.000000e+00 : f32
    %broadcast_in_dim3A_43 = vector.broadcast %jit3A_42 : f32 to vector<64x128xf32>
    %select_n3A_44 = arith.select %lt3A_38, %exp3A, %broadcast_in_dim3A_43 : vector<64x128xi1>, vector<64x128xf32>
    %reduce_sum3A = arith.constant dense<0.000000e+00> : vector<64xf32>
    %reduce_sum3A_45 = vector.multi_reduction <add>, %select_n3A_44, %reduce_sum3A [1] : vector<64x128xf32> to vector<64xf32>
    %broadcast_in_dim3A_46 = vector.shape_cast %reduce_sum3A_45 : vector<64xf32> to vector<64x1xf32>
    %log3A = math.log %broadcast_in_dim3A_46 : vector<64x1xf32>
    %sub3A_47 = vector.broadcast %broadcast_in_dim3A_40 : vector<64x1xf32> to vector<64x128xf32>
    %sub3A_48 = arith.subf %add3A_35, %sub3A_47 : vector<64x128xf32>
    %sub3A_49 = vector.broadcast %log3A : vector<64x1xf32> to vector<64x128xf32>
    %sub3A_50 = arith.subf %sub3A_48, %sub3A_49 : vector<64x128xf32>
    %swap3A = arith.constant 0 : index
    %swap3A_51 = arith.constant 0 : index
    %swap3A_52 = vector.load %arg6[%swap3A, %swap3A_51] : memref<64x128xf32, #tpu.memory_space<vmem>>, vector<64x128xf32>
    tpu.vector_store %arg6[%swap3A, %swap3A_51], %sub3A_50 {strides = array<i32>} : memref<64x128xf32, #tpu.memory_space<vmem>>, vector<64x128xf32>,
    return
  }
}

</mosaic_0001>

<sc_bundles>
// kernel: kernel.10.cloned.1.call-start
scs
__scs_entry_jumppad:
0x0: {  	(pc) =	sbr.rel $0x88, $3  }
0x1: {  	(tag) =	ssettag $0x0;
	lr =	simm.s32 $0x1  }
0x2: {  	[smem:$0x3F96] =	sst lr;
	_ =	strace $0xD0000000  }
0x3: {  	_ = 	snop  }
0x4: {  	_ = 	snop  }
0x5: {  	_ = 	snop  }
0x6: {  	_ = 	snop  }
0x7: {  	_ = 	snop  }
__scs_overlays_trampoline_lowered:
0x8: {  	[smem:$0x3FA5] =	sst s0  }
0x9: {  	[smem:$0x3FA6] =	sst s1  }
0xa: {  	[smem:$0x3FA7] =	sst s2  }
0xb: {  	[smem:$0x3FA8] =	sst s3  }
0xc: {  	[smem:$0x3FA9] =	sst s4  }
0xd: {  	[smem:$0x3FAA] =	sst s5  }
0xe: {  	[smem:$0x3FAB] =	sst s6  }
0xf: {  	[smem:$0x3FAC] =	sst s7  }
0x10: {  	[smem:$0x3FAD] =	sst s8  }
0x11: {  	[smem:$0x3FAE] =	sst s9;
	s0 =	simm.s32 @!p0 $0x0  }
0x12: {  	s1 =	sld [smem:$0x3F94];
	s0 =	simm.s32 @p0 $0x1  }
0x13: {  	[smem:$0x3FAF] =	sst s0;
	s0 =	simm.s32 @!p1 $0x0  }
0x14: {  	s2 =	sld [smem:$0x3F93];
	s0 =	simm.s32 @p1 $0x1  }
0x15: {  	[smem:$0x3FB0] =	sst s0;
	s0 =	simm.s32 @!p2 $0x0  }
0x16: {  	s3 =	sld [smem:$0x3FDB];
	s0 =	simm.s32 @p2 $0x1  }
0x17: {  	s4 =	simm.s32 $0x1BF5;
	[smem:$0x3FB2] =	sst s0  }
0x18: {  	s0 =	sld [smem:$0x3F95];
	_ =	swait.ge [sflag:s4], $0x0  }
0x19: {  	s7 =	sld [smem:$0x3F96]  }
0x1a: {  	s8 =	sadd.s32 $0xFFFFE003, lr  }
0x1b: {  	s9 =	sadd.s32 $0xFFFFFEF7, lr;
	s5 =	simm.s32 $0xFFFFFFFF;
	p2 =	slt.u32 s8, $0xFFFFF086  }
0x1c: {  	p1 =	slt.u32 s9, $0xF7A;
	s5 =	simm.s32 @!p2 $0x0  }
0x1d: {  	s5 =	simm.s32 @p1 $0x1;
	p0 =	seq.s32 s7, s2  }
0x1e: {  	s7 =	smul.u32 @!p0 $0xF7A, s2;
	p2 =	seq.s32 @!p0 s5, $0x0  }
0x1f: {  	s9 =	smul.u32 $0xF7A, s1;
	s8 =	simm.s32 @!p0 $0x1BF5;
	p2 =	por !p2, p0  }
0x20: {  	[sflag:s8] =	ssyncset.s32 @!p0 $0xFFFFF086;
	s6 =	sadd.s32 @!p0 s3, s7;
	s7 =	simm.s32 @!p0 $0x108  }
0x21: {  	s3 =	sadd.s32 s3, s9;
	s6 =	sadd.s32 @!p0 $0x88, s6;
	s7 =	simm.s32 @p2 $0x1082  }
0x22: {  	[simem:s7], [sflag:s8] =	dma.local @!p0 [hbm:s6], $0xF7A  }
0x23: {  	s9 =	sor.u32 $0xD0000000, s2;
	s6 =	simm.s32 $0x108;
	_ =	swait.ge @!p0 [sflag:s8], $0x0  }
0x24: {  	s3 =	sadd.s32 $0x88, s3;
	s6 =	simm.s32 @!p1 $0x1082;
	[sflag:s4] =	ssyncset.s32 $0xFFFFF086  }
0x25: {  	[simem:s6], [sflag:s4] =	dma.local [hbm:s3], $0xF7A  }
0x26: {  	[smem:$0x3F96] =	sst s1;
	(tag) =	ssettag s2;
	_ =	strace s9  }
0x27: {  	s1 =	sld [smem:$0x3FA6]  }
0x28: {  	s2 =	sld [smem:$0x3FA7]  }
0x29: {  	s4 =	sld [smem:$0x3FA9]  }
0x2a: {  	p0 =	seq.s32 s5, $0x0;
	s5 =	sld [smem:$0x3FAA]  }
0x2b: {  	s6 =	sld [smem:$0x3FAB]  }
0x2c: {  	s7 =	sld [smem:$0x3FAC]  }
0x2d: {  	s3 =	simm.s32 $0x108;
	s8 =	sld [smem:$0x3FAD]  }
0x2e: {  	s3 =	simm.s32 @!p0 $0x1082;
	s9 =	sld [smem:$0x3FAE]  }
0x2f: {  	lr =	sadd.s32 s0, s3;
	s0 =	sld [smem:$0x3FA5]  }
0x30: {  	s3 =	sld [smem:$0x3FA8]  }
0x31: {  	[smem:$0x3FB1] =	sst s10  }
0x32: {  	s10 =	sld [smem:$0x3FAF];
	_ =	sdelay $0x3  }
0x33: {  	p0 =	seq.s32 s10, $0x1;
	s10 =	sld [smem:$0x3FB1];
	_ =	sdelay $0x3  }
0x34: {  	[smem:$0x3FB1] =	sst s10  }
0x35: {  	s10 =	sld [smem:$0x3FB0];
	_ =	sdelay $0x3  }
0x36: {  	p1 =	seq.s32 s10, $0x1;
	s10 =	sld [smem:$0x3FB1];
	_ =	sdelay $0x3  }
0x37: {  	[smem:$0x3FB1] =	sst s10  }
0x38: {  	s10 =	sld [smem:$0x3FB2]  }
0x39: {  	_ = 	snop;
	(pc) =	sbr.ind lr, $3  }
0x3a: {  	_ = 	snop  }
0x3b: {  	_ = 	snop  }
0x3c: {  	p2 =	seq.s32 s10, $0x1;
	s10 =	sld [smem:$0x3FB1]  }
0x3d: {  	_ =	shalt  }
0x3e: {  	_ =	shalt  }
0x3f: {  	_ =	shalt  }
0x40: {  	_ =	shalt  }
0x41: {  	_ =	shalt  }
0x42: {  	_ =	shalt  }
0x43: {  	_ =	shalt  }
0x44: {  	_ =	shalt  }
0x45: {  	_ =	shalt  }
0x46: {  	_ =	shalt  }
0x47: {  	_ =	shalt  }
0x48: {  	_ =	shalt  }
0x49: {  	_ =	shalt  }
0x4a: {  	_ =	shalt  }
0x4b: {  	_ =	shalt  }
0x4c: {  	_ =	shalt  }
0x4d: {  	_ =	shalt  }
0x4e: {  	_ =	shalt  }
0x4f: {  	_ =	shalt  }
0x50: {  	_ =	shalt  }
0x51: {  	_ =	shalt  }
0x52: {  	_ =	shalt  }
0x53: {  	_ =	shalt  }
0x54: {  	_ =	shalt  }
0x55: {  	_ =	shalt  }
0x56: {  	_ =	shalt  }
0x57: {  	_ =	shalt  }
0x58: {  	_ =	shalt  }
0x59: {  	_ =	shalt  }
0x5a: {  	_ =	shalt  }
0x5b: {  	_ =	shalt  }
0x5c: {  	_ =	shalt  }
0x5d: {  	_ =	shalt  }
0x5e: {  	_ =	shalt  }
0x5f: {  	_ =	shalt  }
0x60: {  	_ =	shalt  }
0x61: {  	_ =	shalt  }
0x62: {  	_ =	shalt  }
0x63: {  	_ =	shalt  }
0x64: {  	_ =	shalt  }
0x65: {  	_ =	shalt  }
0x66: {  	_ =	shalt  }
0x67: {  	_ =	shalt  }
0x68: {  	_ =	shalt  }
0x69: {  	_ =	shalt  }
0x6a: {  	_ =	shalt  }
0x6b: {  	_ =	shalt  }
0x6c: {  	_ =	shalt  }
0x6d: {  	_ =	shalt  }
0x6e: {  	_ =	shalt  }
0x6f: {  	_ =	shalt  }
0x70: {  	_ =	shalt  }
0x71: {  	_ =	shalt  }
0x72: {  	_ =	shalt  }
0x73: {  	_ =	shalt  }
0x74: {  	_ =	shalt  }
0x75: {  	_ =	shalt  }
0x76: {  	_ =	shalt  }
0x77: {  	_ =	shalt  }
0x78: {  	_ =	shalt  }
0x79: {  	_ =	shalt  }
0x7a: {  	_ =	shalt  }
0x7b: {  	_ =	shalt  }
0x7c: {  	_ =	shalt  }
0x7d: {  	_ =	shalt  }
0x7e: {  	_ =	shalt  }
0x7f: {  	_ =	shalt  }
0x80: {  	_ =	shalt  }
0x81: {  	_ =	shalt  }
0x82: {  	_ =	shalt  }
0x83: {  	_ =	shalt  }
0x84: {  	_ =	shalt  }
0x85: {  	_ =	shalt  }
0x86: {  	_ =	shalt  }
0x87: {  	_ =	shalt  }
.Lfunc_end0:
.L_simem_size_0:
called_computation_lowered:
.L_overlay_start_0:
0x88: {  	s2 =	sld [smem:$0x3FD9]  }
0x89: {  	s3 =	sld [smem:$0x3FFE];
	_ =	sdelay $0x1  }
0x8a: {  	s1 =	srdreg.scid  }
0x8b: {  	s0 =	sand.u32 $0x1, s1  }
0x8c: {  	s16 =	sshll.u32 s0, $0xA;
	s2 =	sadd.s32 s3, s2  }
0x8d: {  	s2 =	sadd.s32 s2, s16  }
0x8e: {  	[smem:$0x3FBD] =	sst s2  }
0x8f: {  	_ = 	snop  }
0x90: {  	(tm) =	ssettm $0x1  }
0x91: {  	s17 =	sld [smem:$0x3FFB];
	_ =	sdelay $0x3  }
0x92: {  	_ =	strace s17  }
0x93: {  	s2 =	sld [smem:$0x3FFC];
	_ =	sdelay $0x3  }
0x94: {  	_ =	strace s2  }
0x95: {  	s2 =	sld [smem:$0x3FFD];
	_ =	sdelay $0x3  }
0x96: {  	_ =	strace s2  }
0x97: {  	_ =	strace $0x8FFFFFFF  }
0x98: {  	s18 =	sld [smem:$0x3FDB];
	_ =	sdelay $0x1  }
0x99: {  	s19 =	simm.s32 $_scs_section_size  }
0x9a: {  	s4 =	simm.s32 $_size__tile_overlayer_lowered;
	s5 =	simm.s32 $_tile_overlayer_lowered  }
0x9b: {  	s22 =	simm.s32 $0x1BFF;
	s21 =	sshll.u32 s5, $0x1;
	s2 =	sadd.s32 s19, s18  }
0x9c: {  	s6 =	simm.s32 $0x0;
	s20 =	sshll.u32 s4, $0x1;
	s4 =	sadd.s32 s21, s2  }
0x9d: {  	[timem:s6], [sflag:s22] =	dma.local [hbm:s4], s20  }
0x9e: {  	_ =	swait.ge [sflag:s22], s20  }
0x9f: {  	s3 =	ssub.s32 $0x0, s20;
	[sflag:s22] =	ssyncset.done $0x0  }
0xa0: {  	[sflag:s22] =	ssyncadd.s32 s3;
	_ =	sdelay $0x1  }
0xa1: {  	s23 =	simm.s32 $0x1B8B  }
0xa2: {  	_ =	swait.ge [sflag:s23], $0x1  }
0xa3: {  	[sflag:s23] =	ssyncset.done $0x0  }
0xa4: {  	s25 =	simm.s32 $0x1B8E;
	s24 =	sld [smem:$0x3FFE];
	[sflag:s23] =	ssyncadd.s32 $0xFFFFFFFF  }
0xa5: {  	s26 =	simm.s32 $execute0_lowered;
	[smem:$0x3FD2] =	sst s25  }
0xa6: {  	s4 =	sshll.u32 s26, $0x1;
	_ =	strace $0x80000046;
	[dreg:$0x1] =	wrdreg $0xFFFFFFFF  }
0xa7: {  	s28 =	simm.s32 $_size_execute0_lowered;
	s2 =	sadd.s32 s2, s4;
	[dreg:$0x0] =	wrdreg $0x0  }
0xa8: {  	s4 =	sshll.u32 s28, $0x1;
	[dreg:$0x2] =	wrdreg s2  }
0xa9: {  	[dreg:$0x3] =	wrdreg s4  }
0xaa: {  	[dreg:$0x4] =	wrdreg $0xC0  }
0xab: {  	_ =	task [dreg:s6], $0x5FFFF  }
0xac: {  	[dreg:$0x1] =	wrdreg $0xFFFFFFFF  }
0xad: {  	[dreg:$0x0] =	wrdreg $0x60  }
0xae: {  	[dreg:$0x2] =	wrdreg s24  }
0xaf: {  	[dreg:$0x3] =	wrdreg $0x51800  }
0xb0: {  	[dreg:$0x4] =	wrdreg $0x9  }
0xb1: {  	_ =	task.clear_ibuf [dreg:s6], $0x5FFFF;
	_ =	strace $0x90000046  }
0xb2: {  	s29 =	simm.s32 $0x9;
	_ =	strace $0x80000048  }
0xb3: {  	_ =	swait.ge [sflag:s29], $0x1  }
0xb4: {  	[sflag:s29] =	ssyncadd.s32 $0xFFFFFFFF  }
0xb5: {  	_ =	strace $0x90000048  }
0xb6: {  	_ =	sfence  }
0xb7: {  	s30 =	sld [smem:$0x0];
	_ =	sdelay $0x2  }
0xb8: {  	s31 =	sshll.u32 s1, $0xD;
	s1 =	sshrl.u32 s1, $0x2  }
0xb9: {  	s3 =	sand.u32 $0x4000, s31;
	s1 =	sadd.s32 s1, s30  }
0xba: {  	s0 =	sor.u32 s3, s0;
	s1 =	sshll.u32 s1, $0x11  }
0xbb: {  	s0 =	sor.u32 s1, s0  }
0xbc: {  	s0 =	sadd.s32 $0x8F2B, s0  }
0xbd: {  	[sflag:s0] =	ssyncadd.remote.s32 $0x1  }
0xbe: {  	_ =	sfence.sel $0xFFFF  }
0xbf: {  	[dreg:$0x0] =	wrdreg $0xFFFFFFFF;
	(pc) =	sbr.abs _section_cstart, $3  }
0xc0: {  	[dreg:$0x1] =	wrdreg $0xFFFFFFFF  }
0xc1: {  	_ =	task.clear_ibuf [dreg:s6], $0x2FFFF;
	_ =	strace $0x9FFFFFFF  }
0xc2: {  	(tm) =	ssettm $0x7FFFFFFF  }
0xc3: {  	_ =	shalt  }
tec
execute0_lowered:
.L_overlay_start_1:
0x0: {  	(tag) =	ssettag $0x1  }
0x1: {  	s1 =	srdreg.scid  }
0x2: {  	s0 =	stileid.u32;
	s5 =	rddreg [dreg:$0x0]  }
0x3: {  	s2 =	rddreg [dreg:$0x1];
	s3 =	simm.s32 $0x0;
	s12 =	simm.s32 $0x5100  }
0x4: {  	s13 =	simm.s32 $0x1;
	s14 =	simm.s32 $0x0;
	s4 =	sand.u32 $0x1, s1  }
0x5: {  	s30 =	sshll.u32 s0, $0x1;
	s7 =	smul.u32 $0x280, s0;
	[smem:$0x7FF] =	sst s3  }
0x6: {  	s31 =	sshll.u32 s0, $0x6;
	s1 =	sor.u32 s4, s30;
	s8 =	smul.u32 $0x2800, s4  }
0x7: {  	s4 =	ssub.s32 $0x2, s4;
	s6 =	smul.u32 $0xA20, s1;
	s1 =	rddreg [dreg:$0x2]  }
0x8: {  	_ =	strace $0x80000047;
	s9 =	sshrl.u32 s7, $0x3;
	s10 =	sshrl.u32 s4, $0x1  }
0x9: {  	s11 =	sadd.s32 s7, s2;
	s8 =	sadd.s32 s7, s8;
	s9 =	sadd.s32 s9, s5  }
0xa: {  	s10 =	ssub.s32 s4, s10;
	s6 =	sadd.s32 s6, s5;
	s8 =	sshrl.u32 s8, $0x3  }
0xb: {  	s4 =	sadd.s32 $0x17400, s9;
	s9 =	sshrl.u32 s11, $0x3;
	s11 =	simm.s32 $0x80  }
0xc: {  	s8 =	sadd.s32 s8, s5;
	s5 =	sor.u32 $0x1C02, s31;
	s6 =	sadd.s32 $0x3000, s6  }
0xd: {  	v0 =	vimm.f32 $1.000000000e+00;
	s7 =	sadd.s32 $0x17A00, s8;
	s8 =	smax.u32 s10, $0x1;
	s10 =	simm.s32 $0x2  }
.LBB2_1:
0xe: {  	[spmem:s9], [sflag:s5] =	dma.local [hbm:s4], $0x50  }
0xf: {  	_ =	swait.ge [sflag:s10], $0x50  }
0x10: {  	[sflag:s10] =	ssyncset.done $0x0  }
0x11: {  	[sflag:s10] =	ssyncadd.s32 $0xFFFFFFB0  }
0x12: {  	[tilespmem:s3], [sflag:$0x2] =	stream.linear.gather [hbm4b:s6+s3], $0x5100, $0x38;
	[tilespmem:$0x5400] =	vst v63  }
0x13: {  	_ =	swait.ge [sflag:s10], $0x5100  }
0x14: {  	[sflag:s10] =	ssyncset.done $0x0  }
0x15: {  	[sflag:s10] =	ssyncadd.s32 $0xFFFFAF00  }
0x16: {  	[tilespmem:$0x5100] =	vst v0  }
0x17: {  	[tilespmem:$0x5110] =	vst v0  }
0x18: {  	[tilespmem:$0x5120] =	vst v0  }
0x19: {  	[tilespmem:$0x5130] =	vst v0  }
0x1a: {  	[tilespmem:$0x5140] =	vst v0  }
0x1b: {  	[tilespmem:$0x5150] =	vst v0  }
0x1c: {  	[tilespmem:$0x5160] =	vst v0  }
0x1d: {  	[tilespmem:$0x5170] =	vst v0  }
0x1e: {  	s15 =	simm.s32 $0x200;
	[bflag:$0x0] =	sbarrier.arrive $0xFFFF  }
.LBB2_2:
0x1f: {  	p0 =	sne.s32 s15, $0x14200  }
.Ltmp0:
0x20: {  	_ = 	snop;
	(pc) =	sbr.rel @p0 .LBB2_2-.Ltmp0, $3  }
0x21: {  	_ =	sdelay $0x1  }
0x22: {  	s16 =	sshra.s32 s15, $0x2;
	s15 =	sadd.s32 $0x400, s15  }
0x23: {  	[spmem:s2] =	stream.indirect.scatter.add.f32 [tilespmem:s12], [sflag:$0x1], $0x1, s16, s11, $0xb8;
	[tilespmem:$0x5400] =	vst v63  }
0x24: {  	_ =	swait.ge [sflag:s13], $0x80  }
0x25: {  	s15 =	simm.s32 $0x50;
	[sflag:s13] =	ssyncset.done $0x0  }
.LBB2_4:
0x26: {  	p0 =	sne.s32 s15, $0x1;
	s15 =	sadd.s32 $0xFFFFFFFF, s15;
	[sflag:s13] =	ssyncadd.s32 $0xFFFFFF80  }
.Ltmp1:
0x27: {  	(pc) =	sbr.rel @p0 .LBB2_4-.Ltmp1, $3  }
0x28: {  	_ =	sdelay $0x1  }
0x29: {  	_ =	swait.ge [sflag:s13], $0x80  }
0x2a: {  	[sflag:s13] =	ssyncset.done $0x0  }
0x2b: {  	s14 =	sadd.s32 $0x1, s14  }
0x2c: {  	[sflag:s13] =	ssyncadd.s32 $0xFFFFFF80;
	p0 =	sne.s32 s14, s8  }
.Ltmp2:
0x2d: {  	[bflag:$0x0] =	sbarrier.arrive $0xFFFF;
	(pc) =	sbr.rel @p0 .LBB2_1-.Ltmp2, $4  }
0x2e: {  	[hbm:s7], [sflag:s5] =	dma.local [spmem:s9], $0x50  }
0x2f: {  	_ =	swait.ge [sflag:s10], $0x50  }
0x30: {  	[sflag:s10] =	ssyncset.done $0x0  }
0x31: {  	[sflag:s10] =	ssyncadd.s32 $0xFFFFFFB0  }
0x32: {  	_ =	sfence.sel $0x180000  }
0x33: {  	[bflag:$0x0] =	sbarrier.arrive $0xFFFF  }
0x34: {  	p0 =	sne.s32 s0, $0x0;
	_ =	strace $0x90000047  }
0x35: {  	s0 =	sadd.s32 @!p0 $0x100000, s1;
	[bflag:$0x2] =	sbarrier.arrive $0xFFFF  }
0x36: {  	[sflag:s0] =	ssyncadd.tile.s32 @!p0 $0x1;
	_ =	shalt  }
.Lfunc_end2:
_tile_overlayer_lowered:
.L_overlay_start_2:
0x37: {  	(tag) =	ssettag $0x2  }
0x38: {  	s0 =	rddreg [dreg:$0x0];
	s2 =	stileid.u32  }
0x39: {  	s1 =	rddreg [dreg:$0x1];
	p0 =	sne.s32 s2, $0x0  }
0x3a: {  	s3 =	rddreg [dreg:$0x2];
	[bflag:$0x3] =	sbarrier.arrive $0xFFFF;
	s2 =	simm.s32 @!p0 $0x1C02  }
0x3b: {  	[timem:s3], [sflag:s2] =	dma.local @!p0 [hbm:s0], s1  }
0x3c: {  	s0 =	simm.s32 @!p0 $0x2  }
0x3d: {  	_ =	swait.ge @!p0 [sflag:s0], s1  }
0x3e: {  	s1 =	ssub.s32 @!p0 $0x0, s1;
	[sflag:s0] =	ssyncset.done @!p0 $0x0  }
0x3f: {  	[sflag:s0] =	ssyncadd.s32 @!p0 s1  }
0x40: {  	[bflag:$0x3] =	sbarrier.arrive $0xFFFF  }
0x41: {  	_ =	shalt  }

// kernel: kernel.13.cloned.1.call-start
scs
__scs_entry_jumppad:
0x0: {  	(pc) =	sbr.rel $0x88, $3  }
0x1: {  	(tag) =	ssettag $0x0;
	lr =	simm.s32 $0x1  }
0x2: {  	[smem:$0x3F96] =	sst lr;
	_ =	strace $0xD0000000  }
0x3: {  	_ = 	snop  }
0x4: {  	_ = 	snop  }
0x5: {  	_ = 	snop  }
0x6: {  	_ = 	snop  }
0x7: {  	_ = 	snop  }
__scs_overlays_trampoline_lowered:
0x8: {  	[smem:$0x3FA5] =	sst s0  }
0x9: {  	[smem:$0x3FA6] =	sst s1  }
0xa: {  	[smem:$0x3FA7] =	sst s2  }
0xb: {  	[smem:$0x3FA8] =	sst s3  }
0xc: {  	[smem:$0x3FA9] =	sst s4  }
0xd: {  	[smem:$0x3FAA] =	sst s5  }
0xe: {  	[smem:$0x3FAB] =	sst s6  }
0xf: {  	[smem:$0x3FAC] =	sst s7  }
0x10: {  	[smem:$0x3FAD] =	sst s8  }
0x11: {  	[smem:$0x3FAE] =	sst s9;
	s0 =	simm.s32 @!p0 $0x0  }
0x12: {  	s1 =	sld [smem:$0x3F94];
	s0 =	simm.s32 @p0 $0x1  }
0x13: {  	[smem:$0x3FAF] =	sst s0;
	s0 =	simm.s32 @!p1 $0x0  }
0x14: {  	s2 =	sld [smem:$0x3F93];
	s0 =	simm.s32 @p1 $0x1  }
0x15: {  	[smem:$0x3FB0] =	sst s0;
	s0 =	simm.s32 @!p2 $0x0  }
0x16: {  	s3 =	sld [smem:$0x3FDB];
	s0 =	simm.s32 @p2 $0x1  }
0x17: {  	s4 =	simm.s32 $0x1BF5;
	[smem:$0x3FB2] =	sst s0  }
0x18: {  	s0 =	sld [smem:$0x3F95];
	_ =	swait.ge [sflag:s4], $0x0  }
0x19: {  	s7 =	sld [smem:$0x3F96]  }
0x1a: {  	s8 =	sadd.s32 $0xFFFFE003, lr  }
0x1b: {  	s9 =	sadd.s32 $0xFFFFFEF7, lr;
	s5 =	simm.s32 $0xFFFFFFFF;
	p2 =	slt.u32 s8, $0xFFFFF086  }
0x1c: {  	p1 =	slt.u32 s9, $0xF7A;
	s5 =	simm.s32 @!p2 $0x0  }
0x1d: {  	s5 =	simm.s32 @p1 $0x1;
	p0 =	seq.s32 s7, s2  }
0x1e: {  	s7 =	smul.u32 @!p0 $0xF7A, s2;
	p2 =	seq.s32 @!p0 s5, $0x0  }
0x1f: {  	s9 =	smul.u32 $0xF7A, s1;
	s8 =	simm.s32 @!p0 $0x1BF5;
	p2 =	por !p2, p0  }
0x20: {  	[sflag:s8] =	ssyncset.s32 @!p0 $0xFFFFF086;
	s6 =	sadd.s32 @!p0 s3, s7;
	s7 =	simm.s32 @!p0 $0x108  }
0x21: {  	s3 =	sadd.s32 s3, s9;
	s6 =	sadd.s32 @!p0 $0x88, s6;
	s7 =	simm.s32 @p2 $0x1082  }
0x22: {  	[simem:s7], [sflag:s8] =	dma.local @!p0 [hbm:s6], $0xF7A  }
0x23: {  	s9 =	sor.u32 $0xD0000000, s2;
	s6 =	simm.s32 $0x108;
	_ =	swait.ge @!p0 [sflag:s8], $0x0  }
0x24: {  	s3 =	sadd.s32 $0x88, s3;
	s6 =	simm.s32 @!p1 $0x1082;
	[sflag:s4] =	ssyncset.s32 $0xFFFFF086  }
0x25: {  	[simem:s6], [sflag:s4] =	dma.local [hbm:s3], $0xF7A  }
0x26: {  	[smem:$0x3F96] =	sst s1;
	(tag) =	ssettag s2;
	_ =	strace s9  }
0x27: {  	s1 =	sld [smem:$0x3FA6]  }
0x28: {  	s2 =	sld [smem:$0x3FA7]  }
0x29: {  	s4 =	sld [smem:$0x3FA9]  }
0x2a: {  	p0 =	seq.s32 s5, $0x0;
	s5 =	sld [smem:$0x3FAA]  }
0x2b: {  	s6 =	sld [smem:$0x3FAB]  }
0x2c: {  	s7 =	sld [smem:$0x3FAC]  }
0x2d: {  	s3 =	simm.s32 $0x108;
	s8 =	sld [smem:$0x3FAD]  }
0x2e: {  	s3 =	simm.s32 @!p0 $0x1082;
	s9 =	sld [smem:$0x3FAE]  }
0x2f: {  	lr =	sadd.s32 s0, s3;
	s0 =	sld [smem:$0x3FA5]  }
0x30: {  	s3 =	sld [smem:$0x3FA8]  }
0x31: {  	[smem:$0x3FB1] =	sst s10  }
0x32: {  	s10 =	sld [smem:$0x3FAF];
	_ =	sdelay $0x3  }
0x33: {  	p0 =	seq.s32 s10, $0x1;
	s10 =	sld [smem:$0x3FB1];
	_ =	sdelay $0x3  }
0x34: {  	[smem:$0x3FB1] =	sst s10  }
0x35: {  	s10 =	sld [smem:$0x3FB0];
	_ =	sdelay $0x3  }
0x36: {  	p1 =	seq.s32 s10, $0x1;
	s10 =	sld [smem:$0x3FB1];
	_ =	sdelay $0x3  }
0x37: {  	[smem:$0x3FB1] =	sst s10  }
0x38: {  	s10 =	sld [smem:$0x3FB2]  }
0x39: {  	_ = 	snop;
	(pc) =	sbr.ind lr, $3  }
0x3a: {  	_ = 	snop  }
0x3b: {  	_ = 	snop  }
0x3c: {  	p2 =	seq.s32 s10, $0x1;
	s10 =	sld [smem:$0x3FB1]  }
0x3d: {  	_ =	shalt  }
0x3e: {  	_ =	shalt  }
0x3f: {  	_ =	shalt  }
0x40: {  	_ =	shalt  }
0x41: {  	_ =	shalt  }
0x42: {  	_ =	shalt  }
0x43: {  	_ =	shalt  }
0x44: {  	_ =	shalt  }
0x45: {  	_ =	shalt  }
0x46: {  	_ =	shalt  }
0x47: {  	_ =	shalt  }
0x48: {  	_ =	shalt  }
0x49: {  	_ =	shalt  }
0x4a: {  	_ =	shalt  }
0x4b: {  	_ =	shalt  }
0x4c: {  	_ =	shalt  }
0x4d: {  	_ =	shalt  }
0x4e: {  	_ =	shalt  }
0x4f: {  	_ =	shalt  }
0x50: {  	_ =	shalt  }
0x51: {  	_ =	shalt  }
0x52: {  	_ =	shalt  }
0x53: {  	_ =	shalt  }
0x54: {  	_ =	shalt  }
0x55: {  	_ =	shalt  }
0x56: {  	_ =	shalt  }
0x57: {  	_ =	shalt  }
0x58: {  	_ =	shalt  }
0x59: {  	_ =	shalt  }
0x5a: {  	_ =	shalt  }
0x5b: {  	_ =	shalt  }
0x5c: {  	_ =	shalt  }
0x5d: {  	_ =	shalt  }
0x5e: {  	_ =	shalt  }
0x5f: {  	_ =	shalt  }
0x60: {  	_ =	shalt  }
0x61: {  	_ =	shalt  }
0x62: {  	_ =	shalt  }
0x63: {  	_ =	shalt  }
0x64: {  	_ =	shalt  }
0x65: {  	_ =	shalt  }
0x66: {  	_ =	shalt  }
0x67: {  	_ =	shalt  }
0x68: {  	_ =	shalt  }
0x69: {  	_ =	shalt  }
0x6a: {  	_ =	shalt  }
0x6b: {  	_ =	shalt  }
0x6c: {  	_ =	shalt  }
0x6d: {  	_ =	shalt  }
0x6e: {  	_ =	shalt  }
0x6f: {  	_ =	shalt  }
0x70: {  	_ =	shalt  }
0x71: {  	_ =	shalt  }
0x72: {  	_ =	shalt  }
0x73: {  	_ =	shalt  }
0x74: {  	_ =	shalt  }
0x75: {  	_ =	shalt  }
0x76: {  	_ =	shalt  }
0x77: {  	_ =	shalt  }
0x78: {  	_ =	shalt  }
0x79: {  	_ =	shalt  }
0x7a: {  	_ =	shalt  }
0x7b: {  	_ =	shalt  }
0x7c: {  	_ =	shalt  }
0x7d: {  	_ =	shalt  }
0x7e: {  	_ =	shalt  }
0x7f: {  	_ =	shalt  }
0x80: {  	_ =	shalt  }
0x81: {  	_ =	shalt  }
0x82: {  	_ =	shalt  }
0x83: {  	_ =	shalt  }
0x84: {  	_ =	shalt  }
0x85: {  	_ =	shalt  }
0x86: {  	_ =	shalt  }
0x87: {  	_ =	shalt  }
.Lfunc_end0:
.L_simem_size_0:
called_computation.1_lowered:
.L_overlay_start_0:
0x88: {  	s2 =	sld [smem:$0x3FD9]  }
0x89: {  	s3 =	sld [smem:$0x3FFE];
	_ =	sdelay $0x1  }
0x8a: {  	s1 =	srdreg.scid  }
0x8b: {  	s0 =	sand.u32 $0x1, s1  }
0x8c: {  	s16 =	sshll.u32 s0, $0xA;
	s2 =	sadd.s32 s3, s2  }
0x8d: {  	s2 =	sadd.s32 s2, s16  }
0x8e: {  	[smem:$0x3FBD] =	sst s2  }
0x8f: {  	_ = 	snop  }
0x90: {  	(tm) =	ssettm $0x1  }
0x91: {  	s17 =	sld [smem:$0x3FFB];
	_ =	sdelay $0x3  }
0x92: {  	_ =	strace s17  }
0x93: {  	s2 =	sld [smem:$0x3FFC];
	_ =	sdelay $0x3  }
0x94: {  	_ =	strace s2  }
0x95: {  	s2 =	sld [smem:$0x3FFD];
	_ =	sdelay $0x3  }
0x96: {  	_ =	strace s2  }
0x97: {  	_ =	strace $0x8FFFFFFF  }
0x98: {  	s18 =	sld [smem:$0x3FDB];
	_ =	sdelay $0x1  }
0x99: {  	s19 =	simm.s32 $_scs_section_size  }
0x9a: {  	s4 =	simm.s32 $_size__tile_overlayer_lowered;
	s5 =	simm.s32 $_tile_overlayer_lowered  }
0x9b: {  	s22 =	simm.s32 $0x1BFF;
	s21 =	sshll.u32 s5, $0x1;
	s2 =	sadd.s32 s19, s18  }
0x9c: {  	s6 =	simm.s32 $0x0;
	s20 =	sshll.u32 s4, $0x1;
	s4 =	sadd.s32 s21, s2  }
0x9d: {  	[timem:s6], [sflag:s22] =	dma.local [hbm:s4], s20  }
0x9e: {  	_ =	swait.ge [sflag:s22], s20  }
0x9f: {  	s3 =	ssub.s32 $0x0, s20;
	[sflag:s22] =	ssyncset.done $0x0  }
0xa0: {  	[sflag:s22] =	ssyncadd.s32 s3;
	_ =	sdelay $0x1  }
0xa1: {  	s23 =	simm.s32 $0x1B8B  }
0xa2: {  	_ =	swait.ge [sflag:s23], $0x1  }
0xa3: {  	[sflag:s23] =	ssyncset.done $0x0  }
0xa4: {  	s25 =	simm.s32 $0x1B8E;
	s24 =	sld [smem:$0x3FFE];
	[sflag:s23] =	ssyncadd.s32 $0xFFFFFFFF  }
0xa5: {  	s26 =	simm.s32 $execute0_lowered;
	[smem:$0x3FD2] =	sst s25  }
0xa6: {  	s4 =	sshll.u32 s26, $0x1;
	_ =	strace $0x80000049;
	[dreg:$0x1] =	wrdreg $0xFFFFFFFF  }
0xa7: {  	s28 =	simm.s32 $_size_execute0_lowered;
	s2 =	sadd.s32 s2, s4;
	[dreg:$0x0] =	wrdreg $0x0  }
0xa8: {  	s4 =	sshll.u32 s28, $0x1;
	[dreg:$0x2] =	wrdreg s2  }
0xa9: {  	[dreg:$0x3] =	wrdreg s4  }
0xaa: {  	[dreg:$0x4] =	wrdreg $0xC0  }
0xab: {  	_ =	task [dreg:s6], $0x5FFFF  }
0xac: {  	[dreg:$0x1] =	wrdreg $0xFFFFFFFF  }
0xad: {  	[dreg:$0x0] =	wrdreg $0x60  }
0xae: {  	[dreg:$0x2] =	wrdreg s24  }
0xaf: {  	[dreg:$0x3] =	wrdreg $0x83000  }
0xb0: {  	[dreg:$0x4] =	wrdreg $0x9  }
0xb1: {  	_ =	task.clear_ibuf [dreg:s6], $0x5FFFF;
	_ =	strace $0x90000049  }
0xb2: {  	s29 =	simm.s32 $0x9;
	_ =	strace $0x8000004B  }
0xb3: {  	_ =	swait.ge [sflag:s29], $0x1  }
0xb4: {  	[sflag:s29] =	ssyncadd.s32 $0xFFFFFFFF  }
0xb5: {  	_ =	strace $0x9000004B  }
0xb6: {  	_ =	sfence  }
0xb7: {  	s30 =	sld [smem:$0x0];
	_ =	sdelay $0x2  }
0xb8: {  	s31 =	sshll.u32 s1, $0xD;
	s1 =	sshrl.u32 s1, $0x2  }
0xb9: {  	s3 =	sand.u32 $0x4000, s31;
	s1 =	sadd.s32 s1, s30  }
0xba: {  	s0 =	sor.u32 s3, s0;
	s1 =	sshll.u32 s1, $0x11  }
0xbb: {  	s0 =	sor.u32 s1, s0  }
0xbc: {  	s0 =	sadd.s32 $0x8F2B, s0  }
0xbd: {  	[sflag:s0] =	ssyncadd.remote.s32 $0x1  }
0xbe: {  	_ =	sfence.sel $0xFFFF  }
0xbf: {  	[dreg:$0x0] =	wrdreg $0xFFFFFFFF;
	(pc) =	sbr.abs _section_cstart, $3  }
0xc0: {  	[dreg:$0x1] =	wrdreg $0xFFFFFFFF  }
0xc1: {  	_ =	task.clear_ibuf [dreg:s6], $0x2FFFF;
	_ =	strace $0x9FFFFFFF  }
0xc2: {  	(tm) =	ssettm $0x7FFFFFFF  }
0xc3: {  	_ =	shalt  }
tec
execute0_lowered:
.L_overlay_start_1:
0x0: {  	(tag) =	ssettag $0x1  }
0x1: {  	s0 =	rddreg [dreg:$0x0]  }
0x2: {  	s2 =	rddreg [dreg:$0x1]  }
0x3: {  	s1 =	srdreg.scid;
	s12 =	stileid.u32;
	s3 =	simm.s32 $0x0  }
0x4: {  	s28 =	simm.s32 $0x4;
	s29 =	simm.s32 $0x3;
	s30 =	simm.s32 $0x5  }
0x5: {  	s31 =	simm.s32 $0x180;
	s1 =	sand.u32 $0x1, s1;
	s14 =	smul.u32 $0x50000, s12  }
0x6: {  	s4 =	sshll.u32 s12, $0x1;
	[smem:$0x7FF] =	sst s3;
	s10 =	smul.u32 $0xA200, s12  }
0x7: {  	s8 =	sadd.s32 $0x3F400, s0;
	s18 =	sshll.u32 s12, $0x6;
	s24 =	smul.u32 $0x2800, s12  }
0x8: {  	s6 =	smul.u32 $0x28000, s1;
	s5 =	sor.u32 s1, s4;
	_ =	strace $0x8000004A  }
0x9: {  	s4 =	sadd.s32 $0x17400, s0;
	s9 =	ssub.s32 $0x2, s1;
	s1 =	smul.u32 $0x5100, s1  }
0xa: {  	[dreg:$0x4] =	wrdreg s8;
	s7 =	smul.u32 $0x5100, s5;
	s5 =	sadd.s32 $0x3000, s0  }
0xb: {  	s11 =	sshrl.u32 s9, $0x1;
	s8 =	sshrl.u32 s14, $0x2;
	s0 =	sadd.s32 s6, s0  }
0xc: {  	s15 =	ssub.s32 s9, s11;
	s1 =	sadd.s32 s1, s10;
	s8 =	sadd.s32 s8, s2  }
0xd: {  	s10 =	sor.u32 $0x1C06, s18;
	s18 =	simm.s32 $0x200;
	s7 =	sshrl.u32 s7, $0x3  }
0xe: {  	s19 =	sadd.s32 $0x800, s1;
	s0 =	sadd.s32 $0x41C00, s0;
	s21 =	sadd.s32 $0x700, s1  }
0xf: {  	s6 =	smax.u32 s15, $0x1;
	s13 =	sadd.s32 $0x600, s1;
	s23 =	sadd.s32 $0x500, s1  }
0x10: {  	s25 =	sadd.s32 $0x400, s1;
	s1 =	sadd.s32 $0x300, s1;
	s7 =	sadd.s32 s5, s7  }
0x11: {  	s20 =	sshrl.u32 s19, $0x3;
	[dreg:$0x7] =	wrdreg s6;
	s22 =	sshrl.u32 s21, $0x3  }
0x12: {  	s6 =	sshrl.u32 s23, $0x3;
	s26 =	sshrl.u32 s25, $0x3;
	s1 =	sshrl.u32 s1, $0x3  }
0x13: {  	s19 =	sshrl.u32 s8, $0x3;
	s21 =	simm.s32 $0x1;
	s23 =	simm.s32 $0x300  }
0x14: {  	s24 =	sadd.s32 s24, s0;
	s25 =	simm.s32 $0x2;
	s0 =	simm.s32 $0x280  }
0x15: {  	s16 =	sadd.s32 $0x20, s7;
	s17 =	sadd.s32 $0x40, s7;
	s9 =	sadd.s32 s20, s5  }
0x16: {  	s12 =	sadd.s32 s22, s5;
	s14 =	sadd.s32 s6, s5;
	[dreg:$0x5] =	wrdreg s16  }
0x17: {  	s15 =	sadd.s32 s26, s5;
	s20 =	simm.s32 $0x6;
	[dreg:$0x6] =	wrdreg s17  }
0x18: {  	s22 =	simm.s32 $0x80;
	s26 =	simm.s32 $0x4300;
	[dreg:$0x3] =	wrdreg s9  }
0x19: {  	s16 =	sadd.s32 s1, s5;
	s17 =	simm.s32 $0x100;
	s1 =	simm.s32 $0x0  }
.LBB2_1:
0x1a: {  	[tilespmem:s3], [sflag:$0x1] =	stream.linear.gather [hbm4b:s7+s3], $0x100, $0x38;
	[tilespmem:$0x1C300] =	vst v63  }
0x1b: {  	s6 =	rddreg [dreg:$0x5]  }
0x1c: {  	s11 =	rddreg [dreg:$0x6]  }
0x1d: {  	[tilespmem:s17], [sflag:$0x2] =	stream.linear.gather [hbm4b:s6+s3], $0x100, $0x38;
	[tilespmem:$0x1C300] =	vst v63  }
0x1e: {  	s8 =	rddreg [dreg:$0x4]  }
0x1f: {  	[tilespmem:s18], [sflag:$0x3] =	stream.linear.gather [hbm4b:s11+s3], $0x100, $0x38;
	[tilespmem:$0x1C300] =	vst v63  }
0x20: {  	[spmem:s19], [sflag:s10] =	dma.local [hbm:s8], $0x2800  }
0x21: {  	_ =	swait.ge [sflag:s20], $0x2800  }
0x22: {  	[sflag:s20] =	ssyncset.done $0x0  }
0x23: {  	[sflag:s20] =	ssyncadd.s32 $0xFFFFD800  }
0x24: {  	_ =	swait.ge [sflag:s21], $0x100  }
0x25: {  	[sflag:s21] =	ssyncset.done $0x0  }
0x26: {  	[sflag:s21] =	ssyncadd.s32 $0xFFFFFF00  }
0x27: {  	[tilespmem:s23], [sflag:$0x4] =	stream.indirect.gather [hbm4b:s4+s22], $0x80, s3, s22, $0xb8;
	[tilespmem:$0x1C300] =	vst v63  }
0x28: {  	[bflag:$0x0] =	sbarrier.arrive $0xFFFF  }
0x29: {  	_ =	swait.ge [sflag:s25], $0x100  }
0x2a: {  	[sflag:s25] =	ssyncset.done $0x0  }
0x2b: {  	[sflag:s25] =	ssyncadd.s32 $0xFFFFFF00  }
0x2c: {  	[tilespmem:s26], [sflag:$0x5] =	stream.indirect.gather [hbm4b:s4+s22], $0x80, s17, s22, $0xb8;
	[tilespmem:$0x1C300] =	vst v63  }
0x2d: {  	_ =	swait.ge [sflag:s28], $0x4000  }
0x2e: {  	[sflag:s28] =	ssyncset.done $0x0  }
0x2f: {  	[sflag:s28] =	ssyncadd.s32 $0xFFFFC000  }
0x30: {  	[spmem:s2] =	stream.indirect.scatter.add.f32 [tilespmem:s23], [sflag:$0x6], $0x80, s22, s22, $0xb8;
	[tilespmem:$0x1C300] =	vst v63  }
0x31: {  	_ =	swait.ge [sflag:s20], $0x4000  }
0x32: {  	[sflag:s20] =	ssyncset.done $0x0  }
0x33: {  	s9 =	sadd.s32 $0x0, s16;
	[sflag:s20] =	ssyncadd.s32 $0xFFFFC000  }
0x34: {  	[tilespmem:s3], [sflag:$0x1] =	stream.linear.gather [hbm4b:s9+s3], $0x100, $0x38;
	[tilespmem:$0x1C300] =	vst v63  }
0x35: {  	_ =	swait.ge [sflag:s29], $0x100  }
0x36: {  	[sflag:s29] =	ssyncset.done $0x0  }
0x37: {  	[sflag:s29] =	ssyncadd.s32 $0xFFFFFF00  }
0x38: {  	[tilespmem:s23], [sflag:$0x4] =	stream.indirect.gather [hbm4b:s4+s22], $0x80, s18, s22, $0xb8;
	[tilespmem:$0x1C300] =	vst v63  }
0x39: {  	_ =	swait.ge [sflag:s30], $0x4000  }
0x3a: {  	[sflag:s30] =	ssyncset.done $0x0  }
0x3b: {  	[sflag:s30] =	ssyncadd.s32 $0xFFFFC000  }
0x3c: {  	[spmem:s2] =	stream.indirect.scatter.add.f32 [tilespmem:s26], [sflag:$0x6], $0x80, s31, s22, $0xb8;
	[tilespmem:$0x1C300] =	vst v63  }
0x3d: {  	_ =	swait.ge [sflag:s20], $0x4000  }
0x3e: {  	[sflag:s20] =	ssyncset.done $0x0  }
0x3f: {  	s11 =	sadd.s32 $0x0, s15;
	[sflag:s20] =	ssyncadd.s32 $0xFFFFC000  }
0x40: {  	[tilespmem:s17], [sflag:$0x2] =	stream.linear.gather [hbm4b:s11+s3], $0x100, $0x38;
	[tilespmem:$0x1C300] =	vst v63  }
0x41: {  	_ =	swait.ge [sflag:s21], $0x100  }
0x42: {  	[sflag:s21] =	ssyncset.done $0x0  }
0x43: {  	[sflag:s21] =	ssyncadd.s32 $0xFFFFFF00  }
0x44: {  	[tilespmem:s26], [sflag:$0x5] =	stream.indirect.gather [hbm4b:s4+s22], $0x80, s3, s22, $0xb8;
	[tilespmem:$0x1C300] =	vst v63  }
0x45: {  	_ =	swait.ge [sflag:s28], $0x4000  }
0x46: {  	[sflag:s28] =	ssyncset.done $0x0  }
0x47: {  	[sflag:s28] =	ssyncadd.s32 $0xFFFFC000  }
0x48: {  	[spmem:s2] =	stream.indirect.scatter.add.f32 [tilespmem:s23], [sflag:$0x6], $0x80, s0, s22, $0xb8;
	[tilespmem:$0x1C300] =	vst v63  }
0x49: {  	_ =	swait.ge [sflag:s20], $0x4000  }
0x4a: {  	[sflag:s20] =	ssyncset.done $0x0  }
0x4b: {  	s8 =	sadd.s32 $0x0, s14;
	[sflag:s20] =	ssyncadd.s32 $0xFFFFC000  }
0x4c: {  	[tilespmem:s18], [sflag:$0x3] =	stream.linear.gather [hbm4b:s8+s3], $0x100, $0x38;
	[tilespmem:$0x1C300] =	vst v63  }
0x4d: {  	_ =	swait.ge [sflag:s25], $0x100  }
0x4e: {  	[sflag:s25] =	ssyncset.done $0x0  }
0x4f: {  	[sflag:s25] =	ssyncadd.s32 $0xFFFFFF00  }
0x50: {  	[tilespmem:s23], [sflag:$0x4] =	stream.indirect.gather [hbm4b:s4+s22], $0x80, s17, s22, $0xb8;
	[tilespmem:$0x1C300] =	vst v63  }
0x51: {  	_ =	swait.ge [sflag:s30], $0x4000  }
0x52: {  	[sflag:s30] =	ssyncset.done $0x0  }
0x53: {  	[sflag:s30] =	ssyncadd.s32 $0xFFFFC000  }
0x54: {  	[spmem:s2] =	stream.indirect.scatter.add.f32 [tilespmem:s26], [sflag:$0x6], $0x80, s22, s22, $0xb8;
	[tilespmem:$0x1C300] =	vst v63  }
0x55: {  	_ =	swait.ge [sflag:s20], $0x4000  }
0x56: {  	s9 =	sshrl.u32 s13, $0x3;
	[sflag:s20] =	ssyncset.done $0x0  }
0x57: {  	s6 =	sadd.s32 s5, s9;
	[sflag:s20] =	ssyncadd.s32 $0xFFFFC000  }
0x58: {  	[tilespmem:s3], [sflag:$0x1] =	stream.linear.gather [hbm4b:s6+s3], $0x100, $0x38;
	[tilespmem:$0x1C300] =	vst v63  }
0x59: {  	_ =	swait.ge [sflag:s29], $0x100  }
0x5a: {  	[sflag:s29] =	ssyncset.done $0x0  }
0x5b: {  	[sflag:s29] =	ssyncadd.s32 $0xFFFFFF00  }
0x5c: {  	[tilespmem:s26], [sflag:$0x5] =	stream.indirect.gather [hbm4b:s4+s22], $0x80, s18, s22, $0xb8;
	[tilespmem:$0x1C300] =	vst v63  }
0x5d: {  	_ =	swait.ge [sflag:s28], $0x4000  }
0x5e: {  	[sflag:s28] =	ssyncset.done $0x0  }
0x5f: {  	[sflag:s28] =	ssyncadd.s32 $0xFFFFC000  }
0x60: {  	[spmem:s2] =	stream.indirect.scatter.add.f32 [tilespmem:s23], [sflag:$0x6], $0x80, s31, s22, $0xb8;
	[tilespmem:$0x1C300] =	vst v63  }
0x61: {  	_ =	swait.ge [sflag:s20], $0x4000  }
0x62: {  	[sflag:s20] =	ssyncset.done $0x0  }
0x63: {  	s11 =	sadd.s32 $0x0, s12;
	[sflag:s20] =	ssyncadd.s32 $0xFFFFC000  }
0x64: {  	[tilespmem:s17], [sflag:$0x2] =	stream.linear.gather [hbm4b:s11+s3], $0x100, $0x38;
	[tilespmem:$0x1C300] =	vst v63  }
0x65: {  	_ =	swait.ge [sflag:s21], $0x100  }
0x66: {  	[sflag:s21] =	ssyncset.done $0x0  }
0x67: {  	[sflag:s21] =	ssyncadd.s32 $0xFFFFFF00  }
0x68: {  	[tilespmem:s23], [sflag:$0x4] =	stream.indirect.gather [hbm4b:s4+s22], $0x80, s3, s22, $0xb8;
	[tilespmem:$0x1C300] =	vst v63  }
0x69: {  	_ =	swait.ge [sflag:s30], $0x4000  }
0x6a: {  	[sflag:s30] =	ssyncset.done $0x0  }
0x6b: {  	[sflag:s30] =	ssyncadd.s32 $0xFFFFC000  }
0x6c: {  	[spmem:s2] =	stream.indirect.scatter.add.f32 [tilespmem:s26], [sflag:$0x6], $0x80, s0, s22, $0xb8;
	[tilespmem:$0x1C300] =	vst v63  }
0x6d: {  	_ =	swait.ge [sflag:s20], $0x4000  }
0x6e: {  	s6 =	simm.s32 $0xC0;
	s8 =	rddreg [dreg:$0x3];
	[sflag:s20] =	ssyncset.done $0x0  }
0x6f: {  	[sflag:s20] =	ssyncadd.s32 $0xFFFFC000;
	s9 =	sadd.s32 $0x0, s8;
	s8 =	sadd.s32 $0x600, s13  }
.LBB2_2:
0x70: {  	[tilespmem:s18], [sflag:$0x3] =	stream.linear.gather [hbm4b:s9+s3], $0x100, $0x38;
	[tilespmem:$0x1C300] =	vst v63  }
0x71: {  	_ =	swait.ge [sflag:s25], $0x100  }
0x72: {  	[sflag:s25] =	ssyncset.done $0x0  }
0x73: {  	[sflag:s25] =	ssyncadd.s32 $0xFFFFFF00  }
0x74: {  	[tilespmem:s26], [sflag:$0x5] =	stream.indirect.gather [hbm4b:s4+s22], $0x80, s17, s22, $0xb8;
	[tilespmem:$0x1C300] =	vst v63  }
0x75: {  	_ =	swait.ge [sflag:s28], $0x4000  }
0x76: {  	[sflag:s28] =	ssyncset.done $0x0  }
0x77: {  	[sflag:s28] =	ssyncadd.s32 $0xFFFFC000  }
0x78: {  	[spmem:s2] =	stream.indirect.scatter.add.f32 [tilespmem:s23], [sflag:$0x6], $0x80, s22, s22, $0xb8;
	[tilespmem:$0x1C300] =	vst v63  }
0x79: {  	_ =	swait.ge [sflag:s20], $0x4000  }
0x7a: {  	s9 =	smov.u32 s6;
	[sflag:s20] =	ssyncset.done $0x0  }
0x7b: {  	s11 =	sadd.s32 s9, s16;
	[sflag:s20] =	ssyncadd.s32 $0xFFFFC000  }
0x7c: {  	[tilespmem:s3], [sflag:$0x1] =	stream.linear.gather [hbm4b:s11+s3], $0x100, $0x38;
	[tilespmem:$0x1C300] =	vst v63  }
0x7d: {  	_ =	swait.ge [sflag:s29], $0x100  }
0x7e: {  	[sflag:s29] =	ssyncset.done $0x0  }
0x7f: {  	[sflag:s29] =	ssyncadd.s32 $0xFFFFFF00  }
0x80: {  	[tilespmem:s23], [sflag:$0x4] =	stream.indirect.gather [hbm4b:s4+s22], $0x80, s18, s22, $0xb8;
	[tilespmem:$0x1C300] =	vst v63  }
0x81: {  	_ =	swait.ge [sflag:s30], $0x4000  }
0x82: {  	[sflag:s30] =	ssyncset.done $0x0  }
0x83: {  	[sflag:s30] =	ssyncadd.s32 $0xFFFFC000  }
0x84: {  	[spmem:s2] =	stream.indirect.scatter.add.f32 [tilespmem:s26], [sflag:$0x6], $0x80, s31, s22, $0xb8;
	[tilespmem:$0x1C300] =	vst v63  }
0x85: {  	_ =	swait.ge [sflag:s20], $0x4000  }
0x86: {  	[sflag:s20] =	ssyncset.done $0x0  }
0x87: {  	s11 =	sadd.s32 s9, s15;
	[sflag:s20] =	ssyncadd.s32 $0xFFFFC000  }
0x88: {  	[tilespmem:s17], [sflag:$0x2] =	stream.linear.gather [hbm4b:s11+s3], $0x100, $0x38;
	[tilespmem:$0x1C300] =	vst v63  }
0x89: {  	_ =	swait.ge [sflag:s21], $0x100  }
0x8a: {  	[sflag:s21] =	ssyncset.done $0x0  }
0x8b: {  	[sflag:s21] =	ssyncadd.s32 $0xFFFFFF00  }
0x8c: {  	[tilespmem:s26], [sflag:$0x5] =	stream.indirect.gather [hbm4b:s4+s22], $0x80, s3, s22, $0xb8;
	[tilespmem:$0x1C300] =	vst v63  }
0x8d: {  	_ =	swait.ge [sflag:s28], $0x4000  }
0x8e: {  	[sflag:s28] =	ssyncset.done $0x0  }
0x8f: {  	[sflag:s28] =	ssyncadd.s32 $0xFFFFC000  }
0x90: {  	[spmem:s2] =	stream.indirect.scatter.add.f32 [tilespmem:s23], [sflag:$0x6], $0x80, s0, s22, $0xb8;
	[tilespmem:$0x1C300] =	vst v63  }
0x91: {  	_ =	swait.ge [sflag:s20], $0x4000  }
0x92: {  	[sflag:s20] =	ssyncset.done $0x0  }
0x93: {  	s11 =	sadd.s32 s9, s14;
	[sflag:s20] =	ssyncadd.s32 $0xFFFFC000  }
0x94: {  	[tilespmem:s18], [sflag:$0x3] =	stream.linear.gather [hbm4b:s11+s3], $0x100, $0x38;
	[tilespmem:$0x1C300] =	vst v63  }
0x95: {  	_ =	swait.ge [sflag:s25], $0x100  }
0x96: {  	[sflag:s25] =	ssyncset.done $0x0  }
0x97: {  	[sflag:s25] =	ssyncadd.s32 $0xFFFFFF00  }
0x98: {  	[tilespmem:s23], [sflag:$0x4] =	stream.indirect.gather [hbm4b:s4+s22], $0x80, s17, s22, $0xb8;
	[tilespmem:$0x1C300] =	vst v63  }
0x99: {  	_ =	swait.ge [sflag:s30], $0x4000  }
0x9a: {  	[sflag:s30] =	ssyncset.done $0x0  }
0x9b: {  	[sflag:s30] =	ssyncadd.s32 $0xFFFFC000  }
0x9c: {  	[spmem:s2] =	stream.indirect.scatter.add.f32 [tilespmem:s26], [sflag:$0x6], $0x80, s22, s22, $0xb8;
	[tilespmem:$0x1C300] =	vst v63  }
0x9d: {  	_ =	swait.ge [sflag:s20], $0x4000  }
0x9e: {  	s11 =	sshrl.u32 s8, $0x3;
	[sflag:s20] =	ssyncset.done $0x0  }
0x9f: {  	s11 =	sadd.s32 s5, s11;
	[sflag:s20] =	ssyncadd.s32 $0xFFFFC000  }
0xa0: {  	[tilespmem:s3], [sflag:$0x1] =	stream.linear.gather [hbm4b:s11+s3], $0x100, $0x38;
	[tilespmem:$0x1C300] =	vst v63  }
0xa1: {  	_ =	swait.ge [sflag:s29], $0x100  }
0xa2: {  	[sflag:s29] =	ssyncset.done $0x0  }
0xa3: {  	[sflag:s29] =	ssyncadd.s32 $0xFFFFFF00  }
0xa4: {  	[tilespmem:s26], [sflag:$0x5] =	stream.indirect.gather [hbm4b:s4+s22], $0x80, s18, s22, $0xb8;
	[tilespmem:$0x1C300] =	vst v63  }
0xa5: {  	_ =	swait.ge [sflag:s28], $0x4000  }
0xa6: {  	[sflag:s28] =	ssyncset.done $0x0  }
0xa7: {  	[sflag:s28] =	ssyncadd.s32 $0xFFFFC000  }
0xa8: {  	[spmem:s2] =	stream.indirect.scatter.add.f32 [tilespmem:s23], [sflag:$0x6], $0x80, s31, s22, $0xb8;
	[tilespmem:$0x1C300] =	vst v63  }
0xa9: {  	_ =	swait.ge [sflag:s20], $0x4000  }
0xaa: {  	[sflag:s20] =	ssyncset.done $0x0  }
0xab: {  	s11 =	sadd.s32 s9, s12;
	[sflag:s20] =	ssyncadd.s32 $0xFFFFC000  }
0xac: {  	[tilespmem:s17], [sflag:$0x2] =	stream.linear.gather [hbm4b:s11+s3], $0x100, $0x38;
	[tilespmem:$0x1C300] =	vst v63  }
0xad: {  	_ =	swait.ge [sflag:s21], $0x100  }
0xae: {  	[sflag:s21] =	ssyncset.done $0x0  }
0xaf: {  	[sflag:s21] =	ssyncadd.s32 $0xFFFFFF00  }
0xb0: {  	[tilespmem:s23], [sflag:$0x4] =	stream.indirect.gather [hbm4b:s4+s22], $0x80, s3, s22, $0xb8;
	[tilespmem:$0x1C300] =	vst v63  }
0xb1: {  	_ =	swait.ge [sflag:s30], $0x4000  }
0xb2: {  	p0 =	sne.s32 s6, $0x900;
	[sflag:s30] =	ssyncset.done $0x0  }
.Ltmp0:
0xb3: {  	[sflag:s30] =	ssyncadd.s32 $0xFFFFC000;
	(pc) =	sbr.rel @p0 .LBB2_2-.Ltmp0, $4  }
0xb4: {  	[spmem:s2] =	stream.indirect.scatter.add.f32 [tilespmem:s26], [sflag:$0x6], $0x80, s0, s22, $0xb8;
	[tilespmem:$0x1C300] =	vst v63  }
0xb5: {  	_ =	swait.ge [sflag:s20], $0x4000  }
0xb6: {  	s6 =	sadd.s32 $0xC0, s6;
	[sflag:s20] =	ssyncset.done $0x0;
	s11 =	rddreg [dreg:$0x3]  }
0xb7: {  	s8 =	sadd.s32 $0x600, s8;
	[sflag:s20] =	ssyncadd.s32 $0xFFFFC000;
	s9 =	sadd.s32 s9, s11  }
0xb8: {  	[tilespmem:s18], [sflag:$0x3] =	stream.linear.gather [hbm4b:s9+s3], $0x100, $0x38;
	[tilespmem:$0x1C300] =	vst v63  }
0xb9: {  	_ =	swait.ge [sflag:s25], $0x100  }
0xba: {  	[sflag:s25] =	ssyncset.done $0x0  }
0xbb: {  	[sflag:s25] =	ssyncadd.s32 $0xFFFFFF00  }
0xbc: {  	[tilespmem:s26], [sflag:$0x5] =	stream.indirect.gather [hbm4b:s4+s22], $0x80, s17, s22, $0xb8;
	[tilespmem:$0x1C300] =	vst v63  }
0xbd: {  	_ =	swait.ge [sflag:s28], $0x4000  }
0xbe: {  	[sflag:s28] =	ssyncset.done $0x0  }
0xbf: {  	[sflag:s28] =	ssyncadd.s32 $0xFFFFC000  }
0xc0: {  	[spmem:s2] =	stream.indirect.scatter.add.f32 [tilespmem:s23], [sflag:$0x6], $0x80, s22, s22, $0xb8;
	[tilespmem:$0x1C300] =	vst v63  }
0xc1: {  	_ =	swait.ge [sflag:s20], $0x4000  }
0xc2: {  	[sflag:s20] =	ssyncset.done $0x0  }
0xc3: {  	[sflag:s20] =	ssyncadd.s32 $0xFFFFC000  }
0xc4: {  	_ =	swait.ge [sflag:s29], $0x100  }
0xc5: {  	[sflag:s29] =	ssyncset.done $0x0  }
0xc6: {  	[sflag:s29] =	ssyncadd.s32 $0xFFFFFF00  }
0xc7: {  	[tilespmem:s23], [sflag:$0x4] =	stream.indirect.gather [hbm4b:s4+s22], $0x80, s18, s22, $0xb8;
	[tilespmem:$0x1C300] =	vst v63  }
0xc8: {  	_ =	swait.ge [sflag:s30], $0x4000  }
0xc9: {  	[sflag:s30] =	ssyncset.done $0x0  }
0xca: {  	[sflag:s30] =	ssyncadd.s32 $0xFFFFC000  }
0xcb: {  	[spmem:s2] =	stream.indirect.scatter.add.f32 [tilespmem:s26], [sflag:$0x6], $0x80, s31, s22, $0xb8;
	[tilespmem:$0x1C300] =	vst v63  }
0xcc: {  	_ =	swait.ge [sflag:s20], $0x4000  }
0xcd: {  	[sflag:s20] =	ssyncset.done $0x0  }
0xce: {  	[sflag:s20] =	ssyncadd.s32 $0xFFFFC000  }
0xcf: {  	_ =	swait.ge [sflag:s28], $0x4000  }
0xd0: {  	[sflag:s28] =	ssyncset.done $0x0  }
0xd1: {  	[sflag:s28] =	ssyncadd.s32 $0xFFFFC000  }
0xd2: {  	[spmem:s2] =	stream.indirect.scatter.add.f32 [tilespmem:s23], [sflag:$0x6], $0x80, s0, s22, $0xb8;
	[tilespmem:$0x1C300] =	vst v63  }
0xd3: {  	_ =	swait.ge [sflag:s20], $0x4000  }
0xd4: {  	[sflag:s20] =	ssyncset.done $0x0  }
0xd5: {  	[sflag:s20] =	ssyncadd.s32 $0xFFFFC000  }
0xd6: {  	[bflag:$0x0] =	sbarrier.arrive $0xFFFF  }
0xd7: {  	[hbm:s24], [sflag:s10] =	dma.local [spmem:s19], $0x2800  }
0xd8: {  	_ =	swait.ge [sflag:s20], $0x2800  }
0xd9: {  	s1 =	sadd.s32 $0x1, s1;
	s6 =	rddreg [dreg:$0x7]  }
0xda: {  	p0 =	sne.s32 s1, s6  }
.Ltmp1:
0xdb: {  	_ = 	snop;
	(pc) =	sbr.rel @p0 .LBB2_1-.Ltmp1, $3  }
0xdc: {  	_ =	sdelay $0x1  }
0xdd: {  	[sflag:s20] =	ssyncset.done $0x0  }
0xde: {  	[sflag:s20] =	ssyncadd.s32 $0xFFFFD800  }
0xdf: {  	_ =	sfence.sel $0x180000  }
0xe0: {  	[bflag:$0x0] =	sbarrier.arrive $0xFFFF  }
0xe1: {  	_ =	strace $0x9000004A  }
0xe2: {  	s0 =	stileid.u32;
	[bflag:$0x2] =	sbarrier.arrive $0xFFFF  }
0xe3: {  	p0 =	sne.s32 s0, $0x0;
	s0 =	rddreg [dreg:$0x2]  }
0xe4: {  	s0 =	sadd.s32 @!p0 $0x100000, s0  }
0xe5: {  	[sflag:s0] =	ssyncadd.tile.s32 @!p0 $0x1;
	_ =	shalt  }
.Lfunc_end2:
_tile_overlayer_lowered:
.L_overlay_start_2:
0xe6: {  	(tag) =	ssettag $0x2  }
0xe7: {  	s0 =	rddreg [dreg:$0x0];
	s2 =	stileid.u32  }
0xe8: {  	s1 =	rddreg [dreg:$0x1];
	p0 =	sne.s32 s2, $0x0  }
0xe9: {  	s3 =	rddreg [dreg:$0x2];
	[bflag:$0x3] =	sbarrier.arrive $0xFFFF;
	s2 =	simm.s32 @!p0 $0x1C06  }
0xea: {  	[timem:s3], [sflag:s2] =	dma.local @!p0 [hbm:s0], s1  }
0xeb: {  	s0 =	simm.s32 @!p0 $0x6  }
0xec: {  	_ =	swait.ge @!p0 [sflag:s0], s1  }
0xed: {  	s1 =	ssub.s32 @!p0 $0x0, s1;
	[sflag:s0] =	ssyncset.done @!p0 $0x0  }
0xee: {  	[sflag:s0] =	ssyncadd.s32 @!p0 s1  }
0xef: {  	[bflag:$0x3] =	sbarrier.arrive $0xFFFF  }
0xf0: {  	_ =	shalt  }

// kernel: kernel.16.cloned.1.call-start
scs
__scs_entry_jumppad:
0x0: {  	(pc) =	sbr.rel $0x88, $3  }
0x1: {  	(tag) =	ssettag $0x0;
	lr =	simm.s32 $0x1  }
0x2: {  	[smem:$0x3F96] =	sst lr;
	_ =	strace $0xD0000000  }
0x3: {  	_ = 	snop  }
0x4: {  	_ = 	snop  }
0x5: {  	_ = 	snop  }
0x6: {  	_ = 	snop  }
0x7: {  	_ = 	snop  }
__scs_overlays_trampoline_lowered:
0x8: {  	[smem:$0x3FA5] =	sst s0  }
0x9: {  	[smem:$0x3FA6] =	sst s1  }
0xa: {  	[smem:$0x3FA7] =	sst s2  }
0xb: {  	[smem:$0x3FA8] =	sst s3  }
0xc: {  	[smem:$0x3FA9] =	sst s4  }
0xd: {  	[smem:$0x3FAA] =	sst s5  }
0xe: {  	[smem:$0x3FAB] =	sst s6  }
0xf: {  	[smem:$0x3FAC] =	sst s7  }
0x10: {  	[smem:$0x3FAD] =	sst s8  }
0x11: {  	[smem:$0x3FAE] =	sst s9;
	s0 =	simm.s32 @!p0 $0x0  }
0x12: {  	s1 =	sld [smem:$0x3F94];
	s0 =	simm.s32 @p0 $0x1  }
0x13: {  	[smem:$0x3FAF] =	sst s0;
	s0 =	simm.s32 @!p1 $0x0  }
0x14: {  	s2 =	sld [smem:$0x3F93];
	s0 =	simm.s32 @p1 $0x1  }
0x15: {  	[smem:$0x3FB0] =	sst s0;
	s0 =	simm.s32 @!p2 $0x0  }
0x16: {  	s3 =	sld [smem:$0x3FDB];
	s0 =	simm.s32 @p2 $0x1  }
0x17: {  	s4 =	simm.s32 $0x1BF5;
	[smem:$0x3FB2] =	sst s0  }
0x18: {  	s0 =	sld [smem:$0x3F95];
	_ =	swait.ge [sflag:s4], $0x0  }
0x19: {  	s7 =	sld [smem:$0x3F96]  }
0x1a: {  	s8 =	sadd.s32 $0xFFFFE003, lr  }
0x1b: {  	s9 =	sadd.s32 $0xFFFFFEF7, lr;
	s5 =	simm.s32 $0xFFFFFFFF;
	p2 =	slt.u32 s8, $0xFFFFF086  }
0x1c: {  	p1 =	slt.u32 s9, $0xF7A;
	s5 =	simm.s32 @!p2 $0x0  }
0x1d: {  	s5 =	simm.s32 @p1 $0x1;
	p0 =	seq.s32 s7, s2  }
0x1e: {  	s7 =	smul.u32 @!p0 $0xF7A, s2;
	p2 =	seq.s32 @!p0 s5, $0x0  }
0x1f: {  	s9 =	smul.u32 $0xF7A, s1;
	s8 =	simm.s32 @!p0 $0x1BF5;
	p2 =	por !p2, p0  }
0x20: {  	[sflag:s8] =	ssyncset.s32 @!p0 $0xFFFFF086;
	s6 =	sadd.s32 @!p0 s3, s7;
	s7 =	simm.s32 @!p0 $0x108  }
0x21: {  	s3 =	sadd.s32 s3, s9;
	s6 =	sadd.s32 @!p0 $0x88, s6;
	s7 =	simm.s32 @p2 $0x1082  }
0x22: {  	[simem:s7], [sflag:s8] =	dma.local @!p0 [hbm:s6], $0xF7A  }
0x23: {  	s9 =	sor.u32 $0xD0000000, s2;
	s6 =	simm.s32 $0x108;
	_ =	swait.ge @!p0 [sflag:s8], $0x0  }
0x24: {  	s3 =	sadd.s32 $0x88, s3;
	s6 =	simm.s32 @!p1 $0x1082;
	[sflag:s4] =	ssyncset.s32 $0xFFFFF086  }
0x25: {  	[simem:s6], [sflag:s4] =	dma.local [hbm:s3], $0xF7A  }
0x26: {  	[smem:$0x3F96] =	sst s1;
	(tag) =	ssettag s2;
	_ =	strace s9  }
0x27: {  	s1 =	sld [smem:$0x3FA6]  }
0x28: {  	s2 =	sld [smem:$0x3FA7]  }
0x29: {  	s4 =	sld [smem:$0x3FA9]  }
0x2a: {  	p0 =	seq.s32 s5, $0x0;
	s5 =	sld [smem:$0x3FAA]  }
0x2b: {  	s6 =	sld [smem:$0x3FAB]  }
0x2c: {  	s7 =	sld [smem:$0x3FAC]  }
0x2d: {  	s3 =	simm.s32 $0x108;
	s8 =	sld [smem:$0x3FAD]  }
0x2e: {  	s3 =	simm.s32 @!p0 $0x1082;
	s9 =	sld [smem:$0x3FAE]  }
0x2f: {  	lr =	sadd.s32 s0, s3;
	s0 =	sld [smem:$0x3FA5]  }
0x30: {  	s3 =	sld [smem:$0x3FA8]  }
0x31: {  	[smem:$0x3FB1] =	sst s10  }
0x32: {  	s10 =	sld [smem:$0x3FAF];
	_ =	sdelay $0x3  }
0x33: {  	p0 =	seq.s32 s10, $0x1;
	s10 =	sld [smem:$0x3FB1];
	_ =	sdelay $0x3  }
0x34: {  	[smem:$0x3FB1] =	sst s10  }
0x35: {  	s10 =	sld [smem:$0x3FB0];
	_ =	sdelay $0x3  }
0x36: {  	p1 =	seq.s32 s10, $0x1;
	s10 =	sld [smem:$0x3FB1];
	_ =	sdelay $0x3  }
0x37: {  	[smem:$0x3FB1] =	sst s10  }
0x38: {  	s10 =	sld [smem:$0x3FB2]  }
0x39: {  	_ = 	snop;
	(pc) =	sbr.ind lr, $3  }
0x3a: {  	_ = 	snop  }
0x3b: {  	_ = 	snop  }
0x3c: {  	p2 =	seq.s32 s10, $0x1;
	s10 =	sld [smem:$0x3FB1]  }
0x3d: {  	_ =	shalt  }
0x3e: {  	_ =	shalt  }
0x3f: {  	_ =	shalt  }
0x40: {  	_ =	shalt  }
0x41: {  	_ =	shalt  }
0x42: {  	_ =	shalt  }
0x43: {  	_ =	shalt  }
0x44: {  	_ =	shalt  }
0x45: {  	_ =	shalt  }
0x46: {  	_ =	shalt  }
0x47: {  	_ =	shalt  }
0x48: {  	_ =	shalt  }
0x49: {  	_ =	shalt  }
0x4a: {  	_ =	shalt  }
0x4b: {  	_ =	shalt  }
0x4c: {  	_ =	shalt  }
0x4d: {  	_ =	shalt  }
0x4e: {  	_ =	shalt  }
0x4f: {  	_ =	shalt  }
0x50: {  	_ =	shalt  }
0x51: {  	_ =	shalt  }
0x52: {  	_ =	shalt  }
0x53: {  	_ =	shalt  }
0x54: {  	_ =	shalt  }
0x55: {  	_ =	shalt  }
0x56: {  	_ =	shalt  }
0x57: {  	_ =	shalt  }
0x58: {  	_ =	shalt  }
0x59: {  	_ =	shalt  }
0x5a: {  	_ =	shalt  }
0x5b: {  	_ =	shalt  }
0x5c: {  	_ =	shalt  }
0x5d: {  	_ =	shalt  }
0x5e: {  	_ =	shalt  }
0x5f: {  	_ =	shalt  }
0x60: {  	_ =	shalt  }
0x61: {  	_ =	shalt  }
0x62: {  	_ =	shalt  }
0x63: {  	_ =	shalt  }
0x64: {  	_ =	shalt  }
0x65: {  	_ =	shalt  }
0x66: {  	_ =	shalt  }
0x67: {  	_ =	shalt  }
0x68: {  	_ =	shalt  }
0x69: {  	_ =	shalt  }
0x6a: {  	_ =	shalt  }
0x6b: {  	_ =	shalt  }
0x6c: {  	_ =	shalt  }
0x6d: {  	_ =	shalt  }
0x6e: {  	_ =	shalt  }
0x6f: {  	_ =	shalt  }
0x70: {  	_ =	shalt  }
0x71: {  	_ =	shalt  }
0x72: {  	_ =	shalt  }
0x73: {  	_ =	shalt  }
0x74: {  	_ =	shalt  }
0x75: {  	_ =	shalt  }
0x76: {  	_ =	shalt  }
0x77: {  	_ =	shalt  }
0x78: {  	_ =	shalt  }
0x79: {  	_ =	shalt  }
0x7a: {  	_ =	shalt  }
0x7b: {  	_ =	shalt  }
0x7c: {  	_ =	shalt  }
0x7d: {  	_ =	shalt  }
0x7e: {  	_ =	shalt  }
0x7f: {  	_ =	shalt  }
0x80: {  	_ =	shalt  }
0x81: {  	_ =	shalt  }
0x82: {  	_ =	shalt  }
0x83: {  	_ =	shalt  }
0x84: {  	_ =	shalt  }
0x85: {  	_ =	shalt  }
0x86: {  	_ =	shalt  }
0x87: {  	_ =	shalt  }
.Lfunc_end0:
.L_simem_size_0:
called_computation.2_lowered:
.L_overlay_start_0:
0x88: {  	s2 =	sld [smem:$0x3FD9]  }
0x89: {  	s3 =	sld [smem:$0x3FFE];
	_ =	sdelay $0x1  }
0x8a: {  	s1 =	srdreg.scid  }
0x8b: {  	s0 =	sand.u32 $0x1, s1  }
0x8c: {  	s16 =	sshll.u32 s0, $0xA;
	s2 =	sadd.s32 s3, s2  }
0x8d: {  	s2 =	sadd.s32 s2, s16  }
0x8e: {  	[smem:$0x3FBD] =	sst s2  }
0x8f: {  	_ = 	snop  }
0x90: {  	(tm) =	ssettm $0x1  }
0x91: {  	s17 =	sld [smem:$0x3FFB];
	_ =	sdelay $0x3  }
0x92: {  	_ =	strace s17  }
0x93: {  	s2 =	sld [smem:$0x3FFC];
	_ =	sdelay $0x3  }
0x94: {  	_ =	strace s2  }
0x95: {  	s2 =	sld [smem:$0x3FFD];
	_ =	sdelay $0x3  }
0x96: {  	_ =	strace s2  }
0x97: {  	_ =	strace $0x8FFFFFFF  }
0x98: {  	s18 =	sld [smem:$0x3FDB];
	_ =	sdelay $0x1  }
0x99: {  	s19 =	simm.s32 $_scs_section_size  }
0x9a: {  	s4 =	simm.s32 $_size__tile_overlayer_lowered;
	s5 =	simm.s32 $_tile_overlayer_lowered  }
0x9b: {  	s22 =	simm.s32 $0x1BFF;
	s21 =	sshll.u32 s5, $0x1;
	s2 =	sadd.s32 s19, s18  }
0x9c: {  	s6 =	simm.s32 $0x0;
	s20 =	sshll.u32 s4, $0x1;
	s4 =	sadd.s32 s21, s2  }
0x9d: {  	[timem:s6], [sflag:s22] =	dma.local [hbm:s4], s20  }
0x9e: {  	_ =	swait.ge [sflag:s22], s20  }
0x9f: {  	s3 =	ssub.s32 $0x0, s20;
	[sflag:s22] =	ssyncset.done $0x0  }
0xa0: {  	[sflag:s22] =	ssyncadd.s32 s3;
	_ =	sdelay $0x1  }
0xa1: {  	s23 =	simm.s32 $0x1B8B  }
0xa2: {  	_ =	swait.ge [sflag:s23], $0x1  }
0xa3: {  	[sflag:s23] =	ssyncset.done $0x0  }
0xa4: {  	s25 =	simm.s32 $0x1B8E;
	s24 =	sld [smem:$0x3FFE];
	[sflag:s23] =	ssyncadd.s32 $0xFFFFFFFF  }
0xa5: {  	s26 =	simm.s32 $execute0_lowered;
	[smem:$0x3FD2] =	sst s25  }
0xa6: {  	s4 =	sshll.u32 s26, $0x1;
	_ =	strace $0x8000004C;
	[dreg:$0x1] =	wrdreg $0xFFFFFFFF  }
0xa7: {  	s28 =	simm.s32 $_size_execute0_lowered;
	s2 =	sadd.s32 s2, s4;
	[dreg:$0x0] =	wrdreg $0x0  }
0xa8: {  	s4 =	sshll.u32 s28, $0x1;
	[dreg:$0x2] =	wrdreg s2  }
0xa9: {  	[dreg:$0x3] =	wrdreg s4  }
0xaa: {  	[dreg:$0x4] =	wrdreg $0xC0  }
0xab: {  	_ =	task [dreg:s6], $0x5FFFF  }
0xac: {  	[dreg:$0x1] =	wrdreg $0xFFFFFFFF  }
0xad: {  	[dreg:$0x0] =	wrdreg $0x60  }
0xae: {  	[dreg:$0x2] =	wrdreg s24  }
0xaf: {  	[dreg:$0x3] =	wrdreg $0x83000  }
0xb0: {  	[dreg:$0x4] =	wrdreg $0x9  }
0xb1: {  	_ =	task.clear_ibuf [dreg:s6], $0x5FFFF;
	_ =	strace $0x9000004C  }
0xb2: {  	s29 =	simm.s32 $0x9;
	_ =	strace $0x8000004E  }
0xb3: {  	_ =	swait.ge [sflag:s29], $0x1  }
0xb4: {  	[sflag:s29] =	ssyncadd.s32 $0xFFFFFFFF  }
0xb5: {  	_ =	strace $0x9000004E  }
0xb6: {  	_ =	sfence  }
0xb7: {  	s30 =	sld [smem:$0x0];
	_ =	sdelay $0x2  }
0xb8: {  	s31 =	sshll.u32 s1, $0xD;
	s1 =	sshrl.u32 s1, $0x2  }
0xb9: {  	s3 =	sand.u32 $0x4000, s31;
	s1 =	sadd.s32 s1, s30  }
0xba: {  	s0 =	sor.u32 s3, s0;
	s1 =	sshll.u32 s1, $0x11  }
0xbb: {  	s0 =	sor.u32 s1, s0  }
0xbc: {  	s0 =	sadd.s32 $0x8F2B, s0  }
0xbd: {  	[sflag:s0] =	ssyncadd.remote.s32 $0x1  }
0xbe: {  	_ =	sfence.sel $0xFFFF  }
0xbf: {  	[dreg:$0x0] =	wrdreg $0xFFFFFFFF;
	(pc) =	sbr.abs _section_cstart, $3  }
0xc0: {  	[dreg:$0x1] =	wrdreg $0xFFFFFFFF  }
0xc1: {  	_ =	task.clear_ibuf [dreg:s6], $0x2FFFF;
	_ =	strace $0x9FFFFFFF  }
0xc2: {  	(tm) =	ssettm $0x7FFFFFFF  }
0xc3: {  	_ =	shalt  }
tec
execute0_lowered:
.L_overlay_start_1:
0x0: {  	(tag) =	ssettag $0x1  }
0x1: {  	s0 =	rddreg [dreg:$0x0]  }
0x2: {  	s2 =	rddreg [dreg:$0x1]  }
0x3: {  	s1 =	srdreg.scid;
	s12 =	stileid.u32;
	s3 =	simm.s32 $0x0  }
0x4: {  	s28 =	simm.s32 $0x4;
	s29 =	simm.s32 $0x3;
	s30 =	simm.s32 $0x5  }
0x5: {  	s31 =	simm.s32 $0x180;
	s1 =	sand.u32 $0x1, s1;
	s14 =	smul.u32 $0x50000, s12  }
0x6: {  	s4 =	sshll.u32 s12, $0x1;
	[smem:$0x7FF] =	sst s3;
	s10 =	smul.u32 $0xA200, s12  }
0x7: {  	s8 =	sadd.s32 $0x3F400, s0;
	s18 =	sshll.u32 s12, $0x6;
	s24 =	smul.u32 $0x2800, s12  }
0x8: {  	s6 =	smul.u32 $0x28000, s1;
	s5 =	sor.u32 s1, s4;
	_ =	strace $0x8000004D  }
0x9: {  	s4 =	sadd.s32 $0x17400, s0;
	s9 =	ssub.s32 $0x2, s1;
	s1 =	smul.u32 $0x5100, s1  }
0xa: {  	[dreg:$0x4] =	wrdreg s8;
	s7 =	smul.u32 $0x5100, s5;
	s5 =	sadd.s32 $0x3000, s0  }
0xb: {  	s11 =	sshrl.u32 s9, $0x1;
	s8 =	sshrl.u32 s14, $0x2;
	s0 =	sadd.s32 s6, s0  }
0xc: {  	s15 =	ssub.s32 s9, s11;
	s1 =	sadd.s32 s1, s10;
	s8 =	sadd.s32 s8, s2  }
0xd: {  	s10 =	sor.u32 $0x1C06, s18;
	s18 =	simm.s32 $0x200;
	s7 =	sshrl.u32 s7, $0x3  }
0xe: {  	s19 =	sadd.s32 $0x800, s1;
	s0 =	sadd.s32 $0x41C00, s0;
	s21 =	sadd.s32 $0x700, s1  }
0xf: {  	s6 =	smax.u32 s15, $0x1;
	s13 =	sadd.s32 $0x600, s1;
	s23 =	sadd.s32 $0x500, s1  }
0x10: {  	s25 =	sadd.s32 $0x400, s1;
	s1 =	sadd.s32 $0x300, s1;
	s7 =	sadd.s32 s5, s7  }
0x11: {  	s20 =	sshrl.u32 s19, $0x3;
	[dreg:$0x7] =	wrdreg s6;
	s22 =	sshrl.u32 s21, $0x3  }
0x12: {  	s6 =	sshrl.u32 s23, $0x3;
	s26 =	sshrl.u32 s25, $0x3;
	s1 =	sshrl.u32 s1, $0x3  }
0x13: {  	s19 =	sshrl.u32 s8, $0x3;
	s21 =	simm.s32 $0x1;
	s23 =	simm.s32 $0x300  }
0x14: {  	s24 =	sadd.s32 s24, s0;
	s25 =	simm.s32 $0x2;
	s0 =	simm.s32 $0x280  }
0x15: {  	s16 =	sadd.s32 $0x20, s7;
	s17 =	sadd.s32 $0x40, s7;
	s9 =	sadd.s32 s20, s5  }
0x16: {  	s12 =	sadd.s32 s22, s5;
	s14 =	sadd.s32 s6, s5;
	[dreg:$0x5] =	wrdreg s16  }
0x17: {  	s15 =	sadd.s32 s26, s5;
	s20 =	simm.s32 $0x6;
	[dreg:$0x6] =	wrdreg s17  }
0x18: {  	s22 =	simm.s32 $0x80;
	s26 =	simm.s32 $0x4300;
	[dreg:$0x3] =	wrdreg s9  }
0x19: {  	s16 =	sadd.s32 s1, s5;
	s17 =	simm.s32 $0x100;
	s1 =	simm.s32 $0x0  }
.LBB2_1:
0x1a: {  	[tilespmem:s3], [sflag:$0x1] =	stream.linear.gather [hbm4b:s7+s3], $0x100, $0x38;
	[tilespmem:$0x1C300] =	vst v63  }
0x1b: {  	s6 =	rddreg [dreg:$0x5]  }
0x1c: {  	s11 =	rddreg [dreg:$0x6]  }
0x1d: {  	[tilespmem:s17], [sflag:$0x2] =	stream.linear.gather [hbm4b:s6+s3], $0x100, $0x38;
	[tilespmem:$0x1C300] =	vst v63  }
0x1e: {  	s8 =	rddreg [dreg:$0x4]  }
0x1f: {  	[tilespmem:s18], [sflag:$0x3] =	stream.linear.gather [hbm4b:s11+s3], $0x100, $0x38;
	[tilespmem:$0x1C300] =	vst v63  }
0x20: {  	[spmem:s19], [sflag:s10] =	dma.local [hbm:s8], $0x2800  }
0x21: {  	_ =	swait.ge [sflag:s20], $0x2800  }
0x22: {  	[sflag:s20] =	ssyncset.done $0x0  }
0x23: {  	[sflag:s20] =	ssyncadd.s32 $0xFFFFD800  }
0x24: {  	_ =	swait.ge [sflag:s21], $0x100  }
0x25: {  	[sflag:s21] =	ssyncset.done $0x0  }
0x26: {  	[sflag:s21] =	ssyncadd.s32 $0xFFFFFF00  }
0x27: {  	[tilespmem:s23], [sflag:$0x4] =	stream.indirect.gather [hbm4b:s4+s22], $0x80, s3, s22, $0xb8;
	[tilespmem:$0x1C300] =	vst v63  }
0x28: {  	[bflag:$0x0] =	sbarrier.arrive $0xFFFF  }
0x29: {  	_ =	swait.ge [sflag:s25], $0x100  }
0x2a: {  	[sflag:s25] =	ssyncset.done $0x0  }
0x2b: {  	[sflag:s25] =	ssyncadd.s32 $0xFFFFFF00  }
0x2c: {  	[tilespmem:s26], [sflag:$0x5] =	stream.indirect.gather [hbm4b:s4+s22], $0x80, s17, s22, $0xb8;
	[tilespmem:$0x1C300] =	vst v63  }
0x2d: {  	_ =	swait.ge [sflag:s28], $0x4000  }
0x2e: {  	[sflag:s28] =	ssyncset.done $0x0  }
0x2f: {  	[sflag:s28] =	ssyncadd.s32 $0xFFFFC000  }
0x30: {  	[spmem:s2] =	stream.indirect.scatter.add.f32 [tilespmem:s23], [sflag:$0x6], $0x80, s22, s22, $0xb8;
	[tilespmem:$0x1C300] =	vst v63  }
0x31: {  	_ =	swait.ge [sflag:s20], $0x4000  }
0x32: {  	[sflag:s20] =	ssyncset.done $0x0  }
0x33: {  	s9 =	sadd.s32 $0x0, s16;
	[sflag:s20] =	ssyncadd.s32 $0xFFFFC000  }
0x34: {  	[tilespmem:s3], [sflag:$0x1] =	stream.linear.gather [hbm4b:s9+s3], $0x100, $0x38;
	[tilespmem:$0x1C300] =	vst v63  }
0x35: {  	_ =	swait.ge [sflag:s29], $0x100  }
0x36: {  	[sflag:s29] =	ssyncset.done $0x0  }
0x37: {  	[sflag:s29] =	ssyncadd.s32 $0xFFFFFF00  }
0x38: {  	[tilespmem:s23], [sflag:$0x4] =	stream.indirect.gather [hbm4b:s4+s22], $0x80, s18, s22, $0xb8;
	[tilespmem:$0x1C300] =	vst v63  }
0x39: {  	_ =	swait.ge [sflag:s30], $0x4000  }
0x3a: {  	[sflag:s30] =	ssyncset.done $0x0  }
0x3b: {  	[sflag:s30] =	ssyncadd.s32 $0xFFFFC000  }
0x3c: {  	[spmem:s2] =	stream.indirect.scatter.add.f32 [tilespmem:s26], [sflag:$0x6], $0x80, s31, s22, $0xb8;
	[tilespmem:$0x1C300] =	vst v63  }
0x3d: {  	_ =	swait.ge [sflag:s20], $0x4000  }
0x3e: {  	[sflag:s20] =	ssyncset.done $0x0  }
0x3f: {  	s11 =	sadd.s32 $0x0, s15;
	[sflag:s20] =	ssyncadd.s32 $0xFFFFC000  }
0x40: {  	[tilespmem:s17], [sflag:$0x2] =	stream.linear.gather [hbm4b:s11+s3], $0x100, $0x38;
	[tilespmem:$0x1C300] =	vst v63  }
0x41: {  	_ =	swait.ge [sflag:s21], $0x100  }
0x42: {  	[sflag:s21] =	ssyncset.done $0x0  }
0x43: {  	[sflag:s21] =	ssyncadd.s32 $0xFFFFFF00  }
0x44: {  	[tilespmem:s26], [sflag:$0x5] =	stream.indirect.gather [hbm4b:s4+s22], $0x80, s3, s22, $0xb8;
	[tilespmem:$0x1C300] =	vst v63  }
0x45: {  	_ =	swait.ge [sflag:s28], $0x4000  }
0x46: {  	[sflag:s28] =	ssyncset.done $0x0  }
0x47: {  	[sflag:s28] =	ssyncadd.s32 $0xFFFFC000  }
0x48: {  	[spmem:s2] =	stream.indirect.scatter.add.f32 [tilespmem:s23], [sflag:$0x6], $0x80, s0, s22, $0xb8;
	[tilespmem:$0x1C300] =	vst v63  }
0x49: {  	_ =	swait.ge [sflag:s20], $0x4000  }
0x4a: {  	[sflag:s20] =	ssyncset.done $0x0  }
0x4b: {  	s8 =	sadd.s32 $0x0, s14;
	[sflag:s20] =	ssyncadd.s32 $0xFFFFC000  }
0x4c: {  	[tilespmem:s18], [sflag:$0x3] =	stream.linear.gather [hbm4b:s8+s3], $0x100, $0x38;
	[tilespmem:$0x1C300] =	vst v63  }
0x4d: {  	_ =	swait.ge [sflag:s25], $0x100  }
0x4e: {  	[sflag:s25] =	ssyncset.done $0x0  }
0x4f: {  	[sflag:s25] =	ssyncadd.s32 $0xFFFFFF00  }
0x50: {  	[tilespmem:s23], [sflag:$0x4] =	stream.indirect.gather [hbm4b:s4+s22], $0x80, s17, s22, $0xb8;
	[tilespmem:$0x1C300] =	vst v63  }
0x51: {  	_ =	swait.ge [sflag:s30], $0x4000  }
0x52: {  	[sflag:s30] =	ssyncset.done $0x0  }
0x53: {  	[sflag:s30] =	ssyncadd.s32 $0xFFFFC000  }
0x54: {  	[spmem:s2] =	stream.indirect.scatter.add.f32 [tilespmem:s26], [sflag:$0x6], $0x80, s22, s22, $0xb8;
	[tilespmem:$0x1C300] =	vst v63  }
0x55: {  	_ =	swait.ge [sflag:s20], $0x4000  }
0x56: {  	s9 =	sshrl.u32 s13, $0x3;
	[sflag:s20] =	ssyncset.done $0x0  }
0x57: {  	s6 =	sadd.s32 s5, s9;
	[sflag:s20] =	ssyncadd.s32 $0xFFFFC000  }
0x58: {  	[tilespmem:s3], [sflag:$0x1] =	stream.linear.gather [hbm4b:s6+s3], $0x100, $0x38;
	[tilespmem:$0x1C300] =	vst v63  }
0x59: {  	_ =	swait.ge [sflag:s29], $0x100  }
0x5a: {  	[sflag:s29] =	ssyncset.done $0x0  }
0x5b: {  	[sflag:s29] =	ssyncadd.s32 $0xFFFFFF00  }
0x5c: {  	[tilespmem:s26], [sflag:$0x5] =	stream.indirect.gather [hbm4b:s4+s22], $0x80, s18, s22, $0xb8;
	[tilespmem:$0x1C300] =	vst v63  }
0x5d: {  	_ =	swait.ge [sflag:s28], $0x4000  }
0x5e: {  	[sflag:s28] =	ssyncset.done $0x0  }
0x5f: {  	[sflag:s28] =	ssyncadd.s32 $0xFFFFC000  }
0x60: {  	[spmem:s2] =	stream.indirect.scatter.add.f32 [tilespmem:s23], [sflag:$0x6], $0x80, s31, s22, $0xb8;
	[tilespmem:$0x1C300] =	vst v63  }
0x61: {  	_ =	swait.ge [sflag:s20], $0x4000  }
0x62: {  	[sflag:s20] =	ssyncset.done $0x0  }
0x63: {  	s11 =	sadd.s32 $0x0, s12;
	[sflag:s20] =	ssyncadd.s32 $0xFFFFC000  }
0x64: {  	[tilespmem:s17], [sflag:$0x2] =	stream.linear.gather [hbm4b:s11+s3], $0x100, $0x38;
	[tilespmem:$0x1C300] =	vst v63  }
0x65: {  	_ =	swait.ge [sflag:s21], $0x100  }
0x66: {  	[sflag:s21] =	ssyncset.done $0x0  }
0x67: {  	[sflag:s21] =	ssyncadd.s32 $0xFFFFFF00  }
0x68: {  	[tilespmem:s23], [sflag:$0x4] =	stream.indirect.gather [hbm4b:s4+s22], $0x80, s3, s22, $0xb8;
	[tilespmem:$0x1C300] =	vst v63  }
0x69: {  	_ =	swait.ge [sflag:s30], $0x4000  }
0x6a: {  	[sflag:s30] =	ssyncset.done $0x0  }
0x6b: {  	[sflag:s30] =	ssyncadd.s32 $0xFFFFC000  }
0x6c: {  	[spmem:s2] =	stream.indirect.scatter.add.f32 [tilespmem:s26], [sflag:$0x6], $0x80, s0, s22, $0xb8;
	[tilespmem:$0x1C300] =	vst v63  }
0x6d: {  	_ =	swait.ge [sflag:s20], $0x4000  }
0x6e: {  	s6 =	simm.s32 $0xC0;
	s8 =	rddreg [dreg:$0x3];
	[sflag:s20] =	ssyncset.done $0x0  }
0x6f: {  	[sflag:s20] =	ssyncadd.s32 $0xFFFFC000;
	s9 =	sadd.s32 $0x0, s8;
	s8 =	sadd.s32 $0x600, s13  }
.LBB2_2:
0x70: {  	[tilespmem:s18], [sflag:$0x3] =	stream.linear.gather [hbm4b:s9+s3], $0x100, $0x38;
	[tilespmem:$0x1C300] =	vst v63  }
0x71: {  	_ =	swait.ge [sflag:s25], $0x100  }
0x72: {  	[sflag:s25] =	ssyncset.done $0x0  }
0x73: {  	[sflag:s25] =	ssyncadd.s32 $0xFFFFFF00  }
0x74: {  	[tilespmem:s26], [sflag:$0x5] =	stream.indirect.gather [hbm4b:s4+s22], $0x80, s17, s22, $0xb8;
	[tilespmem:$0x1C300] =	vst v63  }
0x75: {  	_ =	swait.ge [sflag:s28], $0x4000  }
0x76: {  	[sflag:s28] =	ssyncset.done $0x0  }
0x77: {  	[sflag:s28] =	ssyncadd.s32 $0xFFFFC000  }
0x78: {  	[spmem:s2] =	stream.indirect.scatter.add.f32 [tilespmem:s23], [sflag:$0x6], $0x80, s22, s22, $0xb8;
	[tilespmem:$0x1C300] =	vst v63  }
0x79: {  	_ =	swait.ge [sflag:s20], $0x4000  }
0x7a: {  	s9 =	smov.u32 s6;
	[sflag:s20] =	ssyncset.done $0x0  }
0x7b: {  	s11 =	sadd.s32 s9, s16;
	[sflag:s20] =	ssyncadd.s32 $0xFFFFC000  }
0x7c: {  	[tilespmem:s3], [sflag:$0x1] =	stream.linear.gather [hbm4b:s11+s3], $0x100, $0x38;
	[tilespmem:$0x1C300] =	vst v63  }
0x7d: {  	_ =	swait.ge [sflag:s29], $0x100  }
0x7e: {  	[sflag:s29] =	ssyncset.done $0x0  }
0x7f: {  	[sflag:s29] =	ssyncadd.s32 $0xFFFFFF00  }
0x80: {  	[tilespmem:s23], [sflag:$0x4] =	stream.indirect.gather [hbm4b:s4+s22], $0x80, s18, s22, $0xb8;
	[tilespmem:$0x1C300] =	vst v63  }
0x81: {  	_ =	swait.ge [sflag:s30], $0x4000  }
0x82: {  	[sflag:s30] =	ssyncset.done $0x0  }
0x83: {  	[sflag:s30] =	ssyncadd.s32 $0xFFFFC000  }
0x84: {  	[spmem:s2] =	stream.indirect.scatter.add.f32 [tilespmem:s26], [sflag:$0x6], $0x80, s31, s22, $0xb8;
	[tilespmem:$0x1C300] =	vst v63  }
0x85: {  	_ =	swait.ge [sflag:s20], $0x4000  }
0x86: {  	[sflag:s20] =	ssyncset.done $0x0  }
0x87: {  	s11 =	sadd.s32 s9, s15;
	[sflag:s20] =	ssyncadd.s32 $0xFFFFC000  }
0x88: {  	[tilespmem:s17], [sflag:$0x2] =	stream.linear.gather [hbm4b:s11+s3], $0x100, $0x38;
	[tilespmem:$0x1C300] =	vst v63  }
0x89: {  	_ =	swait.ge [sflag:s21], $0x100  }
0x8a: {  	[sflag:s21] =	ssyncset.done $0x0  }
0x8b: {  	[sflag:s21] =	ssyncadd.s32 $0xFFFFFF00  }
0x8c: {  	[tilespmem:s26], [sflag:$0x5] =	stream.indirect.gather [hbm4b:s4+s22], $0x80, s3, s22, $0xb8;
	[tilespmem:$0x1C300] =	vst v63  }
0x8d: {  	_ =	swait.ge [sflag:s28], $0x4000  }
0x8e: {  	[sflag:s28] =	ssyncset.done $0x0  }
0x8f: {  	[sflag:s28] =	ssyncadd.s32 $0xFFFFC000  }
0x90: {  	[spmem:s2] =	stream.indirect.scatter.add.f32 [tilespmem:s23], [sflag:$0x6], $0x80, s0, s22, $0xb8;
	[tilespmem:$0x1C300] =	vst v63  }
0x91: {  	_ =	swait.ge [sflag:s20], $0x4000  }
0x92: {  	[sflag:s20] =	ssyncset.done $0x0  }
0x93: {  	s11 =	sadd.s32 s9, s14;
	[sflag:s20] =	ssyncadd.s32 $0xFFFFC000  }
0x94: {  	[tilespmem:s18], [sflag:$0x3] =	stream.linear.gather [hbm4b:s11+s3], $0x100, $0x38;
	[tilespmem:$0x1C300] =	vst v63  }
0x95: {  	_ =	swait.ge [sflag:s25], $0x100  }
0x96: {  	[sflag:s25] =	ssyncset.done $0x0  }
0x97: {  	[sflag:s25] =	ssyncadd.s32 $0xFFFFFF00  }
0x98: {  	[tilespmem:s23], [sflag:$0x4] =	stream.indirect.gather [hbm4b:s4+s22], $0x80, s17, s22, $0xb8;
	[tilespmem:$0x1C300] =	vst v63  }
0x99: {  	_ =	swait.ge [sflag:s30], $0x4000  }
0x9a: {  	[sflag:s30] =	ssyncset.done $0x0  }
0x9b: {  	[sflag:s30] =	ssyncadd.s32 $0xFFFFC000  }
0x9c: {  	[spmem:s2] =	stream.indirect.scatter.add.f32 [tilespmem:s26], [sflag:$0x6], $0x80, s22, s22, $0xb8;
	[tilespmem:$0x1C300] =	vst v63  }
0x9d: {  	_ =	swait.ge [sflag:s20], $0x4000  }
0x9e: {  	s11 =	sshrl.u32 s8, $0x3;
	[sflag:s20] =	ssyncset.done $0x0  }
0x9f: {  	s11 =	sadd.s32 s5, s11;
	[sflag:s20] =	ssyncadd.s32 $0xFFFFC000  }
0xa0: {  	[tilespmem:s3], [sflag:$0x1] =	stream.linear.gather [hbm4b:s11+s3], $0x100, $0x38;
	[tilespmem:$0x1C300] =	vst v63  }
0xa1: {  	_ =	swait.ge [sflag:s29], $0x100  }
0xa2: {  	[sflag:s29] =	ssyncset.done $0x0  }
0xa3: {  	[sflag:s29] =	ssyncadd.s32 $0xFFFFFF00  }
0xa4: {  	[tilespmem:s26], [sflag:$0x5] =	stream.indirect.gather [hbm4b:s4+s22], $0x80, s18, s22, $0xb8;
	[tilespmem:$0x1C300] =	vst v63  }
0xa5: {  	_ =	swait.ge [sflag:s28], $0x4000  }
0xa6: {  	[sflag:s28] =	ssyncset.done $0x0  }
0xa7: {  	[sflag:s28] =	ssyncadd.s32 $0xFFFFC000  }
0xa8: {  	[spmem:s2] =	stream.indirect.scatter.add.f32 [tilespmem:s23], [sflag:$0x6], $0x80, s31, s22, $0xb8;
	[tilespmem:$0x1C300] =	vst v63  }
0xa9: {  	_ =	swait.ge [sflag:s20], $0x4000  }
0xaa: {  	[sflag:s20] =	ssyncset.done $0x0  }
0xab: {  	s11 =	sadd.s32 s9, s12;
	[sflag:s20] =	ssyncadd.s32 $0xFFFFC000  }
0xac: {  	[tilespmem:s17], [sflag:$0x2] =	stream.linear.gather [hbm4b:s11+s3], $0x100, $0x38;
	[tilespmem:$0x1C300] =	vst v63  }
0xad: {  	_ =	swait.ge [sflag:s21], $0x100  }
0xae: {  	[sflag:s21] =	ssyncset.done $0x0  }
0xaf: {  	[sflag:s21] =	ssyncadd.s32 $0xFFFFFF00  }
0xb0: {  	[tilespmem:s23], [sflag:$0x4] =	stream.indirect.gather [hbm4b:s4+s22], $0x80, s3, s22, $0xb8;
	[tilespmem:$0x1C300] =	vst v63  }
0xb1: {  	_ =	swait.ge [sflag:s30], $0x4000  }
0xb2: {  	p0 =	sne.s32 s6, $0x900;
	[sflag:s30] =	ssyncset.done $0x0  }
.Ltmp0:
0xb3: {  	[sflag:s30] =	ssyncadd.s32 $0xFFFFC000;
	(pc) =	sbr.rel @p0 .LBB2_2-.Ltmp0, $4  }
0xb4: {  	[spmem:s2] =	stream.indirect.scatter.add.f32 [tilespmem:s26], [sflag:$0x6], $0x80, s0, s22, $0xb8;
	[tilespmem:$0x1C300] =	vst v63  }
0xb5: {  	_ =	swait.ge [sflag:s20], $0x4000  }
0xb6: {  	s6 =	sadd.s32 $0xC0, s6;
	[sflag:s20] =	ssyncset.done $0x0;
	s11 =	rddreg [dreg:$0x3]  }
0xb7: {  	s8 =	sadd.s32 $0x600, s8;
	[sflag:s20] =	ssyncadd.s32 $0xFFFFC000;
	s9 =	sadd.s32 s9, s11  }
0xb8: {  	[tilespmem:s18], [sflag:$0x3] =	stream.linear.gather [hbm4b:s9+s3], $0x100, $0x38;
	[tilespmem:$0x1C300] =	vst v63  }
0xb9: {  	_ =	swait.ge [sflag:s25], $0x100  }
0xba: {  	[sflag:s25] =	ssyncset.done $0x0  }
0xbb: {  	[sflag:s25] =	ssyncadd.s32 $0xFFFFFF00  }
0xbc: {  	[tilespmem:s26], [sflag:$0x5] =	stream.indirect.gather [hbm4b:s4+s22], $0x80, s17, s22, $0xb8;
	[tilespmem:$0x1C300] =	vst v63  }
0xbd: {  	_ =	swait.ge [sflag:s28], $0x4000  }
0xbe: {  	[sflag:s28] =	ssyncset.done $0x0  }
0xbf: {  	[sflag:s28] =	ssyncadd.s32 $0xFFFFC000  }
0xc0: {  	[spmem:s2] =	stream.indirect.scatter.add.f32 [tilespmem:s23], [sflag:$0x6], $0x80, s22, s22, $0xb8;
	[tilespmem:$0x1C300] =	vst v63  }
0xc1: {  	_ =	swait.ge [sflag:s20], $0x4000  }
0xc2: {  	[sflag:s20] =	ssyncset.done $0x0  }
0xc3: {  	[sflag:s20] =	ssyncadd.s32 $0xFFFFC000  }
0xc4: {  	_ =	swait.ge [sflag:s29], $0x100  }
0xc5: {  	[sflag:s29] =	ssyncset.done $0x0  }
0xc6: {  	[sflag:s29] =	ssyncadd.s32 $0xFFFFFF00  }
0xc7: {  	[tilespmem:s23], [sflag:$0x4] =	stream.indirect.gather [hbm4b:s4+s22], $0x80, s18, s22, $0xb8;
	[tilespmem:$0x1C300] =	vst v63  }
0xc8: {  	_ =	swait.ge [sflag:s30], $0x4000  }
0xc9: {  	[sflag:s30] =	ssyncset.done $0x0  }
0xca: {  	[sflag:s30] =	ssyncadd.s32 $0xFFFFC000  }
0xcb: {  	[spmem:s2] =	stream.indirect.scatter.add.f32 [tilespmem:s26], [sflag:$0x6], $0x80, s31, s22, $0xb8;
	[tilespmem:$0x1C300] =	vst v63  }
0xcc: {  	_ =	swait.ge [sflag:s20], $0x4000  }
0xcd: {  	[sflag:s20] =	ssyncset.done $0x0  }
0xce: {  	[sflag:s20] =	ssyncadd.s32 $0xFFFFC000  }
0xcf: {  	_ =	swait.ge [sflag:s28], $0x4000  }
0xd0: {  	[sflag:s28] =	ssyncset.done $0x0  }
0xd1: {  	[sflag:s28] =	ssyncadd.s32 $0xFFFFC000  }
0xd2: {  	[spmem:s2] =	stream.indirect.scatter.add.f32 [tilespmem:s23], [sflag:$0x6], $0x80, s0, s22, $0xb8;
	[tilespmem:$0x1C300] =	vst v63  }
0xd3: {  	_ =	swait.ge [sflag:s20], $0x4000  }
0xd4: {  	[sflag:s20] =	ssyncset.done $0x0  }
0xd5: {  	[sflag:s20] =	ssyncadd.s32 $0xFFFFC000  }
0xd6: {  	[bflag:$0x0] =	sbarrier.arrive $0xFFFF  }
0xd7: {  	[hbm:s24], [sflag:s10] =	dma.local [spmem:s19], $0x2800  }
0xd8: {  	_ =	swait.ge [sflag:s20], $0x2800  }
0xd9: {  	s1 =	sadd.s32 $0x1, s1;
	s6 =	rddreg [dreg:$0x7]  }
0xda: {  	p0 =	sne.s32 s1, s6  }
.Ltmp1:
0xdb: {  	_ = 	snop;
	(pc) =	sbr.rel @p0 .LBB2_1-.Ltmp1, $3  }
0xdc: {  	_ =	sdelay $0x1  }
0xdd: {  	[sflag:s20] =	ssyncset.done $0x0  }
0xde: {  	[sflag:s20] =	ssyncadd.s32 $0xFFFFD800  }
0xdf: {  	_ =	sfence.sel $0x180000  }
0xe0: {  	[bflag:$0x0] =	sbarrier.arrive $0xFFFF  }
0xe1: {  	_ =	strace $0x9000004D  }
0xe2: {  	s0 =	stileid.u32;
	[bflag:$0x2] =	sbarrier.arrive $0xFFFF  }
0xe3: {  	p0 =	sne.s32 s0, $0x0;
	s0 =	rddreg [dreg:$0x2]  }
0xe4: {  	s0 =	sadd.s32 @!p0 $0x100000, s0  }
0xe5: {  	[sflag:s0] =	ssyncadd.tile.s32 @!p0 $0x1;
	_ =	shalt  }
.Lfunc_end2:
_tile_overlayer_lowered:
.L_overlay_start_2:
0xe6: {  	(tag) =	ssettag $0x2  }
0xe7: {  	s0 =	rddreg [dreg:$0x0];
	s2 =	stileid.u32  }
0xe8: {  	s1 =	rddreg [dreg:$0x1];
	p0 =	sne.s32 s2, $0x0  }
0xe9: {  	s3 =	rddreg [dreg:$0x2];
	[bflag:$0x3] =	sbarrier.arrive $0xFFFF;
	s2 =	simm.s32 @!p0 $0x1C06  }
0xea: {  	[timem:s3], [sflag:s2] =	dma.local @!p0 [hbm:s0], s1  }
0xeb: {  	s0 =	simm.s32 @!p0 $0x6  }
0xec: {  	_ =	swait.ge @!p0 [sflag:s0], s1  }
0xed: {  	s1 =	ssub.s32 @!p0 $0x0, s1;
	[sflag:s0] =	ssyncset.done @!p0 $0x0  }
0xee: {  	[sflag:s0] =	ssyncadd.s32 @!p0 s1  }
0xef: {  	[bflag:$0x3] =	sbarrier.arrive $0xFFFF  }
0xf0: {  	_ =	shalt  }

// kernel: kernel.19.cloned.1.call-start
scs
__scs_entry_jumppad:
0x0: {  	(pc) =	sbr.rel $0x88, $3  }
0x1: {  	(tag) =	ssettag $0x0;
	lr =	simm.s32 $0x1  }
0x2: {  	[smem:$0x3F96] =	sst lr;
	_ =	strace $0xD0000000  }
0x3: {  	_ = 	snop  }
0x4: {  	_ = 	snop  }
0x5: {  	_ = 	snop  }
0x6: {  	_ = 	snop  }
0x7: {  	_ = 	snop  }
__scs_overlays_trampoline_lowered:
0x8: {  	[smem:$0x3FA5] =	sst s0  }
0x9: {  	[smem:$0x3FA6] =	sst s1  }
0xa: {  	[smem:$0x3FA7] =	sst s2  }
0xb: {  	[smem:$0x3FA8] =	sst s3  }
0xc: {  	[smem:$0x3FA9] =	sst s4  }
0xd: {  	[smem:$0x3FAA] =	sst s5  }
0xe: {  	[smem:$0x3FAB] =	sst s6  }
0xf: {  	[smem:$0x3FAC] =	sst s7  }
0x10: {  	[smem:$0x3FAD] =	sst s8  }
0x11: {  	[smem:$0x3FAE] =	sst s9;
	s0 =	simm.s32 @!p0 $0x0  }
0x12: {  	s1 =	sld [smem:$0x3F94];
	s0 =	simm.s32 @p0 $0x1  }
0x13: {  	[smem:$0x3FAF] =	sst s0;
	s0 =	simm.s32 @!p1 $0x0  }
0x14: {  	s2 =	sld [smem:$0x3F93];
	s0 =	simm.s32 @p1 $0x1  }
0x15: {  	[smem:$0x3FB0] =	sst s0;
	s0 =	simm.s32 @!p2 $0x0  }
0x16: {  	s3 =	sld [smem:$0x3FDB];
	s0 =	simm.s32 @p2 $0x1  }
0x17: {  	s4 =	simm.s32 $0x1BF5;
	[smem:$0x3FB2] =	sst s0  }
0x18: {  	s0 =	sld [smem:$0x3F95];
	_ =	swait.ge [sflag:s4], $0x0  }
0x19: {  	s7 =	sld [smem:$0x3F96]  }
0x1a: {  	s8 =	sadd.s32 $0xFFFFE003, lr  }
0x1b: {  	s9 =	sadd.s32 $0xFFFFFEF7, lr;
	s5 =	simm.s32 $0xFFFFFFFF;
	p2 =	slt.u32 s8, $0xFFFFF086  }
0x1c: {  	p1 =	slt.u32 s9, $0xF7A;
	s5 =	simm.s32 @!p2 $0x0  }
0x1d: {  	s5 =	simm.s32 @p1 $0x1;
	p0 =	seq.s32 s7, s2  }
0x1e: {  	s7 =	smul.u32 @!p0 $0xF7A, s2;
	p2 =	seq.s32 @!p0 s5, $0x0  }
0x1f: {  	s9 =	smul.u32 $0xF7A, s1;
	s8 =	simm.s32 @!p0 $0x1BF5;
	p2 =	por !p2, p0  }
0x20: {  	[sflag:s8] =	ssyncset.s32 @!p0 $0xFFFFF086;
	s6 =	sadd.s32 @!p0 s3, s7;
	s7 =	simm.s32 @!p0 $0x108  }
0x21: {  	s3 =	sadd.s32 s3, s9;
	s6 =	sadd.s32 @!p0 $0x88, s6;
	s7 =	simm.s32 @p2 $0x1082  }
0x22: {  	[simem:s7], [sflag:s8] =	dma.local @!p0 [hbm:s6], $0xF7A  }
0x23: {  	s9 =	sor.u32 $0xD0000000, s2;
	s6 =	simm.s32 $0x108;
	_ =	swait.ge @!p0 [sflag:s8], $0x0  }
0x24: {  	s3 =	sadd.s32 $0x88, s3;
	s6 =	simm.s32 @!p1 $0x1082;
	[sflag:s4] =	ssyncset.s32 $0xFFFFF086  }
0x25: {  	[simem:s6], [sflag:s4] =	dma.local [hbm:s3], $0xF7A  }
0x26: {  	[smem:$0x3F96] =	sst s1;
	(tag) =	ssettag s2;
	_ =	strace s9  }
0x27: {  	s1 =	sld [smem:$0x3FA6]  }
0x28: {  	s2 =	sld [smem:$0x3FA7]  }
0x29: {  	s4 =	sld [smem:$0x3FA9]  }
0x2a: {  	p0 =	seq.s32 s5, $0x0;
	s5 =	sld [smem:$0x3FAA]  }
0x2b: {  	s6 =	sld [smem:$0x3FAB]  }
0x2c: {  	s7 =	sld [smem:$0x3FAC]  }
0x2d: {  	s3 =	simm.s32 $0x108;
	s8 =	sld [smem:$0x3FAD]  }
0x2e: {  	s3 =	simm.s32 @!p0 $0x1082;
	s9 =	sld [smem:$0x3FAE]  }
0x2f: {  	lr =	sadd.s32 s0, s3;
	s0 =	sld [smem:$0x3FA5]  }
0x30: {  	s3 =	sld [smem:$0x3FA8]  }
0x31: {  	[smem:$0x3FB1] =	sst s10  }
0x32: {  	s10 =	sld [smem:$0x3FAF];
	_ =	sdelay $0x3  }
0x33: {  	p0 =	seq.s32 s10, $0x1;
	s10 =	sld [smem:$0x3FB1];
	_ =	sdelay $0x3  }
0x34: {  	[smem:$0x3FB1] =	sst s10  }
0x35: {  	s10 =	sld [smem:$0x3FB0];
	_ =	sdelay $0x3  }
0x36: {  	p1 =	seq.s32 s10, $0x1;
	s10 =	sld [smem:$0x3FB1];
	_ =	sdelay $0x3  }
0x37: {  	[smem:$0x3FB1] =	sst s10  }
0x38: {  	s10 =	sld [smem:$0x3FB2]  }
0x39: {  	_ = 	snop;
	(pc) =	sbr.ind lr, $3  }
0x3a: {  	_ = 	snop  }
0x3b: {  	_ = 	snop  }
0x3c: {  	p2 =	seq.s32 s10, $0x1;
	s10 =	sld [smem:$0x3FB1]  }
0x3d: {  	_ =	shalt  }
0x3e: {  	_ =	shalt  }
0x3f: {  	_ =	shalt  }
0x40: {  	_ =	shalt  }
0x41: {  	_ =	shalt  }
0x42: {  	_ =	shalt  }
0x43: {  	_ =	shalt  }
0x44: {  	_ =	shalt  }
0x45: {  	_ =	shalt  }
0x46: {  	_ =	shalt  }
0x47: {  	_ =	shalt  }
0x48: {  	_ =	shalt  }
0x49: {  	_ =	shalt  }
0x4a: {  	_ =	shalt  }
0x4b: {  	_ =	shalt  }
0x4c: {  	_ =	shalt  }
0x4d: {  	_ =	shalt  }
0x4e: {  	_ =	shalt  }
0x4f: {  	_ =	shalt  }
0x50: {  	_ =	shalt  }
0x51: {  	_ =	shalt  }
0x52: {  	_ =	shalt  }
0x53: {  	_ =	shalt  }
0x54: {  	_ =	shalt  }
0x55: {  	_ =	shalt  }
0x56: {  	_ =	shalt  }
0x57: {  	_ =	shalt  }
0x58: {  	_ =	shalt  }
0x59: {  	_ =	shalt  }
0x5a: {  	_ =	shalt  }
0x5b: {  	_ =	shalt  }
0x5c: {  	_ =	shalt  }
0x5d: {  	_ =	shalt  }
0x5e: {  	_ =	shalt  }
0x5f: {  	_ =	shalt  }
0x60: {  	_ =	shalt  }
0x61: {  	_ =	shalt  }
0x62: {  	_ =	shalt  }
0x63: {  	_ =	shalt  }
0x64: {  	_ =	shalt  }
0x65: {  	_ =	shalt  }
0x66: {  	_ =	shalt  }
0x67: {  	_ =	shalt  }
0x68: {  	_ =	shalt  }
0x69: {  	_ =	shalt  }
0x6a: {  	_ =	shalt  }
0x6b: {  	_ =	shalt  }
0x6c: {  	_ =	shalt  }
0x6d: {  	_ =	shalt  }
0x6e: {  	_ =	shalt  }
0x6f: {  	_ =	shalt  }
0x70: {  	_ =	shalt  }
0x71: {  	_ =	shalt  }
0x72: {  	_ =	shalt  }
0x73: {  	_ =	shalt  }
0x74: {  	_ =	shalt  }
0x75: {  	_ =	shalt  }
0x76: {  	_ =	shalt  }
0x77: {  	_ =	shalt  }
0x78: {  	_ =	shalt  }
0x79: {  	_ =	shalt  }
0x7a: {  	_ =	shalt  }
0x7b: {  	_ =	shalt  }
0x7c: {  	_ =	shalt  }
0x7d: {  	_ =	shalt  }
0x7e: {  	_ =	shalt  }
0x7f: {  	_ =	shalt  }
0x80: {  	_ =	shalt  }
0x81: {  	_ =	shalt  }
0x82: {  	_ =	shalt  }
0x83: {  	_ =	shalt  }
0x84: {  	_ =	shalt  }
0x85: {  	_ =	shalt  }
0x86: {  	_ =	shalt  }
0x87: {  	_ =	shalt  }
.Lfunc_end0:
.L_simem_size_0:
called_computation.3_lowered:
.L_overlay_start_0:
0x88: {  	s2 =	sld [smem:$0x3FD9]  }
0x89: {  	s3 =	sld [smem:$0x3FFE];
	_ =	sdelay $0x1  }
0x8a: {  	s1 =	srdreg.scid  }
0x8b: {  	s0 =	sand.u32 $0x1, s1  }
0x8c: {  	s16 =	sshll.u32 s0, $0xA;
	s2 =	sadd.s32 s3, s2  }
0x8d: {  	s2 =	sadd.s32 s2, s16  }
0x8e: {  	[smem:$0x3FBD] =	sst s2  }
0x8f: {  	_ = 	snop  }
0x90: {  	(tm) =	ssettm $0x1  }
0x91: {  	s17 =	sld [smem:$0x3FFB];
	_ =	sdelay $0x3  }
0x92: {  	_ =	strace s17  }
0x93: {  	s2 =	sld [smem:$0x3FFC];
	_ =	sdelay $0x3  }
0x94: {  	_ =	strace s2  }
0x95: {  	s2 =	sld [smem:$0x3FFD];
	_ =	sdelay $0x3  }
0x96: {  	_ =	strace s2  }
0x97: {  	_ =	strace $0x8FFFFFFF  }
0x98: {  	s18 =	sld [smem:$0x3FDB];
	_ =	sdelay $0x1  }
0x99: {  	s19 =	simm.s32 $_scs_section_size  }
0x9a: {  	s4 =	simm.s32 $_size__tile_overlayer_lowered;
	s5 =	simm.s32 $_tile_overlayer_lowered  }
0x9b: {  	s22 =	simm.s32 $0x1BFF;
	s21 =	sshll.u32 s5, $0x1;
	s2 =	sadd.s32 s19, s18  }
0x9c: {  	s6 =	simm.s32 $0x0;
	s20 =	sshll.u32 s4, $0x1;
	s4 =	sadd.s32 s21, s2  }
0x9d: {  	[timem:s6], [sflag:s22] =	dma.local [hbm:s4], s20  }
0x9e: {  	_ =	swait.ge [sflag:s22], s20  }
0x9f: {  	s3 =	ssub.s32 $0x0, s20;
	[sflag:s22] =	ssyncset.done $0x0  }
0xa0: {  	[sflag:s22] =	ssyncadd.s32 s3;
	_ =	sdelay $0x1  }
0xa1: {  	s23 =	simm.s32 $0x1B8B  }
0xa2: {  	_ =	swait.ge [sflag:s23], $0x1  }
0xa3: {  	[sflag:s23] =	ssyncset.done $0x0  }
0xa4: {  	s25 =	simm.s32 $0x1B8E;
	s24 =	sld [smem:$0x3FFE];
	[sflag:s23] =	ssyncadd.s32 $0xFFFFFFFF  }
0xa5: {  	s26 =	simm.s32 $execute0_lowered;
	[smem:$0x3FD2] =	sst s25  }
0xa6: {  	s4 =	sshll.u32 s26, $0x1;
	_ =	strace $0x8000004F;
	[dreg:$0x1] =	wrdreg $0xFFFFFFFF  }
0xa7: {  	s28 =	simm.s32 $_size_execute0_lowered;
	s2 =	sadd.s32 s2, s4;
	[dreg:$0x0] =	wrdreg $0x0  }
0xa8: {  	s4 =	sshll.u32 s28, $0x1;
	[dreg:$0x2] =	wrdreg s2  }
0xa9: {  	[dreg:$0x3] =	wrdreg s4  }
0xaa: {  	[dreg:$0x4] =	wrdreg $0xC0  }
0xab: {  	_ =	task [dreg:s6], $0x5FFFF  }
0xac: {  	[dreg:$0x1] =	wrdreg $0xFFFFFFFF  }
0xad: {  	[dreg:$0x0] =	wrdreg $0x60  }
0xae: {  	[dreg:$0x2] =	wrdreg s24  }
0xaf: {  	[dreg:$0x3] =	wrdreg $0x83000  }
0xb0: {  	[dreg:$0x4] =	wrdreg $0x9  }
0xb1: {  	_ =	task.clear_ibuf [dreg:s6], $0x5FFFF;
	_ =	strace $0x9000004F  }
0xb2: {  	s29 =	simm.s32 $0x9;
	_ =	strace $0x80000051  }
0xb3: {  	_ =	swait.ge [sflag:s29], $0x1  }
0xb4: {  	[sflag:s29] =	ssyncadd.s32 $0xFFFFFFFF  }
0xb5: {  	_ =	strace $0x90000051  }
0xb6: {  	_ =	sfence  }
0xb7: {  	s30 =	sld [smem:$0x0];
	_ =	sdelay $0x2  }
0xb8: {  	s31 =	sshll.u32 s1, $0xD;
	s1 =	sshrl.u32 s1, $0x2  }
0xb9: {  	s3 =	sand.u32 $0x4000, s31;
	s1 =	sadd.s32 s1, s30  }
0xba: {  	s0 =	sor.u32 s3, s0;
	s1 =	sshll.u32 s1, $0x11  }
0xbb: {  	s0 =	sor.u32 s1, s0  }
0xbc: {  	s0 =	sadd.s32 $0x8F2B, s0  }
0xbd: {  	[sflag:s0] =	ssyncadd.remote.s32 $0x1  }
0xbe: {  	_ =	sfence.sel $0xFFFF  }
0xbf: {  	[dreg:$0x0] =	wrdreg $0xFFFFFFFF;
	(pc) =	sbr.abs _section_cstart, $3  }
0xc0: {  	[dreg:$0x1] =	wrdreg $0xFFFFFFFF  }
0xc1: {  	_ =	task.clear_ibuf [dreg:s6], $0x2FFFF;
	_ =	strace $0x9FFFFFFF  }
0xc2: {  	(tm) =	ssettm $0x7FFFFFFF  }
0xc3: {  	_ =	shalt  }
tec
execute0_lowered:
.L_overlay_start_1:
0x0: {  	(tag) =	ssettag $0x1  }
0x1: {  	s0 =	rddreg [dreg:$0x0]  }
0x2: {  	s2 =	rddreg [dreg:$0x1]  }
0x3: {  	s1 =	srdreg.scid;
	s12 =	stileid.u32;
	s3 =	simm.s32 $0x0  }
0x4: {  	s28 =	simm.s32 $0x4;
	s29 =	simm.s32 $0x3;
	s30 =	simm.s32 $0x5  }
0x5: {  	s31 =	simm.s32 $0x180;
	s1 =	sand.u32 $0x1, s1;
	s14 =	smul.u32 $0x50000, s12  }
0x6: {  	s4 =	sshll.u32 s12, $0x1;
	[smem:$0x7FF] =	sst s3;
	s10 =	smul.u32 $0xA200, s12  }
0x7: {  	s8 =	sadd.s32 $0x3F400, s0;
	s18 =	sshll.u32 s12, $0x6;
	s24 =	smul.u32 $0x2800, s12  }
0x8: {  	s6 =	smul.u32 $0x28000, s1;
	s5 =	sor.u32 s1, s4;
	_ =	strace $0x80000050  }
0x9: {  	s4 =	sadd.s32 $0x17400, s0;
	s9 =	ssub.s32 $0x2, s1;
	s1 =	smul.u32 $0x5100, s1  }
0xa: {  	[dreg:$0x4] =	wrdreg s8;
	s7 =	smul.u32 $0x5100, s5;
	s5 =	sadd.s32 $0x3000, s0  }
0xb: {  	s11 =	sshrl.u32 s9, $0x1;
	s8 =	sshrl.u32 s14, $0x2;
	s0 =	sadd.s32 s6, s0  }
0xc: {  	s15 =	ssub.s32 s9, s11;
	s1 =	sadd.s32 s1, s10;
	s8 =	sadd.s32 s8, s2  }
0xd: {  	s10 =	sor.u32 $0x1C06, s18;
	s18 =	simm.s32 $0x200;
	s7 =	sshrl.u32 s7, $0x3  }
0xe: {  	s19 =	sadd.s32 $0x800, s1;
	s0 =	sadd.s32 $0x41C00, s0;
	s21 =	sadd.s32 $0x700, s1  }
0xf: {  	s6 =	smax.u32 s15, $0x1;
	s13 =	sadd.s32 $0x600, s1;
	s23 =	sadd.s32 $0x500, s1  }
0x10: {  	s25 =	sadd.s32 $0x400, s1;
	s1 =	sadd.s32 $0x300, s1;
	s7 =	sadd.s32 s5, s7  }
0x11: {  	s20 =	sshrl.u32 s19, $0x3;
	[dreg:$0x7] =	wrdreg s6;
	s22 =	sshrl.u32 s21, $0x3  }
0x12: {  	s6 =	sshrl.u32 s23, $0x3;
	s26 =	sshrl.u32 s25, $0x3;
	s1 =	sshrl.u32 s1, $0x3  }
0x13: {  	s19 =	sshrl.u32 s8, $0x3;
	s21 =	simm.s32 $0x1;
	s23 =	simm.s32 $0x300  }
0x14: {  	s24 =	sadd.s32 s24, s0;
	s25 =	simm.s32 $0x2;
	s0 =	simm.s32 $0x280  }
0x15: {  	s16 =	sadd.s32 $0x20, s7;
	s17 =	sadd.s32 $0x40, s7;
	s9 =	sadd.s32 s20, s5  }
0x16: {  	s12 =	sadd.s32 s22, s5;
	s14 =	sadd.s32 s6, s5;
	[dreg:$0x5] =	wrdreg s16  }
0x17: {  	s15 =	sadd.s32 s26, s5;
	s20 =	simm.s32 $0x6;
	[dreg:$0x6] =	wrdreg s17  }
0x18: {  	s22 =	simm.s32 $0x80;
	s26 =	simm.s32 $0x4300;
	[dreg:$0x3] =	wrdreg s9  }
0x19: {  	s16 =	sadd.s32 s1, s5;
	s17 =	simm.s32 $0x100;
	s1 =	simm.s32 $0x0  }
.LBB2_1:
0x1a: {  	[tilespmem:s3], [sflag:$0x1] =	stream.linear.gather [hbm4b:s7+s3], $0x100, $0x38;
	[tilespmem:$0x1C300] =	vst v63  }
0x1b: {  	s6 =	rddreg [dreg:$0x5]  }
0x1c: {  	s11 =	rddreg [dreg:$0x6]  }
0x1d: {  	[tilespmem:s17], [sflag:$0x2] =	stream.linear.gather [hbm4b:s6+s3], $0x100, $0x38;
	[tilespmem:$0x1C300] =	vst v63  }
0x1e: {  	s8 =	rddreg [dreg:$0x4]  }
0x1f: {  	[tilespmem:s18], [sflag:$0x3] =	stream.linear.gather [hbm4b:s11+s3], $0x100, $0x38;
	[tilespmem:$0x1C300] =	vst v63  }
0x20: {  	[spmem:s19], [sflag:s10] =	dma.local [hbm:s8], $0x2800  }
0x21: {  	_ =	swait.ge [sflag:s20], $0x2800  }
0x22: {  	[sflag:s20] =	ssyncset.done $0x0  }
0x23: {  	[sflag:s20] =	ssyncadd.s32 $0xFFFFD800  }
0x24: {  	_ =	swait.ge [sflag:s21], $0x100  }
0x25: {  	[sflag:s21] =	ssyncset.done $0x0  }
0x26: {  	[sflag:s21] =	ssyncadd.s32 $0xFFFFFF00  }
0x27: {  	[tilespmem:s23], [sflag:$0x4] =	stream.indirect.gather [hbm4b:s4+s22], $0x80, s3, s22, $0xb8;
	[tilespmem:$0x1C300] =	vst v63  }
0x28: {  	[bflag:$0x0] =	sbarrier.arrive $0xFFFF  }
0x29: {  	_ =	swait.ge [sflag:s25], $0x100  }
0x2a: {  	[sflag:s25] =	ssyncset.done $0x0  }
0x2b: {  	[sflag:s25] =	ssyncadd.s32 $0xFFFFFF00  }
0x2c: {  	[tilespmem:s26], [sflag:$0x5] =	stream.indirect.gather [hbm4b:s4+s22], $0x80, s17, s22, $0xb8;
	[tilespmem:$0x1C300] =	vst v63  }
0x2d: {  	_ =	swait.ge [sflag:s28], $0x4000  }
0x2e: {  	[sflag:s28] =	ssyncset.done $0x0  }
0x2f: {  	[sflag:s28] =	ssyncadd.s32 $0xFFFFC000  }
0x30: {  	[spmem:s2] =	stream.indirect.scatter.add.f32 [tilespmem:s23], [sflag:$0x6], $0x80, s22, s22, $0xb8;
	[tilespmem:$0x1C300] =	vst v63  }
0x31: {  	_ =	swait.ge [sflag:s20], $0x4000  }
0x32: {  	[sflag:s20] =	ssyncset.done $0x0  }
0x33: {  	s9 =	sadd.s32 $0x0, s16;
	[sflag:s20] =	ssyncadd.s32 $0xFFFFC000  }
0x34: {  	[tilespmem:s3], [sflag:$0x1] =	stream.linear.gather [hbm4b:s9+s3], $0x100, $0x38;
	[tilespmem:$0x1C300] =	vst v63  }
0x35: {  	_ =	swait.ge [sflag:s29], $0x100  }
0x36: {  	[sflag:s29] =	ssyncset.done $0x0  }
0x37: {  	[sflag:s29] =	ssyncadd.s32 $0xFFFFFF00  }
0x38: {  	[tilespmem:s23], [sflag:$0x4] =	stream.indirect.gather [hbm4b:s4+s22], $0x80, s18, s22, $0xb8;
	[tilespmem:$0x1C300] =	vst v63  }
0x39: {  	_ =	swait.ge [sflag:s30], $0x4000  }
0x3a: {  	[sflag:s30] =	ssyncset.done $0x0  }
0x3b: {  	[sflag:s30] =	ssyncadd.s32 $0xFFFFC000  }
0x3c: {  	[spmem:s2] =	stream.indirect.scatter.add.f32 [tilespmem:s26], [sflag:$0x6], $0x80, s31, s22, $0xb8;
	[tilespmem:$0x1C300] =	vst v63  }
0x3d: {  	_ =	swait.ge [sflag:s20], $0x4000  }
0x3e: {  	[sflag:s20] =	ssyncset.done $0x0  }
0x3f: {  	s11 =	sadd.s32 $0x0, s15;
	[sflag:s20] =	ssyncadd.s32 $0xFFFFC000  }
0x40: {  	[tilespmem:s17], [sflag:$0x2] =	stream.linear.gather [hbm4b:s11+s3], $0x100, $0x38;
	[tilespmem:$0x1C300] =	vst v63  }
0x41: {  	_ =	swait.ge [sflag:s21], $0x100  }
0x42: {  	[sflag:s21] =	ssyncset.done $0x0  }
0x43: {  	[sflag:s21] =	ssyncadd.s32 $0xFFFFFF00  }
0x44: {  	[tilespmem:s26], [sflag:$0x5] =	stream.indirect.gather [hbm4b:s4+s22], $0x80, s3, s22, $0xb8;
	[tilespmem:$0x1C300] =	vst v63  }
0x45: {  	_ =	swait.ge [sflag:s28], $0x4000  }
0x46: {  	[sflag:s28] =	ssyncset.done $0x0  }
0x47: {  	[sflag:s28] =	ssyncadd.s32 $0xFFFFC000  }
0x48: {  	[spmem:s2] =	stream.indirect.scatter.add.f32 [tilespmem:s23], [sflag:$0x6], $0x80, s0, s22, $0xb8;
	[tilespmem:$0x1C300] =	vst v63  }
0x49: {  	_ =	swait.ge [sflag:s20], $0x4000  }
0x4a: {  	[sflag:s20] =	ssyncset.done $0x0  }
0x4b: {  	s8 =	sadd.s32 $0x0, s14;
	[sflag:s20] =	ssyncadd.s32 $0xFFFFC000  }
0x4c: {  	[tilespmem:s18], [sflag:$0x3] =	stream.linear.gather [hbm4b:s8+s3], $0x100, $0x38;
	[tilespmem:$0x1C300] =	vst v63  }
0x4d: {  	_ =	swait.ge [sflag:s25], $0x100  }
0x4e: {  	[sflag:s25] =	ssyncset.done $0x0  }
0x4f: {  	[sflag:s25] =	ssyncadd.s32 $0xFFFFFF00  }
0x50: {  	[tilespmem:s23], [sflag:$0x4] =	stream.indirect.gather [hbm4b:s4+s22], $0x80, s17, s22, $0xb8;
	[tilespmem:$0x1C300] =	vst v63  }
0x51: {  	_ =	swait.ge [sflag:s30], $0x4000  }
0x52: {  	[sflag:s30] =	ssyncset.done $0x0  }
0x53: {  	[sflag:s30] =	ssyncadd.s32 $0xFFFFC000  }
0x54: {  	[spmem:s2] =	stream.indirect.scatter.add.f32 [tilespmem:s26], [sflag:$0x6], $0x80, s22, s22, $0xb8;
	[tilespmem:$0x1C300] =	vst v63  }
0x55: {  	_ =	swait.ge [sflag:s20], $0x4000  }
0x56: {  	s9 =	sshrl.u32 s13, $0x3;
	[sflag:s20] =	ssyncset.done $0x0  }
0x57: {  	s6 =	sadd.s32 s5, s9;
	[sflag:s20] =	ssyncadd.s32 $0xFFFFC000  }
0x58: {  	[tilespmem:s3], [sflag:$0x1] =	stream.linear.gather [hbm4b:s6+s3], $0x100, $0x38;
	[tilespmem:$0x1C300] =	vst v63  }
0x59: {  	_ =	swait.ge [sflag:s29], $0x100  }
0x5a: {  	[sflag:s29] =	ssyncset.done $0x0  }
0x5b: {  	[sflag:s29] =	ssyncadd.s32 $0xFFFFFF00  }
0x5c: {  	[tilespmem:s26], [sflag:$0x5] =	stream.indirect.gather [hbm4b:s4+s22], $0x80, s18, s22, $0xb8;
	[tilespmem:$0x1C300] =	vst v63  }
0x5d: {  	_ =	swait.ge [sflag:s28], $0x4000  }
0x5e: {  	[sflag:s28] =	ssyncset.done $0x0  }
0x5f: {  	[sflag:s28] =	ssyncadd.s32 $0xFFFFC000  }
0x60: {  	[spmem:s2] =	stream.indirect.scatter.add.f32 [tilespmem:s23], [sflag:$0x6], $0x80, s31, s22, $0xb8;
	[tilespmem:$0x1C300] =	vst v63  }
0x61: {  	_ =	swait.ge [sflag:s20], $0x4000  }
0x62: {  	[sflag:s20] =	ssyncset.done $0x0  }
0x63: {  	s11 =	sadd.s32 $0x0, s12;
	[sflag:s20] =	ssyncadd.s32 $0xFFFFC000  }
0x64: {  	[tilespmem:s17], [sflag:$0x2] =	stream.linear.gather [hbm4b:s11+s3], $0x100, $0x38;
	[tilespmem:$0x1C300] =	vst v63  }
0x65: {  	_ =	swait.ge [sflag:s21], $0x100  }
0x66: {  	[sflag:s21] =	ssyncset.done $0x0  }
0x67: {  	[sflag:s21] =	ssyncadd.s32 $0xFFFFFF00  }
0x68: {  	[tilespmem:s23], [sflag:$0x4] =	stream.indirect.gather [hbm4b:s4+s22], $0x80, s3, s22, $0xb8;
	[tilespmem:$0x1C300] =	vst v63  }
0x69: {  	_ =	swait.ge [sflag:s30], $0x4000  }
0x6a: {  	[sflag:s30] =	ssyncset.done $0x0  }
0x6b: {  	[sflag:s30] =	ssyncadd.s32 $0xFFFFC000  }
0x6c: {  	[spmem:s2] =	stream.indirect.scatter.add.f32 [tilespmem:s26], [sflag:$0x6], $0x80, s0, s22, $0xb8;
	[tilespmem:$0x1C300] =	vst v63  }
0x6d: {  	_ =	swait.ge [sflag:s20], $0x4000  }
0x6e: {  	s6 =	simm.s32 $0xC0;
	s8 =	rddreg [dreg:$0x3];
	[sflag:s20] =	ssyncset.done $0x0  }
0x6f: {  	[sflag:s20] =	ssyncadd.s32 $0xFFFFC000;
	s9 =	sadd.s32 $0x0, s8;
	s8 =	sadd.s32 $0x600, s13  }
.LBB2_2:
0x70: {  	[tilespmem:s18], [sflag:$0x3] =	stream.linear.gather [hbm4b:s9+s3], $0x100, $0x38;
	[tilespmem:$0x1C300] =	vst v63  }
0x71: {  	_ =	swait.ge [sflag:s25], $0x100  }
0x72: {  	[sflag:s25] =	ssyncset.done $0x0  }
0x73: {  	[sflag:s25] =	ssyncadd.s32 $0xFFFFFF00  }
0x74: {  	[tilespmem:s26], [sflag:$0x5] =	stream.indirect.gather [hbm4b:s4+s22], $0x80, s17, s22, $0xb8;
	[tilespmem:$0x1C300] =	vst v63  }
0x75: {  	_ =	swait.ge [sflag:s28], $0x4000  }
0x76: {  	[sflag:s28] =	ssyncset.done $0x0  }
0x77: {  	[sflag:s28] =	ssyncadd.s32 $0xFFFFC000  }
0x78: {  	[spmem:s2] =	stream.indirect.scatter.add.f32 [tilespmem:s23], [sflag:$0x6], $0x80, s22, s22, $0xb8;
	[tilespmem:$0x1C300] =	vst v63  }
0x79: {  	_ =	swait.ge [sflag:s20], $0x4000  }
0x7a: {  	s9 =	smov.u32 s6;
	[sflag:s20] =	ssyncset.done $0x0  }
0x7b: {  	s11 =	sadd.s32 s9, s16;
	[sflag:s20] =	ssyncadd.s32 $0xFFFFC000  }
0x7c: {  	[tilespmem:s3], [sflag:$0x1] =	stream.linear.gather [hbm4b:s11+s3], $0x100, $0x38;
	[tilespmem:$0x1C300] =	vst v63  }
0x7d: {  	_ =	swait.ge [sflag:s29], $0x100  }
0x7e: {  	[sflag:s29] =	ssyncset.done $0x0  }
0x7f: {  	[sflag:s29] =	ssyncadd.s32 $0xFFFFFF00  }
0x80: {  	[tilespmem:s23], [sflag:$0x4] =	stream.indirect.gather [hbm4b:s4+s22], $0x80, s18, s22, $0xb8;
	[tilespmem:$0x1C300] =	vst v63  }
0x81: {  	_ =	swait.ge [sflag:s30], $0x4000  }
0x82: {  	[sflag:s30] =	ssyncset.done $0x0  }
0x83: {  	[sflag:s30] =	ssyncadd.s32 $0xFFFFC000  }
0x84: {  	[spmem:s2] =	stream.indirect.scatter.add.f32 [tilespmem:s26], [sflag:$0x6], $0x80, s31, s22, $0xb8;
	[tilespmem:$0x1C300] =	vst v63  }
0x85: {  	_ =	swait.ge [sflag:s20], $0x4000  }
0x86: {  	[sflag:s20] =	ssyncset.done $0x0  }
0x87: {  	s11 =	sadd.s32 s9, s15;
	[sflag:s20] =	ssyncadd.s32 $0xFFFFC000  }
0x88: {  	[tilespmem:s17], [sflag:$0x2] =	stream.linear.gather [hbm4b:s11+s3], $0x100, $0x38;
	[tilespmem:$0x1C300] =	vst v63  }
0x89: {  	_ =	swait.ge [sflag:s21], $0x100  }
0x8a: {  	[sflag:s21] =	ssyncset.done $0x0  }
0x8b: {  	[sflag:s21] =	ssyncadd.s32 $0xFFFFFF00  }
0x8c: {  	[tilespmem:s26], [sflag:$0x5] =	stream.indirect.gather [hbm4b:s4+s22], $0x80, s3, s22, $0xb8;
	[tilespmem:$0x1C300] =	vst v63  }
0x8d: {  	_ =	swait.ge [sflag:s28], $0x4000  }
0x8e: {  	[sflag:s28] =	ssyncset.done $0x0  }
0x8f: {  	[sflag:s28] =	ssyncadd.s32 $0xFFFFC000  }
0x90: {  	[spmem:s2] =	stream.indirect.scatter.add.f32 [tilespmem:s23], [sflag:$0x6], $0x80, s0, s22, $0xb8;
	[tilespmem:$0x1C300] =	vst v63  }
0x91: {  	_ =	swait.ge [sflag:s20], $0x4000  }
0x92: {  	[sflag:s20] =	ssyncset.done $0x0  }
0x93: {  	s11 =	sadd.s32 s9, s14;
	[sflag:s20] =	ssyncadd.s32 $0xFFFFC000  }
0x94: {  	[tilespmem:s18], [sflag:$0x3] =	stream.linear.gather [hbm4b:s11+s3], $0x100, $0x38;
	[tilespmem:$0x1C300] =	vst v63  }
0x95: {  	_ =	swait.ge [sflag:s25], $0x100  }
0x96: {  	[sflag:s25] =	ssyncset.done $0x0  }
0x97: {  	[sflag:s25] =	ssyncadd.s32 $0xFFFFFF00  }
0x98: {  	[tilespmem:s23], [sflag:$0x4] =	stream.indirect.gather [hbm4b:s4+s22], $0x80, s17, s22, $0xb8;
	[tilespmem:$0x1C300] =	vst v63  }
0x99: {  	_ =	swait.ge [sflag:s30], $0x4000  }
0x9a: {  	[sflag:s30] =	ssyncset.done $0x0  }
0x9b: {  	[sflag:s30] =	ssyncadd.s32 $0xFFFFC000  }
0x9c: {  	[spmem:s2] =	stream.indirect.scatter.add.f32 [tilespmem:s26], [sflag:$0x6], $0x80, s22, s22, $0xb8;
	[tilespmem:$0x1C300] =	vst v63  }
0x9d: {  	_ =	swait.ge [sflag:s20], $0x4000  }
0x9e: {  	s11 =	sshrl.u32 s8, $0x3;
	[sflag:s20] =	ssyncset.done $0x0  }
0x9f: {  	s11 =	sadd.s32 s5, s11;
	[sflag:s20] =	ssyncadd.s32 $0xFFFFC000  }
0xa0: {  	[tilespmem:s3], [sflag:$0x1] =	stream.linear.gather [hbm4b:s11+s3], $0x100, $0x38;
	[tilespmem:$0x1C300] =	vst v63  }
0xa1: {  	_ =	swait.ge [sflag:s29], $0x100  }
0xa2: {  	[sflag:s29] =	ssyncset.done $0x0  }
0xa3: {  	[sflag:s29] =	ssyncadd.s32 $0xFFFFFF00  }
0xa4: {  	[tilespmem:s26], [sflag:$0x5] =	stream.indirect.gather [hbm4b:s4+s22], $0x80, s18, s22, $0xb8;
	[tilespmem:$0x1C300] =	vst v63  }
0xa5: {  	_ =	swait.ge [sflag:s28], $0x4000  }
0xa6: {  	[sflag:s28] =	ssyncset.done $0x0  }
0xa7: {  	[sflag:s28] =	ssyncadd.s32 $0xFFFFC000  }
0xa8: {  	[spmem:s2] =	stream.indirect.scatter.add.f32 [tilespmem:s23], [sflag:$0x6], $0x80, s31, s22, $0xb8;
	[tilespmem:$0x1C300] =	vst v63  }
0xa9: {  	_ =	swait.ge [sflag:s20], $0x4000  }
0xaa: {  	[sflag:s20] =	ssyncset.done $0x0  }
0xab: {  	s11 =	sadd.s32 s9, s12;
	[sflag:s20] =	ssyncadd.s32 $0xFFFFC000  }
0xac: {  	[tilespmem:s17], [sflag:$0x2] =	stream.linear.gather [hbm4b:s11+s3], $0x100, $0x38;
	[tilespmem:$0x1C300] =	vst v63  }
0xad: {  	_ =	swait.ge [sflag:s21], $0x100  }
0xae: {  	[sflag:s21] =	ssyncset.done $0x0  }
0xaf: {  	[sflag:s21] =	ssyncadd.s32 $0xFFFFFF00  }
0xb0: {  	[tilespmem:s23], [sflag:$0x4] =	stream.indirect.gather [hbm4b:s4+s22], $0x80, s3, s22, $0xb8;
	[tilespmem:$0x1C300] =	vst v63  }
0xb1: {  	_ =	swait.ge [sflag:s30], $0x4000  }
0xb2: {  	p0 =	sne.s32 s6, $0x900;
	[sflag:s30] =	ssyncset.done $0x0  }
.Ltmp0:
0xb3: {  	[sflag:s30] =	ssyncadd.s32 $0xFFFFC000;
	(pc) =	sbr.rel @p0 .LBB2_2-.Ltmp0, $4  }
0xb4: {  	[spmem:s2] =	stream.indirect.scatter.add.f32 [tilespmem:s26], [sflag:$0x6], $0x80, s0, s22, $0xb8;
	[tilespmem:$0x1C300] =	vst v63  }
0xb5: {  	_ =	swait.ge [sflag:s20], $0x4000  }
0xb6: {  	s6 =	sadd.s32 $0xC0, s6;
	[sflag:s20] =	ssyncset.done $0x0;
	s11 =	rddreg [dreg:$0x3]  }
0xb7: {  	s8 =	sadd.s32 $0x600, s8;
	[sflag:s20] =	ssyncadd.s32 $0xFFFFC000;
	s9 =	sadd.s32 s9, s11  }
0xb8: {  	[tilespmem:s18], [sflag:$0x3] =	stream.linear.gather [hbm4b:s9+s3], $0x100, $0x38;
	[tilespmem:$0x1C300] =	vst v63  }
0xb9: {  	_ =	swait.ge [sflag:s25], $0x100  }
0xba: {  	[sflag:s25] =	ssyncset.done $0x0  }
0xbb: {  	[sflag:s25] =	ssyncadd.s32 $0xFFFFFF00  }
0xbc: {  	[tilespmem:s26], [sflag:$0x5] =	stream.indirect.gather [hbm4b:s4+s22], $0x80, s17, s22, $0xb8;
	[tilespmem:$0x1C300] =	vst v63  }
0xbd: {  	_ =	swait.ge [sflag:s28], $0x4000  }
0xbe: {  	[sflag:s28] =	ssyncset.done $0x0  }
0xbf: {  	[sflag:s28] =	ssyncadd.s32 $0xFFFFC000  }
0xc0: {  	[spmem:s2] =	stream.indirect.scatter.add.f32 [tilespmem:s23], [sflag:$0x6], $0x80, s22, s22, $0xb8;
	[tilespmem:$0x1C300] =	vst v63  }
0xc1: {  	_ =	swait.ge [sflag:s20], $0x4000  }
0xc2: {  	[sflag:s20] =	ssyncset.done $0x0  }
0xc3: {  	[sflag:s20] =	ssyncadd.s32 $0xFFFFC000  }
0xc4: {  	_ =	swait.ge [sflag:s29], $0x100  }
0xc5: {  	[sflag:s29] =	ssyncset.done $0x0  }
0xc6: {  	[sflag:s29] =	ssyncadd.s32 $0xFFFFFF00  }
0xc7: {  	[tilespmem:s23], [sflag:$0x4] =	stream.indirect.gather [hbm4b:s4+s22], $0x80, s18, s22, $0xb8;
	[tilespmem:$0x1C300] =	vst v63  }
0xc8: {  	_ =	swait.ge [sflag:s30], $0x4000  }
0xc9: {  	[sflag:s30] =	ssyncset.done $0x0  }
0xca: {  	[sflag:s30] =	ssyncadd.s32 $0xFFFFC000  }
0xcb: {  	[spmem:s2] =	stream.indirect.scatter.add.f32 [tilespmem:s26], [sflag:$0x6], $0x80, s31, s22, $0xb8;
	[tilespmem:$0x1C300] =	vst v63  }
0xcc: {  	_ =	swait.ge [sflag:s20], $0x4000  }
0xcd: {  	[sflag:s20] =	ssyncset.done $0x0  }
0xce: {  	[sflag:s20] =	ssyncadd.s32 $0xFFFFC000  }
0xcf: {  	_ =	swait.ge [sflag:s28], $0x4000  }
0xd0: {  	[sflag:s28] =	ssyncset.done $0x0  }
0xd1: {  	[sflag:s28] =	ssyncadd.s32 $0xFFFFC000  }
0xd2: {  	[spmem:s2] =	stream.indirect.scatter.add.f32 [tilespmem:s23], [sflag:$0x6], $0x80, s0, s22, $0xb8;
	[tilespmem:$0x1C300] =	vst v63  }
0xd3: {  	_ =	swait.ge [sflag:s20], $0x4000  }
0xd4: {  	[sflag:s20] =	ssyncset.done $0x0  }
0xd5: {  	[sflag:s20] =	ssyncadd.s32 $0xFFFFC000  }
0xd6: {  	[bflag:$0x0] =	sbarrier.arrive $0xFFFF  }
0xd7: {  	[hbm:s24], [sflag:s10] =	dma.local [spmem:s19], $0x2800  }
0xd8: {  	_ =	swait.ge [sflag:s20], $0x2800  }
0xd9: {  	s1 =	sadd.s32 $0x1, s1;
	s6 =	rddreg [dreg:$0x7]  }
0xda: {  	p0 =	sne.s32 s1, s6  }
.Ltmp1:
0xdb: {  	_ = 	snop;
	(pc) =	sbr.rel @p0 .LBB2_1-.Ltmp1, $3  }
0xdc: {  	_ =	sdelay $0x1  }
0xdd: {  	[sflag:s20] =	ssyncset.done $0x0  }
0xde: {  	[sflag:s20] =	ssyncadd.s32 $0xFFFFD800  }
0xdf: {  	_ =	sfence.sel $0x180000  }
0xe0: {  	[bflag:$0x0] =	sbarrier.arrive $0xFFFF  }
0xe1: {  	_ =	strace $0x90000050  }
0xe2: {  	s0 =	stileid.u32;
	[bflag:$0x2] =	sbarrier.arrive $0xFFFF  }
0xe3: {  	p0 =	sne.s32 s0, $0x0;
	s0 =	rddreg [dreg:$0x2]  }
0xe4: {  	s0 =	sadd.s32 @!p0 $0x100000, s0  }
0xe5: {  	[sflag:s0] =	ssyncadd.tile.s32 @!p0 $0x1;
	_ =	shalt  }
.Lfunc_end2:
_tile_overlayer_lowered:
.L_overlay_start_2:
0xe6: {  	(tag) =	ssettag $0x2  }
0xe7: {  	s0 =	rddreg [dreg:$0x0];
	s2 =	stileid.u32  }
0xe8: {  	s1 =	rddreg [dreg:$0x1];
	p0 =	sne.s32 s2, $0x0  }
0xe9: {  	s3 =	rddreg [dreg:$0x2];
	[bflag:$0x3] =	sbarrier.arrive $0xFFFF;
	s2 =	simm.s32 @!p0 $0x1C06  }
0xea: {  	[timem:s3], [sflag:s2] =	dma.local @!p0 [hbm:s0], s1  }
0xeb: {  	s0 =	simm.s32 @!p0 $0x6  }
0xec: {  	_ =	swait.ge @!p0 [sflag:s0], s1  }
0xed: {  	s1 =	ssub.s32 @!p0 $0x0, s1;
	[sflag:s0] =	ssyncset.done @!p0 $0x0  }
0xee: {  	[sflag:s0] =	ssyncadd.s32 @!p0 s1  }
0xef: {  	[bflag:$0x3] =	sbarrier.arrive $0xFFFF  }
0xf0: {  	_ =	shalt  }

</sc_bundles>
